<compile_context>
chip_gen: v7x
topology: tpu7x:2x2x1
jax: 0.10.2.dev20260603
libtpu: 0.0.44.dev20260713+nightly
codegen_flags: <defaults>
</compile_context>

<pallas_src>
import functools

import jax
import jax.numpy as jnp
from jax import lax
from jax.experimental import pallas as pl
from jax.experimental.pallas import tpu as pltpu
from jax.experimental.pallas import tpu_sc as plsc

N_NODES = 10000
D = 128
N_CLASSES = 40
E = 320000

NC = 2
NS = 16
NW = NC * NS

N_PAD = 10112
ROWS_PER_TILE = N_PAD // NS

CHUNK = 128
K0 = 120
K1 = 38
KMAX = max(K0, K1)
E_AGG = NS * (K0 + K1) * CHUNK

DCHUNK = 128
DEG_CHUNKS = 158
E_DEG = NS * DEG_CHUNKS * DCHUNK

ZFULL = ROWS_PER_TILE // CHUNK
ZREM = ROWS_PER_TILE % CHUNK
DZFULL = ROWS_PER_TILE // DCHUNK
DZREM = ROWS_PER_TILE % DCHUNK

_mesh2 = plsc.VectorSubcoreMesh(core_axis_name="c", subcore_axis_name="s")
_mesh1 = plsc.VectorSubcoreMesh(core_axis_name="c", subcore_axis_name="s",
                                num_cores=1)



@functools.partial(
    pl.kernel,
    mesh=_mesh2,
    out_type=jax.ShapeDtypeStruct((NC, N_PAD, D), jnp.float32),
    scratch_types=[
        pltpu.VMEM((DEG_CHUNKS, DCHUNK), jnp.int32),
        pltpu.VMEM((DCHUNK, D), jnp.float32),
        pltpu.VMEM_SHARED((N_PAD, D), jnp.float32),
        pltpu.SemaphoreType.DMA,
    ],
)
def _sc_degrees(sd_hbm, out_hbm, idx_v, buf_v, deg_sh, sem):
    c = lax.axis_index("c")
    s = lax.axis_index("s")
    pltpu.sync_copy(sd_hbm.at[c * NS + s], idx_v)

    def zr(i, _):
        buf_v[i // 8, pl.ds((i % 8) * 16, 16)] = jnp.zeros((16,), jnp.float32)
        return 0
    lax.fori_loop(0, DCHUNK * D // 16, zr, 0)
    for k in range(DZFULL):
        pltpu.sync_copy(buf_v,
                        deg_sh.at[pl.ds(s * ROWS_PER_TILE + k * DCHUNK, DCHUNK)])
    pltpu.sync_copy(buf_v.at[pl.ds(0, DZREM)],
                    deg_sh.at[pl.ds(s * ROWS_PER_TILE + DZFULL * DCHUNK, DZREM)])

    def fill(i, _):
        buf_v[i // 8, pl.ds((i % 8) * 16, 16)] = jnp.full((16,), 1.0, jnp.float32)
        return 0
    lax.fori_loop(0, DCHUNK * D // 16, fill, 0)
    plsc.subcore_barrier()

    def body(j, _):
        pltpu.sync_copy(buf_v, deg_sh.at[idx_v.at[j]], add=True)
        return 0
    lax.fori_loop(0, DEG_CHUNKS, body, 0)
    plsc.subcore_barrier()

    pltpu.sync_copy(deg_sh.at[pl.ds(s * ROWS_PER_TILE, ROWS_PER_TILE)],
                    out_hbm.at[c].at[pl.ds(s * ROWS_PER_TILE, ROWS_PER_TILE)])


@functools.partial(
    pl.kernel,
    mesh=_mesh2,
    out_type=jax.ShapeDtypeStruct((NC, N_PAD, D), jnp.float32),
    scratch_types=[
        pltpu.VMEM((KMAX, CHUNK), jnp.int32),
        pltpu.VMEM((2, CHUNK), jnp.int32),
        pltpu.VMEM((2, CHUNK), jnp.int32),
        pltpu.VMEM((2, CHUNK, D), jnp.float32),
        pltpu.VMEM_SHARED((N_PAD, D), jnp.float32),
        pltpu.SemaphoreType.DMA((2,)),
    ],
)
def _sc_edge_agg(table_hbm, sd_hbm, out_hbm, sd_v, src_v, dst_v,
                 rows2, agg_sh, sems):
    c = lax.axis_index("c")
    s = lax.axis_index("s")
    wid = c * NS + s
    nch = jnp.where(c == 0, K0, K1)
    pltpu.sync_copy(sd_hbm.at[wid], sd_v)

    def unpack(ch, slot):
        def g(k, _):
            p = sd_v[ch, pl.ds(k * 16, 16)]
            src_v[slot, pl.ds(k * 16, 16)] = jnp.bitwise_and(p, 0xFFFF)
            dst_v[slot, pl.ds(k * 16, 16)] = lax.shift_right_logical(p, 16)
            return 0
        lax.fori_loop(0, CHUNK // 16, g, 0)

    zbuf = rows2.at[0]

    def zr(i, _):
        rows2[0, i // 8, pl.ds((i % 8) * 16, 16)] = jnp.zeros((16,), jnp.float32)
        return 0
    lax.fori_loop(0, CHUNK * D // 16, zr, 0)
    for k in range(ZFULL):
        pltpu.sync_copy(zbuf,
                        agg_sh.at[pl.ds(s * ROWS_PER_TILE + k * CHUNK, CHUNK)])
    pltpu.sync_copy(zbuf.at[pl.ds(0, ZREM)],
                    agg_sh.at[pl.ds(s * ROWS_PER_TILE + ZFULL * CHUNK, ZREM)])
    plsc.subcore_barrier()

    def prologue(b, _):
        unpack(b, b)
        pltpu.async_copy(table_hbm.at[src_v.at[b]], rows2.at[b], sems.at[b])
        return 0
    lax.fori_loop(0, 2, prologue, 0)

    def body(j, _):
        b = lax.rem(j, 2)
        rows = rows2.at[b]
        sem = sems.at[b]
        pltpu.make_async_copy(table_hbm.at[src_v.at[b]], rows, sem).wait()
        pltpu.async_copy(rows, agg_sh.at[dst_v.at[b]], sem, add=True)
        pltpu.make_async_copy(rows, agg_sh.at[dst_v.at[b]], sem).wait()

        @pl.when(j + 2 < nch)
        def _():
            unpack(j + 2, b)
            pltpu.async_copy(table_hbm.at[src_v.at[b]], rows, sem)
        return 0
    lax.fori_loop(0, nch, body, 0)
    plsc.subcore_barrier()

    pltpu.sync_copy(agg_sh.at[pl.ds(s * ROWS_PER_TILE, ROWS_PER_TILE)],
                    out_hbm.at[c].at[pl.ds(s * ROWS_PER_TILE, ROWS_PER_TILE)])



def _tc_prologue_body(x_ref, degs_ref, w_ref, t_ref, onorm_ref, inorm_ref):
    od = degs_ref[0, :, 0:1]
    idg = degs_ref[1, :, 0:1]
    onorm = jnp.where(od > 0, lax.rsqrt(od), 0.0)
    inorm = jnp.where(idg > 0, lax.rsqrt(idg), 0.0)
    onorm_ref[...] = onorm
    inorm_ref[...] = inorm
    t_ref[...] = jnp.dot(x_ref[...] * onorm, w_ref[...],
                         preferred_element_type=jnp.float32)


def _layernorm_relu(p_ref, inorm_ref, b_ref):
    h = (p_ref[0] + p_ref[1]) * inorm_ref[...] + b_ref[...]
    h = jnp.maximum(h, 0.0)
    rows = lax.broadcasted_iota(jnp.int32, (N_PAD, D), 0)
    mask = rows < N_NODES
    cnt = float(N_NODES * D)
    mu = jnp.sum(jnp.where(mask, h, 0.0)) / cnt
    var = jnp.sum(jnp.where(mask, (h - mu) ** 2, 0.0)) / cnt
    return (h - mu) * lax.rsqrt(var + 1e-5)


def _tc_mid_body(p_ref, inorm_ref, onorm_ref, b_ref, w_ref, t_ref):
    h = _layernorm_relu(p_ref, inorm_ref, b_ref)
    t_ref[...] = jnp.dot(h * onorm_ref[...], w_ref[...],
                         preferred_element_type=jnp.float32)


def _tc_mid_nomm_body(p_ref, inorm_ref, onorm_ref, b_ref, t_ref):
    h = _layernorm_relu(p_ref, inorm_ref, b_ref)
    t_ref[...] = h * onorm_ref[...]


def _tc_epilogue_body(p_ref, inorm_ref, w_ref, b_ref, out_ref):
    agg = ((p_ref[0] + p_ref[1]) * inorm_ref[...])[:N_NODES, :]
    out_ref[...] = jnp.dot(agg, w_ref[...],
                           preferred_element_type=jnp.float32) + b_ref[...]


_tc_prologue = pl.pallas_call(
    _tc_prologue_body,
    out_shape=(jax.ShapeDtypeStruct((N_PAD, D), jnp.float32),
               jax.ShapeDtypeStruct((N_PAD, 1), jnp.float32),
               jax.ShapeDtypeStruct((N_PAD, 1), jnp.float32)),
)

_tc_mid = pl.pallas_call(
    _tc_mid_body,
    out_shape=jax.ShapeDtypeStruct((N_PAD, D), jnp.float32),
)

_tc_mid_nomm = pl.pallas_call(
    _tc_mid_nomm_body,
    out_shape=jax.ShapeDtypeStruct((N_PAD, D), jnp.float32),
)

_tc_epilogue = pl.pallas_call(
    _tc_epilogue_body,
    out_shape=jax.ShapeDtypeStruct((N_NODES, N_CLASSES), jnp.float32),
)



def kernel(x, edge_index, W0, b0, W1, b1, W2, b2):
    src = edge_index[0].astype(jnp.int32)
    dst = edge_index[1].astype(jnp.int32)
    x_pad = jnp.concatenate(
        [x, jnp.zeros((N_PAD - N_NODES, D), jnp.float32)], axis=0)

    pad_a = jnp.full((E_AGG - E,), N_NODES, jnp.int32)
    flat = (jnp.concatenate([src, pad_a])
            | (jnp.concatenate([dst, pad_a]) << 16))
    n0 = NS * K0 * CHUNK
    sd0 = flat[:n0].reshape(NS, K0, CHUNK)
    sd1 = flat[n0:].reshape(NS, K1, CHUNK)
    fillv = jnp.int32(N_NODES | (N_NODES << 16))
    if K0 < KMAX:
        sd0 = jnp.concatenate(
            [sd0, jnp.full((NS, KMAX - K0, CHUNK), fillv)], axis=1)
    if K1 < KMAX:
        sd1 = jnp.concatenate(
            [sd1, jnp.full((NS, KMAX - K1, CHUNK), fillv)], axis=1)
    sd_packed = jnp.concatenate([sd0, sd1], axis=0)

    pad_d = jnp.full((E_DEG - E,), N_NODES, jnp.int32)
    sd = jnp.concatenate([src, pad_d, dst, pad_d]).reshape(
        NW, DEG_CHUNKS, DCHUNK)

    degs = _sc_degrees(sd)
    t0, onorm, inorm = _tc_prologue(x_pad, degs, W0)
    p0 = _sc_edge_agg(t0, sd_packed)
    t1 = _tc_mid(p0, inorm, onorm, b0.reshape(1, D), W1)
    p1 = _sc_edge_agg(t1, sd_packed)
    t2 = _tc_mid_nomm(p1, inorm, onorm, b1.reshape(1, D))
    p2 = _sc_edge_agg(t2, sd_packed)
    return _tc_epilogue(p2, inorm, W2, b2.reshape(1, N_CLASSES))

# --- scband reference (transcript-rebuilt; emitter-appended) ---
"""Pipeline reference for scband-baseline-gcn-27307402068412 (READ-ONLY COPY).

The authoritative reference and input builder live on the scoring server;
editing this copy changes nothing except your own understanding.
"""

import jax, jax.numpy as jnp
import numpy as np

N_NODES = 10000
N_EDGES = 320000
IN_FEATS = 128
N_HIDDEN = 128
N_CLASSES = 40


def setup_inputs(seed: int = 0) -> dict:
    key = jax.random.key(seed)
    ks = jax.random.split(key, 10)
    x = jax.random.normal(ks[0], (N_NODES, IN_FEATS), dtype=jnp.float32)
    edge_index = jax.random.randint(ks[1], (2, N_EDGES), 0, N_NODES, dtype=jnp.int64)
    def glorot(k, shape):
        lim = float(np.sqrt(6.0 / (shape[0] + shape[1])))
        return jax.random.uniform(k, shape, dtype=jnp.float32, minval=-lim, maxval=lim)
    W0 = glorot(ks[2], (IN_FEATS, N_HIDDEN))
    b0 = jnp.zeros((N_HIDDEN,), dtype=jnp.float32)
    W1 = glorot(ks[3], (N_HIDDEN, N_HIDDEN))
    b1 = jnp.zeros((N_HIDDEN,), dtype=jnp.float32)
    W2 = glorot(ks[4], (N_HIDDEN, N_CLASSES))
    b2 = jnp.zeros((N_CLASSES,), dtype=jnp.float32)
    return {"x": x, "edge_index": edge_index, "W0": W0, "b0": b0, "W1": W1, "b1": b1, "W2": W2, "b2": b2}


def _full_layer_norm(h, eps=1e-5):
    # F.layer_norm(h, h.shape): normalize over ALL elements, no affine params
    mu = jnp.mean(h)
    var = jnp.mean((h - mu) ** 2)
    return (h - mu) / jnp.sqrt(var + eps)


def reference(x, edge_index, W0, b0, W1, b1, W2, b2):
    N = x.shape[0]
    src = edge_index[0]
    dst = edge_index[1]
    ones = jnp.ones((src.shape[0],), dtype=jnp.float32)
    out_deg = jnp.zeros((N,), dtype=jnp.float32).at[src].add(ones)
    in_deg = jnp.zeros((N,), dtype=jnp.float32).at[dst].add(ones)
    out_norm = jnp.where(out_deg > 0, out_deg ** -0.5, 0.0)
    in_norm = jnp.where(in_deg > 0, in_deg ** -0.5, 0.0)

    def graph_conv(h, W, b, act):
        # DGL GraphConv, norm='both': D_dst^{-1/2} A D_src^{-1/2} H W + b
        h = h * out_norm[:, None]
        h = h @ W
        msg = jnp.take(h, src, axis=0)
        agg = jnp.zeros((N, h.shape[1]), dtype=h.dtype).at[dst].add(msg)
        agg = agg * in_norm[:, None]
        agg = agg + b
        if act:
            agg = jax.nn.relu(agg)
        return agg

    # dropout p=0.0 -> identity (eval-mode)
    h = graph_conv(x, W0, b0, True)
    h = _full_layer_norm(h)
    h = graph_conv(h, W1, b1, True)
    h = _full_layer_norm(h)
    h = graph_conv(h, W2, b2, False)
    return h

if __name__ == "__main__":
    import jax
    _d = setup_inputs()
    print(jax.jit(kernel)(*tuple(_d.values())))

</pallas_src>

<mosaic_0001>
#map = affine_map<(d0, d1) -> (0, 0)>
#map1 = affine_map<(d0, d1) -> (0, 0, 0)>
module attributes {stable_mosaic.version = 14 : i64} {
  func.func @_sc_edge_agg(%arg0: i32, %arg1: i32, %arg2: memref<10112x128xf32, #tpu.memory_space<hbm>>, %arg3: memref<32x120x128xi32, #tpu.memory_space<hbm>>, %arg4: memref<2x10112x128xf32, #tpu.memory_space<hbm>>, %arg5: memref<120x128xi32, #tpu.memory_space<vmem>>, %arg6: memref<2x128xi32, #tpu.memory_space<vmem>>, %arg7: memref<2x128xi32, #tpu.memory_space<vmem>>, %arg8: memref<2x128x128xf32, #tpu.memory_space<vmem>>, %arg9: memref<10112x128xf32, #tpu.memory_space<vmem_shared>>, %arg10: memref<2x!tpu.dma_semaphore, #tpu.memory_space<semaphore_mem>>) attributes {dimension_semantics = [#tpu.dimension_semantics<core_parallel>, #tpu.dimension_semantics<subcore_parallel>], iteration_bounds = array<i64: 2, 16>, scalar_prefetch = 0 : i64, scratch_operands = 6 : i64, tpu.core_type = #tpu.core_type<sc_vector_subcore>, window_params = [{transform_indices = #map}, {transform_indices = #map1}, {transform_indices = #map1}]} {
    %mul3A = arith.constant 16 : i32
    %mul3A_0 = arith.muli %arg0, %mul3A : i32
    %add3A = arith.addi %mul3A_0, %arg1 : i32
    %eq3A = arith.constant 0 : i32
    %eq3A_1 = arith.cmpi eq, %arg0, %eq3A : i32
    %jit3A = arith.constant 120 : i32
    %jit3A_2 = arith.constant 38 : i32
    %select_n3A = arith.select %eq3A_1, %jit3A, %jit3A_2 : i32
    "tpu.region"() ({
      %run_scoped3A_56 = tpu.sem_alloc : memref<!tpu.dma_semaphore, #tpu.memory_space<semaphore_mem>>
      %dma_start3A = arith.constant 0 : i32
      %dma_start3A_57 = arith.constant 0 : i32
      %dma_start3A_58 = tpu.memref_slice %arg3[%add3A, %dma_start3A, %dma_start3A_57] : memref<32x120x128xi32, #tpu.memory_space<hbm>> -> memref<1x120x128xi32, #tpu.memory_space<hbm>>
      %dma_start3A_59 = tpu.memref_squeeze %dma_start3A_58 : memref<1x120x128xi32, #tpu.memory_space<hbm>> -> memref<120x128xi32, #tpu.memory_space<hbm>>
      %dma_start3A_60 = arith.constant 0 : i32
      %dma_start3A_61 = arith.constant 0 : i32
      %dma_start3A_62 = tpu.memref_slice %arg3[%add3A, %dma_start3A_60, %dma_start3A_61] : memref<32x120x128xi32, #tpu.memory_space<hbm>> -> memref<1x120x128xi32, #tpu.memory_space<hbm>>
      %dma_start3A_63 = tpu.memref_squeeze %dma_start3A_62 : memref<1x120x128xi32, #tpu.memory_space<hbm>> -> memref<120x128xi32, #tpu.memory_space<hbm>>
      tpu.enqueue_dma source(%dma_start3A_63 : memref<120x128xi32, #tpu.memory_space<hbm>>) target(%arg5 : memref<120x128xi32, #tpu.memory_space<vmem>>) target_semaphore(%run_scoped3A_56 : memref<!tpu.dma_semaphore, #tpu.memory_space<semaphore_mem>>)
      %dma_wait3A = arith.constant 0 : i32
      %dma_wait3A_64 = arith.constant 0 : i32
      %dma_wait3A_65 = tpu.memref_slice %arg3[%add3A, %dma_wait3A, %dma_wait3A_64] : memref<32x120x128xi32, #tpu.memory_space<hbm>> -> memref<1x120x128xi32, #tpu.memory_space<hbm>>
      %dma_wait3A_66 = tpu.memref_squeeze %dma_wait3A_65 : memref<1x120x128xi32, #tpu.memory_space<hbm>> -> memref<120x128xi32, #tpu.memory_space<hbm>>
      %dma_wait3A_67 = arith.constant 0 : i32
      %dma_wait3A_68 = arith.constant 0 : i32
      %dma_wait3A_69 = tpu.memref_slice %arg3[%add3A, %dma_wait3A_67, %dma_wait3A_68] : memref<32x120x128xi32, #tpu.memory_space<hbm>> -> memref<1x120x128xi32, #tpu.memory_space<hbm>>
      %dma_wait3A_70 = tpu.memref_squeeze %dma_wait3A_69 : memref<1x120x128xi32, #tpu.memory_space<hbm>> -> memref<120x128xi32, #tpu.memory_space<hbm>>
      tpu.wait_dma2 semaphore(%run_scoped3A_56 : memref<!tpu.dma_semaphore, #tpu.memory_space<semaphore_mem>>) src(%dma_wait3A_70 : memref<120x128xi32, #tpu.memory_space<hbm>>) dst(%arg5 : memref<120x128xi32, #tpu.memory_space<vmem>>)
      tpu.yield
    }) : () -> ()
    %scan3A = arith.constant 0 : i32
    %scan3A_3 = arith.constant 0 : i32
    %scan3A_4 = arith.constant 1024 : i32
    %scan3A_5 = arith.addi %scan3A_3, %scan3A_4 : i32
    %scan3A_6 = arith.constant 1 : i32
    %scan3A_7 = scf.for %scan3A_56 = %scan3A_3 to %scan3A_5 step %scan3A_6 iter_args(%scan3A_57 = %scan3A) -> (i32)  : i32 {
      %broadcast_in_dim3A = arith.constant 0.000000e+00 : f32
      %broadcast_in_dim3A_58 = vector.broadcast %broadcast_in_dim3A : f32 to vector<16xf32>
      %jit3A_59 = arith.constant 8 : i32
      %div3A = arith.divsi %scan3A_56, %jit3A_59 : i32
      %sign3A = arith.constant 0 : i32
      %sign3A_60 = arith.cmpi sgt, %scan3A_56, %sign3A : i32
      %sign3A_61 = arith.extui %sign3A_60 : i1 to i32
      %sign3A_62 = arith.constant 0 : i32
      %sign3A_63 = arith.cmpi slt, %scan3A_56, %sign3A_62 : i32
      %sign3A_64 = arith.extui %sign3A_63 : i1 to i32
      %sign3A_65 = arith.subi %sign3A_61, %sign3A_64 : i32
      %sign3A_66 = arith.constant 0 : i32
      %sign3A_67 = arith.cmpi sgt, %jit3A_59, %sign3A_66 : i32
      %sign3A_68 = arith.extui %sign3A_67 : i1 to i32
      %sign3A_69 = arith.constant 0 : i32
      %sign3A_70 = arith.cmpi slt, %jit3A_59, %sign3A_69 : i32
      %sign3A_71 = arith.extui %sign3A_70 : i1 to i32
      %sign3A_72 = arith.subi %sign3A_68, %sign3A_71 : i32
      %ne3A = arith.cmpi ne, %sign3A_65, %sign3A_72 : i32
      %rem3A = arith.remsi %scan3A_56, %jit3A_59 : i32
      %ne3A_73 = arith.constant 0 : i32
      %ne3A_74 = arith.cmpi ne, %rem3A, %ne3A_73 : i32
      %and3A = arith.andi %ne3A, %ne3A_74 : i1
      %sub3A = arith.constant 1 : i32
      %sub3A_75 = arith.subi %div3A, %sub3A : i32
      %select_n3A_76 = arith.select %and3A, %sub3A_75, %div3A : i32
      %jit3A_77 = arith.constant 8 : i32
      %eq3A_78 = arith.constant 0 : i32
      %eq3A_79 = arith.cmpi eq, %jit3A_77, %eq3A_78 : i32
      %jit3A_80 = arith.constant 1 : i32
      %select_n3A_81 = arith.select %eq3A_79, %jit3A_80, %jit3A_77 : i32
      %rem3A_82 = arith.remsi %scan3A_56, %select_n3A_81 : i32
      %ne3A_83 = arith.constant 0 : i32
      %ne3A_84 = arith.cmpi ne, %rem3A_82, %ne3A_83 : i32
      %lt3A = arith.constant 0 : i32
      %lt3A_85 = arith.cmpi slt, %rem3A_82, %lt3A : i32
      %lt3A_86 = arith.constant 0 : i32
      %lt3A_87 = arith.cmpi slt, %select_n3A_81, %lt3A_86 : i32
      %ne3A_88 = arith.xori %lt3A_85, %lt3A_87 : i1
      %and3A_89 = arith.andi %ne3A_88, %ne3A_84 : i1
      %add3A_90 = arith.addi %rem3A_82, %select_n3A_81 : i32
      %select_n3A_91 = arith.select %and3A_89, %add3A_90, %rem3A_82 : i32
      %mul3A_92 = arith.constant 16 : i32
      %mul3A_93 = arith.muli %select_n3A_91, %mul3A_92 : i32
      %swap3A = arith.constant 0 : i32
      %swap3A_94 = arith.index_cast %swap3A : i32 to index
      %swap3A_95 = arith.index_cast %select_n3A_76 : i32 to index
      %swap3A_96 = arith.index_cast %mul3A_93 : i32 to index
      %swap3A_97 = tpu.vector_load %arg8[%swap3A_94, %swap3A_95, %swap3A_96] {strides = array<i32>} : memref<2x128x128xf32, #tpu.memory_space<vmem>>, vector<1x1x16xf32>,
      %swap3A_98 = vector.shape_cast %swap3A_97 : vector<1x1x16xf32> to vector<16xf32>
      %swap3A_99 = vector.shape_cast %broadcast_in_dim3A_58 : vector<16xf32> to vector<1x1x16xf32>
      tpu.vector_store %arg8[%swap3A_94, %swap3A_95, %swap3A_96], %swap3A_99 {strides = array<i32>} : memref<2x128x128xf32, #tpu.memory_space<vmem>>, vector<1x1x16xf32>,
      %scan3A_100 = arith.constant 0 : i32
      scf.yield %scan3A_100 : i32
    }
    %scan3A_8 = arith.constant 1024 : i32
    %mul3A_9 = arith.constant 632 : i32
    %mul3A_10 = arith.muli %arg1, %mul3A_9 : i32
    %add3A_11 = arith.constant 0 : i32
    %add3A_12 = arith.addi %mul3A_10, %add3A_11 : i32
    %run_scoped3A = arith.constant 0 : i32
    "tpu.region"() ({
      %run_scoped3A_56 = tpu.sem_alloc : memref<!tpu.dma_semaphore, #tpu.memory_space<semaphore_mem>>
      %dma_start3A = arith.constant 0 : i32
      %dma_start3A_57 = arith.constant 0 : i32
      %dma_start3A_58 = tpu.memref_slice %arg8[%run_scoped3A, %dma_start3A, %dma_start3A_57] : memref<2x128x128xf32, #tpu.memory_space<vmem>> -> memref<1x128x128xf32, #tpu.memory_space<vmem>>
      %dma_start3A_59 = tpu.memref_squeeze %dma_start3A_58 : memref<1x128x128xf32, #tpu.memory_space<vmem>> -> memref<128x128xf32, #tpu.memory_space<vmem>>
      %dma_start3A_60 = arith.constant 0 : i32
      %dma_start3A_61 = tpu.memref_slice %arg9[%add3A_12, %dma_start3A_60] : memref<10112x128xf32, #tpu.memory_space<vmem_shared>> -> memref<128x128xf32, #tpu.memory_space<vmem_shared>>
      %dma_start3A_62 = arith.constant 0 : i32
      %dma_start3A_63 = tpu.memref_slice %arg9[%add3A_12, %dma_start3A_62] : memref<10112x128xf32, #tpu.memory_space<vmem_shared>> -> memref<128x128xf32, #tpu.memory_space<vmem_shared>>
      %dma_start3A_64 = arith.constant 0 : i32
      %dma_start3A_65 = arith.constant 0 : i32
      %dma_start3A_66 = tpu.memref_slice %arg8[%run_scoped3A, %dma_start3A_64, %dma_start3A_65] : memref<2x128x128xf32, #tpu.memory_space<vmem>> -> memref<1x128x128xf32, #tpu.memory_space<vmem>>
      %dma_start3A_67 = tpu.memref_squeeze %dma_start3A_66 : memref<1x128x128xf32, #tpu.memory_space<vmem>> -> memref<128x128xf32, #tpu.memory_space<vmem>>
      tpu.enqueue_dma source(%dma_start3A_67 : memref<128x128xf32, #tpu.memory_space<vmem>>) target(%dma_start3A_63 : memref<128x128xf32, #tpu.memory_space<vmem_shared>>) target_semaphore(%run_scoped3A_56 : memref<!tpu.dma_semaphore, #tpu.memory_space<semaphore_mem>>)
      %dma_wait3A = arith.constant 0 : i32
      %dma_wait3A_68 = arith.constant 0 : i32
      %dma_wait3A_69 = tpu.memref_slice %arg8[%run_scoped3A, %dma_wait3A, %dma_wait3A_68] : memref<2x128x128xf32, #tpu.memory_space<vmem>> -> memref<1x128x128xf32, #tpu.memory_space<vmem>>
      %dma_wait3A_70 = tpu.memref_squeeze %dma_wait3A_69 : memref<1x128x128xf32, #tpu.memory_space<vmem>> -> memref<128x128xf32, #tpu.memory_space<vmem>>
      %dma_wait3A_71 = arith.constant 0 : i32
      %dma_wait3A_72 = tpu.memref_slice %arg9[%add3A_12, %dma_wait3A_71] : memref<10112x128xf32, #tpu.memory_space<vmem_shared>> -> memref<128x128xf32, #tpu.memory_space<vmem_shared>>
      %dma_wait3A_73 = arith.constant 0 : i32
      %dma_wait3A_74 = tpu.memref_slice %arg9[%add3A_12, %dma_wait3A_73] : memref<10112x128xf32, #tpu.memory_space<vmem_shared>> -> memref<128x128xf32, #tpu.memory_space<vmem_shared>>
      %dma_wait3A_75 = arith.constant 0 : i32
      %dma_wait3A_76 = arith.constant 0 : i32
      %dma_wait3A_77 = tpu.memref_slice %arg8[%run_scoped3A, %dma_wait3A_75, %dma_wait3A_76] : memref<2x128x128xf32, #tpu.memory_space<vmem>> -> memref<1x128x128xf32, #tpu.memory_space<vmem>>
      %dma_wait3A_78 = tpu.memref_squeeze %dma_wait3A_77 : memref<1x128x128xf32, #tpu.memory_space<vmem>> -> memref<128x128xf32, #tpu.memory_space<vmem>>
      tpu.wait_dma2 semaphore(%run_scoped3A_56 : memref<!tpu.dma_semaphore, #tpu.memory_space<semaphore_mem>>) src(%dma_wait3A_78 : memref<128x128xf32, #tpu.memory_space<vmem>>) dst(%dma_wait3A_74 : memref<128x128xf32, #tpu.memory_space<vmem_shared>>)
      tpu.yield
    }) : () -> ()
    %mul3A_13 = arith.constant 632 : i32
    %mul3A_14 = arith.muli %arg1, %mul3A_13 : i32
    %add3A_15 = arith.constant 128 : i32
    %add3A_16 = arith.addi %mul3A_14, %add3A_15 : i32
    %run_scoped3A_17 = arith.constant 0 : i32
    "tpu.region"() ({
      %run_scoped3A_56 = tpu.sem_alloc : memref<!tpu.dma_semaphore, #tpu.memory_space<semaphore_mem>>
      %dma_start3A = arith.constant 0 : i32
      %dma_start3A_57 = arith.constant 0 : i32
      %dma_start3A_58 = tpu.memref_slice %arg8[%run_scoped3A_17, %dma_start3A, %dma_start3A_57] : memref<2x128x128xf32, #tpu.memory_space<vmem>> -> memref<1x128x128xf32, #tpu.memory_space<vmem>>
      %dma_start3A_59 = tpu.memref_squeeze %dma_start3A_58 : memref<1x128x128xf32, #tpu.memory_space<vmem>> -> memref<128x128xf32, #tpu.memory_space<vmem>>
      %dma_start3A_60 = arith.constant 0 : i32
      %dma_start3A_61 = tpu.memref_slice %arg9[%add3A_16, %dma_start3A_60] : memref<10112x128xf32, #tpu.memory_space<vmem_shared>> -> memref<128x128xf32, #tpu.memory_space<vmem_shared>>
      %dma_start3A_62 = arith.constant 0 : i32
      %dma_start3A_63 = tpu.memref_slice %arg9[%add3A_16, %dma_start3A_62] : memref<10112x128xf32, #tpu.memory_space<vmem_shared>> -> memref<128x128xf32, #tpu.memory_space<vmem_shared>>
      %dma_start3A_64 = arith.constant 0 : i32
      %dma_start3A_65 = arith.constant 0 : i32
      %dma_start3A_66 = tpu.memref_slice %arg8[%run_scoped3A_17, %dma_start3A_64, %dma_start3A_65] : memref<2x128x128xf32, #tpu.memory_space<vmem>> -> memref<1x128x128xf32, #tpu.memory_space<vmem>>
      %dma_start3A_67 = tpu.memref_squeeze %dma_start3A_66 : memref<1x128x128xf32, #tpu.memory_space<vmem>> -> memref<128x128xf32, #tpu.memory_space<vmem>>
      tpu.enqueue_dma source(%dma_start3A_67 : memref<128x128xf32, #tpu.memory_space<vmem>>) target(%dma_start3A_63 : memref<128x128xf32, #tpu.memory_space<vmem_shared>>) target_semaphore(%run_scoped3A_56 : memref<!tpu.dma_semaphore, #tpu.memory_space<semaphore_mem>>)
      %dma_wait3A = arith.constant 0 : i32
      %dma_wait3A_68 = arith.constant 0 : i32
      %dma_wait3A_69 = tpu.memref_slice %arg8[%run_scoped3A_17, %dma_wait3A, %dma_wait3A_68] : memref<2x128x128xf32, #tpu.memory_space<vmem>> -> memref<1x128x128xf32, #tpu.memory_space<vmem>>
      %dma_wait3A_70 = tpu.memref_squeeze %dma_wait3A_69 : memref<1x128x128xf32, #tpu.memory_space<vmem>> -> memref<128x128xf32, #tpu.memory_space<vmem>>
      %dma_wait3A_71 = arith.constant 0 : i32
      %dma_wait3A_72 = tpu.memref_slice %arg9[%add3A_16, %dma_wait3A_71] : memref<10112x128xf32, #tpu.memory_space<vmem_shared>> -> memref<128x128xf32, #tpu.memory_space<vmem_shared>>
      %dma_wait3A_73 = arith.constant 0 : i32
      %dma_wait3A_74 = tpu.memref_slice %arg9[%add3A_16, %dma_wait3A_73] : memref<10112x128xf32, #tpu.memory_space<vmem_shared>> -> memref<128x128xf32, #tpu.memory_space<vmem_shared>>
      %dma_wait3A_75 = arith.constant 0 : i32
      %dma_wait3A_76 = arith.constant 0 : i32
      %dma_wait3A_77 = tpu.memref_slice %arg8[%run_scoped3A_17, %dma_wait3A_75, %dma_wait3A_76] : memref<2x128x128xf32, #tpu.memory_space<vmem>> -> memref<1x128x128xf32, #tpu.memory_space<vmem>>
      %dma_wait3A_78 = tpu.memref_squeeze %dma_wait3A_77 : memref<1x128x128xf32, #tpu.memory_space<vmem>> -> memref<128x128xf32, #tpu.memory_space<vmem>>
      tpu.wait_dma2 semaphore(%run_scoped3A_56 : memref<!tpu.dma_semaphore, #tpu.memory_space<semaphore_mem>>) src(%dma_wait3A_78 : memref<128x128xf32, #tpu.memory_space<vmem>>) dst(%dma_wait3A_74 : memref<128x128xf32, #tpu.memory_space<vmem_shared>>)
      tpu.yield
    }) : () -> ()
    %mul3A_18 = arith.constant 632 : i32
    %mul3A_19 = arith.muli %arg1, %mul3A_18 : i32
    %add3A_20 = arith.constant 256 : i32
    %add3A_21 = arith.addi %mul3A_19, %add3A_20 : i32
    %run_scoped3A_22 = arith.constant 0 : i32
    "tpu.region"() ({
      %run_scoped3A_56 = tpu.sem_alloc : memref<!tpu.dma_semaphore, #tpu.memory_space<semaphore_mem>>
      %dma_start3A = arith.constant 0 : i32
      %dma_start3A_57 = arith.constant 0 : i32
      %dma_start3A_58 = tpu.memref_slice %arg8[%run_scoped3A_22, %dma_start3A, %dma_start3A_57] : memref<2x128x128xf32, #tpu.memory_space<vmem>> -> memref<1x128x128xf32, #tpu.memory_space<vmem>>
      %dma_start3A_59 = tpu.memref_squeeze %dma_start3A_58 : memref<1x128x128xf32, #tpu.memory_space<vmem>> -> memref<128x128xf32, #tpu.memory_space<vmem>>
      %dma_start3A_60 = arith.constant 0 : i32
      %dma_start3A_61 = tpu.memref_slice %arg9[%add3A_21, %dma_start3A_60] : memref<10112x128xf32, #tpu.memory_space<vmem_shared>> -> memref<128x128xf32, #tpu.memory_space<vmem_shared>>
      %dma_start3A_62 = arith.constant 0 : i32
      %dma_start3A_63 = tpu.memref_slice %arg9[%add3A_21, %dma_start3A_62] : memref<10112x128xf32, #tpu.memory_space<vmem_shared>> -> memref<128x128xf32, #tpu.memory_space<vmem_shared>>
      %dma_start3A_64 = arith.constant 0 : i32
      %dma_start3A_65 = arith.constant 0 : i32
      %dma_start3A_66 = tpu.memref_slice %arg8[%run_scoped3A_22, %dma_start3A_64, %dma_start3A_65] : memref<2x128x128xf32, #tpu.memory_space<vmem>> -> memref<1x128x128xf32, #tpu.memory_space<vmem>>
      %dma_start3A_67 = tpu.memref_squeeze %dma_start3A_66 : memref<1x128x128xf32, #tpu.memory_space<vmem>> -> memref<128x128xf32, #tpu.memory_space<vmem>>
      tpu.enqueue_dma source(%dma_start3A_67 : memref<128x128xf32, #tpu.memory_space<vmem>>) target(%dma_start3A_63 : memref<128x128xf32, #tpu.memory_space<vmem_shared>>) target_semaphore(%run_scoped3A_56 : memref<!tpu.dma_semaphore, #tpu.memory_space<semaphore_mem>>)
      %dma_wait3A = arith.constant 0 : i32
      %dma_wait3A_68 = arith.constant 0 : i32
      %dma_wait3A_69 = tpu.memref_slice %arg8[%run_scoped3A_22, %dma_wait3A, %dma_wait3A_68] : memref<2x128x128xf32, #tpu.memory_space<vmem>> -> memref<1x128x128xf32, #tpu.memory_space<vmem>>
      %dma_wait3A_70 = tpu.memref_squeeze %dma_wait3A_69 : memref<1x128x128xf32, #tpu.memory_space<vmem>> -> memref<128x128xf32, #tpu.memory_space<vmem>>
      %dma_wait3A_71 = arith.constant 0 : i32
      %dma_wait3A_72 = tpu.memref_slice %arg9[%add3A_21, %dma_wait3A_71] : memref<10112x128xf32, #tpu.memory_space<vmem_shared>> -> memref<128x128xf32, #tpu.memory_space<vmem_shared>>
      %dma_wait3A_73 = arith.constant 0 : i32
      %dma_wait3A_74 = tpu.memref_slice %arg9[%add3A_21, %dma_wait3A_73] : memref<10112x128xf32, #tpu.memory_space<vmem_shared>> -> memref<128x128xf32, #tpu.memory_space<vmem_shared>>
      %dma_wait3A_75 = arith.constant 0 : i32
      %dma_wait3A_76 = arith.constant 0 : i32
      %dma_wait3A_77 = tpu.memref_slice %arg8[%run_scoped3A_22, %dma_wait3A_75, %dma_wait3A_76] : memref<2x128x128xf32, #tpu.memory_space<vmem>> -> memref<1x128x128xf32, #tpu.memory_space<vmem>>
      %dma_wait3A_78 = tpu.memref_squeeze %dma_wait3A_77 : memref<1x128x128xf32, #tpu.memory_space<vmem>> -> memref<128x128xf32, #tpu.memory_space<vmem>>
      tpu.wait_dma2 semaphore(%run_scoped3A_56 : memref<!tpu.dma_semaphore, #tpu.memory_space<semaphore_mem>>) src(%dma_wait3A_78 : memref<128x128xf32, #tpu.memory_space<vmem>>) dst(%dma_wait3A_74 : memref<128x128xf32, #tpu.memory_space<vmem_shared>>)
      tpu.yield
    }) : () -> ()
    %mul3A_23 = arith.constant 632 : i32
    %mul3A_24 = arith.muli %arg1, %mul3A_23 : i32
    %add3A_25 = arith.constant 384 : i32
    %add3A_26 = arith.addi %mul3A_24, %add3A_25 : i32
    %run_scoped3A_27 = arith.constant 0 : i32
    "tpu.region"() ({
      %run_scoped3A_56 = tpu.sem_alloc : memref<!tpu.dma_semaphore, #tpu.memory_space<semaphore_mem>>
      %dma_start3A = arith.constant 0 : i32
      %dma_start3A_57 = arith.constant 0 : i32
      %dma_start3A_58 = tpu.memref_slice %arg8[%run_scoped3A_27, %dma_start3A, %dma_start3A_57] : memref<2x128x128xf32, #tpu.memory_space<vmem>> -> memref<1x128x128xf32, #tpu.memory_space<vmem>>
      %dma_start3A_59 = tpu.memref_squeeze %dma_start3A_58 : memref<1x128x128xf32, #tpu.memory_space<vmem>> -> memref<128x128xf32, #tpu.memory_space<vmem>>
      %dma_start3A_60 = arith.constant 0 : i32
      %dma_start3A_61 = tpu.memref_slice %arg9[%add3A_26, %dma_start3A_60] : memref<10112x128xf32, #tpu.memory_space<vmem_shared>> -> memref<128x128xf32, #tpu.memory_space<vmem_shared>>
      %dma_start3A_62 = arith.constant 0 : i32
      %dma_start3A_63 = tpu.memref_slice %arg9[%add3A_26, %dma_start3A_62] : memref<10112x128xf32, #tpu.memory_space<vmem_shared>> -> memref<128x128xf32, #tpu.memory_space<vmem_shared>>
      %dma_start3A_64 = arith.constant 0 : i32
      %dma_start3A_65 = arith.constant 0 : i32
      %dma_start3A_66 = tpu.memref_slice %arg8[%run_scoped3A_27, %dma_start3A_64, %dma_start3A_65] : memref<2x128x128xf32, #tpu.memory_space<vmem>> -> memref<1x128x128xf32, #tpu.memory_space<vmem>>
      %dma_start3A_67 = tpu.memref_squeeze %dma_start3A_66 : memref<1x128x128xf32, #tpu.memory_space<vmem>> -> memref<128x128xf32, #tpu.memory_space<vmem>>
      tpu.enqueue_dma source(%dma_start3A_67 : memref<128x128xf32, #tpu.memory_space<vmem>>) target(%dma_start3A_63 : memref<128x128xf32, #tpu.memory_space<vmem_shared>>) target_semaphore(%run_scoped3A_56 : memref<!tpu.dma_semaphore, #tpu.memory_space<semaphore_mem>>)
      %dma_wait3A = arith.constant 0 : i32
      %dma_wait3A_68 = arith.constant 0 : i32
      %dma_wait3A_69 = tpu.memref_slice %arg8[%run_scoped3A_27, %dma_wait3A, %dma_wait3A_68] : memref<2x128x128xf32, #tpu.memory_space<vmem>> -> memref<1x128x128xf32, #tpu.memory_space<vmem>>
      %dma_wait3A_70 = tpu.memref_squeeze %dma_wait3A_69 : memref<1x128x128xf32, #tpu.memory_space<vmem>> -> memref<128x128xf32, #tpu.memory_space<vmem>>
      %dma_wait3A_71 = arith.constant 0 : i32
      %dma_wait3A_72 = tpu.memref_slice %arg9[%add3A_26, %dma_wait3A_71] : memref<10112x128xf32, #tpu.memory_space<vmem_shared>> -> memref<128x128xf32, #tpu.memory_space<vmem_shared>>
      %dma_wait3A_73 = arith.constant 0 : i32
      %dma_wait3A_74 = tpu.memref_slice %arg9[%add3A_26, %dma_wait3A_73] : memref<10112x128xf32, #tpu.memory_space<vmem_shared>> -> memref<128x128xf32, #tpu.memory_space<vmem_shared>>
      %dma_wait3A_75 = arith.constant 0 : i32
      %dma_wait3A_76 = arith.constant 0 : i32
      %dma_wait3A_77 = tpu.memref_slice %arg8[%run_scoped3A_27, %dma_wait3A_75, %dma_wait3A_76] : memref<2x128x128xf32, #tpu.memory_space<vmem>> -> memref<1x128x128xf32, #tpu.memory_space<vmem>>
      %dma_wait3A_78 = tpu.memref_squeeze %dma_wait3A_77 : memref<1x128x128xf32, #tpu.memory_space<vmem>> -> memref<128x128xf32, #tpu.memory_space<vmem>>
      tpu.wait_dma2 semaphore(%run_scoped3A_56 : memref<!tpu.dma_semaphore, #tpu.memory_space<semaphore_mem>>) src(%dma_wait3A_78 : memref<128x128xf32, #tpu.memory_space<vmem>>) dst(%dma_wait3A_74 : memref<128x128xf32, #tpu.memory_space<vmem_shared>>)
      tpu.yield
    }) : () -> ()
    %mul3A_28 = arith.constant 632 : i32
    %mul3A_29 = arith.muli %arg1, %mul3A_28 : i32
    %add3A_30 = arith.constant 512 : i32
    %add3A_31 = arith.addi %mul3A_29, %add3A_30 : i32
    %run_scoped3A_32 = arith.constant 0 : i32
    "tpu.region"() ({
      %run_scoped3A_56 = tpu.sem_alloc : memref<!tpu.dma_semaphore, #tpu.memory_space<semaphore_mem>>
      %dma_start3A = arith.constant 0 : i32
      %dma_start3A_57 = arith.constant 0 : i32
      %dma_start3A_58 = tpu.memref_slice %arg8[%run_scoped3A_32, %dma_start3A, %dma_start3A_57] : memref<2x128x128xf32, #tpu.memory_space<vmem>> -> memref<1x128x128xf32, #tpu.memory_space<vmem>>
      %dma_start3A_59 = tpu.memref_squeeze %dma_start3A_58 : memref<1x128x128xf32, #tpu.memory_space<vmem>> -> memref<128x128xf32, #tpu.memory_space<vmem>>
      %dma_start3A_60 = arith.constant 0 : i32
      %dma_start3A_61 = arith.constant 0 : i32
      %dma_start3A_62 = tpu.memref_slice %dma_start3A_59[%dma_start3A_60, %dma_start3A_61] : memref<128x128xf32, #tpu.memory_space<vmem>> -> memref<120x128xf32, #tpu.memory_space<vmem>>
      %dma_start3A_63 = arith.constant 0 : i32
      %dma_start3A_64 = tpu.memref_slice %arg9[%add3A_31, %dma_start3A_63] : memref<10112x128xf32, #tpu.memory_space<vmem_shared>> -> memref<120x128xf32, #tpu.memory_space<vmem_shared>>
      %dma_start3A_65 = arith.constant 0 : i32
      %dma_start3A_66 = tpu.memref_slice %arg9[%add3A_31, %dma_start3A_65] : memref<10112x128xf32, #tpu.memory_space<vmem_shared>> -> memref<120x128xf32, #tpu.memory_space<vmem_shared>>
      %dma_start3A_67 = arith.constant 0 : i32
      %dma_start3A_68 = arith.constant 0 : i32
      %dma_start3A_69 = tpu.memref_slice %arg8[%run_scoped3A_32, %dma_start3A_67, %dma_start3A_68] : memref<2x128x128xf32, #tpu.memory_space<vmem>> -> memref<1x128x128xf32, #tpu.memory_space<vmem>>
      %dma_start3A_70 = tpu.memref_squeeze %dma_start3A_69 : memref<1x128x128xf32, #tpu.memory_space<vmem>> -> memref<128x128xf32, #tpu.memory_space<vmem>>
      %dma_start3A_71 = arith.constant 0 : i32
      %dma_start3A_72 = arith.constant 0 : i32
      %dma_start3A_73 = tpu.memref_slice %dma_start3A_70[%dma_start3A_71, %dma_start3A_72] : memref<128x128xf32, #tpu.memory_space<vmem>> -> memref<120x128xf32, #tpu.memory_space<vmem>>
      tpu.enqueue_dma source(%dma_start3A_73 : memref<120x128xf32, #tpu.memory_space<vmem>>) target(%dma_start3A_66 : memref<120x128xf32, #tpu.memory_space<vmem_shared>>) target_semaphore(%run_scoped3A_56 : memref<!tpu.dma_semaphore, #tpu.memory_space<semaphore_mem>>)
      %dma_wait3A = arith.constant 0 : i32
      %dma_wait3A_74 = arith.constant 0 : i32
      %dma_wait3A_75 = tpu.memref_slice %arg8[%run_scoped3A_32, %dma_wait3A, %dma_wait3A_74] : memref<2x128x128xf32, #tpu.memory_space<vmem>> -> memref<1x128x128xf32, #tpu.memory_space<vmem>>
      %dma_wait3A_76 = tpu.memref_squeeze %dma_wait3A_75 : memref<1x128x128xf32, #tpu.memory_space<vmem>> -> memref<128x128xf32, #tpu.memory_space<vmem>>
      %dma_wait3A_77 = arith.constant 0 : i32
      %dma_wait3A_78 = arith.constant 0 : i32
      %dma_wait3A_79 = tpu.memref_slice %dma_wait3A_76[%dma_wait3A_77, %dma_wait3A_78] : memref<128x128xf32, #tpu.memory_space<vmem>> -> memref<120x128xf32, #tpu.memory_space<vmem>>
      %dma_wait3A_80 = arith.constant 0 : i32
      %dma_wait3A_81 = tpu.memref_slice %arg9[%add3A_31, %dma_wait3A_80] : memref<10112x128xf32, #tpu.memory_space<vmem_shared>> -> memref<120x128xf32, #tpu.memory_space<vmem_shared>>
      %dma_wait3A_82 = arith.constant 0 : i32
      %dma_wait3A_83 = tpu.memref_slice %arg9[%add3A_31, %dma_wait3A_82] : memref<10112x128xf32, #tpu.memory_space<vmem_shared>> -> memref<120x128xf32, #tpu.memory_space<vmem_shared>>
      %dma_wait3A_84 = arith.constant 0 : i32
      %dma_wait3A_85 = arith.constant 0 : i32
      %dma_wait3A_86 = tpu.memref_slice %arg8[%run_scoped3A_32, %dma_wait3A_84, %dma_wait3A_85] : memref<2x128x128xf32, #tpu.memory_space<vmem>> -> memref<1x128x128xf32, #tpu.memory_space<vmem>>
      %dma_wait3A_87 = tpu.memref_squeeze %dma_wait3A_86 : memref<1x128x128xf32, #tpu.memory_space<vmem>> -> memref<128x128xf32, #tpu.memory_space<vmem>>
      %dma_wait3A_88 = arith.constant 0 : i32
      %dma_wait3A_89 = arith.constant 0 : i32
      %dma_wait3A_90 = tpu.memref_slice %dma_wait3A_87[%dma_wait3A_88, %dma_wait3A_89] : memref<128x128xf32, #tpu.memory_space<vmem>> -> memref<120x128xf32, #tpu.memory_space<vmem>>
      tpu.wait_dma2 semaphore(%run_scoped3A_56 : memref<!tpu.dma_semaphore, #tpu.memory_space<semaphore_mem>>) src(%dma_wait3A_90 : memref<120x128xf32, #tpu.memory_space<vmem>>) dst(%dma_wait3A_83 : memref<120x128xf32, #tpu.memory_space<vmem_shared>>)
      tpu.yield
    }) : () -> ()
    %barrier3A = arith.constant 0 : index
    tpu.barrier barrier_id(%barrier3A)
    %scan3A_33 = arith.constant 0 : i32
    %scan3A_34 = arith.constant 0 : i32
    %scan3A_35 = arith.constant 2 : i32
    %scan3A_36 = arith.addi %scan3A_34, %scan3A_35 : i32
    %scan3A_37 = arith.constant 1 : i32
    %scan3A_38 = scf.for %scan3A_56 = %scan3A_34 to %scan3A_36 step %scan3A_37 iter_args(%scan3A_57 = %scan3A_33) -> (i32)  : i32 {
      %scan3A_58 = arith.constant 0 : i32
      %scan3A_59 = arith.constant 0 : i32
      %scan3A_60 = arith.constant 8 : i32
      %scan3A_61 = arith.addi %scan3A_59, %scan3A_60 : i32
      %scan3A_62 = arith.constant 1 : i32
      %scan3A_63 = scf.for %scan3A_77 = %scan3A_59 to %scan3A_61 step %scan3A_62 iter_args(%scan3A_78 = %scan3A_58) -> (i32)  : i32 {
        %mul3A_79 = arith.constant 16 : i32
        %mul3A_80 = arith.muli %scan3A_77, %mul3A_79 : i32
        %get3A = arith.index_cast %scan3A_56 : i32 to index
        %get3A_81 = arith.index_cast %mul3A_80 : i32 to index
        %get3A_82 = tpu.vector_load %arg5[%get3A, %get3A_81] {strides = array<i32>} : memref<120x128xi32, #tpu.memory_space<vmem>>, vector<1x16xi32>,
        %get3A_83 = vector.shape_cast %get3A_82 : vector<1x16xi32> to vector<16xi32>
        %and3A = arith.constant 65535 : i32
        %and3A_84 = vector.broadcast %and3A : i32 to vector<16xi32>
        %and3A_85 = arith.andi %get3A_83, %and3A_84 : vector<16xi32>
        %mul3A_86 = arith.constant 16 : i32
        %mul3A_87 = arith.muli %scan3A_77, %mul3A_86 : i32
        %swap3A = arith.index_cast %scan3A_56 : i32 to index
        %swap3A_88 = arith.index_cast %mul3A_87 : i32 to index
        %swap3A_89 = tpu.vector_load %arg6[%swap3A, %swap3A_88] {strides = array<i32>} : memref<2x128xi32, #tpu.memory_space<vmem>>, vector<1x16xi32>,
        %swap3A_90 = vector.shape_cast %swap3A_89 : vector<1x16xi32> to vector<16xi32>
        %swap3A_91 = vector.shape_cast %and3A_85 : vector<16xi32> to vector<1x16xi32>
        tpu.vector_store %arg6[%swap3A, %swap3A_88], %swap3A_91 {strides = array<i32>} : memref<2x128xi32, #tpu.memory_space<vmem>>, vector<1x16xi32>,
        %shift_right_logical3A = arith.constant 16 : i32
        %shift_right_logical3A_92 = vector.broadcast %shift_right_logical3A : i32 to vector<16xi32>
        %shift_right_logical3A_93 = arith.shrui %get3A_83, %shift_right_logical3A_92 : vector<16xi32>
        %mul3A_94 = arith.constant 16 : i32
        %mul3A_95 = arith.muli %scan3A_77, %mul3A_94 : i32
        %swap3A_96 = arith.index_cast %scan3A_56 : i32 to index
        %swap3A_97 = arith.index_cast %mul3A_95 : i32 to index
        %swap3A_98 = tpu.vector_load %arg7[%swap3A_96, %swap3A_97] {strides = array<i32>} : memref<2x128xi32, #tpu.memory_space<vmem>>, vector<1x16xi32>,
        %swap3A_99 = vector.shape_cast %swap3A_98 : vector<1x16xi32> to vector<16xi32>
        %swap3A_100 = vector.shape_cast %shift_right_logical3A_93 : vector<16xi32> to vector<1x16xi32>
        tpu.vector_store %arg7[%swap3A_96, %swap3A_97], %swap3A_100 {strides = array<i32>} : memref<2x128xi32, #tpu.memory_space<vmem>>, vector<1x16xi32>,
        %scan3A_101 = arith.constant 0 : i32
        scf.yield %scan3A_101 : i32
      }
      %scan3A_64 = arith.constant 8 : i32
      %dma_start3A = arith.constant 0 : i32
      %dma_start3A_65 = arith.constant 0 : i32
      %dma_start3A_66 = tpu.memref_slice %arg8[%scan3A_56, %dma_start3A, %dma_start3A_65] : memref<2x128x128xf32, #tpu.memory_space<vmem>> -> memref<1x128x128xf32, #tpu.memory_space<vmem>>
      %dma_start3A_67 = tpu.memref_squeeze %dma_start3A_66 : memref<1x128x128xf32, #tpu.memory_space<vmem>> -> memref<128x128xf32, #tpu.memory_space<vmem>>
      %dma_start3A_68 = arith.constant 0 : i32
      %dma_start3A_69 = tpu.memref_slice %arg6[%scan3A_56, %dma_start3A_68] : memref<2x128xi32, #tpu.memory_space<vmem>> -> memref<1x128xi32, #tpu.memory_space<vmem>>
      %dma_start3A_70 = tpu.memref_squeeze %dma_start3A_69 : memref<1x128xi32, #tpu.memory_space<vmem>> -> memref<128xi32, #tpu.memory_space<vmem>>
      %dma_start3A_71 = arith.constant 0 : i32
      %dma_start3A_72 = arith.constant 0 : i32
      %dma_start3A_73 = tpu.memref_slice %arg2[%dma_start3A_71, %dma_start3A_72] : memref<10112x128xf32, #tpu.memory_space<hbm>> -> memref<10112x128xf32, #tpu.memory_space<hbm>>
      %dma_start3A_74 = tpu.memref_slice %arg10[%scan3A_56] : memref<2x!tpu.dma_semaphore, #tpu.memory_space<semaphore_mem>> -> memref<1x!tpu.dma_semaphore, #tpu.memory_space<semaphore_mem>>
      %dma_start3A_75 = tpu.memref_squeeze %dma_start3A_74 : memref<1x!tpu.dma_semaphore, #tpu.memory_space<semaphore_mem>> -> memref<!tpu.dma_semaphore, #tpu.memory_space<semaphore_mem>>
      tpu.enqueue_indirect_dma source(%dma_start3A_73 : memref<10112x128xf32, #tpu.memory_space<hbm>>) target(%dma_start3A_67 : memref<128x128xf32, #tpu.memory_space<vmem>>) offsets(%dma_start3A_70 : memref<128xi32, #tpu.memory_space<vmem>>) semaphore(%dma_start3A_75 : memref<!tpu.dma_semaphore, #tpu.memory_space<semaphore_mem>>)
      %scan3A_76 = arith.constant 0 : i32
      scf.yield %scan3A_76 : i32
    }
    %scan3A_39 = arith.constant 2 : i32
    %while3A = arith.constant 0 : i32
    %while3A_40 = arith.constant 0 : i32
    %while3A_41 = arith.subi %select_n3A, %while3A : i32
    %while3A_42 = arith.addi %while3A, %while3A_41 : i32
    %while3A_43 = arith.constant 1 : i32
    %while3A_44 = arith.divsi %while3A_41, %while3A_43 : i32
    %while3A_45 = arith.muli %while3A_44, %while3A_43 : i32
    %while3A_46 = arith.addi %while3A, %while3A_45 : i32
    %while3A_47 = arith.constant 1 : i32
    %while3A_48 = scf.for %while3A_56 = %while3A to %while3A_46 step %while3A_47 iter_args(%while3A_57 = %while3A_40) -> (i32)  : i32 {
      %rem3A = arith.constant 2 : i32
      %rem3A_58 = arith.remsi %while3A_56, %rem3A : i32
      %dma_wait3A = arith.constant 0 : i32
      %dma_wait3A_59 = arith.constant 0 : i32
      %dma_wait3A_60 = tpu.memref_slice %arg8[%rem3A_58, %dma_wait3A, %dma_wait3A_59] : memref<2x128x128xf32, #tpu.memory_space<vmem>> -> memref<1x128x128xf32, #tpu.memory_space<vmem>>
      %dma_wait3A_61 = tpu.memref_squeeze %dma_wait3A_60 : memref<1x128x128xf32, #tpu.memory_space<vmem>> -> memref<128x128xf32, #tpu.memory_space<vmem>>
      %dma_wait3A_62 = arith.constant 0 : i32
      %dma_wait3A_63 = tpu.memref_slice %arg6[%rem3A_58, %dma_wait3A_62] : memref<2x128xi32, #tpu.memory_space<vmem>> -> memref<1x128xi32, #tpu.memory_space<vmem>>
      %dma_wait3A_64 = tpu.memref_squeeze %dma_wait3A_63 : memref<1x128xi32, #tpu.memory_space<vmem>> -> memref<128xi32, #tpu.memory_space<vmem>>
      %dma_wait3A_65 = arith.constant 0 : i32
      %dma_wait3A_66 = arith.constant 0 : i32
      %dma_wait3A_67 = tpu.memref_slice %arg2[%dma_wait3A_65, %dma_wait3A_66] : memref<10112x128xf32, #tpu.memory_space<hbm>> -> memref<10112x128xf32, #tpu.memory_space<hbm>>
      %dma_wait3A_68 = tpu.memref_slice %arg10[%rem3A_58] : memref<2x!tpu.dma_semaphore, #tpu.memory_space<semaphore_mem>> -> memref<1x!tpu.dma_semaphore, #tpu.memory_space<semaphore_mem>>
      %dma_wait3A_69 = tpu.memref_squeeze %dma_wait3A_68 : memref<1x!tpu.dma_semaphore, #tpu.memory_space<semaphore_mem>> -> memref<!tpu.dma_semaphore, #tpu.memory_space<semaphore_mem>>
      tpu.wait_indirect_dma semaphore(%dma_wait3A_69 : memref<!tpu.dma_semaphore, #tpu.memory_space<semaphore_mem>>) src(%dma_wait3A_67 : memref<10112x128xf32, #tpu.memory_space<hbm>>) dst(%dma_wait3A_61 : memref<128x128xf32, #tpu.memory_space<vmem>>)
      %dma_start3A = arith.constant 0 : i32
      %dma_start3A_70 = arith.constant 0 : i32
      %dma_start3A_71 = tpu.memref_slice %arg8[%rem3A_58, %dma_start3A, %dma_start3A_70] : memref<2x128x128xf32, #tpu.memory_space<vmem>> -> memref<1x128x128xf32, #tpu.memory_space<vmem>>
      %dma_start3A_72 = tpu.memref_squeeze %dma_start3A_71 : memref<1x128x128xf32, #tpu.memory_space<vmem>> -> memref<128x128xf32, #tpu.memory_space<vmem>>
      %dma_start3A_73 = arith.constant 0 : i32
      %dma_start3A_74 = tpu.memref_slice %arg7[%rem3A_58, %dma_start3A_73] : memref<2x128xi32, #tpu.memory_space<vmem>> -> memref<1x128xi32, #tpu.memory_space<vmem>>
      %dma_start3A_75 = tpu.memref_squeeze %dma_start3A_74 : memref<1x128xi32, #tpu.memory_space<vmem>> -> memref<128xi32, #tpu.memory_space<vmem>>
      %dma_start3A_76 = arith.constant 0 : i32
      %dma_start3A_77 = arith.constant 0 : i32
      %dma_start3A_78 = tpu.memref_slice %arg9[%dma_start3A_76, %dma_start3A_77] : memref<10112x128xf32, #tpu.memory_space<vmem_shared>> -> memref<10112x128xf32, #tpu.memory_space<vmem_shared>>
      %dma_start3A_79 = tpu.memref_slice %arg10[%rem3A_58] : memref<2x!tpu.dma_semaphore, #tpu.memory_space<semaphore_mem>> -> memref<1x!tpu.dma_semaphore, #tpu.memory_space<semaphore_mem>>
      %dma_start3A_80 = tpu.memref_squeeze %dma_start3A_79 : memref<1x!tpu.dma_semaphore, #tpu.memory_space<semaphore_mem>> -> memref<!tpu.dma_semaphore, #tpu.memory_space<semaphore_mem>>
      tpu.enqueue_indirect_dma source(%dma_start3A_72 : memref<128x128xf32, #tpu.memory_space<vmem>>) target(%dma_start3A_78 : memref<10112x128xf32, #tpu.memory_space<vmem_shared>>) offsets(%dma_start3A_75 : memref<128xi32, #tpu.memory_space<vmem>>) semaphore(%dma_start3A_80 : memref<!tpu.dma_semaphore, #tpu.memory_space<semaphore_mem>>) {add = true}
      %dma_wait3A_81 = arith.constant 0 : i32
      %dma_wait3A_82 = arith.constant 0 : i32
      %dma_wait3A_83 = tpu.memref_slice %arg8[%rem3A_58, %dma_wait3A_81, %dma_wait3A_82] : memref<2x128x128xf32, #tpu.memory_space<vmem>> -> memref<1x128x128xf32, #tpu.memory_space<vmem>>
      %dma_wait3A_84 = tpu.memref_squeeze %dma_wait3A_83 : memref<1x128x128xf32, #tpu.memory_space<vmem>> -> memref<128x128xf32, #tpu.memory_space<vmem>>
      %dma_wait3A_85 = arith.constant 0 : i32
      %dma_wait3A_86 = tpu.memref_slice %arg7[%rem3A_58, %dma_wait3A_85] : memref<2x128xi32, #tpu.memory_space<vmem>> -> memref<1x128xi32, #tpu.memory_space<vmem>>
      %dma_wait3A_87 = tpu.memref_squeeze %dma_wait3A_86 : memref<1x128xi32, #tpu.memory_space<vmem>> -> memref<128xi32, #tpu.memory_space<vmem>>
      %dma_wait3A_88 = arith.constant 0 : i32
      %dma_wait3A_89 = arith.constant 0 : i32
      %dma_wait3A_90 = tpu.memref_slice %arg9[%dma_wait3A_88, %dma_wait3A_89] : memref<10112x128xf32, #tpu.memory_space<vmem_shared>> -> memref<10112x128xf32, #tpu.memory_space<vmem_shared>>
      %dma_wait3A_91 = tpu.memref_slice %arg10[%rem3A_58] : memref<2x!tpu.dma_semaphore, #tpu.memory_space<semaphore_mem>> -> memref<1x!tpu.dma_semaphore, #tpu.memory_space<semaphore_mem>>
      %dma_wait3A_92 = tpu.memref_squeeze %dma_wait3A_91 : memref<1x!tpu.dma_semaphore, #tpu.memory_space<semaphore_mem>> -> memref<!tpu.dma_semaphore, #tpu.memory_space<semaphore_mem>>
      tpu.wait_indirect_dma semaphore(%dma_wait3A_92 : memref<!tpu.dma_semaphore, #tpu.memory_space<semaphore_mem>>) src(%dma_wait3A_84 : memref<128x128xf32, #tpu.memory_space<vmem>>) dst(%dma_wait3A_90 : memref<10112x128xf32, #tpu.memory_space<vmem_shared>>)
      %add3A_93 = arith.constant 2 : i32
      %add3A_94 = arith.addi %while3A_56, %add3A_93 : i32
      %lt3A = arith.cmpi slt, %add3A_94, %select_n3A : i32
      %convert_element_type3A = arith.extui %lt3A : i1 to i32
      %cond3A = arith.constant 0 : i32
      %cond3A_95 = arith.cmpi ne, %convert_element_type3A, %cond3A : i32
      scf.if %cond3A_95 {
        %add3A_97 = arith.constant 2 : i32
        %add3A_98 = arith.addi %while3A_56, %add3A_97 : i32
        %scan3A_99 = arith.constant 0 : i32
        %scan3A_100 = arith.constant 0 : i32
        %scan3A_101 = arith.constant 8 : i32
        %scan3A_102 = arith.addi %scan3A_100, %scan3A_101 : i32
        %scan3A_103 = arith.constant 1 : i32
        %scan3A_104 = scf.for %scan3A_118 = %scan3A_100 to %scan3A_102 step %scan3A_103 iter_args(%scan3A_119 = %scan3A_99) -> (i32)  : i32 {
          %mul3A_120 = arith.constant 16 : i32
          %mul3A_121 = arith.muli %scan3A_118, %mul3A_120 : i32
          %get3A = arith.index_cast %add3A_98 : i32 to index
          %get3A_122 = arith.index_cast %mul3A_121 : i32 to index
          %get3A_123 = tpu.vector_load %arg5[%get3A, %get3A_122] {strides = array<i32>} : memref<120x128xi32, #tpu.memory_space<vmem>>, vector<1x16xi32>,
          %get3A_124 = vector.shape_cast %get3A_123 : vector<1x16xi32> to vector<16xi32>
          %and3A = arith.constant 65535 : i32
          %and3A_125 = vector.broadcast %and3A : i32 to vector<16xi32>
          %and3A_126 = arith.andi %get3A_124, %and3A_125 : vector<16xi32>
          %mul3A_127 = arith.constant 16 : i32
          %mul3A_128 = arith.muli %scan3A_118, %mul3A_127 : i32
          %swap3A = arith.index_cast %rem3A_58 : i32 to index
          %swap3A_129 = arith.index_cast %mul3A_128 : i32 to index
          %swap3A_130 = tpu.vector_load %arg6[%swap3A, %swap3A_129] {strides = array<i32>} : memref<2x128xi32, #tpu.memory_space<vmem>>, vector<1x16xi32>,
          %swap3A_131 = vector.shape_cast %swap3A_130 : vector<1x16xi32> to vector<16xi32>
          %swap3A_132 = vector.shape_cast %and3A_126 : vector<16xi32> to vector<1x16xi32>
          tpu.vector_store %arg6[%swap3A, %swap3A_129], %swap3A_132 {strides = array<i32>} : memref<2x128xi32, #tpu.memory_space<vmem>>, vector<1x16xi32>,
          %shift_right_logical3A = arith.constant 16 : i32
          %shift_right_logical3A_133 = vector.broadcast %shift_right_logical3A : i32 to vector<16xi32>
          %shift_right_logical3A_134 = arith.shrui %get3A_124, %shift_right_logical3A_133 : vector<16xi32>
          %mul3A_135 = arith.constant 16 : i32
          %mul3A_136 = arith.muli %scan3A_118, %mul3A_135 : i32
          %swap3A_137 = arith.index_cast %rem3A_58 : i32 to index
          %swap3A_138 = arith.index_cast %mul3A_136 : i32 to index
          %swap3A_139 = tpu.vector_load %arg7[%swap3A_137, %swap3A_138] {strides = array<i32>} : memref<2x128xi32, #tpu.memory_space<vmem>>, vector<1x16xi32>,
          %swap3A_140 = vector.shape_cast %swap3A_139 : vector<1x16xi32> to vector<16xi32>
          %swap3A_141 = vector.shape_cast %shift_right_logical3A_134 : vector<16xi32> to vector<1x16xi32>
          tpu.vector_store %arg7[%swap3A_137, %swap3A_138], %swap3A_141 {strides = array<i32>} : memref<2x128xi32, #tpu.memory_space<vmem>>, vector<1x16xi32>,
          %scan3A_142 = arith.constant 0 : i32
          scf.yield %scan3A_142 : i32
        }
        %scan3A_105 = arith.constant 8 : i32
        %dma_start3A_106 = arith.constant 0 : i32
        %dma_start3A_107 = arith.constant 0 : i32
        %dma_start3A_108 = tpu.memref_slice %arg8[%rem3A_58, %dma_start3A_106, %dma_start3A_107] : memref<2x128x128xf32, #tpu.memory_space<vmem>> -> memref<1x128x128xf32, #tpu.memory_space<vmem>>
        %dma_start3A_109 = tpu.memref_squeeze %dma_start3A_108 : memref<1x128x128xf32, #tpu.memory_space<vmem>> -> memref<128x128xf32, #tpu.memory_space<vmem>>
        %dma_start3A_110 = arith.constant 0 : i32
        %dma_start3A_111 = tpu.memref_slice %arg6[%rem3A_58, %dma_start3A_110] : memref<2x128xi32, #tpu.memory_space<vmem>> -> memref<1x128xi32, #tpu.memory_space<vmem>>
        %dma_start3A_112 = tpu.memref_squeeze %dma_start3A_111 : memref<1x128xi32, #tpu.memory_space<vmem>> -> memref<128xi32, #tpu.memory_space<vmem>>
        %dma_start3A_113 = arith.constant 0 : i32
        %dma_start3A_114 = arith.constant 0 : i32
        %dma_start3A_115 = tpu.memref_slice %arg2[%dma_start3A_113, %dma_start3A_114] : memref<10112x128xf32, #tpu.memory_space<hbm>> -> memref<10112x128xf32, #tpu.memory_space<hbm>>
        %dma_start3A_116 = tpu.memref_slice %arg10[%rem3A_58] : memref<2x!tpu.dma_semaphore, #tpu.memory_space<semaphore_mem>> -> memref<1x!tpu.dma_semaphore, #tpu.memory_space<semaphore_mem>>
        %dma_start3A_117 = tpu.memref_squeeze %dma_start3A_116 : memref<1x!tpu.dma_semaphore, #tpu.memory_space<semaphore_mem>> -> memref<!tpu.dma_semaphore, #tpu.memory_space<semaphore_mem>>
        tpu.enqueue_indirect_dma source(%dma_start3A_115 : memref<10112x128xf32, #tpu.memory_space<hbm>>) target(%dma_start3A_109 : memref<128x128xf32, #tpu.memory_space<vmem>>) offsets(%dma_start3A_112 : memref<128xi32, #tpu.memory_space<vmem>>) semaphore(%dma_start3A_117 : memref<!tpu.dma_semaphore, #tpu.memory_space<semaphore_mem>>)
      } else {
      }
      %while3A_96 = arith.constant 0 : i32
      scf.yield %while3A_96 : i32
    }
    %while3A_49 = arith.constant 1 : i32
    %while3A_50 = scf.for %while3A_56 = %while3A_46 to %while3A_42 step %while3A_49 iter_args(%while3A_57 = %while3A_48) -> (i32)  : i32 {
      %rem3A = arith.constant 2 : i32
      %rem3A_58 = arith.remsi %while3A_56, %rem3A : i32
      %dma_wait3A = arith.constant 0 : i32
      %dma_wait3A_59 = arith.constant 0 : i32
      %dma_wait3A_60 = tpu.memref_slice %arg8[%rem3A_58, %dma_wait3A, %dma_wait3A_59] : memref<2x128x128xf32, #tpu.memory_space<vmem>> -> memref<1x128x128xf32, #tpu.memory_space<vmem>>
      %dma_wait3A_61 = tpu.memref_squeeze %dma_wait3A_60 : memref<1x128x128xf32, #tpu.memory_space<vmem>> -> memref<128x128xf32, #tpu.memory_space<vmem>>
      %dma_wait3A_62 = arith.constant 0 : i32
      %dma_wait3A_63 = tpu.memref_slice %arg6[%rem3A_58, %dma_wait3A_62] : memref<2x128xi32, #tpu.memory_space<vmem>> -> memref<1x128xi32, #tpu.memory_space<vmem>>
      %dma_wait3A_64 = tpu.memref_squeeze %dma_wait3A_63 : memref<1x128xi32, #tpu.memory_space<vmem>> -> memref<128xi32, #tpu.memory_space<vmem>>
      %dma_wait3A_65 = arith.constant 0 : i32
      %dma_wait3A_66 = arith.constant 0 : i32
      %dma_wait3A_67 = tpu.memref_slice %arg2[%dma_wait3A_65, %dma_wait3A_66] : memref<10112x128xf32, #tpu.memory_space<hbm>> -> memref<10112x128xf32, #tpu.memory_space<hbm>>
      %dma_wait3A_68 = tpu.memref_slice %arg10[%rem3A_58] : memref<2x!tpu.dma_semaphore, #tpu.memory_space<semaphore_mem>> -> memref<1x!tpu.dma_semaphore, #tpu.memory_space<semaphore_mem>>
      %dma_wait3A_69 = tpu.memref_squeeze %dma_wait3A_68 : memref<1x!tpu.dma_semaphore, #tpu.memory_space<semaphore_mem>> -> memref<!tpu.dma_semaphore, #tpu.memory_space<semaphore_mem>>
      tpu.wait_indirect_dma semaphore(%dma_wait3A_69 : memref<!tpu.dma_semaphore, #tpu.memory_space<semaphore_mem>>) src(%dma_wait3A_67 : memref<10112x128xf32, #tpu.memory_space<hbm>>) dst(%dma_wait3A_61 : memref<128x128xf32, #tpu.memory_space<vmem>>)
      %dma_start3A = arith.constant 0 : i32
      %dma_start3A_70 = arith.constant 0 : i32
      %dma_start3A_71 = tpu.memref_slice %arg8[%rem3A_58, %dma_start3A, %dma_start3A_70] : memref<2x128x128xf32, #tpu.memory_space<vmem>> -> memref<1x128x128xf32, #tpu.memory_space<vmem>>
      %dma_start3A_72 = tpu.memref_squeeze %dma_start3A_71 : memref<1x128x128xf32, #tpu.memory_space<vmem>> -> memref<128x128xf32, #tpu.memory_space<vmem>>
      %dma_start3A_73 = arith.constant 0 : i32
      %dma_start3A_74 = tpu.memref_slice %arg7[%rem3A_58, %dma_start3A_73] : memref<2x128xi32, #tpu.memory_space<vmem>> -> memref<1x128xi32, #tpu.memory_space<vmem>>
      %dma_start3A_75 = tpu.memref_squeeze %dma_start3A_74 : memref<1x128xi32, #tpu.memory_space<vmem>> -> memref<128xi32, #tpu.memory_space<vmem>>
      %dma_start3A_76 = arith.constant 0 : i32
      %dma_start3A_77 = arith.constant 0 : i32
      %dma_start3A_78 = tpu.memref_slice %arg9[%dma_start3A_76, %dma_start3A_77] : memref<10112x128xf32, #tpu.memory_space<vmem_shared>> -> memref<10112x128xf32, #tpu.memory_space<vmem_shared>>
      %dma_start3A_79 = tpu.memref_slice %arg10[%rem3A_58] : memref<2x!tpu.dma_semaphore, #tpu.memory_space<semaphore_mem>> -> memref<1x!tpu.dma_semaphore, #tpu.memory_space<semaphore_mem>>
      %dma_start3A_80 = tpu.memref_squeeze %dma_start3A_79 : memref<1x!tpu.dma_semaphore, #tpu.memory_space<semaphore_mem>> -> memref<!tpu.dma_semaphore, #tpu.memory_space<semaphore_mem>>
      tpu.enqueue_indirect_dma source(%dma_start3A_72 : memref<128x128xf32, #tpu.memory_space<vmem>>) target(%dma_start3A_78 : memref<10112x128xf32, #tpu.memory_space<vmem_shared>>) offsets(%dma_start3A_75 : memref<128xi32, #tpu.memory_space<vmem>>) semaphore(%dma_start3A_80 : memref<!tpu.dma_semaphore, #tpu.memory_space<semaphore_mem>>) {add = true}
      %dma_wait3A_81 = arith.constant 0 : i32
      %dma_wait3A_82 = arith.constant 0 : i32
      %dma_wait3A_83 = tpu.memref_slice %arg8[%rem3A_58, %dma_wait3A_81, %dma_wait3A_82] : memref<2x128x128xf32, #tpu.memory_space<vmem>> -> memref<1x128x128xf32, #tpu.memory_space<vmem>>
      %dma_wait3A_84 = tpu.memref_squeeze %dma_wait3A_83 : memref<1x128x128xf32, #tpu.memory_space<vmem>> -> memref<128x128xf32, #tpu.memory_space<vmem>>
      %dma_wait3A_85 = arith.constant 0 : i32
      %dma_wait3A_86 = tpu.memref_slice %arg7[%rem3A_58, %dma_wait3A_85] : memref<2x128xi32, #tpu.memory_space<vmem>> -> memref<1x128xi32, #tpu.memory_space<vmem>>
      %dma_wait3A_87 = tpu.memref_squeeze %dma_wait3A_86 : memref<1x128xi32, #tpu.memory_space<vmem>> -> memref<128xi32, #tpu.memory_space<vmem>>
      %dma_wait3A_88 = arith.constant 0 : i32
      %dma_wait3A_89 = arith.constant 0 : i32
      %dma_wait3A_90 = tpu.memref_slice %arg9[%dma_wait3A_88, %dma_wait3A_89] : memref<10112x128xf32, #tpu.memory_space<vmem_shared>> -> memref<10112x128xf32, #tpu.memory_space<vmem_shared>>
      %dma_wait3A_91 = tpu.memref_slice %arg10[%rem3A_58] : memref<2x!tpu.dma_semaphore, #tpu.memory_space<semaphore_mem>> -> memref<1x!tpu.dma_semaphore, #tpu.memory_space<semaphore_mem>>
      %dma_wait3A_92 = tpu.memref_squeeze %dma_wait3A_91 : memref<1x!tpu.dma_semaphore, #tpu.memory_space<semaphore_mem>> -> memref<!tpu.dma_semaphore, #tpu.memory_space<semaphore_mem>>
      tpu.wait_indirect_dma semaphore(%dma_wait3A_92 : memref<!tpu.dma_semaphore, #tpu.memory_space<semaphore_mem>>) src(%dma_wait3A_84 : memref<128x128xf32, #tpu.memory_space<vmem>>) dst(%dma_wait3A_90 : memref<10112x128xf32, #tpu.memory_space<vmem_shared>>)
      %add3A_93 = arith.constant 2 : i32
      %add3A_94 = arith.addi %while3A_56, %add3A_93 : i32
      %lt3A = arith.cmpi slt, %add3A_94, %select_n3A : i32
      %convert_element_type3A = arith.extui %lt3A : i1 to i32
      %cond3A = arith.constant 0 : i32
      %cond3A_95 = arith.cmpi ne, %convert_element_type3A, %cond3A : i32
      scf.if %cond3A_95 {
        %add3A_97 = arith.constant 2 : i32
        %add3A_98 = arith.addi %while3A_56, %add3A_97 : i32
        %scan3A_99 = arith.constant 0 : i32
        %scan3A_100 = arith.constant 0 : i32
        %scan3A_101 = arith.constant 8 : i32
        %scan3A_102 = arith.addi %scan3A_100, %scan3A_101 : i32
        %scan3A_103 = arith.constant 1 : i32
        %scan3A_104 = scf.for %scan3A_118 = %scan3A_100 to %scan3A_102 step %scan3A_103 iter_args(%scan3A_119 = %scan3A_99) -> (i32)  : i32 {
          %mul3A_120 = arith.constant 16 : i32
          %mul3A_121 = arith.muli %scan3A_118, %mul3A_120 : i32
          %get3A = arith.index_cast %add3A_98 : i32 to index
          %get3A_122 = arith.index_cast %mul3A_121 : i32 to index
          %get3A_123 = tpu.vector_load %arg5[%get3A, %get3A_122] {strides = array<i32>} : memref<120x128xi32, #tpu.memory_space<vmem>>, vector<1x16xi32>,
          %get3A_124 = vector.shape_cast %get3A_123 : vector<1x16xi32> to vector<16xi32>
          %and3A = arith.constant 65535 : i32
          %and3A_125 = vector.broadcast %and3A : i32 to vector<16xi32>
          %and3A_126 = arith.andi %get3A_124, %and3A_125 : vector<16xi32>
          %mul3A_127 = arith.constant 16 : i32
          %mul3A_128 = arith.muli %scan3A_118, %mul3A_127 : i32
          %swap3A = arith.index_cast %rem3A_58 : i32 to index
          %swap3A_129 = arith.index_cast %mul3A_128 : i32 to index
          %swap3A_130 = tpu.vector_load %arg6[%swap3A, %swap3A_129] {strides = array<i32>} : memref<2x128xi32, #tpu.memory_space<vmem>>, vector<1x16xi32>,
          %swap3A_131 = vector.shape_cast %swap3A_130 : vector<1x16xi32> to vector<16xi32>
          %swap3A_132 = vector.shape_cast %and3A_126 : vector<16xi32> to vector<1x16xi32>
          tpu.vector_store %arg6[%swap3A, %swap3A_129], %swap3A_132 {strides = array<i32>} : memref<2x128xi32, #tpu.memory_space<vmem>>, vector<1x16xi32>,
          %shift_right_logical3A = arith.constant 16 : i32
          %shift_right_logical3A_133 = vector.broadcast %shift_right_logical3A : i32 to vector<16xi32>
          %shift_right_logical3A_134 = arith.shrui %get3A_124, %shift_right_logical3A_133 : vector<16xi32>
          %mul3A_135 = arith.constant 16 : i32
          %mul3A_136 = arith.muli %scan3A_118, %mul3A_135 : i32
          %swap3A_137 = arith.index_cast %rem3A_58 : i32 to index
          %swap3A_138 = arith.index_cast %mul3A_136 : i32 to index
          %swap3A_139 = tpu.vector_load %arg7[%swap3A_137, %swap3A_138] {strides = array<i32>} : memref<2x128xi32, #tpu.memory_space<vmem>>, vector<1x16xi32>,
          %swap3A_140 = vector.shape_cast %swap3A_139 : vector<1x16xi32> to vector<16xi32>
          %swap3A_141 = vector.shape_cast %shift_right_logical3A_134 : vector<16xi32> to vector<1x16xi32>
          tpu.vector_store %arg7[%swap3A_137, %swap3A_138], %swap3A_141 {strides = array<i32>} : memref<2x128xi32, #tpu.memory_space<vmem>>, vector<1x16xi32>,
          %scan3A_142 = arith.constant 0 : i32
          scf.yield %scan3A_142 : i32
        }
        %scan3A_105 = arith.constant 8 : i32
        %dma_start3A_106 = arith.constant 0 : i32
        %dma_start3A_107 = arith.constant 0 : i32
        %dma_start3A_108 = tpu.memref_slice %arg8[%rem3A_58, %dma_start3A_106, %dma_start3A_107] : memref<2x128x128xf32, #tpu.memory_space<vmem>> -> memref<1x128x128xf32, #tpu.memory_space<vmem>>
        %dma_start3A_109 = tpu.memref_squeeze %dma_start3A_108 : memref<1x128x128xf32, #tpu.memory_space<vmem>> -> memref<128x128xf32, #tpu.memory_space<vmem>>
        %dma_start3A_110 = arith.constant 0 : i32
        %dma_start3A_111 = tpu.memref_slice %arg6[%rem3A_58, %dma_start3A_110] : memref<2x128xi32, #tpu.memory_space<vmem>> -> memref<1x128xi32, #tpu.memory_space<vmem>>
        %dma_start3A_112 = tpu.memref_squeeze %dma_start3A_111 : memref<1x128xi32, #tpu.memory_space<vmem>> -> memref<128xi32, #tpu.memory_space<vmem>>
        %dma_start3A_113 = arith.constant 0 : i32
        %dma_start3A_114 = arith.constant 0 : i32
        %dma_start3A_115 = tpu.memref_slice %arg2[%dma_start3A_113, %dma_start3A_114] : memref<10112x128xf32, #tpu.memory_space<hbm>> -> memref<10112x128xf32, #tpu.memory_space<hbm>>
        %dma_start3A_116 = tpu.memref_slice %arg10[%rem3A_58] : memref<2x!tpu.dma_semaphore, #tpu.memory_space<semaphore_mem>> -> memref<1x!tpu.dma_semaphore, #tpu.memory_space<semaphore_mem>>
        %dma_start3A_117 = tpu.memref_squeeze %dma_start3A_116 : memref<1x!tpu.dma_semaphore, #tpu.memory_space<semaphore_mem>> -> memref<!tpu.dma_semaphore, #tpu.memory_space<semaphore_mem>>
        tpu.enqueue_indirect_dma source(%dma_start3A_115 : memref<10112x128xf32, #tpu.memory_space<hbm>>) target(%dma_start3A_109 : memref<128x128xf32, #tpu.memory_space<vmem>>) offsets(%dma_start3A_112 : memref<128xi32, #tpu.memory_space<vmem>>) semaphore(%dma_start3A_117 : memref<!tpu.dma_semaphore, #tpu.memory_space<semaphore_mem>>)
      } else {
      }
      %while3A_96 = arith.constant 0 : i32
      scf.yield %while3A_96 : i32
    }
    %barrier3A_51 = arith.constant 0 : index
    tpu.barrier barrier_id(%barrier3A_51)
    %mul3A_52 = arith.constant 632 : i32
    %mul3A_53 = arith.muli %arg1, %mul3A_52 : i32
    %mul3A_54 = arith.constant 632 : i32
    %mul3A_55 = arith.muli %arg1, %mul3A_54 : i32
    "tpu.region"() ({
      %run_scoped3A_56 = tpu.sem_alloc : memref<!tpu.dma_semaphore, #tpu.memory_space<semaphore_mem>>
      %dma_start3A = arith.constant 0 : i32
      %dma_start3A_57 = arith.constant 0 : i32
      %dma_start3A_58 = tpu.memref_slice %arg4[%arg0, %dma_start3A, %dma_start3A_57] : memref<2x10112x128xf32, #tpu.memory_space<hbm>> -> memref<1x10112x128xf32, #tpu.memory_space<hbm>>
      %dma_start3A_59 = tpu.memref_squeeze %dma_start3A_58 : memref<1x10112x128xf32, #tpu.memory_space<hbm>> -> memref<10112x128xf32, #tpu.memory_space<hbm>>
      %dma_start3A_60 = arith.constant 0 : i32
      %dma_start3A_61 = tpu.memref_slice %dma_start3A_59[%mul3A_55, %dma_start3A_60] : memref<10112x128xf32, #tpu.memory_space<hbm>> -> memref<632x128xf32, #tpu.memory_space<hbm>>
      %dma_start3A_62 = arith.constant 0 : i32
      %dma_start3A_63 = tpu.memref_slice %arg9[%mul3A_53, %dma_start3A_62] : memref<10112x128xf32, #tpu.memory_space<vmem_shared>> -> memref<632x128xf32, #tpu.memory_space<vmem_shared>>
      tpu.enqueue_dma source(%dma_start3A_63 : memref<632x128xf32, #tpu.memory_space<vmem_shared>>) target(%dma_start3A_61 : memref<632x128xf32, #tpu.memory_space<hbm>>) target_semaphore(%run_scoped3A_56 : memref<!tpu.dma_semaphore, #tpu.memory_space<semaphore_mem>>)
      %dma_wait3A = arith.constant 0 : i32
      %dma_wait3A_64 = arith.constant 0 : i32
      %dma_wait3A_65 = tpu.memref_slice %arg4[%arg0, %dma_wait3A, %dma_wait3A_64] : memref<2x10112x128xf32, #tpu.memory_space<hbm>> -> memref<1x10112x128xf32, #tpu.memory_space<hbm>>
      %dma_wait3A_66 = tpu.memref_squeeze %dma_wait3A_65 : memref<1x10112x128xf32, #tpu.memory_space<hbm>> -> memref<10112x128xf32, #tpu.memory_space<hbm>>
      %dma_wait3A_67 = arith.constant 0 : i32
      %dma_wait3A_68 = tpu.memref_slice %dma_wait3A_66[%mul3A_55, %dma_wait3A_67] : memref<10112x128xf32, #tpu.memory_space<hbm>> -> memref<632x128xf32, #tpu.memory_space<hbm>>
      %dma_wait3A_69 = arith.constant 0 : i32
      %dma_wait3A_70 = tpu.memref_slice %arg9[%mul3A_53, %dma_wait3A_69] : memref<10112x128xf32, #tpu.memory_space<vmem_shared>> -> memref<632x128xf32, #tpu.memory_space<vmem_shared>>
      tpu.wait_dma2 semaphore(%run_scoped3A_56 : memref<!tpu.dma_semaphore, #tpu.memory_space<semaphore_mem>>) src(%dma_wait3A_70 : memref<632x128xf32, #tpu.memory_space<vmem_shared>>) dst(%dma_wait3A_68 : memref<632x128xf32, #tpu.memory_space<hbm>>)
      tpu.yield
    }) : () -> ()
    return
  }
}

#map = affine_map<(d0, d1) -> (0, 0, 0)>
module attributes {stable_mosaic.version = 14 : i64} {
  func.func @_sc_degrees(%arg0: i32, %arg1: i32, %arg2: memref<32x158x128xi32, #tpu.memory_space<hbm>>, %arg3: memref<2x10112x128xf32, #tpu.memory_space<hbm>>, %arg4: memref<158x128xi32, #tpu.memory_space<vmem>>, %arg5: memref<128x128xf32, #tpu.memory_space<vmem>>, %arg6: memref<10112x128xf32, #tpu.memory_space<vmem_shared>>, %arg7: memref<!tpu.dma_semaphore, #tpu.memory_space<semaphore_mem>>) attributes {dimension_semantics = [#tpu.dimension_semantics<core_parallel>, #tpu.dimension_semantics<subcore_parallel>], iteration_bounds = array<i64: 2, 16>, scalar_prefetch = 0 : i64, scratch_operands = 4 : i64, tpu.core_type = #tpu.core_type<sc_vector_subcore>, window_params = [{transform_indices = #map}, {transform_indices = #map}]} {
    %mul3A = arith.constant 16 : i32
    %mul3A_0 = arith.muli %arg0, %mul3A : i32
    %add3A = arith.addi %mul3A_0, %arg1 : i32
    "tpu.region"() ({
      %run_scoped3A = tpu.sem_alloc : memref<!tpu.dma_semaphore, #tpu.memory_space<semaphore_mem>>
      %dma_start3A = arith.constant 0 : i32
      %dma_start3A_46 = arith.constant 0 : i32
      %dma_start3A_47 = tpu.memref_slice %arg2[%add3A, %dma_start3A, %dma_start3A_46] : memref<32x158x128xi32, #tpu.memory_space<hbm>> -> memref<1x158x128xi32, #tpu.memory_space<hbm>>
      %dma_start3A_48 = tpu.memref_squeeze %dma_start3A_47 : memref<1x158x128xi32, #tpu.memory_space<hbm>> -> memref<158x128xi32, #tpu.memory_space<hbm>>
      %dma_start3A_49 = arith.constant 0 : i32
      %dma_start3A_50 = arith.constant 0 : i32
      %dma_start3A_51 = tpu.memref_slice %arg2[%add3A, %dma_start3A_49, %dma_start3A_50] : memref<32x158x128xi32, #tpu.memory_space<hbm>> -> memref<1x158x128xi32, #tpu.memory_space<hbm>>
      %dma_start3A_52 = tpu.memref_squeeze %dma_start3A_51 : memref<1x158x128xi32, #tpu.memory_space<hbm>> -> memref<158x128xi32, #tpu.memory_space<hbm>>
      tpu.enqueue_dma source(%dma_start3A_52 : memref<158x128xi32, #tpu.memory_space<hbm>>) target(%arg4 : memref<158x128xi32, #tpu.memory_space<vmem>>) target_semaphore(%run_scoped3A : memref<!tpu.dma_semaphore, #tpu.memory_space<semaphore_mem>>)
      %dma_wait3A = arith.constant 0 : i32
      %dma_wait3A_53 = arith.constant 0 : i32
      %dma_wait3A_54 = tpu.memref_slice %arg2[%add3A, %dma_wait3A, %dma_wait3A_53] : memref<32x158x128xi32, #tpu.memory_space<hbm>> -> memref<1x158x128xi32, #tpu.memory_space<hbm>>
      %dma_wait3A_55 = tpu.memref_squeeze %dma_wait3A_54 : memref<1x158x128xi32, #tpu.memory_space<hbm>> -> memref<158x128xi32, #tpu.memory_space<hbm>>
      %dma_wait3A_56 = arith.constant 0 : i32
      %dma_wait3A_57 = arith.constant 0 : i32
      %dma_wait3A_58 = tpu.memref_slice %arg2[%add3A, %dma_wait3A_56, %dma_wait3A_57] : memref<32x158x128xi32, #tpu.memory_space<hbm>> -> memref<1x158x128xi32, #tpu.memory_space<hbm>>
      %dma_wait3A_59 = tpu.memref_squeeze %dma_wait3A_58 : memref<1x158x128xi32, #tpu.memory_space<hbm>> -> memref<158x128xi32, #tpu.memory_space<hbm>>
      tpu.wait_dma2 semaphore(%run_scoped3A : memref<!tpu.dma_semaphore, #tpu.memory_space<semaphore_mem>>) src(%dma_wait3A_59 : memref<158x128xi32, #tpu.memory_space<hbm>>) dst(%arg4 : memref<158x128xi32, #tpu.memory_space<vmem>>)
      tpu.yield
    }) : () -> ()
    %scan3A = arith.constant 0 : i32
    %scan3A_1 = arith.constant 0 : i32
    %scan3A_2 = arith.constant 1024 : i32
    %scan3A_3 = arith.addi %scan3A_1, %scan3A_2 : i32
    %scan3A_4 = arith.constant 1 : i32
    %scan3A_5 = scf.for %scan3A_46 = %scan3A_1 to %scan3A_3 step %scan3A_4 iter_args(%scan3A_47 = %scan3A) -> (i32)  : i32 {
      %broadcast_in_dim3A = arith.constant 0.000000e+00 : f32
      %broadcast_in_dim3A_48 = vector.broadcast %broadcast_in_dim3A : f32 to vector<16xf32>
      %jit3A = arith.constant 8 : i32
      %div3A = arith.divsi %scan3A_46, %jit3A : i32
      %sign3A = arith.constant 0 : i32
      %sign3A_49 = arith.cmpi sgt, %scan3A_46, %sign3A : i32
      %sign3A_50 = arith.extui %sign3A_49 : i1 to i32
      %sign3A_51 = arith.constant 0 : i32
      %sign3A_52 = arith.cmpi slt, %scan3A_46, %sign3A_51 : i32
      %sign3A_53 = arith.extui %sign3A_52 : i1 to i32
      %sign3A_54 = arith.subi %sign3A_50, %sign3A_53 : i32
      %sign3A_55 = arith.constant 0 : i32
      %sign3A_56 = arith.cmpi sgt, %jit3A, %sign3A_55 : i32
      %sign3A_57 = arith.extui %sign3A_56 : i1 to i32
      %sign3A_58 = arith.constant 0 : i32
      %sign3A_59 = arith.cmpi slt, %jit3A, %sign3A_58 : i32
      %sign3A_60 = arith.extui %sign3A_59 : i1 to i32
      %sign3A_61 = arith.subi %sign3A_57, %sign3A_60 : i32
      %ne3A = arith.cmpi ne, %sign3A_54, %sign3A_61 : i32
      %rem3A = arith.remsi %scan3A_46, %jit3A : i32
      %ne3A_62 = arith.constant 0 : i32
      %ne3A_63 = arith.cmpi ne, %rem3A, %ne3A_62 : i32
      %and3A = arith.andi %ne3A, %ne3A_63 : i1
      %sub3A = arith.constant 1 : i32
      %sub3A_64 = arith.subi %div3A, %sub3A : i32
      %select_n3A = arith.select %and3A, %sub3A_64, %div3A : i32
      %jit3A_65 = arith.constant 8 : i32
      %eq3A = arith.constant 0 : i32
      %eq3A_66 = arith.cmpi eq, %jit3A_65, %eq3A : i32
      %jit3A_67 = arith.constant 1 : i32
      %select_n3A_68 = arith.select %eq3A_66, %jit3A_67, %jit3A_65 : i32
      %rem3A_69 = arith.remsi %scan3A_46, %select_n3A_68 : i32
      %ne3A_70 = arith.constant 0 : i32
      %ne3A_71 = arith.cmpi ne, %rem3A_69, %ne3A_70 : i32
      %lt3A = arith.constant 0 : i32
      %lt3A_72 = arith.cmpi slt, %rem3A_69, %lt3A : i32
      %lt3A_73 = arith.constant 0 : i32
      %lt3A_74 = arith.cmpi slt, %select_n3A_68, %lt3A_73 : i32
      %ne3A_75 = arith.xori %lt3A_72, %lt3A_74 : i1
      %and3A_76 = arith.andi %ne3A_75, %ne3A_71 : i1
      %add3A_77 = arith.addi %rem3A_69, %select_n3A_68 : i32
      %select_n3A_78 = arith.select %and3A_76, %add3A_77, %rem3A_69 : i32
      %mul3A_79 = arith.constant 16 : i32
      %mul3A_80 = arith.muli %select_n3A_78, %mul3A_79 : i32
      %swap3A = arith.index_cast %select_n3A : i32 to index
      %swap3A_81 = arith.index_cast %mul3A_80 : i32 to index
      %swap3A_82 = tpu.vector_load %arg5[%swap3A, %swap3A_81] {strides = array<i32>} : memref<128x128xf32, #tpu.memory_space<vmem>>, vector<1x16xf32>,
      %swap3A_83 = vector.shape_cast %swap3A_82 : vector<1x16xf32> to vector<16xf32>
      %swap3A_84 = vector.shape_cast %broadcast_in_dim3A_48 : vector<16xf32> to vector<1x16xf32>
      tpu.vector_store %arg5[%swap3A, %swap3A_81], %swap3A_84 {strides = array<i32>} : memref<128x128xf32, #tpu.memory_space<vmem>>, vector<1x16xf32>,
      %scan3A_85 = arith.constant 0 : i32
      scf.yield %scan3A_85 : i32
    }
    %scan3A_6 = arith.constant 1024 : i32
    %mul3A_7 = arith.constant 632 : i32
    %mul3A_8 = arith.muli %arg1, %mul3A_7 : i32
    %add3A_9 = arith.constant 0 : i32
    %add3A_10 = arith.addi %mul3A_8, %add3A_9 : i32
    "tpu.region"() ({
      %run_scoped3A = tpu.sem_alloc : memref<!tpu.dma_semaphore, #tpu.memory_space<semaphore_mem>>
      %dma_start3A = arith.constant 0 : i32
      %dma_start3A_46 = tpu.memref_slice %arg6[%add3A_10, %dma_start3A] : memref<10112x128xf32, #tpu.memory_space<vmem_shared>> -> memref<128x128xf32, #tpu.memory_space<vmem_shared>>
      %dma_start3A_47 = arith.constant 0 : i32
      %dma_start3A_48 = tpu.memref_slice %arg6[%add3A_10, %dma_start3A_47] : memref<10112x128xf32, #tpu.memory_space<vmem_shared>> -> memref<128x128xf32, #tpu.memory_space<vmem_shared>>
      tpu.enqueue_dma source(%arg5 : memref<128x128xf32, #tpu.memory_space<vmem>>) target(%dma_start3A_48 : memref<128x128xf32, #tpu.memory_space<vmem_shared>>) target_semaphore(%run_scoped3A : memref<!tpu.dma_semaphore, #tpu.memory_space<semaphore_mem>>)
      %dma_wait3A = arith.constant 0 : i32
      %dma_wait3A_49 = tpu.memref_slice %arg6[%add3A_10, %dma_wait3A] : memref<10112x128xf32, #tpu.memory_space<vmem_shared>> -> memref<128x128xf32, #tpu.memory_space<vmem_shared>>
      %dma_wait3A_50 = arith.constant 0 : i32
      %dma_wait3A_51 = tpu.memref_slice %arg6[%add3A_10, %dma_wait3A_50] : memref<10112x128xf32, #tpu.memory_space<vmem_shared>> -> memref<128x128xf32, #tpu.memory_space<vmem_shared>>
      tpu.wait_dma2 semaphore(%run_scoped3A : memref<!tpu.dma_semaphore, #tpu.memory_space<semaphore_mem>>) src(%arg5 : memref<128x128xf32, #tpu.memory_space<vmem>>) dst(%dma_wait3A_51 : memref<128x128xf32, #tpu.memory_space<vmem_shared>>)
      tpu.yield
    }) : () -> ()
    %mul3A_11 = arith.constant 632 : i32
    %mul3A_12 = arith.muli %arg1, %mul3A_11 : i32
    %add3A_13 = arith.constant 128 : i32
    %add3A_14 = arith.addi %mul3A_12, %add3A_13 : i32
    "tpu.region"() ({
      %run_scoped3A = tpu.sem_alloc : memref<!tpu.dma_semaphore, #tpu.memory_space<semaphore_mem>>
      %dma_start3A = arith.constant 0 : i32
      %dma_start3A_46 = tpu.memref_slice %arg6[%add3A_14, %dma_start3A] : memref<10112x128xf32, #tpu.memory_space<vmem_shared>> -> memref<128x128xf32, #tpu.memory_space<vmem_shared>>
      %dma_start3A_47 = arith.constant 0 : i32
      %dma_start3A_48 = tpu.memref_slice %arg6[%add3A_14, %dma_start3A_47] : memref<10112x128xf32, #tpu.memory_space<vmem_shared>> -> memref<128x128xf32, #tpu.memory_space<vmem_shared>>
      tpu.enqueue_dma source(%arg5 : memref<128x128xf32, #tpu.memory_space<vmem>>) target(%dma_start3A_48 : memref<128x128xf32, #tpu.memory_space<vmem_shared>>) target_semaphore(%run_scoped3A : memref<!tpu.dma_semaphore, #tpu.memory_space<semaphore_mem>>)
      %dma_wait3A = arith.constant 0 : i32
      %dma_wait3A_49 = tpu.memref_slice %arg6[%add3A_14, %dma_wait3A] : memref<10112x128xf32, #tpu.memory_space<vmem_shared>> -> memref<128x128xf32, #tpu.memory_space<vmem_shared>>
      %dma_wait3A_50 = arith.constant 0 : i32
      %dma_wait3A_51 = tpu.memref_slice %arg6[%add3A_14, %dma_wait3A_50] : memref<10112x128xf32, #tpu.memory_space<vmem_shared>> -> memref<128x128xf32, #tpu.memory_space<vmem_shared>>
      tpu.wait_dma2 semaphore(%run_scoped3A : memref<!tpu.dma_semaphore, #tpu.memory_space<semaphore_mem>>) src(%arg5 : memref<128x128xf32, #tpu.memory_space<vmem>>) dst(%dma_wait3A_51 : memref<128x128xf32, #tpu.memory_space<vmem_shared>>)
      tpu.yield
    }) : () -> ()
    %mul3A_15 = arith.constant 632 : i32
    %mul3A_16 = arith.muli %arg1, %mul3A_15 : i32
    %add3A_17 = arith.constant 256 : i32
    %add3A_18 = arith.addi %mul3A_16, %add3A_17 : i32
    "tpu.region"() ({
      %run_scoped3A = tpu.sem_alloc : memref<!tpu.dma_semaphore, #tpu.memory_space<semaphore_mem>>
      %dma_start3A = arith.constant 0 : i32
      %dma_start3A_46 = tpu.memref_slice %arg6[%add3A_18, %dma_start3A] : memref<10112x128xf32, #tpu.memory_space<vmem_shared>> -> memref<128x128xf32, #tpu.memory_space<vmem_shared>>
      %dma_start3A_47 = arith.constant 0 : i32
      %dma_start3A_48 = tpu.memref_slice %arg6[%add3A_18, %dma_start3A_47] : memref<10112x128xf32, #tpu.memory_space<vmem_shared>> -> memref<128x128xf32, #tpu.memory_space<vmem_shared>>
      tpu.enqueue_dma source(%arg5 : memref<128x128xf32, #tpu.memory_space<vmem>>) target(%dma_start3A_48 : memref<128x128xf32, #tpu.memory_space<vmem_shared>>) target_semaphore(%run_scoped3A : memref<!tpu.dma_semaphore, #tpu.memory_space<semaphore_mem>>)
      %dma_wait3A = arith.constant 0 : i32
      %dma_wait3A_49 = tpu.memref_slice %arg6[%add3A_18, %dma_wait3A] : memref<10112x128xf32, #tpu.memory_space<vmem_shared>> -> memref<128x128xf32, #tpu.memory_space<vmem_shared>>
      %dma_wait3A_50 = arith.constant 0 : i32
      %dma_wait3A_51 = tpu.memref_slice %arg6[%add3A_18, %dma_wait3A_50] : memref<10112x128xf32, #tpu.memory_space<vmem_shared>> -> memref<128x128xf32, #tpu.memory_space<vmem_shared>>
      tpu.wait_dma2 semaphore(%run_scoped3A : memref<!tpu.dma_semaphore, #tpu.memory_space<semaphore_mem>>) src(%arg5 : memref<128x128xf32, #tpu.memory_space<vmem>>) dst(%dma_wait3A_51 : memref<128x128xf32, #tpu.memory_space<vmem_shared>>)
      tpu.yield
    }) : () -> ()
    %mul3A_19 = arith.constant 632 : i32
    %mul3A_20 = arith.muli %arg1, %mul3A_19 : i32
    %add3A_21 = arith.constant 384 : i32
    %add3A_22 = arith.addi %mul3A_20, %add3A_21 : i32
    "tpu.region"() ({
      %run_scoped3A = tpu.sem_alloc : memref<!tpu.dma_semaphore, #tpu.memory_space<semaphore_mem>>
      %dma_start3A = arith.constant 0 : i32
      %dma_start3A_46 = tpu.memref_slice %arg6[%add3A_22, %dma_start3A] : memref<10112x128xf32, #tpu.memory_space<vmem_shared>> -> memref<128x128xf32, #tpu.memory_space<vmem_shared>>
      %dma_start3A_47 = arith.constant 0 : i32
      %dma_start3A_48 = tpu.memref_slice %arg6[%add3A_22, %dma_start3A_47] : memref<10112x128xf32, #tpu.memory_space<vmem_shared>> -> memref<128x128xf32, #tpu.memory_space<vmem_shared>>
      tpu.enqueue_dma source(%arg5 : memref<128x128xf32, #tpu.memory_space<vmem>>) target(%dma_start3A_48 : memref<128x128xf32, #tpu.memory_space<vmem_shared>>) target_semaphore(%run_scoped3A : memref<!tpu.dma_semaphore, #tpu.memory_space<semaphore_mem>>)
      %dma_wait3A = arith.constant 0 : i32
      %dma_wait3A_49 = tpu.memref_slice %arg6[%add3A_22, %dma_wait3A] : memref<10112x128xf32, #tpu.memory_space<vmem_shared>> -> memref<128x128xf32, #tpu.memory_space<vmem_shared>>
      %dma_wait3A_50 = arith.constant 0 : i32
      %dma_wait3A_51 = tpu.memref_slice %arg6[%add3A_22, %dma_wait3A_50] : memref<10112x128xf32, #tpu.memory_space<vmem_shared>> -> memref<128x128xf32, #tpu.memory_space<vmem_shared>>
      tpu.wait_dma2 semaphore(%run_scoped3A : memref<!tpu.dma_semaphore, #tpu.memory_space<semaphore_mem>>) src(%arg5 : memref<128x128xf32, #tpu.memory_space<vmem>>) dst(%dma_wait3A_51 : memref<128x128xf32, #tpu.memory_space<vmem_shared>>)
      tpu.yield
    }) : () -> ()
    %mul3A_23 = arith.constant 632 : i32
    %mul3A_24 = arith.muli %arg1, %mul3A_23 : i32
    %add3A_25 = arith.constant 512 : i32
    %add3A_26 = arith.addi %mul3A_24, %add3A_25 : i32
    "tpu.region"() ({
      %run_scoped3A = tpu.sem_alloc : memref<!tpu.dma_semaphore, #tpu.memory_space<semaphore_mem>>
      %dma_start3A = arith.constant 0 : i32
      %dma_start3A_46 = arith.constant 0 : i32
      %dma_start3A_47 = tpu.memref_slice %arg5[%dma_start3A, %dma_start3A_46] : memref<128x128xf32, #tpu.memory_space<vmem>> -> memref<120x128xf32, #tpu.memory_space<vmem>>
      %dma_start3A_48 = arith.constant 0 : i32
      %dma_start3A_49 = tpu.memref_slice %arg6[%add3A_26, %dma_start3A_48] : memref<10112x128xf32, #tpu.memory_space<vmem_shared>> -> memref<120x128xf32, #tpu.memory_space<vmem_shared>>
      %dma_start3A_50 = arith.constant 0 : i32
      %dma_start3A_51 = tpu.memref_slice %arg6[%add3A_26, %dma_start3A_50] : memref<10112x128xf32, #tpu.memory_space<vmem_shared>> -> memref<120x128xf32, #tpu.memory_space<vmem_shared>>
      %dma_start3A_52 = arith.constant 0 : i32
      %dma_start3A_53 = arith.constant 0 : i32
      %dma_start3A_54 = tpu.memref_slice %arg5[%dma_start3A_52, %dma_start3A_53] : memref<128x128xf32, #tpu.memory_space<vmem>> -> memref<120x128xf32, #tpu.memory_space<vmem>>
      tpu.enqueue_dma source(%dma_start3A_54 : memref<120x128xf32, #tpu.memory_space<vmem>>) target(%dma_start3A_51 : memref<120x128xf32, #tpu.memory_space<vmem_shared>>) target_semaphore(%run_scoped3A : memref<!tpu.dma_semaphore, #tpu.memory_space<semaphore_mem>>)
      %dma_wait3A = arith.constant 0 : i32
      %dma_wait3A_55 = arith.constant 0 : i32
      %dma_wait3A_56 = tpu.memref_slice %arg5[%dma_wait3A, %dma_wait3A_55] : memref<128x128xf32, #tpu.memory_space<vmem>> -> memref<120x128xf32, #tpu.memory_space<vmem>>
      %dma_wait3A_57 = arith.constant 0 : i32
      %dma_wait3A_58 = tpu.memref_slice %arg6[%add3A_26, %dma_wait3A_57] : memref<10112x128xf32, #tpu.memory_space<vmem_shared>> -> memref<120x128xf32, #tpu.memory_space<vmem_shared>>
      %dma_wait3A_59 = arith.constant 0 : i32
      %dma_wait3A_60 = tpu.memref_slice %arg6[%add3A_26, %dma_wait3A_59] : memref<10112x128xf32, #tpu.memory_space<vmem_shared>> -> memref<120x128xf32, #tpu.memory_space<vmem_shared>>
      %dma_wait3A_61 = arith.constant 0 : i32
      %dma_wait3A_62 = arith.constant 0 : i32
      %dma_wait3A_63 = tpu.memref_slice %arg5[%dma_wait3A_61, %dma_wait3A_62] : memref<128x128xf32, #tpu.memory_space<vmem>> -> memref<120x128xf32, #tpu.memory_space<vmem>>
      tpu.wait_dma2 semaphore(%run_scoped3A : memref<!tpu.dma_semaphore, #tpu.memory_space<semaphore_mem>>) src(%dma_wait3A_63 : memref<120x128xf32, #tpu.memory_space<vmem>>) dst(%dma_wait3A_60 : memref<120x128xf32, #tpu.memory_space<vmem_shared>>)
      tpu.yield
    }) : () -> ()
    %scan3A_27 = arith.constant 0 : i32
    %scan3A_28 = arith.constant 0 : i32
    %scan3A_29 = arith.constant 1024 : i32
    %scan3A_30 = arith.addi %scan3A_28, %scan3A_29 : i32
    %scan3A_31 = arith.constant 1 : i32
    %scan3A_32 = scf.for %scan3A_46 = %scan3A_28 to %scan3A_30 step %scan3A_31 iter_args(%scan3A_47 = %scan3A_27) -> (i32)  : i32 {
      %broadcast_in_dim3A = arith.constant 1.000000e+00 : f32
      %broadcast_in_dim3A_48 = vector.broadcast %broadcast_in_dim3A : f32 to vector<16xf32>
      %jit3A = arith.constant 8 : i32
      %div3A = arith.divsi %scan3A_46, %jit3A : i32
      %sign3A = arith.constant 0 : i32
      %sign3A_49 = arith.cmpi sgt, %scan3A_46, %sign3A : i32
      %sign3A_50 = arith.extui %sign3A_49 : i1 to i32
      %sign3A_51 = arith.constant 0 : i32
      %sign3A_52 = arith.cmpi slt, %scan3A_46, %sign3A_51 : i32
      %sign3A_53 = arith.extui %sign3A_52 : i1 to i32
      %sign3A_54 = arith.subi %sign3A_50, %sign3A_53 : i32
      %sign3A_55 = arith.constant 0 : i32
      %sign3A_56 = arith.cmpi sgt, %jit3A, %sign3A_55 : i32
      %sign3A_57 = arith.extui %sign3A_56 : i1 to i32
      %sign3A_58 = arith.constant 0 : i32
      %sign3A_59 = arith.cmpi slt, %jit3A, %sign3A_58 : i32
      %sign3A_60 = arith.extui %sign3A_59 : i1 to i32
      %sign3A_61 = arith.subi %sign3A_57, %sign3A_60 : i32
      %ne3A = arith.cmpi ne, %sign3A_54, %sign3A_61 : i32
      %rem3A = arith.remsi %scan3A_46, %jit3A : i32
      %ne3A_62 = arith.constant 0 : i32
      %ne3A_63 = arith.cmpi ne, %rem3A, %ne3A_62 : i32
      %and3A = arith.andi %ne3A, %ne3A_63 : i1
      %sub3A = arith.constant 1 : i32
      %sub3A_64 = arith.subi %div3A, %sub3A : i32
      %select_n3A = arith.select %and3A, %sub3A_64, %div3A : i32
      %jit3A_65 = arith.constant 8 : i32
      %eq3A = arith.constant 0 : i32
      %eq3A_66 = arith.cmpi eq, %jit3A_65, %eq3A : i32
      %jit3A_67 = arith.constant 1 : i32
      %select_n3A_68 = arith.select %eq3A_66, %jit3A_67, %jit3A_65 : i32
      %rem3A_69 = arith.remsi %scan3A_46, %select_n3A_68 : i32
      %ne3A_70 = arith.constant 0 : i32
      %ne3A_71 = arith.cmpi ne, %rem3A_69, %ne3A_70 : i32
      %lt3A = arith.constant 0 : i32
      %lt3A_72 = arith.cmpi slt, %rem3A_69, %lt3A : i32
      %lt3A_73 = arith.constant 0 : i32
      %lt3A_74 = arith.cmpi slt, %select_n3A_68, %lt3A_73 : i32
      %ne3A_75 = arith.xori %lt3A_72, %lt3A_74 : i1
      %and3A_76 = arith.andi %ne3A_75, %ne3A_71 : i1
      %add3A_77 = arith.addi %rem3A_69, %select_n3A_68 : i32
      %select_n3A_78 = arith.select %and3A_76, %add3A_77, %rem3A_69 : i32
      %mul3A_79 = arith.constant 16 : i32
      %mul3A_80 = arith.muli %select_n3A_78, %mul3A_79 : i32
      %swap3A = arith.index_cast %select_n3A : i32 to index
      %swap3A_81 = arith.index_cast %mul3A_80 : i32 to index
      %swap3A_82 = tpu.vector_load %arg5[%swap3A, %swap3A_81] {strides = array<i32>} : memref<128x128xf32, #tpu.memory_space<vmem>>, vector<1x16xf32>,
      %swap3A_83 = vector.shape_cast %swap3A_82 : vector<1x16xf32> to vector<16xf32>
      %swap3A_84 = vector.shape_cast %broadcast_in_dim3A_48 : vector<16xf32> to vector<1x16xf32>
      tpu.vector_store %arg5[%swap3A, %swap3A_81], %swap3A_84 {strides = array<i32>} : memref<128x128xf32, #tpu.memory_space<vmem>>, vector<1x16xf32>,
      %scan3A_85 = arith.constant 0 : i32
      scf.yield %scan3A_85 : i32
    }
    %scan3A_33 = arith.constant 1024 : i32
    %barrier3A = arith.constant 0 : index
    tpu.barrier barrier_id(%barrier3A)
    %scan3A_34 = arith.constant 0 : i32
    %scan3A_35 = arith.constant 0 : i32
    %scan3A_36 = arith.constant 158 : i32
    %scan3A_37 = arith.addi %scan3A_35, %scan3A_36 : i32
    %scan3A_38 = arith.constant 1 : i32
    %scan3A_39 = scf.for %scan3A_46 = %scan3A_35 to %scan3A_37 step %scan3A_38 iter_args(%scan3A_47 = %scan3A_34) -> (i32)  : i32 {
      "tpu.region"() ({
        %run_scoped3A = tpu.sem_alloc : memref<!tpu.dma_semaphore, #tpu.memory_space<semaphore_mem>>
        %dma_start3A = arith.constant 0 : i32
        %dma_start3A_49 = tpu.memref_slice %arg4[%scan3A_46, %dma_start3A] : memref<158x128xi32, #tpu.memory_space<vmem>> -> memref<1x128xi32, #tpu.memory_space<vmem>>
        %dma_start3A_50 = tpu.memref_squeeze %dma_start3A_49 : memref<1x128xi32, #tpu.memory_space<vmem>> -> memref<128xi32, #tpu.memory_space<vmem>>
        %dma_start3A_51 = arith.constant 0 : i32
        %dma_start3A_52 = arith.constant 0 : i32
        %dma_start3A_53 = tpu.memref_slice %arg6[%dma_start3A_51, %dma_start3A_52] : memref<10112x128xf32, #tpu.memory_space<vmem_shared>> -> memref<10112x128xf32, #tpu.memory_space<vmem_shared>>
        tpu.enqueue_indirect_dma source(%arg5 : memref<128x128xf32, #tpu.memory_space<vmem>>) target(%dma_start3A_53 : memref<10112x128xf32, #tpu.memory_space<vmem_shared>>) offsets(%dma_start3A_50 : memref<128xi32, #tpu.memory_space<vmem>>) semaphore(%run_scoped3A : memref<!tpu.dma_semaphore, #tpu.memory_space<semaphore_mem>>) {add = true}
        %dma_wait3A = arith.constant 0 : i32
        %dma_wait3A_54 = tpu.memref_slice %arg4[%scan3A_46, %dma_wait3A] : memref<158x128xi32, #tpu.memory_space<vmem>> -> memref<1x128xi32, #tpu.memory_space<vmem>>
        %dma_wait3A_55 = tpu.memref_squeeze %dma_wait3A_54 : memref<1x128xi32, #tpu.memory_space<vmem>> -> memref<128xi32, #tpu.memory_space<vmem>>
        %dma_wait3A_56 = arith.constant 0 : i32
        %dma_wait3A_57 = arith.constant 0 : i32
        %dma_wait3A_58 = tpu.memref_slice %arg6[%dma_wait3A_56, %dma_wait3A_57] : memref<10112x128xf32, #tpu.memory_space<vmem_shared>> -> memref<10112x128xf32, #tpu.memory_space<vmem_shared>>
        tpu.wait_indirect_dma semaphore(%run_scoped3A : memref<!tpu.dma_semaphore, #tpu.memory_space<semaphore_mem>>) src(%arg5 : memref<128x128xf32, #tpu.memory_space<vmem>>) dst(%dma_wait3A_58 : memref<10112x128xf32, #tpu.memory_space<vmem_shared>>)
        tpu.yield
      }) : () -> ()
      %scan3A_48 = arith.constant 0 : i32
      scf.yield %scan3A_48 : i32
    }
    %scan3A_40 = arith.constant 158 : i32
    %barrier3A_41 = arith.constant 0 : index
    tpu.barrier barrier_id(%barrier3A_41)
    %mul3A_42 = arith.constant 632 : i32
    %mul3A_43 = arith.muli %arg1, %mul3A_42 : i32
    %mul3A_44 = arith.constant 632 : i32
    %mul3A_45 = arith.muli %arg1, %mul3A_44 : i32
    "tpu.region"() ({
      %run_scoped3A = tpu.sem_alloc : memref<!tpu.dma_semaphore, #tpu.memory_space<semaphore_mem>>
      %dma_start3A = arith.constant 0 : i32
      %dma_start3A_46 = arith.constant 0 : i32
      %dma_start3A_47 = tpu.memref_slice %arg3[%arg0, %dma_start3A, %dma_start3A_46] : memref<2x10112x128xf32, #tpu.memory_space<hbm>> -> memref<1x10112x128xf32, #tpu.memory_space<hbm>>
      %dma_start3A_48 = tpu.memref_squeeze %dma_start3A_47 : memref<1x10112x128xf32, #tpu.memory_space<hbm>> -> memref<10112x128xf32, #tpu.memory_space<hbm>>
      %dma_start3A_49 = arith.constant 0 : i32
      %dma_start3A_50 = tpu.memref_slice %dma_start3A_48[%mul3A_45, %dma_start3A_49] : memref<10112x128xf32, #tpu.memory_space<hbm>> -> memref<632x128xf32, #tpu.memory_space<hbm>>
      %dma_start3A_51 = arith.constant 0 : i32
      %dma_start3A_52 = tpu.memref_slice %arg6[%mul3A_43, %dma_start3A_51] : memref<10112x128xf32, #tpu.memory_space<vmem_shared>> -> memref<632x128xf32, #tpu.memory_space<vmem_shared>>
      tpu.enqueue_dma source(%dma_start3A_52 : memref<632x128xf32, #tpu.memory_space<vmem_shared>>) target(%dma_start3A_50 : memref<632x128xf32, #tpu.memory_space<hbm>>) target_semaphore(%run_scoped3A : memref<!tpu.dma_semaphore, #tpu.memory_space<semaphore_mem>>)
      %dma_wait3A = arith.constant 0 : i32
      %dma_wait3A_53 = arith.constant 0 : i32
      %dma_wait3A_54 = tpu.memref_slice %arg3[%arg0, %dma_wait3A, %dma_wait3A_53] : memref<2x10112x128xf32, #tpu.memory_space<hbm>> -> memref<1x10112x128xf32, #tpu.memory_space<hbm>>
      %dma_wait3A_55 = tpu.memref_squeeze %dma_wait3A_54 : memref<1x10112x128xf32, #tpu.memory_space<hbm>> -> memref<10112x128xf32, #tpu.memory_space<hbm>>
      %dma_wait3A_56 = arith.constant 0 : i32
      %dma_wait3A_57 = tpu.memref_slice %dma_wait3A_55[%mul3A_45, %dma_wait3A_56] : memref<10112x128xf32, #tpu.memory_space<hbm>> -> memref<632x128xf32, #tpu.memory_space<hbm>>
      %dma_wait3A_58 = arith.constant 0 : i32
      %dma_wait3A_59 = tpu.memref_slice %arg6[%mul3A_43, %dma_wait3A_58] : memref<10112x128xf32, #tpu.memory_space<vmem_shared>> -> memref<632x128xf32, #tpu.memory_space<vmem_shared>>
      tpu.wait_dma2 semaphore(%run_scoped3A : memref<!tpu.dma_semaphore, #tpu.memory_space<semaphore_mem>>) src(%dma_wait3A_59 : memref<632x128xf32, #tpu.memory_space<vmem_shared>>) dst(%dma_wait3A_57 : memref<632x128xf32, #tpu.memory_space<hbm>>)
      tpu.yield
    }) : () -> ()
    return
  }
}

#map = affine_map<(d0, d1) -> (0, 0)>
#map1 = affine_map<(d0, d1) -> (0, 0, 0)>
module attributes {stable_mosaic.version = 14 : i64} {
  func.func @_sc_edge_agg(%arg0: i32, %arg1: i32, %arg2: memref<10112x128xf32, #tpu.memory_space<hbm>>, %arg3: memref<32x120x128xi32, #tpu.memory_space<hbm>>, %arg4: memref<2x10112x128xf32, #tpu.memory_space<hbm>>, %arg5: memref<120x128xi32, #tpu.memory_space<vmem>>, %arg6: memref<2x128xi32, #tpu.memory_space<vmem>>, %arg7: memref<2x128xi32, #tpu.memory_space<vmem>>, %arg8: memref<2x128x128xf32, #tpu.memory_space<vmem>>, %arg9: memref<10112x128xf32, #tpu.memory_space<vmem_shared>>, %arg10: memref<2x!tpu.dma_semaphore, #tpu.memory_space<semaphore_mem>>) attributes {dimension_semantics = [#tpu.dimension_semantics<core_parallel>, #tpu.dimension_semantics<subcore_parallel>], iteration_bounds = array<i64: 2, 16>, scalar_prefetch = 0 : i64, scratch_operands = 6 : i64, tpu.core_type = #tpu.core_type<sc_vector_subcore>, window_params = [{transform_indices = #map}, {transform_indices = #map1}, {transform_indices = #map1}]} {
    %mul3A = arith.constant 16 : i32
    %mul3A_0 = arith.muli %arg0, %mul3A : i32
    %add3A = arith.addi %mul3A_0, %arg1 : i32
    %eq3A = arith.constant 0 : i32
    %eq3A_1 = arith.cmpi eq, %arg0, %eq3A : i32
    %jit3A = arith.constant 120 : i32
    %jit3A_2 = arith.constant 38 : i32
    %select_n3A = arith.select %eq3A_1, %jit3A, %jit3A_2 : i32
    "tpu.region"() ({
      %run_scoped3A_56 = tpu.sem_alloc : memref<!tpu.dma_semaphore, #tpu.memory_space<semaphore_mem>>
      %dma_start3A = arith.constant 0 : i32
      %dma_start3A_57 = arith.constant 0 : i32
      %dma_start3A_58 = tpu.memref_slice %arg3[%add3A, %dma_start3A, %dma_start3A_57] : memref<32x120x128xi32, #tpu.memory_space<hbm>> -> memref<1x120x128xi32, #tpu.memory_space<hbm>>
      %dma_start3A_59 = tpu.memref_squeeze %dma_start3A_58 : memref<1x120x128xi32, #tpu.memory_space<hbm>> -> memref<120x128xi32, #tpu.memory_space<hbm>>
      %dma_start3A_60 = arith.constant 0 : i32
      %dma_start3A_61 = arith.constant 0 : i32
      %dma_start3A_62 = tpu.memref_slice %arg3[%add3A, %dma_start3A_60, %dma_start3A_61] : memref<32x120x128xi32, #tpu.memory_space<hbm>> -> memref<1x120x128xi32, #tpu.memory_space<hbm>>
      %dma_start3A_63 = tpu.memref_squeeze %dma_start3A_62 : memref<1x120x128xi32, #tpu.memory_space<hbm>> -> memref<120x128xi32, #tpu.memory_space<hbm>>
      tpu.enqueue_dma source(%dma_start3A_63 : memref<120x128xi32, #tpu.memory_space<hbm>>) target(%arg5 : memref<120x128xi32, #tpu.memory_space<vmem>>) target_semaphore(%run_scoped3A_56 : memref<!tpu.dma_semaphore, #tpu.memory_space<semaphore_mem>>)
      %dma_wait3A = arith.constant 0 : i32
      %dma_wait3A_64 = arith.constant 0 : i32
      %dma_wait3A_65 = tpu.memref_slice %arg3[%add3A, %dma_wait3A, %dma_wait3A_64] : memref<32x120x128xi32, #tpu.memory_space<hbm>> -> memref<1x120x128xi32, #tpu.memory_space<hbm>>
      %dma_wait3A_66 = tpu.memref_squeeze %dma_wait3A_65 : memref<1x120x128xi32, #tpu.memory_space<hbm>> -> memref<120x128xi32, #tpu.memory_space<hbm>>
      %dma_wait3A_67 = arith.constant 0 : i32
      %dma_wait3A_68 = arith.constant 0 : i32
      %dma_wait3A_69 = tpu.memref_slice %arg3[%add3A, %dma_wait3A_67, %dma_wait3A_68] : memref<32x120x128xi32, #tpu.memory_space<hbm>> -> memref<1x120x128xi32, #tpu.memory_space<hbm>>
      %dma_wait3A_70 = tpu.memref_squeeze %dma_wait3A_69 : memref<1x120x128xi32, #tpu.memory_space<hbm>> -> memref<120x128xi32, #tpu.memory_space<hbm>>
      tpu.wait_dma2 semaphore(%run_scoped3A_56 : memref<!tpu.dma_semaphore, #tpu.memory_space<semaphore_mem>>) src(%dma_wait3A_70 : memref<120x128xi32, #tpu.memory_space<hbm>>) dst(%arg5 : memref<120x128xi32, #tpu.memory_space<vmem>>)
      tpu.yield
    }) : () -> ()
    %scan3A = arith.constant 0 : i32
    %scan3A_3 = arith.constant 0 : i32
    %scan3A_4 = arith.constant 1024 : i32
    %scan3A_5 = arith.addi %scan3A_3, %scan3A_4 : i32
    %scan3A_6 = arith.constant 1 : i32
    %scan3A_7 = scf.for %scan3A_56 = %scan3A_3 to %scan3A_5 step %scan3A_6 iter_args(%scan3A_57 = %scan3A) -> (i32)  : i32 {
      %broadcast_in_dim3A = arith.constant 0.000000e+00 : f32
      %broadcast_in_dim3A_58 = vector.broadcast %broadcast_in_dim3A : f32 to vector<16xf32>
      %jit3A_59 = arith.constant 8 : i32
      %div3A = arith.divsi %scan3A_56, %jit3A_59 : i32
      %sign3A = arith.constant 0 : i32
      %sign3A_60 = arith.cmpi sgt, %scan3A_56, %sign3A : i32
      %sign3A_61 = arith.extui %sign3A_60 : i1 to i32
      %sign3A_62 = arith.constant 0 : i32
      %sign3A_63 = arith.cmpi slt, %scan3A_56, %sign3A_62 : i32
      %sign3A_64 = arith.extui %sign3A_63 : i1 to i32
      %sign3A_65 = arith.subi %sign3A_61, %sign3A_64 : i32
      %sign3A_66 = arith.constant 0 : i32
      %sign3A_67 = arith.cmpi sgt, %jit3A_59, %sign3A_66 : i32
      %sign3A_68 = arith.extui %sign3A_67 : i1 to i32
      %sign3A_69 = arith.constant 0 : i32
      %sign3A_70 = arith.cmpi slt, %jit3A_59, %sign3A_69 : i32
      %sign3A_71 = arith.extui %sign3A_70 : i1 to i32
      %sign3A_72 = arith.subi %sign3A_68, %sign3A_71 : i32
      %ne3A = arith.cmpi ne, %sign3A_65, %sign3A_72 : i32
      %rem3A = arith.remsi %scan3A_56, %jit3A_59 : i32
      %ne3A_73 = arith.constant 0 : i32
      %ne3A_74 = arith.cmpi ne, %rem3A, %ne3A_73 : i32
      %and3A = arith.andi %ne3A, %ne3A_74 : i1
      %sub3A = arith.constant 1 : i32
      %sub3A_75 = arith.subi %div3A, %sub3A : i32
      %select_n3A_76 = arith.select %and3A, %sub3A_75, %div3A : i32
      %jit3A_77 = arith.constant 8 : i32
      %eq3A_78 = arith.constant 0 : i32
      %eq3A_79 = arith.cmpi eq, %jit3A_77, %eq3A_78 : i32
      %jit3A_80 = arith.constant 1 : i32
      %select_n3A_81 = arith.select %eq3A_79, %jit3A_80, %jit3A_77 : i32
      %rem3A_82 = arith.remsi %scan3A_56, %select_n3A_81 : i32
      %ne3A_83 = arith.constant 0 : i32
      %ne3A_84 = arith.cmpi ne, %rem3A_82, %ne3A_83 : i32
      %lt3A = arith.constant 0 : i32
      %lt3A_85 = arith.cmpi slt, %rem3A_82, %lt3A : i32
      %lt3A_86 = arith.constant 0 : i32
      %lt3A_87 = arith.cmpi slt, %select_n3A_81, %lt3A_86 : i32
      %ne3A_88 = arith.xori %lt3A_85, %lt3A_87 : i1
      %and3A_89 = arith.andi %ne3A_88, %ne3A_84 : i1
      %add3A_90 = arith.addi %rem3A_82, %select_n3A_81 : i32
      %select_n3A_91 = arith.select %and3A_89, %add3A_90, %rem3A_82 : i32
      %mul3A_92 = arith.constant 16 : i32
      %mul3A_93 = arith.muli %select_n3A_91, %mul3A_92 : i32
      %swap3A = arith.constant 0 : i32
      %swap3A_94 = arith.index_cast %swap3A : i32 to index
      %swap3A_95 = arith.index_cast %select_n3A_76 : i32 to index
      %swap3A_96 = arith.index_cast %mul3A_93 : i32 to index
      %swap3A_97 = tpu.vector_load %arg8[%swap3A_94, %swap3A_95, %swap3A_96] {strides = array<i32>} : memref<2x128x128xf32, #tpu.memory_space<vmem>>, vector<1x1x16xf32>,
      %swap3A_98 = vector.shape_cast %swap3A_97 : vector<1x1x16xf32> to vector<16xf32>
      %swap3A_99 = vector.shape_cast %broadcast_in_dim3A_58 : vector<16xf32> to vector<1x1x16xf32>
      tpu.vector_store %arg8[%swap3A_94, %swap3A_95, %swap3A_96], %swap3A_99 {strides = array<i32>} : memref<2x128x128xf32, #tpu.memory_space<vmem>>, vector<1x1x16xf32>,
      %scan3A_100 = arith.constant 0 : i32
      scf.yield %scan3A_100 : i32
    }
    %scan3A_8 = arith.constant 1024 : i32
    %mul3A_9 = arith.constant 632 : i32
    %mul3A_10 = arith.muli %arg1, %mul3A_9 : i32
    %add3A_11 = arith.constant 0 : i32
    %add3A_12 = arith.addi %mul3A_10, %add3A_11 : i32
    %run_scoped3A = arith.constant 0 : i32
    "tpu.region"() ({
      %run_scoped3A_56 = tpu.sem_alloc : memref<!tpu.dma_semaphore, #tpu.memory_space<semaphore_mem>>
      %dma_start3A = arith.constant 0 : i32
      %dma_start3A_57 = arith.constant 0 : i32
      %dma_start3A_58 = tpu.memref_slice %arg8[%run_scoped3A, %dma_start3A, %dma_start3A_57] : memref<2x128x128xf32, #tpu.memory_space<vmem>> -> memref<1x128x128xf32, #tpu.memory_space<vmem>>
      %dma_start3A_59 = tpu.memref_squeeze %dma_start3A_58 : memref<1x128x128xf32, #tpu.memory_space<vmem>> -> memref<128x128xf32, #tpu.memory_space<vmem>>
      %dma_start3A_60 = arith.constant 0 : i32
      %dma_start3A_61 = tpu.memref_slice %arg9[%add3A_12, %dma_start3A_60] : memref<10112x128xf32, #tpu.memory_space<vmem_shared>> -> memref<128x128xf32, #tpu.memory_space<vmem_shared>>
      %dma_start3A_62 = arith.constant 0 : i32
      %dma_start3A_63 = tpu.memref_slice %arg9[%add3A_12, %dma_start3A_62] : memref<10112x128xf32, #tpu.memory_space<vmem_shared>> -> memref<128x128xf32, #tpu.memory_space<vmem_shared>>
      %dma_start3A_64 = arith.constant 0 : i32
      %dma_start3A_65 = arith.constant 0 : i32
      %dma_start3A_66 = tpu.memref_slice %arg8[%run_scoped3A, %dma_start3A_64, %dma_start3A_65] : memref<2x128x128xf32, #tpu.memory_space<vmem>> -> memref<1x128x128xf32, #tpu.memory_space<vmem>>
      %dma_start3A_67 = tpu.memref_squeeze %dma_start3A_66 : memref<1x128x128xf32, #tpu.memory_space<vmem>> -> memref<128x128xf32, #tpu.memory_space<vmem>>
      tpu.enqueue_dma source(%dma_start3A_67 : memref<128x128xf32, #tpu.memory_space<vmem>>) target(%dma_start3A_63 : memref<128x128xf32, #tpu.memory_space<vmem_shared>>) target_semaphore(%run_scoped3A_56 : memref<!tpu.dma_semaphore, #tpu.memory_space<semaphore_mem>>)
      %dma_wait3A = arith.constant 0 : i32
      %dma_wait3A_68 = arith.constant 0 : i32
      %dma_wait3A_69 = tpu.memref_slice %arg8[%run_scoped3A, %dma_wait3A, %dma_wait3A_68] : memref<2x128x128xf32, #tpu.memory_space<vmem>> -> memref<1x128x128xf32, #tpu.memory_space<vmem>>
      %dma_wait3A_70 = tpu.memref_squeeze %dma_wait3A_69 : memref<1x128x128xf32, #tpu.memory_space<vmem>> -> memref<128x128xf32, #tpu.memory_space<vmem>>
      %dma_wait3A_71 = arith.constant 0 : i32
      %dma_wait3A_72 = tpu.memref_slice %arg9[%add3A_12, %dma_wait3A_71] : memref<10112x128xf32, #tpu.memory_space<vmem_shared>> -> memref<128x128xf32, #tpu.memory_space<vmem_shared>>
      %dma_wait3A_73 = arith.constant 0 : i32
      %dma_wait3A_74 = tpu.memref_slice %arg9[%add3A_12, %dma_wait3A_73] : memref<10112x128xf32, #tpu.memory_space<vmem_shared>> -> memref<128x128xf32, #tpu.memory_space<vmem_shared>>
      %dma_wait3A_75 = arith.constant 0 : i32
      %dma_wait3A_76 = arith.constant 0 : i32
      %dma_wait3A_77 = tpu.memref_slice %arg8[%run_scoped3A, %dma_wait3A_75, %dma_wait3A_76] : memref<2x128x128xf32, #tpu.memory_space<vmem>> -> memref<1x128x128xf32, #tpu.memory_space<vmem>>
      %dma_wait3A_78 = tpu.memref_squeeze %dma_wait3A_77 : memref<1x128x128xf32, #tpu.memory_space<vmem>> -> memref<128x128xf32, #tpu.memory_space<vmem>>
      tpu.wait_dma2 semaphore(%run_scoped3A_56 : memref<!tpu.dma_semaphore, #tpu.memory_space<semaphore_mem>>) src(%dma_wait3A_78 : memref<128x128xf32, #tpu.memory_space<vmem>>) dst(%dma_wait3A_74 : memref<128x128xf32, #tpu.memory_space<vmem_shared>>)
      tpu.yield
    }) : () -> ()
    %mul3A_13 = arith.constant 632 : i32
    %mul3A_14 = arith.muli %arg1, %mul3A_13 : i32
    %add3A_15 = arith.constant 128 : i32
    %add3A_16 = arith.addi %mul3A_14, %add3A_15 : i32
    %run_scoped3A_17 = arith.constant 0 : i32
    "tpu.region"() ({
      %run_scoped3A_56 = tpu.sem_alloc : memref<!tpu.dma_semaphore, #tpu.memory_space<semaphore_mem>>
      %dma_start3A = arith.constant 0 : i32
      %dma_start3A_57 = arith.constant 0 : i32
      %dma_start3A_58 = tpu.memref_slice %arg8[%run_scoped3A_17, %dma_start3A, %dma_start3A_57] : memref<2x128x128xf32, #tpu.memory_space<vmem>> -> memref<1x128x128xf32, #tpu.memory_space<vmem>>
      %dma_start3A_59 = tpu.memref_squeeze %dma_start3A_58 : memref<1x128x128xf32, #tpu.memory_space<vmem>> -> memref<128x128xf32, #tpu.memory_space<vmem>>
      %dma_start3A_60 = arith.constant 0 : i32
      %dma_start3A_61 = tpu.memref_slice %arg9[%add3A_16, %dma_start3A_60] : memref<10112x128xf32, #tpu.memory_space<vmem_shared>> -> memref<128x128xf32, #tpu.memory_space<vmem_shared>>
      %dma_start3A_62 = arith.constant 0 : i32
      %dma_start3A_63 = tpu.memref_slice %arg9[%add3A_16, %dma_start3A_62] : memref<10112x128xf32, #tpu.memory_space<vmem_shared>> -> memref<128x128xf32, #tpu.memory_space<vmem_shared>>
      %dma_start3A_64 = arith.constant 0 : i32
      %dma_start3A_65 = arith.constant 0 : i32
      %dma_start3A_66 = tpu.memref_slice %arg8[%run_scoped3A_17, %dma_start3A_64, %dma_start3A_65] : memref<2x128x128xf32, #tpu.memory_space<vmem>> -> memref<1x128x128xf32, #tpu.memory_space<vmem>>
      %dma_start3A_67 = tpu.memref_squeeze %dma_start3A_66 : memref<1x128x128xf32, #tpu.memory_space<vmem>> -> memref<128x128xf32, #tpu.memory_space<vmem>>
      tpu.enqueue_dma source(%dma_start3A_67 : memref<128x128xf32, #tpu.memory_space<vmem>>) target(%dma_start3A_63 : memref<128x128xf32, #tpu.memory_space<vmem_shared>>) target_semaphore(%run_scoped3A_56 : memref<!tpu.dma_semaphore, #tpu.memory_space<semaphore_mem>>)
      %dma_wait3A = arith.constant 0 : i32
      %dma_wait3A_68 = arith.constant 0 : i32
      %dma_wait3A_69 = tpu.memref_slice %arg8[%run_scoped3A_17, %dma_wait3A, %dma_wait3A_68] : memref<2x128x128xf32, #tpu.memory_space<vmem>> -> memref<1x128x128xf32, #tpu.memory_space<vmem>>
      %dma_wait3A_70 = tpu.memref_squeeze %dma_wait3A_69 : memref<1x128x128xf32, #tpu.memory_space<vmem>> -> memref<128x128xf32, #tpu.memory_space<vmem>>
      %dma_wait3A_71 = arith.constant 0 : i32
      %dma_wait3A_72 = tpu.memref_slice %arg9[%add3A_16, %dma_wait3A_71] : memref<10112x128xf32, #tpu.memory_space<vmem_shared>> -> memref<128x128xf32, #tpu.memory_space<vmem_shared>>
      %dma_wait3A_73 = arith.constant 0 : i32
      %dma_wait3A_74 = tpu.memref_slice %arg9[%add3A_16, %dma_wait3A_73] : memref<10112x128xf32, #tpu.memory_space<vmem_shared>> -> memref<128x128xf32, #tpu.memory_space<vmem_shared>>
      %dma_wait3A_75 = arith.constant 0 : i32
      %dma_wait3A_76 = arith.constant 0 : i32
      %dma_wait3A_77 = tpu.memref_slice %arg8[%run_scoped3A_17, %dma_wait3A_75, %dma_wait3A_76] : memref<2x128x128xf32, #tpu.memory_space<vmem>> -> memref<1x128x128xf32, #tpu.memory_space<vmem>>
      %dma_wait3A_78 = tpu.memref_squeeze %dma_wait3A_77 : memref<1x128x128xf32, #tpu.memory_space<vmem>> -> memref<128x128xf32, #tpu.memory_space<vmem>>
      tpu.wait_dma2 semaphore(%run_scoped3A_56 : memref<!tpu.dma_semaphore, #tpu.memory_space<semaphore_mem>>) src(%dma_wait3A_78 : memref<128x128xf32, #tpu.memory_space<vmem>>) dst(%dma_wait3A_74 : memref<128x128xf32, #tpu.memory_space<vmem_shared>>)
      tpu.yield
    }) : () -> ()
    %mul3A_18 = arith.constant 632 : i32
    %mul3A_19 = arith.muli %arg1, %mul3A_18 : i32
    %add3A_20 = arith.constant 256 : i32
    %add3A_21 = arith.addi %mul3A_19, %add3A_20 : i32
    %run_scoped3A_22 = arith.constant 0 : i32
    "tpu.region"() ({
      %run_scoped3A_56 = tpu.sem_alloc : memref<!tpu.dma_semaphore, #tpu.memory_space<semaphore_mem>>
      %dma_start3A = arith.constant 0 : i32
      %dma_start3A_57 = arith.constant 0 : i32
      %dma_start3A_58 = tpu.memref_slice %arg8[%run_scoped3A_22, %dma_start3A, %dma_start3A_57] : memref<2x128x128xf32, #tpu.memory_space<vmem>> -> memref<1x128x128xf32, #tpu.memory_space<vmem>>
      %dma_start3A_59 = tpu.memref_squeeze %dma_start3A_58 : memref<1x128x128xf32, #tpu.memory_space<vmem>> -> memref<128x128xf32, #tpu.memory_space<vmem>>
      %dma_start3A_60 = arith.constant 0 : i32
      %dma_start3A_61 = tpu.memref_slice %arg9[%add3A_21, %dma_start3A_60] : memref<10112x128xf32, #tpu.memory_space<vmem_shared>> -> memref<128x128xf32, #tpu.memory_space<vmem_shared>>
      %dma_start3A_62 = arith.constant 0 : i32
      %dma_start3A_63 = tpu.memref_slice %arg9[%add3A_21, %dma_start3A_62] : memref<10112x128xf32, #tpu.memory_space<vmem_shared>> -> memref<128x128xf32, #tpu.memory_space<vmem_shared>>
      %dma_start3A_64 = arith.constant 0 : i32
      %dma_start3A_65 = arith.constant 0 : i32
      %dma_start3A_66 = tpu.memref_slice %arg8[%run_scoped3A_22, %dma_start3A_64, %dma_start3A_65] : memref<2x128x128xf32, #tpu.memory_space<vmem>> -> memref<1x128x128xf32, #tpu.memory_space<vmem>>
      %dma_start3A_67 = tpu.memref_squeeze %dma_start3A_66 : memref<1x128x128xf32, #tpu.memory_space<vmem>> -> memref<128x128xf32, #tpu.memory_space<vmem>>
      tpu.enqueue_dma source(%dma_start3A_67 : memref<128x128xf32, #tpu.memory_space<vmem>>) target(%dma_start3A_63 : memref<128x128xf32, #tpu.memory_space<vmem_shared>>) target_semaphore(%run_scoped3A_56 : memref<!tpu.dma_semaphore, #tpu.memory_space<semaphore_mem>>)
      %dma_wait3A = arith.constant 0 : i32
      %dma_wait3A_68 = arith.constant 0 : i32
      %dma_wait3A_69 = tpu.memref_slice %arg8[%run_scoped3A_22, %dma_wait3A, %dma_wait3A_68] : memref<2x128x128xf32, #tpu.memory_space<vmem>> -> memref<1x128x128xf32, #tpu.memory_space<vmem>>
      %dma_wait3A_70 = tpu.memref_squeeze %dma_wait3A_69 : memref<1x128x128xf32, #tpu.memory_space<vmem>> -> memref<128x128xf32, #tpu.memory_space<vmem>>
      %dma_wait3A_71 = arith.constant 0 : i32
      %dma_wait3A_72 = tpu.memref_slice %arg9[%add3A_21, %dma_wait3A_71] : memref<10112x128xf32, #tpu.memory_space<vmem_shared>> -> memref<128x128xf32, #tpu.memory_space<vmem_shared>>
      %dma_wait3A_73 = arith.constant 0 : i32
      %dma_wait3A_74 = tpu.memref_slice %arg9[%add3A_21, %dma_wait3A_73] : memref<10112x128xf32, #tpu.memory_space<vmem_shared>> -> memref<128x128xf32, #tpu.memory_space<vmem_shared>>
      %dma_wait3A_75 = arith.constant 0 : i32
      %dma_wait3A_76 = arith.constant 0 : i32
      %dma_wait3A_77 = tpu.memref_slice %arg8[%run_scoped3A_22, %dma_wait3A_75, %dma_wait3A_76] : memref<2x128x128xf32, #tpu.memory_space<vmem>> -> memref<1x128x128xf32, #tpu.memory_space<vmem>>
      %dma_wait3A_78 = tpu.memref_squeeze %dma_wait3A_77 : memref<1x128x128xf32, #tpu.memory_space<vmem>> -> memref<128x128xf32, #tpu.memory_space<vmem>>
      tpu.wait_dma2 semaphore(%run_scoped3A_56 : memref<!tpu.dma_semaphore, #tpu.memory_space<semaphore_mem>>) src(%dma_wait3A_78 : memref<128x128xf32, #tpu.memory_space<vmem>>) dst(%dma_wait3A_74 : memref<128x128xf32, #tpu.memory_space<vmem_shared>>)
      tpu.yield
    }) : () -> ()
    %mul3A_23 = arith.constant 632 : i32
    %mul3A_24 = arith.muli %arg1, %mul3A_23 : i32
    %add3A_25 = arith.constant 384 : i32
    %add3A_26 = arith.addi %mul3A_24, %add3A_25 : i32
    %run_scoped3A_27 = arith.constant 0 : i32
    "tpu.region"() ({
      %run_scoped3A_56 = tpu.sem_alloc : memref<!tpu.dma_semaphore, #tpu.memory_space<semaphore_mem>>
      %dma_start3A = arith.constant 0 : i32
      %dma_start3A_57 = arith.constant 0 : i32
      %dma_start3A_58 = tpu.memref_slice %arg8[%run_scoped3A_27, %dma_start3A, %dma_start3A_57] : memref<2x128x128xf32, #tpu.memory_space<vmem>> -> memref<1x128x128xf32, #tpu.memory_space<vmem>>
      %dma_start3A_59 = tpu.memref_squeeze %dma_start3A_58 : memref<1x128x128xf32, #tpu.memory_space<vmem>> -> memref<128x128xf32, #tpu.memory_space<vmem>>
      %dma_start3A_60 = arith.constant 0 : i32
      %dma_start3A_61 = tpu.memref_slice %arg9[%add3A_26, %dma_start3A_60] : memref<10112x128xf32, #tpu.memory_space<vmem_shared>> -> memref<128x128xf32, #tpu.memory_space<vmem_shared>>
      %dma_start3A_62 = arith.constant 0 : i32
      %dma_start3A_63 = tpu.memref_slice %arg9[%add3A_26, %dma_start3A_62] : memref<10112x128xf32, #tpu.memory_space<vmem_shared>> -> memref<128x128xf32, #tpu.memory_space<vmem_shared>>
      %dma_start3A_64 = arith.constant 0 : i32
      %dma_start3A_65 = arith.constant 0 : i32
      %dma_start3A_66 = tpu.memref_slice %arg8[%run_scoped3A_27, %dma_start3A_64, %dma_start3A_65] : memref<2x128x128xf32, #tpu.memory_space<vmem>> -> memref<1x128x128xf32, #tpu.memory_space<vmem>>
      %dma_start3A_67 = tpu.memref_squeeze %dma_start3A_66 : memref<1x128x128xf32, #tpu.memory_space<vmem>> -> memref<128x128xf32, #tpu.memory_space<vmem>>
      tpu.enqueue_dma source(%dma_start3A_67 : memref<128x128xf32, #tpu.memory_space<vmem>>) target(%dma_start3A_63 : memref<128x128xf32, #tpu.memory_space<vmem_shared>>) target_semaphore(%run_scoped3A_56 : memref<!tpu.dma_semaphore, #tpu.memory_space<semaphore_mem>>)
      %dma_wait3A = arith.constant 0 : i32
      %dma_wait3A_68 = arith.constant 0 : i32
      %dma_wait3A_69 = tpu.memref_slice %arg8[%run_scoped3A_27, %dma_wait3A, %dma_wait3A_68] : memref<2x128x128xf32, #tpu.memory_space<vmem>> -> memref<1x128x128xf32, #tpu.memory_space<vmem>>
      %dma_wait3A_70 = tpu.memref_squeeze %dma_wait3A_69 : memref<1x128x128xf32, #tpu.memory_space<vmem>> -> memref<128x128xf32, #tpu.memory_space<vmem>>
      %dma_wait3A_71 = arith.constant 0 : i32
      %dma_wait3A_72 = tpu.memref_slice %arg9[%add3A_26, %dma_wait3A_71] : memref<10112x128xf32, #tpu.memory_space<vmem_shared>> -> memref<128x128xf32, #tpu.memory_space<vmem_shared>>
      %dma_wait3A_73 = arith.constant 0 : i32
      %dma_wait3A_74 = tpu.memref_slice %arg9[%add3A_26, %dma_wait3A_73] : memref<10112x128xf32, #tpu.memory_space<vmem_shared>> -> memref<128x128xf32, #tpu.memory_space<vmem_shared>>
      %dma_wait3A_75 = arith.constant 0 : i32
      %dma_wait3A_76 = arith.constant 0 : i32
      %dma_wait3A_77 = tpu.memref_slice %arg8[%run_scoped3A_27, %dma_wait3A_75, %dma_wait3A_76] : memref<2x128x128xf32, #tpu.memory_space<vmem>> -> memref<1x128x128xf32, #tpu.memory_space<vmem>>
      %dma_wait3A_78 = tpu.memref_squeeze %dma_wait3A_77 : memref<1x128x128xf32, #tpu.memory_space<vmem>> -> memref<128x128xf32, #tpu.memory_space<vmem>>
      tpu.wait_dma2 semaphore(%run_scoped3A_56 : memref<!tpu.dma_semaphore, #tpu.memory_space<semaphore_mem>>) src(%dma_wait3A_78 : memref<128x128xf32, #tpu.memory_space<vmem>>) dst(%dma_wait3A_74 : memref<128x128xf32, #tpu.memory_space<vmem_shared>>)
      tpu.yield
    }) : () -> ()
    %mul3A_28 = arith.constant 632 : i32
    %mul3A_29 = arith.muli %arg1, %mul3A_28 : i32
    %add3A_30 = arith.constant 512 : i32
    %add3A_31 = arith.addi %mul3A_29, %add3A_30 : i32
    %run_scoped3A_32 = arith.constant 0 : i32
    "tpu.region"() ({
      %run_scoped3A_56 = tpu.sem_alloc : memref<!tpu.dma_semaphore, #tpu.memory_space<semaphore_mem>>
      %dma_start3A = arith.constant 0 : i32
      %dma_start3A_57 = arith.constant 0 : i32
      %dma_start3A_58 = tpu.memref_slice %arg8[%run_scoped3A_32, %dma_start3A, %dma_start3A_57] : memref<2x128x128xf32, #tpu.memory_space<vmem>> -> memref<1x128x128xf32, #tpu.memory_space<vmem>>
      %dma_start3A_59 = tpu.memref_squeeze %dma_start3A_58 : memref<1x128x128xf32, #tpu.memory_space<vmem>> -> memref<128x128xf32, #tpu.memory_space<vmem>>
      %dma_start3A_60 = arith.constant 0 : i32
      %dma_start3A_61 = arith.constant 0 : i32
      %dma_start3A_62 = tpu.memref_slice %dma_start3A_59[%dma_start3A_60, %dma_start3A_61] : memref<128x128xf32, #tpu.memory_space<vmem>> -> memref<120x128xf32, #tpu.memory_space<vmem>>
      %dma_start3A_63 = arith.constant 0 : i32
      %dma_start3A_64 = tpu.memref_slice %arg9[%add3A_31, %dma_start3A_63] : memref<10112x128xf32, #tpu.memory_space<vmem_shared>> -> memref<120x128xf32, #tpu.memory_space<vmem_shared>>
      %dma_start3A_65 = arith.constant 0 : i32
      %dma_start3A_66 = tpu.memref_slice %arg9[%add3A_31, %dma_start3A_65] : memref<10112x128xf32, #tpu.memory_space<vmem_shared>> -> memref<120x128xf32, #tpu.memory_space<vmem_shared>>
      %dma_start3A_67 = arith.constant 0 : i32
      %dma_start3A_68 = arith.constant 0 : i32
      %dma_start3A_69 = tpu.memref_slice %arg8[%run_scoped3A_32, %dma_start3A_67, %dma_start3A_68] : memref<2x128x128xf32, #tpu.memory_space<vmem>> -> memref<1x128x128xf32, #tpu.memory_space<vmem>>
      %dma_start3A_70 = tpu.memref_squeeze %dma_start3A_69 : memref<1x128x128xf32, #tpu.memory_space<vmem>> -> memref<128x128xf32, #tpu.memory_space<vmem>>
      %dma_start3A_71 = arith.constant 0 : i32
      %dma_start3A_72 = arith.constant 0 : i32
      %dma_start3A_73 = tpu.memref_slice %dma_start3A_70[%dma_start3A_71, %dma_start3A_72] : memref<128x128xf32, #tpu.memory_space<vmem>> -> memref<120x128xf32, #tpu.memory_space<vmem>>
      tpu.enqueue_dma source(%dma_start3A_73 : memref<120x128xf32, #tpu.memory_space<vmem>>) target(%dma_start3A_66 : memref<120x128xf32, #tpu.memory_space<vmem_shared>>) target_semaphore(%run_scoped3A_56 : memref<!tpu.dma_semaphore, #tpu.memory_space<semaphore_mem>>)
      %dma_wait3A = arith.constant 0 : i32
      %dma_wait3A_74 = arith.constant 0 : i32
      %dma_wait3A_75 = tpu.memref_slice %arg8[%run_scoped3A_32, %dma_wait3A, %dma_wait3A_74] : memref<2x128x128xf32, #tpu.memory_space<vmem>> -> memref<1x128x128xf32, #tpu.memory_space<vmem>>
      %dma_wait3A_76 = tpu.memref_squeeze %dma_wait3A_75 : memref<1x128x128xf32, #tpu.memory_space<vmem>> -> memref<128x128xf32, #tpu.memory_space<vmem>>
      %dma_wait3A_77 = arith.constant 0 : i32
      %dma_wait3A_78 = arith.constant 0 : i32
      %dma_wait3A_79 = tpu.memref_slice %dma_wait3A_76[%dma_wait3A_77, %dma_wait3A_78] : memref<128x128xf32, #tpu.memory_space<vmem>> -> memref<120x128xf32, #tpu.memory_space<vmem>>
      %dma_wait3A_80 = arith.constant 0 : i32
      %dma_wait3A_81 = tpu.memref_slice %arg9[%add3A_31, %dma_wait3A_80] : memref<10112x128xf32, #tpu.memory_space<vmem_shared>> -> memref<120x128xf32, #tpu.memory_space<vmem_shared>>
      %dma_wait3A_82 = arith.constant 0 : i32
      %dma_wait3A_83 = tpu.memref_slice %arg9[%add3A_31, %dma_wait3A_82] : memref<10112x128xf32, #tpu.memory_space<vmem_shared>> -> memref<120x128xf32, #tpu.memory_space<vmem_shared>>
      %dma_wait3A_84 = arith.constant 0 : i32
      %dma_wait3A_85 = arith.constant 0 : i32
      %dma_wait3A_86 = tpu.memref_slice %arg8[%run_scoped3A_32, %dma_wait3A_84, %dma_wait3A_85] : memref<2x128x128xf32, #tpu.memory_space<vmem>> -> memref<1x128x128xf32, #tpu.memory_space<vmem>>
      %dma_wait3A_87 = tpu.memref_squeeze %dma_wait3A_86 : memref<1x128x128xf32, #tpu.memory_space<vmem>> -> memref<128x128xf32, #tpu.memory_space<vmem>>
      %dma_wait3A_88 = arith.constant 0 : i32
      %dma_wait3A_89 = arith.constant 0 : i32
      %dma_wait3A_90 = tpu.memref_slice %dma_wait3A_87[%dma_wait3A_88, %dma_wait3A_89] : memref<128x128xf32, #tpu.memory_space<vmem>> -> memref<120x128xf32, #tpu.memory_space<vmem>>
      tpu.wait_dma2 semaphore(%run_scoped3A_56 : memref<!tpu.dma_semaphore, #tpu.memory_space<semaphore_mem>>) src(%dma_wait3A_90 : memref<120x128xf32, #tpu.memory_space<vmem>>) dst(%dma_wait3A_83 : memref<120x128xf32, #tpu.memory_space<vmem_shared>>)
      tpu.yield
    }) : () -> ()
    %barrier3A = arith.constant 0 : index
    tpu.barrier barrier_id(%barrier3A)
    %scan3A_33 = arith.constant 0 : i32
    %scan3A_34 = arith.constant 0 : i32
    %scan3A_35 = arith.constant 2 : i32
    %scan3A_36 = arith.addi %scan3A_34, %scan3A_35 : i32
    %scan3A_37 = arith.constant 1 : i32
    %scan3A_38 = scf.for %scan3A_56 = %scan3A_34 to %scan3A_36 step %scan3A_37 iter_args(%scan3A_57 = %scan3A_33) -> (i32)  : i32 {
      %scan3A_58 = arith.constant 0 : i32
      %scan3A_59 = arith.constant 0 : i32
      %scan3A_60 = arith.constant 8 : i32
      %scan3A_61 = arith.addi %scan3A_59, %scan3A_60 : i32
      %scan3A_62 = arith.constant 1 : i32
      %scan3A_63 = scf.for %scan3A_77 = %scan3A_59 to %scan3A_61 step %scan3A_62 iter_args(%scan3A_78 = %scan3A_58) -> (i32)  : i32 {
        %mul3A_79 = arith.constant 16 : i32
        %mul3A_80 = arith.muli %scan3A_77, %mul3A_79 : i32
        %get3A = arith.index_cast %scan3A_56 : i32 to index
        %get3A_81 = arith.index_cast %mul3A_80 : i32 to index
        %get3A_82 = tpu.vector_load %arg5[%get3A, %get3A_81] {strides = array<i32>} : memref<120x128xi32, #tpu.memory_space<vmem>>, vector<1x16xi32>,
        %get3A_83 = vector.shape_cast %get3A_82 : vector<1x16xi32> to vector<16xi32>
        %and3A = arith.constant 65535 : i32
        %and3A_84 = vector.broadcast %and3A : i32 to vector<16xi32>
        %and3A_85 = arith.andi %get3A_83, %and3A_84 : vector<16xi32>
        %mul3A_86 = arith.constant 16 : i32
        %mul3A_87 = arith.muli %scan3A_77, %mul3A_86 : i32
        %swap3A = arith.index_cast %scan3A_56 : i32 to index
        %swap3A_88 = arith.index_cast %mul3A_87 : i32 to index
        %swap3A_89 = tpu.vector_load %arg6[%swap3A, %swap3A_88] {strides = array<i32>} : memref<2x128xi32, #tpu.memory_space<vmem>>, vector<1x16xi32>,
        %swap3A_90 = vector.shape_cast %swap3A_89 : vector<1x16xi32> to vector<16xi32>
        %swap3A_91 = vector.shape_cast %and3A_85 : vector<16xi32> to vector<1x16xi32>
        tpu.vector_store %arg6[%swap3A, %swap3A_88], %swap3A_91 {strides = array<i32>} : memref<2x128xi32, #tpu.memory_space<vmem>>, vector<1x16xi32>,
        %shift_right_logical3A = arith.constant 16 : i32
        %shift_right_logical3A_92 = vector.broadcast %shift_right_logical3A : i32 to vector<16xi32>
        %shift_right_logical3A_93 = arith.shrui %get3A_83, %shift_right_logical3A_92 : vector<16xi32>
        %mul3A_94 = arith.constant 16 : i32
        %mul3A_95 = arith.muli %scan3A_77, %mul3A_94 : i32
        %swap3A_96 = arith.index_cast %scan3A_56 : i32 to index
        %swap3A_97 = arith.index_cast %mul3A_95 : i32 to index
        %swap3A_98 = tpu.vector_load %arg7[%swap3A_96, %swap3A_97] {strides = array<i32>} : memref<2x128xi32, #tpu.memory_space<vmem>>, vector<1x16xi32>,
        %swap3A_99 = vector.shape_cast %swap3A_98 : vector<1x16xi32> to vector<16xi32>
        %swap3A_100 = vector.shape_cast %shift_right_logical3A_93 : vector<16xi32> to vector<1x16xi32>
        tpu.vector_store %arg7[%swap3A_96, %swap3A_97], %swap3A_100 {strides = array<i32>} : memref<2x128xi32, #tpu.memory_space<vmem>>, vector<1x16xi32>,
        %scan3A_101 = arith.constant 0 : i32
        scf.yield %scan3A_101 : i32
      }
      %scan3A_64 = arith.constant 8 : i32
      %dma_start3A = arith.constant 0 : i32
      %dma_start3A_65 = arith.constant 0 : i32
      %dma_start3A_66 = tpu.memref_slice %arg8[%scan3A_56, %dma_start3A, %dma_start3A_65] : memref<2x128x128xf32, #tpu.memory_space<vmem>> -> memref<1x128x128xf32, #tpu.memory_space<vmem>>
      %dma_start3A_67 = tpu.memref_squeeze %dma_start3A_66 : memref<1x128x128xf32, #tpu.memory_space<vmem>> -> memref<128x128xf32, #tpu.memory_space<vmem>>
      %dma_start3A_68 = arith.constant 0 : i32
      %dma_start3A_69 = tpu.memref_slice %arg6[%scan3A_56, %dma_start3A_68] : memref<2x128xi32, #tpu.memory_space<vmem>> -> memref<1x128xi32, #tpu.memory_space<vmem>>
      %dma_start3A_70 = tpu.memref_squeeze %dma_start3A_69 : memref<1x128xi32, #tpu.memory_space<vmem>> -> memref<128xi32, #tpu.memory_space<vmem>>
      %dma_start3A_71 = arith.constant 0 : i32
      %dma_start3A_72 = arith.constant 0 : i32
      %dma_start3A_73 = tpu.memref_slice %arg2[%dma_start3A_71, %dma_start3A_72] : memref<10112x128xf32, #tpu.memory_space<hbm>> -> memref<10112x128xf32, #tpu.memory_space<hbm>>
      %dma_start3A_74 = tpu.memref_slice %arg10[%scan3A_56] : memref<2x!tpu.dma_semaphore, #tpu.memory_space<semaphore_mem>> -> memref<1x!tpu.dma_semaphore, #tpu.memory_space<semaphore_mem>>
      %dma_start3A_75 = tpu.memref_squeeze %dma_start3A_74 : memref<1x!tpu.dma_semaphore, #tpu.memory_space<semaphore_mem>> -> memref<!tpu.dma_semaphore, #tpu.memory_space<semaphore_mem>>
      tpu.enqueue_indirect_dma source(%dma_start3A_73 : memref<10112x128xf32, #tpu.memory_space<hbm>>) target(%dma_start3A_67 : memref<128x128xf32, #tpu.memory_space<vmem>>) offsets(%dma_start3A_70 : memref<128xi32, #tpu.memory_space<vmem>>) semaphore(%dma_start3A_75 : memref<!tpu.dma_semaphore, #tpu.memory_space<semaphore_mem>>)
      %scan3A_76 = arith.constant 0 : i32
      scf.yield %scan3A_76 : i32
    }
    %scan3A_39 = arith.constant 2 : i32
    %while3A = arith.constant 0 : i32
    %while3A_40 = arith.constant 0 : i32
    %while3A_41 = arith.subi %select_n3A, %while3A : i32
    %while3A_42 = arith.addi %while3A, %while3A_41 : i32
    %while3A_43 = arith.constant 1 : i32
    %while3A_44 = arith.divsi %while3A_41, %while3A_43 : i32
    %while3A_45 = arith.muli %while3A_44, %while3A_43 : i32
    %while3A_46 = arith.addi %while3A, %while3A_45 : i32
    %while3A_47 = arith.constant 1 : i32
    %while3A_48 = scf.for %while3A_56 = %while3A to %while3A_46 step %while3A_47 iter_args(%while3A_57 = %while3A_40) -> (i32)  : i32 {
      %rem3A = arith.constant 2 : i32
      %rem3A_58 = arith.remsi %while3A_56, %rem3A : i32
      %dma_wait3A = arith.constant 0 : i32
      %dma_wait3A_59 = arith.constant 0 : i32
      %dma_wait3A_60 = tpu.memref_slice %arg8[%rem3A_58, %dma_wait3A, %dma_wait3A_59] : memref<2x128x128xf32, #tpu.memory_space<vmem>> -> memref<1x128x128xf32, #tpu.memory_space<vmem>>
      %dma_wait3A_61 = tpu.memref_squeeze %dma_wait3A_60 : memref<1x128x128xf32, #tpu.memory_space<vmem>> -> memref<128x128xf32, #tpu.memory_space<vmem>>
      %dma_wait3A_62 = arith.constant 0 : i32
      %dma_wait3A_63 = tpu.memref_slice %arg6[%rem3A_58, %dma_wait3A_62] : memref<2x128xi32, #tpu.memory_space<vmem>> -> memref<1x128xi32, #tpu.memory_space<vmem>>
      %dma_wait3A_64 = tpu.memref_squeeze %dma_wait3A_63 : memref<1x128xi32, #tpu.memory_space<vmem>> -> memref<128xi32, #tpu.memory_space<vmem>>
      %dma_wait3A_65 = arith.constant 0 : i32
      %dma_wait3A_66 = arith.constant 0 : i32
      %dma_wait3A_67 = tpu.memref_slice %arg2[%dma_wait3A_65, %dma_wait3A_66] : memref<10112x128xf32, #tpu.memory_space<hbm>> -> memref<10112x128xf32, #tpu.memory_space<hbm>>
      %dma_wait3A_68 = tpu.memref_slice %arg10[%rem3A_58] : memref<2x!tpu.dma_semaphore, #tpu.memory_space<semaphore_mem>> -> memref<1x!tpu.dma_semaphore, #tpu.memory_space<semaphore_mem>>
      %dma_wait3A_69 = tpu.memref_squeeze %dma_wait3A_68 : memref<1x!tpu.dma_semaphore, #tpu.memory_space<semaphore_mem>> -> memref<!tpu.dma_semaphore, #tpu.memory_space<semaphore_mem>>
      tpu.wait_indirect_dma semaphore(%dma_wait3A_69 : memref<!tpu.dma_semaphore, #tpu.memory_space<semaphore_mem>>) src(%dma_wait3A_67 : memref<10112x128xf32, #tpu.memory_space<hbm>>) dst(%dma_wait3A_61 : memref<128x128xf32, #tpu.memory_space<vmem>>)
      %dma_start3A = arith.constant 0 : i32
      %dma_start3A_70 = arith.constant 0 : i32
      %dma_start3A_71 = tpu.memref_slice %arg8[%rem3A_58, %dma_start3A, %dma_start3A_70] : memref<2x128x128xf32, #tpu.memory_space<vmem>> -> memref<1x128x128xf32, #tpu.memory_space<vmem>>
      %dma_start3A_72 = tpu.memref_squeeze %dma_start3A_71 : memref<1x128x128xf32, #tpu.memory_space<vmem>> -> memref<128x128xf32, #tpu.memory_space<vmem>>
      %dma_start3A_73 = arith.constant 0 : i32
      %dma_start3A_74 = tpu.memref_slice %arg7[%rem3A_58, %dma_start3A_73] : memref<2x128xi32, #tpu.memory_space<vmem>> -> memref<1x128xi32, #tpu.memory_space<vmem>>
      %dma_start3A_75 = tpu.memref_squeeze %dma_start3A_74 : memref<1x128xi32, #tpu.memory_space<vmem>> -> memref<128xi32, #tpu.memory_space<vmem>>
      %dma_start3A_76 = arith.constant 0 : i32
      %dma_start3A_77 = arith.constant 0 : i32
      %dma_start3A_78 = tpu.memref_slice %arg9[%dma_start3A_76, %dma_start3A_77] : memref<10112x128xf32, #tpu.memory_space<vmem_shared>> -> memref<10112x128xf32, #tpu.memory_space<vmem_shared>>
      %dma_start3A_79 = tpu.memref_slice %arg10[%rem3A_58] : memref<2x!tpu.dma_semaphore, #tpu.memory_space<semaphore_mem>> -> memref<1x!tpu.dma_semaphore, #tpu.memory_space<semaphore_mem>>
      %dma_start3A_80 = tpu.memref_squeeze %dma_start3A_79 : memref<1x!tpu.dma_semaphore, #tpu.memory_space<semaphore_mem>> -> memref<!tpu.dma_semaphore, #tpu.memory_space<semaphore_mem>>
      tpu.enqueue_indirect_dma source(%dma_start3A_72 : memref<128x128xf32, #tpu.memory_space<vmem>>) target(%dma_start3A_78 : memref<10112x128xf32, #tpu.memory_space<vmem_shared>>) offsets(%dma_start3A_75 : memref<128xi32, #tpu.memory_space<vmem>>) semaphore(%dma_start3A_80 : memref<!tpu.dma_semaphore, #tpu.memory_space<semaphore_mem>>) {add = true}
      %dma_wait3A_81 = arith.constant 0 : i32
      %dma_wait3A_82 = arith.constant 0 : i32
      %dma_wait3A_83 = tpu.memref_slice %arg8[%rem3A_58, %dma_wait3A_81, %dma_wait3A_82] : memref<2x128x128xf32, #tpu.memory_space<vmem>> -> memref<1x128x128xf32, #tpu.memory_space<vmem>>
      %dma_wait3A_84 = tpu.memref_squeeze %dma_wait3A_83 : memref<1x128x128xf32, #tpu.memory_space<vmem>> -> memref<128x128xf32, #tpu.memory_space<vmem>>
      %dma_wait3A_85 = arith.constant 0 : i32
      %dma_wait3A_86 = tpu.memref_slice %arg7[%rem3A_58, %dma_wait3A_85] : memref<2x128xi32, #tpu.memory_space<vmem>> -> memref<1x128xi32, #tpu.memory_space<vmem>>
      %dma_wait3A_87 = tpu.memref_squeeze %dma_wait3A_86 : memref<1x128xi32, #tpu.memory_space<vmem>> -> memref<128xi32, #tpu.memory_space<vmem>>
      %dma_wait3A_88 = arith.constant 0 : i32
      %dma_wait3A_89 = arith.constant 0 : i32
      %dma_wait3A_90 = tpu.memref_slice %arg9[%dma_wait3A_88, %dma_wait3A_89] : memref<10112x128xf32, #tpu.memory_space<vmem_shared>> -> memref<10112x128xf32, #tpu.memory_space<vmem_shared>>
      %dma_wait3A_91 = tpu.memref_slice %arg10[%rem3A_58] : memref<2x!tpu.dma_semaphore, #tpu.memory_space<semaphore_mem>> -> memref<1x!tpu.dma_semaphore, #tpu.memory_space<semaphore_mem>>
      %dma_wait3A_92 = tpu.memref_squeeze %dma_wait3A_91 : memref<1x!tpu.dma_semaphore, #tpu.memory_space<semaphore_mem>> -> memref<!tpu.dma_semaphore, #tpu.memory_space<semaphore_mem>>
      tpu.wait_indirect_dma semaphore(%dma_wait3A_92 : memref<!tpu.dma_semaphore, #tpu.memory_space<semaphore_mem>>) src(%dma_wait3A_84 : memref<128x128xf32, #tpu.memory_space<vmem>>) dst(%dma_wait3A_90 : memref<10112x128xf32, #tpu.memory_space<vmem_shared>>)
      %add3A_93 = arith.constant 2 : i32
      %add3A_94 = arith.addi %while3A_56, %add3A_93 : i32
      %lt3A = arith.cmpi slt, %add3A_94, %select_n3A : i32
      %convert_element_type3A = arith.extui %lt3A : i1 to i32
      %cond3A = arith.constant 0 : i32
      %cond3A_95 = arith.cmpi ne, %convert_element_type3A, %cond3A : i32
      scf.if %cond3A_95 {
        %add3A_97 = arith.constant 2 : i32
        %add3A_98 = arith.addi %while3A_56, %add3A_97 : i32
        %scan3A_99 = arith.constant 0 : i32
        %scan3A_100 = arith.constant 0 : i32
        %scan3A_101 = arith.constant 8 : i32
        %scan3A_102 = arith.addi %scan3A_100, %scan3A_101 : i32
        %scan3A_103 = arith.constant 1 : i32
        %scan3A_104 = scf.for %scan3A_118 = %scan3A_100 to %scan3A_102 step %scan3A_103 iter_args(%scan3A_119 = %scan3A_99) -> (i32)  : i32 {
          %mul3A_120 = arith.constant 16 : i32
          %mul3A_121 = arith.muli %scan3A_118, %mul3A_120 : i32
          %get3A = arith.index_cast %add3A_98 : i32 to index
          %get3A_122 = arith.index_cast %mul3A_121 : i32 to index
          %get3A_123 = tpu.vector_load %arg5[%get3A, %get3A_122] {strides = array<i32>} : memref<120x128xi32, #tpu.memory_space<vmem>>, vector<1x16xi32>,
          %get3A_124 = vector.shape_cast %get3A_123 : vector<1x16xi32> to vector<16xi32>
          %and3A = arith.constant 65535 : i32
          %and3A_125 = vector.broadcast %and3A : i32 to vector<16xi32>
          %and3A_126 = arith.andi %get3A_124, %and3A_125 : vector<16xi32>
          %mul3A_127 = arith.constant 16 : i32
          %mul3A_128 = arith.muli %scan3A_118, %mul3A_127 : i32
          %swap3A = arith.index_cast %rem3A_58 : i32 to index
          %swap3A_129 = arith.index_cast %mul3A_128 : i32 to index
          %swap3A_130 = tpu.vector_load %arg6[%swap3A, %swap3A_129] {strides = array<i32>} : memref<2x128xi32, #tpu.memory_space<vmem>>, vector<1x16xi32>,
          %swap3A_131 = vector.shape_cast %swap3A_130 : vector<1x16xi32> to vector<16xi32>
          %swap3A_132 = vector.shape_cast %and3A_126 : vector<16xi32> to vector<1x16xi32>
          tpu.vector_store %arg6[%swap3A, %swap3A_129], %swap3A_132 {strides = array<i32>} : memref<2x128xi32, #tpu.memory_space<vmem>>, vector<1x16xi32>,
          %shift_right_logical3A = arith.constant 16 : i32
          %shift_right_logical3A_133 = vector.broadcast %shift_right_logical3A : i32 to vector<16xi32>
          %shift_right_logical3A_134 = arith.shrui %get3A_124, %shift_right_logical3A_133 : vector<16xi32>
          %mul3A_135 = arith.constant 16 : i32
          %mul3A_136 = arith.muli %scan3A_118, %mul3A_135 : i32
          %swap3A_137 = arith.index_cast %rem3A_58 : i32 to index
          %swap3A_138 = arith.index_cast %mul3A_136 : i32 to index
          %swap3A_139 = tpu.vector_load %arg7[%swap3A_137, %swap3A_138] {strides = array<i32>} : memref<2x128xi32, #tpu.memory_space<vmem>>, vector<1x16xi32>,
          %swap3A_140 = vector.shape_cast %swap3A_139 : vector<1x16xi32> to vector<16xi32>
          %swap3A_141 = vector.shape_cast %shift_right_logical3A_134 : vector<16xi32> to vector<1x16xi32>
          tpu.vector_store %arg7[%swap3A_137, %swap3A_138], %swap3A_141 {strides = array<i32>} : memref<2x128xi32, #tpu.memory_space<vmem>>, vector<1x16xi32>,
          %scan3A_142 = arith.constant 0 : i32
          scf.yield %scan3A_142 : i32
        }
        %scan3A_105 = arith.constant 8 : i32
        %dma_start3A_106 = arith.constant 0 : i32
        %dma_start3A_107 = arith.constant 0 : i32
        %dma_start3A_108 = tpu.memref_slice %arg8[%rem3A_58, %dma_start3A_106, %dma_start3A_107] : memref<2x128x128xf32, #tpu.memory_space<vmem>> -> memref<1x128x128xf32, #tpu.memory_space<vmem>>
        %dma_start3A_109 = tpu.memref_squeeze %dma_start3A_108 : memref<1x128x128xf32, #tpu.memory_space<vmem>> -> memref<128x128xf32, #tpu.memory_space<vmem>>
        %dma_start3A_110 = arith.constant 0 : i32
        %dma_start3A_111 = tpu.memref_slice %arg6[%rem3A_58, %dma_start3A_110] : memref<2x128xi32, #tpu.memory_space<vmem>> -> memref<1x128xi32, #tpu.memory_space<vmem>>
        %dma_start3A_112 = tpu.memref_squeeze %dma_start3A_111 : memref<1x128xi32, #tpu.memory_space<vmem>> -> memref<128xi32, #tpu.memory_space<vmem>>
        %dma_start3A_113 = arith.constant 0 : i32
        %dma_start3A_114 = arith.constant 0 : i32
        %dma_start3A_115 = tpu.memref_slice %arg2[%dma_start3A_113, %dma_start3A_114] : memref<10112x128xf32, #tpu.memory_space<hbm>> -> memref<10112x128xf32, #tpu.memory_space<hbm>>
        %dma_start3A_116 = tpu.memref_slice %arg10[%rem3A_58] : memref<2x!tpu.dma_semaphore, #tpu.memory_space<semaphore_mem>> -> memref<1x!tpu.dma_semaphore, #tpu.memory_space<semaphore_mem>>
        %dma_start3A_117 = tpu.memref_squeeze %dma_start3A_116 : memref<1x!tpu.dma_semaphore, #tpu.memory_space<semaphore_mem>> -> memref<!tpu.dma_semaphore, #tpu.memory_space<semaphore_mem>>
        tpu.enqueue_indirect_dma source(%dma_start3A_115 : memref<10112x128xf32, #tpu.memory_space<hbm>>) target(%dma_start3A_109 : memref<128x128xf32, #tpu.memory_space<vmem>>) offsets(%dma_start3A_112 : memref<128xi32, #tpu.memory_space<vmem>>) semaphore(%dma_start3A_117 : memref<!tpu.dma_semaphore, #tpu.memory_space<semaphore_mem>>)
      } else {
      }
      %while3A_96 = arith.constant 0 : i32
      scf.yield %while3A_96 : i32
    }
    %while3A_49 = arith.constant 1 : i32
    %while3A_50 = scf.for %while3A_56 = %while3A_46 to %while3A_42 step %while3A_49 iter_args(%while3A_57 = %while3A_48) -> (i32)  : i32 {
      %rem3A = arith.constant 2 : i32
      %rem3A_58 = arith.remsi %while3A_56, %rem3A : i32
      %dma_wait3A = arith.constant 0 : i32
      %dma_wait3A_59 = arith.constant 0 : i32
      %dma_wait3A_60 = tpu.memref_slice %arg8[%rem3A_58, %dma_wait3A, %dma_wait3A_59] : memref<2x128x128xf32, #tpu.memory_space<vmem>> -> memref<1x128x128xf32, #tpu.memory_space<vmem>>
      %dma_wait3A_61 = tpu.memref_squeeze %dma_wait3A_60 : memref<1x128x128xf32, #tpu.memory_space<vmem>> -> memref<128x128xf32, #tpu.memory_space<vmem>>
      %dma_wait3A_62 = arith.constant 0 : i32
      %dma_wait3A_63 = tpu.memref_slice %arg6[%rem3A_58, %dma_wait3A_62] : memref<2x128xi32, #tpu.memory_space<vmem>> -> memref<1x128xi32, #tpu.memory_space<vmem>>
      %dma_wait3A_64 = tpu.memref_squeeze %dma_wait3A_63 : memref<1x128xi32, #tpu.memory_space<vmem>> -> memref<128xi32, #tpu.memory_space<vmem>>
      %dma_wait3A_65 = arith.constant 0 : i32
      %dma_wait3A_66 = arith.constant 0 : i32
      %dma_wait3A_67 = tpu.memref_slice %arg2[%dma_wait3A_65, %dma_wait3A_66] : memref<10112x128xf32, #tpu.memory_space<hbm>> -> memref<10112x128xf32, #tpu.memory_space<hbm>>
      %dma_wait3A_68 = tpu.memref_slice %arg10[%rem3A_58] : memref<2x!tpu.dma_semaphore, #tpu.memory_space<semaphore_mem>> -> memref<1x!tpu.dma_semaphore, #tpu.memory_space<semaphore_mem>>
      %dma_wait3A_69 = tpu.memref_squeeze %dma_wait3A_68 : memref<1x!tpu.dma_semaphore, #tpu.memory_space<semaphore_mem>> -> memref<!tpu.dma_semaphore, #tpu.memory_space<semaphore_mem>>
      tpu.wait_indirect_dma semaphore(%dma_wait3A_69 : memref<!tpu.dma_semaphore, #tpu.memory_space<semaphore_mem>>) src(%dma_wait3A_67 : memref<10112x128xf32, #tpu.memory_space<hbm>>) dst(%dma_wait3A_61 : memref<128x128xf32, #tpu.memory_space<vmem>>)
      %dma_start3A = arith.constant 0 : i32
      %dma_start3A_70 = arith.constant 0 : i32
      %dma_start3A_71 = tpu.memref_slice %arg8[%rem3A_58, %dma_start3A, %dma_start3A_70] : memref<2x128x128xf32, #tpu.memory_space<vmem>> -> memref<1x128x128xf32, #tpu.memory_space<vmem>>
      %dma_start3A_72 = tpu.memref_squeeze %dma_start3A_71 : memref<1x128x128xf32, #tpu.memory_space<vmem>> -> memref<128x128xf32, #tpu.memory_space<vmem>>
      %dma_start3A_73 = arith.constant 0 : i32
      %dma_start3A_74 = tpu.memref_slice %arg7[%rem3A_58, %dma_start3A_73] : memref<2x128xi32, #tpu.memory_space<vmem>> -> memref<1x128xi32, #tpu.memory_space<vmem>>
      %dma_start3A_75 = tpu.memref_squeeze %dma_start3A_74 : memref<1x128xi32, #tpu.memory_space<vmem>> -> memref<128xi32, #tpu.memory_space<vmem>>
      %dma_start3A_76 = arith.constant 0 : i32
      %dma_start3A_77 = arith.constant 0 : i32
      %dma_start3A_78 = tpu.memref_slice %arg9[%dma_start3A_76, %dma_start3A_77] : memref<10112x128xf32, #tpu.memory_space<vmem_shared>> -> memref<10112x128xf32, #tpu.memory_space<vmem_shared>>
      %dma_start3A_79 = tpu.memref_slice %arg10[%rem3A_58] : memref<2x!tpu.dma_semaphore, #tpu.memory_space<semaphore_mem>> -> memref<1x!tpu.dma_semaphore, #tpu.memory_space<semaphore_mem>>
      %dma_start3A_80 = tpu.memref_squeeze %dma_start3A_79 : memref<1x!tpu.dma_semaphore, #tpu.memory_space<semaphore_mem>> -> memref<!tpu.dma_semaphore, #tpu.memory_space<semaphore_mem>>
      tpu.enqueue_indirect_dma source(%dma_start3A_72 : memref<128x128xf32, #tpu.memory_space<vmem>>) target(%dma_start3A_78 : memref<10112x128xf32, #tpu.memory_space<vmem_shared>>) offsets(%dma_start3A_75 : memref<128xi32, #tpu.memory_space<vmem>>) semaphore(%dma_start3A_80 : memref<!tpu.dma_semaphore, #tpu.memory_space<semaphore_mem>>) {add = true}
      %dma_wait3A_81 = arith.constant 0 : i32
      %dma_wait3A_82 = arith.constant 0 : i32
      %dma_wait3A_83 = tpu.memref_slice %arg8[%rem3A_58, %dma_wait3A_81, %dma_wait3A_82] : memref<2x128x128xf32, #tpu.memory_space<vmem>> -> memref<1x128x128xf32, #tpu.memory_space<vmem>>
      %dma_wait3A_84 = tpu.memref_squeeze %dma_wait3A_83 : memref<1x128x128xf32, #tpu.memory_space<vmem>> -> memref<128x128xf32, #tpu.memory_space<vmem>>
      %dma_wait3A_85 = arith.constant 0 : i32
      %dma_wait3A_86 = tpu.memref_slice %arg7[%rem3A_58, %dma_wait3A_85] : memref<2x128xi32, #tpu.memory_space<vmem>> -> memref<1x128xi32, #tpu.memory_space<vmem>>
      %dma_wait3A_87 = tpu.memref_squeeze %dma_wait3A_86 : memref<1x128xi32, #tpu.memory_space<vmem>> -> memref<128xi32, #tpu.memory_space<vmem>>
      %dma_wait3A_88 = arith.constant 0 : i32
      %dma_wait3A_89 = arith.constant 0 : i32
      %dma_wait3A_90 = tpu.memref_slice %arg9[%dma_wait3A_88, %dma_wait3A_89] : memref<10112x128xf32, #tpu.memory_space<vmem_shared>> -> memref<10112x128xf32, #tpu.memory_space<vmem_shared>>
      %dma_wait3A_91 = tpu.memref_slice %arg10[%rem3A_58] : memref<2x!tpu.dma_semaphore, #tpu.memory_space<semaphore_mem>> -> memref<1x!tpu.dma_semaphore, #tpu.memory_space<semaphore_mem>>
      %dma_wait3A_92 = tpu.memref_squeeze %dma_wait3A_91 : memref<1x!tpu.dma_semaphore, #tpu.memory_space<semaphore_mem>> -> memref<!tpu.dma_semaphore, #tpu.memory_space<semaphore_mem>>
      tpu.wait_indirect_dma semaphore(%dma_wait3A_92 : memref<!tpu.dma_semaphore, #tpu.memory_space<semaphore_mem>>) src(%dma_wait3A_84 : memref<128x128xf32, #tpu.memory_space<vmem>>) dst(%dma_wait3A_90 : memref<10112x128xf32, #tpu.memory_space<vmem_shared>>)
      %add3A_93 = arith.constant 2 : i32
      %add3A_94 = arith.addi %while3A_56, %add3A_93 : i32
      %lt3A = arith.cmpi slt, %add3A_94, %select_n3A : i32
      %convert_element_type3A = arith.extui %lt3A : i1 to i32
      %cond3A = arith.constant 0 : i32
      %cond3A_95 = arith.cmpi ne, %convert_element_type3A, %cond3A : i32
      scf.if %cond3A_95 {
        %add3A_97 = arith.constant 2 : i32
        %add3A_98 = arith.addi %while3A_56, %add3A_97 : i32
        %scan3A_99 = arith.constant 0 : i32
        %scan3A_100 = arith.constant 0 : i32
        %scan3A_101 = arith.constant 8 : i32
        %scan3A_102 = arith.addi %scan3A_100, %scan3A_101 : i32
        %scan3A_103 = arith.constant 1 : i32
        %scan3A_104 = scf.for %scan3A_118 = %scan3A_100 to %scan3A_102 step %scan3A_103 iter_args(%scan3A_119 = %scan3A_99) -> (i32)  : i32 {
          %mul3A_120 = arith.constant 16 : i32
          %mul3A_121 = arith.muli %scan3A_118, %mul3A_120 : i32
          %get3A = arith.index_cast %add3A_98 : i32 to index
          %get3A_122 = arith.index_cast %mul3A_121 : i32 to index
          %get3A_123 = tpu.vector_load %arg5[%get3A, %get3A_122] {strides = array<i32>} : memref<120x128xi32, #tpu.memory_space<vmem>>, vector<1x16xi32>,
          %get3A_124 = vector.shape_cast %get3A_123 : vector<1x16xi32> to vector<16xi32>
          %and3A = arith.constant 65535 : i32
          %and3A_125 = vector.broadcast %and3A : i32 to vector<16xi32>
          %and3A_126 = arith.andi %get3A_124, %and3A_125 : vector<16xi32>
          %mul3A_127 = arith.constant 16 : i32
          %mul3A_128 = arith.muli %scan3A_118, %mul3A_127 : i32
          %swap3A = arith.index_cast %rem3A_58 : i32 to index
          %swap3A_129 = arith.index_cast %mul3A_128 : i32 to index
          %swap3A_130 = tpu.vector_load %arg6[%swap3A, %swap3A_129] {strides = array<i32>} : memref<2x128xi32, #tpu.memory_space<vmem>>, vector<1x16xi32>,
          %swap3A_131 = vector.shape_cast %swap3A_130 : vector<1x16xi32> to vector<16xi32>
          %swap3A_132 = vector.shape_cast %and3A_126 : vector<16xi32> to vector<1x16xi32>
          tpu.vector_store %arg6[%swap3A, %swap3A_129], %swap3A_132 {strides = array<i32>} : memref<2x128xi32, #tpu.memory_space<vmem>>, vector<1x16xi32>,
          %shift_right_logical3A = arith.constant 16 : i32
          %shift_right_logical3A_133 = vector.broadcast %shift_right_logical3A : i32 to vector<16xi32>
          %shift_right_logical3A_134 = arith.shrui %get3A_124, %shift_right_logical3A_133 : vector<16xi32>
          %mul3A_135 = arith.constant 16 : i32
          %mul3A_136 = arith.muli %scan3A_118, %mul3A_135 : i32
          %swap3A_137 = arith.index_cast %rem3A_58 : i32 to index
          %swap3A_138 = arith.index_cast %mul3A_136 : i32 to index
          %swap3A_139 = tpu.vector_load %arg7[%swap3A_137, %swap3A_138] {strides = array<i32>} : memref<2x128xi32, #tpu.memory_space<vmem>>, vector<1x16xi32>,
          %swap3A_140 = vector.shape_cast %swap3A_139 : vector<1x16xi32> to vector<16xi32>
          %swap3A_141 = vector.shape_cast %shift_right_logical3A_134 : vector<16xi32> to vector<1x16xi32>
          tpu.vector_store %arg7[%swap3A_137, %swap3A_138], %swap3A_141 {strides = array<i32>} : memref<2x128xi32, #tpu.memory_space<vmem>>, vector<1x16xi32>,
          %scan3A_142 = arith.constant 0 : i32
          scf.yield %scan3A_142 : i32
        }
        %scan3A_105 = arith.constant 8 : i32
        %dma_start3A_106 = arith.constant 0 : i32
        %dma_start3A_107 = arith.constant 0 : i32
        %dma_start3A_108 = tpu.memref_slice %arg8[%rem3A_58, %dma_start3A_106, %dma_start3A_107] : memref<2x128x128xf32, #tpu.memory_space<vmem>> -> memref<1x128x128xf32, #tpu.memory_space<vmem>>
        %dma_start3A_109 = tpu.memref_squeeze %dma_start3A_108 : memref<1x128x128xf32, #tpu.memory_space<vmem>> -> memref<128x128xf32, #tpu.memory_space<vmem>>
        %dma_start3A_110 = arith.constant 0 : i32
        %dma_start3A_111 = tpu.memref_slice %arg6[%rem3A_58, %dma_start3A_110] : memref<2x128xi32, #tpu.memory_space<vmem>> -> memref<1x128xi32, #tpu.memory_space<vmem>>
        %dma_start3A_112 = tpu.memref_squeeze %dma_start3A_111 : memref<1x128xi32, #tpu.memory_space<vmem>> -> memref<128xi32, #tpu.memory_space<vmem>>
        %dma_start3A_113 = arith.constant 0 : i32
        %dma_start3A_114 = arith.constant 0 : i32
        %dma_start3A_115 = tpu.memref_slice %arg2[%dma_start3A_113, %dma_start3A_114] : memref<10112x128xf32, #tpu.memory_space<hbm>> -> memref<10112x128xf32, #tpu.memory_space<hbm>>
        %dma_start3A_116 = tpu.memref_slice %arg10[%rem3A_58] : memref<2x!tpu.dma_semaphore, #tpu.memory_space<semaphore_mem>> -> memref<1x!tpu.dma_semaphore, #tpu.memory_space<semaphore_mem>>
        %dma_start3A_117 = tpu.memref_squeeze %dma_start3A_116 : memref<1x!tpu.dma_semaphore, #tpu.memory_space<semaphore_mem>> -> memref<!tpu.dma_semaphore, #tpu.memory_space<semaphore_mem>>
        tpu.enqueue_indirect_dma source(%dma_start3A_115 : memref<10112x128xf32, #tpu.memory_space<hbm>>) target(%dma_start3A_109 : memref<128x128xf32, #tpu.memory_space<vmem>>) offsets(%dma_start3A_112 : memref<128xi32, #tpu.memory_space<vmem>>) semaphore(%dma_start3A_117 : memref<!tpu.dma_semaphore, #tpu.memory_space<semaphore_mem>>)
      } else {
      }
      %while3A_96 = arith.constant 0 : i32
      scf.yield %while3A_96 : i32
    }
    %barrier3A_51 = arith.constant 0 : index
    tpu.barrier barrier_id(%barrier3A_51)
    %mul3A_52 = arith.constant 632 : i32
    %mul3A_53 = arith.muli %arg1, %mul3A_52 : i32
    %mul3A_54 = arith.constant 632 : i32
    %mul3A_55 = arith.muli %arg1, %mul3A_54 : i32
    "tpu.region"() ({
      %run_scoped3A_56 = tpu.sem_alloc : memref<!tpu.dma_semaphore, #tpu.memory_space<semaphore_mem>>
      %dma_start3A = arith.constant 0 : i32
      %dma_start3A_57 = arith.constant 0 : i32
      %dma_start3A_58 = tpu.memref_slice %arg4[%arg0, %dma_start3A, %dma_start3A_57] : memref<2x10112x128xf32, #tpu.memory_space<hbm>> -> memref<1x10112x128xf32, #tpu.memory_space<hbm>>
      %dma_start3A_59 = tpu.memref_squeeze %dma_start3A_58 : memref<1x10112x128xf32, #tpu.memory_space<hbm>> -> memref<10112x128xf32, #tpu.memory_space<hbm>>
      %dma_start3A_60 = arith.constant 0 : i32
      %dma_start3A_61 = tpu.memref_slice %dma_start3A_59[%mul3A_55, %dma_start3A_60] : memref<10112x128xf32, #tpu.memory_space<hbm>> -> memref<632x128xf32, #tpu.memory_space<hbm>>
      %dma_start3A_62 = arith.constant 0 : i32
      %dma_start3A_63 = tpu.memref_slice %arg9[%mul3A_53, %dma_start3A_62] : memref<10112x128xf32, #tpu.memory_space<vmem_shared>> -> memref<632x128xf32, #tpu.memory_space<vmem_shared>>
      tpu.enqueue_dma source(%dma_start3A_63 : memref<632x128xf32, #tpu.memory_space<vmem_shared>>) target(%dma_start3A_61 : memref<632x128xf32, #tpu.memory_space<hbm>>) target_semaphore(%run_scoped3A_56 : memref<!tpu.dma_semaphore, #tpu.memory_space<semaphore_mem>>)
      %dma_wait3A = arith.constant 0 : i32
      %dma_wait3A_64 = arith.constant 0 : i32
      %dma_wait3A_65 = tpu.memref_slice %arg4[%arg0, %dma_wait3A, %dma_wait3A_64] : memref<2x10112x128xf32, #tpu.memory_space<hbm>> -> memref<1x10112x128xf32, #tpu.memory_space<hbm>>
      %dma_wait3A_66 = tpu.memref_squeeze %dma_wait3A_65 : memref<1x10112x128xf32, #tpu.memory_space<hbm>> -> memref<10112x128xf32, #tpu.memory_space<hbm>>
      %dma_wait3A_67 = arith.constant 0 : i32
      %dma_wait3A_68 = tpu.memref_slice %dma_wait3A_66[%mul3A_55, %dma_wait3A_67] : memref<10112x128xf32, #tpu.memory_space<hbm>> -> memref<632x128xf32, #tpu.memory_space<hbm>>
      %dma_wait3A_69 = arith.constant 0 : i32
      %dma_wait3A_70 = tpu.memref_slice %arg9[%mul3A_53, %dma_wait3A_69] : memref<10112x128xf32, #tpu.memory_space<vmem_shared>> -> memref<632x128xf32, #tpu.memory_space<vmem_shared>>
      tpu.wait_dma2 semaphore(%run_scoped3A_56 : memref<!tpu.dma_semaphore, #tpu.memory_space<semaphore_mem>>) src(%dma_wait3A_70 : memref<632x128xf32, #tpu.memory_space<vmem_shared>>) dst(%dma_wait3A_68 : memref<632x128xf32, #tpu.memory_space<hbm>>)
      tpu.yield
    }) : () -> ()
    return
  }
}

#map = affine_map<(d0, d1) -> (0, 0)>
#map1 = affine_map<(d0, d1) -> (0, 0, 0)>
module attributes {stable_mosaic.version = 14 : i64} {
  func.func @_sc_edge_agg(%arg0: i32, %arg1: i32, %arg2: memref<10112x128xf32, #tpu.memory_space<hbm>>, %arg3: memref<32x120x128xi32, #tpu.memory_space<hbm>>, %arg4: memref<2x10112x128xf32, #tpu.memory_space<hbm>>, %arg5: memref<120x128xi32, #tpu.memory_space<vmem>>, %arg6: memref<2x128xi32, #tpu.memory_space<vmem>>, %arg7: memref<2x128xi32, #tpu.memory_space<vmem>>, %arg8: memref<2x128x128xf32, #tpu.memory_space<vmem>>, %arg9: memref<10112x128xf32, #tpu.memory_space<vmem_shared>>, %arg10: memref<2x!tpu.dma_semaphore, #tpu.memory_space<semaphore_mem>>) attributes {dimension_semantics = [#tpu.dimension_semantics<core_parallel>, #tpu.dimension_semantics<subcore_parallel>], iteration_bounds = array<i64: 2, 16>, scalar_prefetch = 0 : i64, scratch_operands = 6 : i64, tpu.core_type = #tpu.core_type<sc_vector_subcore>, window_params = [{transform_indices = #map}, {transform_indices = #map1}, {transform_indices = #map1}]} {
    %mul3A = arith.constant 16 : i32
    %mul3A_0 = arith.muli %arg0, %mul3A : i32
    %add3A = arith.addi %mul3A_0, %arg1 : i32
    %eq3A = arith.constant 0 : i32
    %eq3A_1 = arith.cmpi eq, %arg0, %eq3A : i32
    %jit3A = arith.constant 120 : i32
    %jit3A_2 = arith.constant 38 : i32
    %select_n3A = arith.select %eq3A_1, %jit3A, %jit3A_2 : i32
    "tpu.region"() ({
      %run_scoped3A_56 = tpu.sem_alloc : memref<!tpu.dma_semaphore, #tpu.memory_space<semaphore_mem>>
      %dma_start3A = arith.constant 0 : i32
      %dma_start3A_57 = arith.constant 0 : i32
      %dma_start3A_58 = tpu.memref_slice %arg3[%add3A, %dma_start3A, %dma_start3A_57] : memref<32x120x128xi32, #tpu.memory_space<hbm>> -> memref<1x120x128xi32, #tpu.memory_space<hbm>>
      %dma_start3A_59 = tpu.memref_squeeze %dma_start3A_58 : memref<1x120x128xi32, #tpu.memory_space<hbm>> -> memref<120x128xi32, #tpu.memory_space<hbm>>
      %dma_start3A_60 = arith.constant 0 : i32
      %dma_start3A_61 = arith.constant 0 : i32
      %dma_start3A_62 = tpu.memref_slice %arg3[%add3A, %dma_start3A_60, %dma_start3A_61] : memref<32x120x128xi32, #tpu.memory_space<hbm>> -> memref<1x120x128xi32, #tpu.memory_space<hbm>>
      %dma_start3A_63 = tpu.memref_squeeze %dma_start3A_62 : memref<1x120x128xi32, #tpu.memory_space<hbm>> -> memref<120x128xi32, #tpu.memory_space<hbm>>
      tpu.enqueue_dma source(%dma_start3A_63 : memref<120x128xi32, #tpu.memory_space<hbm>>) target(%arg5 : memref<120x128xi32, #tpu.memory_space<vmem>>) target_semaphore(%run_scoped3A_56 : memref<!tpu.dma_semaphore, #tpu.memory_space<semaphore_mem>>)
      %dma_wait3A = arith.constant 0 : i32
      %dma_wait3A_64 = arith.constant 0 : i32
      %dma_wait3A_65 = tpu.memref_slice %arg3[%add3A, %dma_wait3A, %dma_wait3A_64] : memref<32x120x128xi32, #tpu.memory_space<hbm>> -> memref<1x120x128xi32, #tpu.memory_space<hbm>>
      %dma_wait3A_66 = tpu.memref_squeeze %dma_wait3A_65 : memref<1x120x128xi32, #tpu.memory_space<hbm>> -> memref<120x128xi32, #tpu.memory_space<hbm>>
      %dma_wait3A_67 = arith.constant 0 : i32
      %dma_wait3A_68 = arith.constant 0 : i32
      %dma_wait3A_69 = tpu.memref_slice %arg3[%add3A, %dma_wait3A_67, %dma_wait3A_68] : memref<32x120x128xi32, #tpu.memory_space<hbm>> -> memref<1x120x128xi32, #tpu.memory_space<hbm>>
      %dma_wait3A_70 = tpu.memref_squeeze %dma_wait3A_69 : memref<1x120x128xi32, #tpu.memory_space<hbm>> -> memref<120x128xi32, #tpu.memory_space<hbm>>
      tpu.wait_dma2 semaphore(%run_scoped3A_56 : memref<!tpu.dma_semaphore, #tpu.memory_space<semaphore_mem>>) src(%dma_wait3A_70 : memref<120x128xi32, #tpu.memory_space<hbm>>) dst(%arg5 : memref<120x128xi32, #tpu.memory_space<vmem>>)
      tpu.yield
    }) : () -> ()
    %scan3A = arith.constant 0 : i32
    %scan3A_3 = arith.constant 0 : i32
    %scan3A_4 = arith.constant 1024 : i32
    %scan3A_5 = arith.addi %scan3A_3, %scan3A_4 : i32
    %scan3A_6 = arith.constant 1 : i32
    %scan3A_7 = scf.for %scan3A_56 = %scan3A_3 to %scan3A_5 step %scan3A_6 iter_args(%scan3A_57 = %scan3A) -> (i32)  : i32 {
      %broadcast_in_dim3A = arith.constant 0.000000e+00 : f32
      %broadcast_in_dim3A_58 = vector.broadcast %broadcast_in_dim3A : f32 to vector<16xf32>
      %jit3A_59 = arith.constant 8 : i32
      %div3A = arith.divsi %scan3A_56, %jit3A_59 : i32
      %sign3A = arith.constant 0 : i32
      %sign3A_60 = arith.cmpi sgt, %scan3A_56, %sign3A : i32
      %sign3A_61 = arith.extui %sign3A_60 : i1 to i32
      %sign3A_62 = arith.constant 0 : i32
      %sign3A_63 = arith.cmpi slt, %scan3A_56, %sign3A_62 : i32
      %sign3A_64 = arith.extui %sign3A_63 : i1 to i32
      %sign3A_65 = arith.subi %sign3A_61, %sign3A_64 : i32
      %sign3A_66 = arith.constant 0 : i32
      %sign3A_67 = arith.cmpi sgt, %jit3A_59, %sign3A_66 : i32
      %sign3A_68 = arith.extui %sign3A_67 : i1 to i32
      %sign3A_69 = arith.constant 0 : i32
      %sign3A_70 = arith.cmpi slt, %jit3A_59, %sign3A_69 : i32
      %sign3A_71 = arith.extui %sign3A_70 : i1 to i32
      %sign3A_72 = arith.subi %sign3A_68, %sign3A_71 : i32
      %ne3A = arith.cmpi ne, %sign3A_65, %sign3A_72 : i32
      %rem3A = arith.remsi %scan3A_56, %jit3A_59 : i32
      %ne3A_73 = arith.constant 0 : i32
      %ne3A_74 = arith.cmpi ne, %rem3A, %ne3A_73 : i32
      %and3A = arith.andi %ne3A, %ne3A_74 : i1
      %sub3A = arith.constant 1 : i32
      %sub3A_75 = arith.subi %div3A, %sub3A : i32
      %select_n3A_76 = arith.select %and3A, %sub3A_75, %div3A : i32
      %jit3A_77 = arith.constant 8 : i32
      %eq3A_78 = arith.constant 0 : i32
      %eq3A_79 = arith.cmpi eq, %jit3A_77, %eq3A_78 : i32
      %jit3A_80 = arith.constant 1 : i32
      %select_n3A_81 = arith.select %eq3A_79, %jit3A_80, %jit3A_77 : i32
      %rem3A_82 = arith.remsi %scan3A_56, %select_n3A_81 : i32
      %ne3A_83 = arith.constant 0 : i32
      %ne3A_84 = arith.cmpi ne, %rem3A_82, %ne3A_83 : i32
      %lt3A = arith.constant 0 : i32
      %lt3A_85 = arith.cmpi slt, %rem3A_82, %lt3A : i32
      %lt3A_86 = arith.constant 0 : i32
      %lt3A_87 = arith.cmpi slt, %select_n3A_81, %lt3A_86 : i32
      %ne3A_88 = arith.xori %lt3A_85, %lt3A_87 : i1
      %and3A_89 = arith.andi %ne3A_88, %ne3A_84 : i1
      %add3A_90 = arith.addi %rem3A_82, %select_n3A_81 : i32
      %select_n3A_91 = arith.select %and3A_89, %add3A_90, %rem3A_82 : i32
      %mul3A_92 = arith.constant 16 : i32
      %mul3A_93 = arith.muli %select_n3A_91, %mul3A_92 : i32
      %swap3A = arith.constant 0 : i32
      %swap3A_94 = arith.index_cast %swap3A : i32 to index
      %swap3A_95 = arith.index_cast %select_n3A_76 : i32 to index
      %swap3A_96 = arith.index_cast %mul3A_93 : i32 to index
      %swap3A_97 = tpu.vector_load %arg8[%swap3A_94, %swap3A_95, %swap3A_96] {strides = array<i32>} : memref<2x128x128xf32, #tpu.memory_space<vmem>>, vector<1x1x16xf32>,
      %swap3A_98 = vector.shape_cast %swap3A_97 : vector<1x1x16xf32> to vector<16xf32>
      %swap3A_99 = vector.shape_cast %broadcast_in_dim3A_58 : vector<16xf32> to vector<1x1x16xf32>
      tpu.vector_store %arg8[%swap3A_94, %swap3A_95, %swap3A_96], %swap3A_99 {strides = array<i32>} : memref<2x128x128xf32, #tpu.memory_space<vmem>>, vector<1x1x16xf32>,
      %scan3A_100 = arith.constant 0 : i32
      scf.yield %scan3A_100 : i32
    }
    %scan3A_8 = arith.constant 1024 : i32
    %mul3A_9 = arith.constant 632 : i32
    %mul3A_10 = arith.muli %arg1, %mul3A_9 : i32
    %add3A_11 = arith.constant 0 : i32
    %add3A_12 = arith.addi %mul3A_10, %add3A_11 : i32
    %run_scoped3A = arith.constant 0 : i32
    "tpu.region"() ({
      %run_scoped3A_56 = tpu.sem_alloc : memref<!tpu.dma_semaphore, #tpu.memory_space<semaphore_mem>>
      %dma_start3A = arith.constant 0 : i32
      %dma_start3A_57 = arith.constant 0 : i32
      %dma_start3A_58 = tpu.memref_slice %arg8[%run_scoped3A, %dma_start3A, %dma_start3A_57] : memref<2x128x128xf32, #tpu.memory_space<vmem>> -> memref<1x128x128xf32, #tpu.memory_space<vmem>>
      %dma_start3A_59 = tpu.memref_squeeze %dma_start3A_58 : memref<1x128x128xf32, #tpu.memory_space<vmem>> -> memref<128x128xf32, #tpu.memory_space<vmem>>
      %dma_start3A_60 = arith.constant 0 : i32
      %dma_start3A_61 = tpu.memref_slice %arg9[%add3A_12, %dma_start3A_60] : memref<10112x128xf32, #tpu.memory_space<vmem_shared>> -> memref<128x128xf32, #tpu.memory_space<vmem_shared>>
      %dma_start3A_62 = arith.constant 0 : i32
      %dma_start3A_63 = tpu.memref_slice %arg9[%add3A_12, %dma_start3A_62] : memref<10112x128xf32, #tpu.memory_space<vmem_shared>> -> memref<128x128xf32, #tpu.memory_space<vmem_shared>>
      %dma_start3A_64 = arith.constant 0 : i32
      %dma_start3A_65 = arith.constant 0 : i32
      %dma_start3A_66 = tpu.memref_slice %arg8[%run_scoped3A, %dma_start3A_64, %dma_start3A_65] : memref<2x128x128xf32, #tpu.memory_space<vmem>> -> memref<1x128x128xf32, #tpu.memory_space<vmem>>
      %dma_start3A_67 = tpu.memref_squeeze %dma_start3A_66 : memref<1x128x128xf32, #tpu.memory_space<vmem>> -> memref<128x128xf32, #tpu.memory_space<vmem>>
      tpu.enqueue_dma source(%dma_start3A_67 : memref<128x128xf32, #tpu.memory_space<vmem>>) target(%dma_start3A_63 : memref<128x128xf32, #tpu.memory_space<vmem_shared>>) target_semaphore(%run_scoped3A_56 : memref<!tpu.dma_semaphore, #tpu.memory_space<semaphore_mem>>)
      %dma_wait3A = arith.constant 0 : i32
      %dma_wait3A_68 = arith.constant 0 : i32
      %dma_wait3A_69 = tpu.memref_slice %arg8[%run_scoped3A, %dma_wait3A, %dma_wait3A_68] : memref<2x128x128xf32, #tpu.memory_space<vmem>> -> memref<1x128x128xf32, #tpu.memory_space<vmem>>
      %dma_wait3A_70 = tpu.memref_squeeze %dma_wait3A_69 : memref<1x128x128xf32, #tpu.memory_space<vmem>> -> memref<128x128xf32, #tpu.memory_space<vmem>>
      %dma_wait3A_71 = arith.constant 0 : i32
      %dma_wait3A_72 = tpu.memref_slice %arg9[%add3A_12, %dma_wait3A_71] : memref<10112x128xf32, #tpu.memory_space<vmem_shared>> -> memref<128x128xf32, #tpu.memory_space<vmem_shared>>
      %dma_wait3A_73 = arith.constant 0 : i32
      %dma_wait3A_74 = tpu.memref_slice %arg9[%add3A_12, %dma_wait3A_73] : memref<10112x128xf32, #tpu.memory_space<vmem_shared>> -> memref<128x128xf32, #tpu.memory_space<vmem_shared>>
      %dma_wait3A_75 = arith.constant 0 : i32
      %dma_wait3A_76 = arith.constant 0 : i32
      %dma_wait3A_77 = tpu.memref_slice %arg8[%run_scoped3A, %dma_wait3A_75, %dma_wait3A_76] : memref<2x128x128xf32, #tpu.memory_space<vmem>> -> memref<1x128x128xf32, #tpu.memory_space<vmem>>
      %dma_wait3A_78 = tpu.memref_squeeze %dma_wait3A_77 : memref<1x128x128xf32, #tpu.memory_space<vmem>> -> memref<128x128xf32, #tpu.memory_space<vmem>>
      tpu.wait_dma2 semaphore(%run_scoped3A_56 : memref<!tpu.dma_semaphore, #tpu.memory_space<semaphore_mem>>) src(%dma_wait3A_78 : memref<128x128xf32, #tpu.memory_space<vmem>>) dst(%dma_wait3A_74 : memref<128x128xf32, #tpu.memory_space<vmem_shared>>)
      tpu.yield
    }) : () -> ()
    %mul3A_13 = arith.constant 632 : i32
    %mul3A_14 = arith.muli %arg1, %mul3A_13 : i32
    %add3A_15 = arith.constant 128 : i32
    %add3A_16 = arith.addi %mul3A_14, %add3A_15 : i32
    %run_scoped3A_17 = arith.constant 0 : i32
    "tpu.region"() ({
      %run_scoped3A_56 = tpu.sem_alloc : memref<!tpu.dma_semaphore, #tpu.memory_space<semaphore_mem>>
      %dma_start3A = arith.constant 0 : i32
      %dma_start3A_57 = arith.constant 0 : i32
      %dma_start3A_58 = tpu.memref_slice %arg8[%run_scoped3A_17, %dma_start3A, %dma_start3A_57] : memref<2x128x128xf32, #tpu.memory_space<vmem>> -> memref<1x128x128xf32, #tpu.memory_space<vmem>>
      %dma_start3A_59 = tpu.memref_squeeze %dma_start3A_58 : memref<1x128x128xf32, #tpu.memory_space<vmem>> -> memref<128x128xf32, #tpu.memory_space<vmem>>
      %dma_start3A_60 = arith.constant 0 : i32
      %dma_start3A_61 = tpu.memref_slice %arg9[%add3A_16, %dma_start3A_60] : memref<10112x128xf32, #tpu.memory_space<vmem_shared>> -> memref<128x128xf32, #tpu.memory_space<vmem_shared>>
      %dma_start3A_62 = arith.constant 0 : i32
      %dma_start3A_63 = tpu.memref_slice %arg9[%add3A_16, %dma_start3A_62] : memref<10112x128xf32, #tpu.memory_space<vmem_shared>> -> memref<128x128xf32, #tpu.memory_space<vmem_shared>>
      %dma_start3A_64 = arith.constant 0 : i32
      %dma_start3A_65 = arith.constant 0 : i32
      %dma_start3A_66 = tpu.memref_slice %arg8[%run_scoped3A_17, %dma_start3A_64, %dma_start3A_65] : memref<2x128x128xf32, #tpu.memory_space<vmem>> -> memref<1x128x128xf32, #tpu.memory_space<vmem>>
      %dma_start3A_67 = tpu.memref_squeeze %dma_start3A_66 : memref<1x128x128xf32, #tpu.memory_space<vmem>> -> memref<128x128xf32, #tpu.memory_space<vmem>>
      tpu.enqueue_dma source(%dma_start3A_67 : memref<128x128xf32, #tpu.memory_space<vmem>>) target(%dma_start3A_63 : memref<128x128xf32, #tpu.memory_space<vmem_shared>>) target_semaphore(%run_scoped3A_56 : memref<!tpu.dma_semaphore, #tpu.memory_space<semaphore_mem>>)
      %dma_wait3A = arith.constant 0 : i32
      %dma_wait3A_68 = arith.constant 0 : i32
      %dma_wait3A_69 = tpu.memref_slice %arg8[%run_scoped3A_17, %dma_wait3A, %dma_wait3A_68] : memref<2x128x128xf32, #tpu.memory_space<vmem>> -> memref<1x128x128xf32, #tpu.memory_space<vmem>>
      %dma_wait3A_70 = tpu.memref_squeeze %dma_wait3A_69 : memref<1x128x128xf32, #tpu.memory_space<vmem>> -> memref<128x128xf32, #tpu.memory_space<vmem>>
      %dma_wait3A_71 = arith.constant 0 : i32
      %dma_wait3A_72 = tpu.memref_slice %arg9[%add3A_16, %dma_wait3A_71] : memref<10112x128xf32, #tpu.memory_space<vmem_shared>> -> memref<128x128xf32, #tpu.memory_space<vmem_shared>>
      %dma_wait3A_73 = arith.constant 0 : i32
      %dma_wait3A_74 = tpu.memref_slice %arg9[%add3A_16, %dma_wait3A_73] : memref<10112x128xf32, #tpu.memory_space<vmem_shared>> -> memref<128x128xf32, #tpu.memory_space<vmem_shared>>
      %dma_wait3A_75 = arith.constant 0 : i32
      %dma_wait3A_76 = arith.constant 0 : i32
      %dma_wait3A_77 = tpu.memref_slice %arg8[%run_scoped3A_17, %dma_wait3A_75, %dma_wait3A_76] : memref<2x128x128xf32, #tpu.memory_space<vmem>> -> memref<1x128x128xf32, #tpu.memory_space<vmem>>
      %dma_wait3A_78 = tpu.memref_squeeze %dma_wait3A_77 : memref<1x128x128xf32, #tpu.memory_space<vmem>> -> memref<128x128xf32, #tpu.memory_space<vmem>>
      tpu.wait_dma2 semaphore(%run_scoped3A_56 : memref<!tpu.dma_semaphore, #tpu.memory_space<semaphore_mem>>) src(%dma_wait3A_78 : memref<128x128xf32, #tpu.memory_space<vmem>>) dst(%dma_wait3A_74 : memref<128x128xf32, #tpu.memory_space<vmem_shared>>)
      tpu.yield
    }) : () -> ()
    %mul3A_18 = arith.constant 632 : i32
    %mul3A_19 = arith.muli %arg1, %mul3A_18 : i32
    %add3A_20 = arith.constant 256 : i32
    %add3A_21 = arith.addi %mul3A_19, %add3A_20 : i32
    %run_scoped3A_22 = arith.constant 0 : i32
    "tpu.region"() ({
      %run_scoped3A_56 = tpu.sem_alloc : memref<!tpu.dma_semaphore, #tpu.memory_space<semaphore_mem>>
      %dma_start3A = arith.constant 0 : i32
      %dma_start3A_57 = arith.constant 0 : i32
      %dma_start3A_58 = tpu.memref_slice %arg8[%run_scoped3A_22, %dma_start3A, %dma_start3A_57] : memref<2x128x128xf32, #tpu.memory_space<vmem>> -> memref<1x128x128xf32, #tpu.memory_space<vmem>>
      %dma_start3A_59 = tpu.memref_squeeze %dma_start3A_58 : memref<1x128x128xf32, #tpu.memory_space<vmem>> -> memref<128x128xf32, #tpu.memory_space<vmem>>
      %dma_start3A_60 = arith.constant 0 : i32
      %dma_start3A_61 = tpu.memref_slice %arg9[%add3A_21, %dma_start3A_60] : memref<10112x128xf32, #tpu.memory_space<vmem_shared>> -> memref<128x128xf32, #tpu.memory_space<vmem_shared>>
      %dma_start3A_62 = arith.constant 0 : i32
      %dma_start3A_63 = tpu.memref_slice %arg9[%add3A_21, %dma_start3A_62] : memref<10112x128xf32, #tpu.memory_space<vmem_shared>> -> memref<128x128xf32, #tpu.memory_space<vmem_shared>>
      %dma_start3A_64 = arith.constant 0 : i32
      %dma_start3A_65 = arith.constant 0 : i32
      %dma_start3A_66 = tpu.memref_slice %arg8[%run_scoped3A_22, %dma_start3A_64, %dma_start3A_65] : memref<2x128x128xf32, #tpu.memory_space<vmem>> -> memref<1x128x128xf32, #tpu.memory_space<vmem>>
      %dma_start3A_67 = tpu.memref_squeeze %dma_start3A_66 : memref<1x128x128xf32, #tpu.memory_space<vmem>> -> memref<128x128xf32, #tpu.memory_space<vmem>>
      tpu.enqueue_dma source(%dma_start3A_67 : memref<128x128xf32, #tpu.memory_space<vmem>>) target(%dma_start3A_63 : memref<128x128xf32, #tpu.memory_space<vmem_shared>>) target_semaphore(%run_scoped3A_56 : memref<!tpu.dma_semaphore, #tpu.memory_space<semaphore_mem>>)
      %dma_wait3A = arith.constant 0 : i32
      %dma_wait3A_68 = arith.constant 0 : i32
      %dma_wait3A_69 = tpu.memref_slice %arg8[%run_scoped3A_22, %dma_wait3A, %dma_wait3A_68] : memref<2x128x128xf32, #tpu.memory_space<vmem>> -> memref<1x128x128xf32, #tpu.memory_space<vmem>>
      %dma_wait3A_70 = tpu.memref_squeeze %dma_wait3A_69 : memref<1x128x128xf32, #tpu.memory_space<vmem>> -> memref<128x128xf32, #tpu.memory_space<vmem>>
      %dma_wait3A_71 = arith.constant 0 : i32
      %dma_wait3A_72 = tpu.memref_slice %arg9[%add3A_21, %dma_wait3A_71] : memref<10112x128xf32, #tpu.memory_space<vmem_shared>> -> memref<128x128xf32, #tpu.memory_space<vmem_shared>>
      %dma_wait3A_73 = arith.constant 0 : i32
      %dma_wait3A_74 = tpu.memref_slice %arg9[%add3A_21, %dma_wait3A_73] : memref<10112x128xf32, #tpu.memory_space<vmem_shared>> -> memref<128x128xf32, #tpu.memory_space<vmem_shared>>
      %dma_wait3A_75 = arith.constant 0 : i32
      %dma_wait3A_76 = arith.constant 0 : i32
      %dma_wait3A_77 = tpu.memref_slice %arg8[%run_scoped3A_22, %dma_wait3A_75, %dma_wait3A_76] : memref<2x128x128xf32, #tpu.memory_space<vmem>> -> memref<1x128x128xf32, #tpu.memory_space<vmem>>
      %dma_wait3A_78 = tpu.memref_squeeze %dma_wait3A_77 : memref<1x128x128xf32, #tpu.memory_space<vmem>> -> memref<128x128xf32, #tpu.memory_space<vmem>>
      tpu.wait_dma2 semaphore(%run_scoped3A_56 : memref<!tpu.dma_semaphore, #tpu.memory_space<semaphore_mem>>) src(%dma_wait3A_78 : memref<128x128xf32, #tpu.memory_space<vmem>>) dst(%dma_wait3A_74 : memref<128x128xf32, #tpu.memory_space<vmem_shared>>)
      tpu.yield
    }) : () -> ()
    %mul3A_23 = arith.constant 632 : i32
    %mul3A_24 = arith.muli %arg1, %mul3A_23 : i32
    %add3A_25 = arith.constant 384 : i32
    %add3A_26 = arith.addi %mul3A_24, %add3A_25 : i32
    %run_scoped3A_27 = arith.constant 0 : i32
    "tpu.region"() ({
      %run_scoped3A_56 = tpu.sem_alloc : memref<!tpu.dma_semaphore, #tpu.memory_space<semaphore_mem>>
      %dma_start3A = arith.constant 0 : i32
      %dma_start3A_57 = arith.constant 0 : i32
      %dma_start3A_58 = tpu.memref_slice %arg8[%run_scoped3A_27, %dma_start3A, %dma_start3A_57] : memref<2x128x128xf32, #tpu.memory_space<vmem>> -> memref<1x128x128xf32, #tpu.memory_space<vmem>>
      %dma_start3A_59 = tpu.memref_squeeze %dma_start3A_58 : memref<1x128x128xf32, #tpu.memory_space<vmem>> -> memref<128x128xf32, #tpu.memory_space<vmem>>
      %dma_start3A_60 = arith.constant 0 : i32
      %dma_start3A_61 = tpu.memref_slice %arg9[%add3A_26, %dma_start3A_60] : memref<10112x128xf32, #tpu.memory_space<vmem_shared>> -> memref<128x128xf32, #tpu.memory_space<vmem_shared>>
      %dma_start3A_62 = arith.constant 0 : i32
      %dma_start3A_63 = tpu.memref_slice %arg9[%add3A_26, %dma_start3A_62] : memref<10112x128xf32, #tpu.memory_space<vmem_shared>> -> memref<128x128xf32, #tpu.memory_space<vmem_shared>>
      %dma_start3A_64 = arith.constant 0 : i32
      %dma_start3A_65 = arith.constant 0 : i32
      %dma_start3A_66 = tpu.memref_slice %arg8[%run_scoped3A_27, %dma_start3A_64, %dma_start3A_65] : memref<2x128x128xf32, #tpu.memory_space<vmem>> -> memref<1x128x128xf32, #tpu.memory_space<vmem>>
      %dma_start3A_67 = tpu.memref_squeeze %dma_start3A_66 : memref<1x128x128xf32, #tpu.memory_space<vmem>> -> memref<128x128xf32, #tpu.memory_space<vmem>>
      tpu.enqueue_dma source(%dma_start3A_67 : memref<128x128xf32, #tpu.memory_space<vmem>>) target(%dma_start3A_63 : memref<128x128xf32, #tpu.memory_space<vmem_shared>>) target_semaphore(%run_scoped3A_56 : memref<!tpu.dma_semaphore, #tpu.memory_space<semaphore_mem>>)
      %dma_wait3A = arith.constant 0 : i32
      %dma_wait3A_68 = arith.constant 0 : i32
      %dma_wait3A_69 = tpu.memref_slice %arg8[%run_scoped3A_27, %dma_wait3A, %dma_wait3A_68] : memref<2x128x128xf32, #tpu.memory_space<vmem>> -> memref<1x128x128xf32, #tpu.memory_space<vmem>>
      %dma_wait3A_70 = tpu.memref_squeeze %dma_wait3A_69 : memref<1x128x128xf32, #tpu.memory_space<vmem>> -> memref<128x128xf32, #tpu.memory_space<vmem>>
      %dma_wait3A_71 = arith.constant 0 : i32
      %dma_wait3A_72 = tpu.memref_slice %arg9[%add3A_26, %dma_wait3A_71] : memref<10112x128xf32, #tpu.memory_space<vmem_shared>> -> memref<128x128xf32, #tpu.memory_space<vmem_shared>>
      %dma_wait3A_73 = arith.constant 0 : i32
      %dma_wait3A_74 = tpu.memref_slice %arg9[%add3A_26, %dma_wait3A_73] : memref<10112x128xf32, #tpu.memory_space<vmem_shared>> -> memref<128x128xf32, #tpu.memory_space<vmem_shared>>
      %dma_wait3A_75 = arith.constant 0 : i32
      %dma_wait3A_76 = arith.constant 0 : i32
      %dma_wait3A_77 = tpu.memref_slice %arg8[%run_scoped3A_27, %dma_wait3A_75, %dma_wait3A_76] : memref<2x128x128xf32, #tpu.memory_space<vmem>> -> memref<1x128x128xf32, #tpu.memory_space<vmem>>
      %dma_wait3A_78 = tpu.memref_squeeze %dma_wait3A_77 : memref<1x128x128xf32, #tpu.memory_space<vmem>> -> memref<128x128xf32, #tpu.memory_space<vmem>>
      tpu.wait_dma2 semaphore(%run_scoped3A_56 : memref<!tpu.dma_semaphore, #tpu.memory_space<semaphore_mem>>) src(%dma_wait3A_78 : memref<128x128xf32, #tpu.memory_space<vmem>>) dst(%dma_wait3A_74 : memref<128x128xf32, #tpu.memory_space<vmem_shared>>)
      tpu.yield
    }) : () -> ()
    %mul3A_28 = arith.constant 632 : i32
    %mul3A_29 = arith.muli %arg1, %mul3A_28 : i32
    %add3A_30 = arith.constant 512 : i32
    %add3A_31 = arith.addi %mul3A_29, %add3A_30 : i32
    %run_scoped3A_32 = arith.constant 0 : i32
    "tpu.region"() ({
      %run_scoped3A_56 = tpu.sem_alloc : memref<!tpu.dma_semaphore, #tpu.memory_space<semaphore_mem>>
      %dma_start3A = arith.constant 0 : i32
      %dma_start3A_57 = arith.constant 0 : i32
      %dma_start3A_58 = tpu.memref_slice %arg8[%run_scoped3A_32, %dma_start3A, %dma_start3A_57] : memref<2x128x128xf32, #tpu.memory_space<vmem>> -> memref<1x128x128xf32, #tpu.memory_space<vmem>>
      %dma_start3A_59 = tpu.memref_squeeze %dma_start3A_58 : memref<1x128x128xf32, #tpu.memory_space<vmem>> -> memref<128x128xf32, #tpu.memory_space<vmem>>
      %dma_start3A_60 = arith.constant 0 : i32
      %dma_start3A_61 = arith.constant 0 : i32
      %dma_start3A_62 = tpu.memref_slice %dma_start3A_59[%dma_start3A_60, %dma_start3A_61] : memref<128x128xf32, #tpu.memory_space<vmem>> -> memref<120x128xf32, #tpu.memory_space<vmem>>
      %dma_start3A_63 = arith.constant 0 : i32
      %dma_start3A_64 = tpu.memref_slice %arg9[%add3A_31, %dma_start3A_63] : memref<10112x128xf32, #tpu.memory_space<vmem_shared>> -> memref<120x128xf32, #tpu.memory_space<vmem_shared>>
      %dma_start3A_65 = arith.constant 0 : i32
      %dma_start3A_66 = tpu.memref_slice %arg9[%add3A_31, %dma_start3A_65] : memref<10112x128xf32, #tpu.memory_space<vmem_shared>> -> memref<120x128xf32, #tpu.memory_space<vmem_shared>>
      %dma_start3A_67 = arith.constant 0 : i32
      %dma_start3A_68 = arith.constant 0 : i32
      %dma_start3A_69 = tpu.memref_slice %arg8[%run_scoped3A_32, %dma_start3A_67, %dma_start3A_68] : memref<2x128x128xf32, #tpu.memory_space<vmem>> -> memref<1x128x128xf32, #tpu.memory_space<vmem>>
      %dma_start3A_70 = tpu.memref_squeeze %dma_start3A_69 : memref<1x128x128xf32, #tpu.memory_space<vmem>> -> memref<128x128xf32, #tpu.memory_space<vmem>>
      %dma_start3A_71 = arith.constant 0 : i32
      %dma_start3A_72 = arith.constant 0 : i32
      %dma_start3A_73 = tpu.memref_slice %dma_start3A_70[%dma_start3A_71, %dma_start3A_72] : memref<128x128xf32, #tpu.memory_space<vmem>> -> memref<120x128xf32, #tpu.memory_space<vmem>>
      tpu.enqueue_dma source(%dma_start3A_73 : memref<120x128xf32, #tpu.memory_space<vmem>>) target(%dma_start3A_66 : memref<120x128xf32, #tpu.memory_space<vmem_shared>>) target_semaphore(%run_scoped3A_56 : memref<!tpu.dma_semaphore, #tpu.memory_space<semaphore_mem>>)
      %dma_wait3A = arith.constant 0 : i32
      %dma_wait3A_74 = arith.constant 0 : i32
      %dma_wait3A_75 = tpu.memref_slice %arg8[%run_scoped3A_32, %dma_wait3A, %dma_wait3A_74] : memref<2x128x128xf32, #tpu.memory_space<vmem>> -> memref<1x128x128xf32, #tpu.memory_space<vmem>>
      %dma_wait3A_76 = tpu.memref_squeeze %dma_wait3A_75 : memref<1x128x128xf32, #tpu.memory_space<vmem>> -> memref<128x128xf32, #tpu.memory_space<vmem>>
      %dma_wait3A_77 = arith.constant 0 : i32
      %dma_wait3A_78 = arith.constant 0 : i32
      %dma_wait3A_79 = tpu.memref_slice %dma_wait3A_76[%dma_wait3A_77, %dma_wait3A_78] : memref<128x128xf32, #tpu.memory_space<vmem>> -> memref<120x128xf32, #tpu.memory_space<vmem>>
      %dma_wait3A_80 = arith.constant 0 : i32
      %dma_wait3A_81 = tpu.memref_slice %arg9[%add3A_31, %dma_wait3A_80] : memref<10112x128xf32, #tpu.memory_space<vmem_shared>> -> memref<120x128xf32, #tpu.memory_space<vmem_shared>>
      %dma_wait3A_82 = arith.constant 0 : i32
      %dma_wait3A_83 = tpu.memref_slice %arg9[%add3A_31, %dma_wait3A_82] : memref<10112x128xf32, #tpu.memory_space<vmem_shared>> -> memref<120x128xf32, #tpu.memory_space<vmem_shared>>
      %dma_wait3A_84 = arith.constant 0 : i32
      %dma_wait3A_85 = arith.constant 0 : i32
      %dma_wait3A_86 = tpu.memref_slice %arg8[%run_scoped3A_32, %dma_wait3A_84, %dma_wait3A_85] : memref<2x128x128xf32, #tpu.memory_space<vmem>> -> memref<1x128x128xf32, #tpu.memory_space<vmem>>
      %dma_wait3A_87 = tpu.memref_squeeze %dma_wait3A_86 : memref<1x128x128xf32, #tpu.memory_space<vmem>> -> memref<128x128xf32, #tpu.memory_space<vmem>>
      %dma_wait3A_88 = arith.constant 0 : i32
      %dma_wait3A_89 = arith.constant 0 : i32
      %dma_wait3A_90 = tpu.memref_slice %dma_wait3A_87[%dma_wait3A_88, %dma_wait3A_89] : memref<128x128xf32, #tpu.memory_space<vmem>> -> memref<120x128xf32, #tpu.memory_space<vmem>>
      tpu.wait_dma2 semaphore(%run_scoped3A_56 : memref<!tpu.dma_semaphore, #tpu.memory_space<semaphore_mem>>) src(%dma_wait3A_90 : memref<120x128xf32, #tpu.memory_space<vmem>>) dst(%dma_wait3A_83 : memref<120x128xf32, #tpu.memory_space<vmem_shared>>)
      tpu.yield
    }) : () -> ()
    %barrier3A = arith.constant 0 : index
    tpu.barrier barrier_id(%barrier3A)
    %scan3A_33 = arith.constant 0 : i32
    %scan3A_34 = arith.constant 0 : i32
    %scan3A_35 = arith.constant 2 : i32
    %scan3A_36 = arith.addi %scan3A_34, %scan3A_35 : i32
    %scan3A_37 = arith.constant 1 : i32
    %scan3A_38 = scf.for %scan3A_56 = %scan3A_34 to %scan3A_36 step %scan3A_37 iter_args(%scan3A_57 = %scan3A_33) -> (i32)  : i32 {
      %scan3A_58 = arith.constant 0 : i32
      %scan3A_59 = arith.constant 0 : i32
      %scan3A_60 = arith.constant 8 : i32
      %scan3A_61 = arith.addi %scan3A_59, %scan3A_60 : i32
      %scan3A_62 = arith.constant 1 : i32
      %scan3A_63 = scf.for %scan3A_77 = %scan3A_59 to %scan3A_61 step %scan3A_62 iter_args(%scan3A_78 = %scan3A_58) -> (i32)  : i32 {
        %mul3A_79 = arith.constant 16 : i32
        %mul3A_80 = arith.muli %scan3A_77, %mul3A_79 : i32
        %get3A = arith.index_cast %scan3A_56 : i32 to index
        %get3A_81 = arith.index_cast %mul3A_80 : i32 to index
        %get3A_82 = tpu.vector_load %arg5[%get3A, %get3A_81] {strides = array<i32>} : memref<120x128xi32, #tpu.memory_space<vmem>>, vector<1x16xi32>,
        %get3A_83 = vector.shape_cast %get3A_82 : vector<1x16xi32> to vector<16xi32>
        %and3A = arith.constant 65535 : i32
        %and3A_84 = vector.broadcast %and3A : i32 to vector<16xi32>
        %and3A_85 = arith.andi %get3A_83, %and3A_84 : vector<16xi32>
        %mul3A_86 = arith.constant 16 : i32
        %mul3A_87 = arith.muli %scan3A_77, %mul3A_86 : i32
        %swap3A = arith.index_cast %scan3A_56 : i32 to index
        %swap3A_88 = arith.index_cast %mul3A_87 : i32 to index
        %swap3A_89 = tpu.vector_load %arg6[%swap3A, %swap3A_88] {strides = array<i32>} : memref<2x128xi32, #tpu.memory_space<vmem>>, vector<1x16xi32>,
        %swap3A_90 = vector.shape_cast %swap3A_89 : vector<1x16xi32> to vector<16xi32>
        %swap3A_91 = vector.shape_cast %and3A_85 : vector<16xi32> to vector<1x16xi32>
        tpu.vector_store %arg6[%swap3A, %swap3A_88], %swap3A_91 {strides = array<i32>} : memref<2x128xi32, #tpu.memory_space<vmem>>, vector<1x16xi32>,
        %shift_right_logical3A = arith.constant 16 : i32
        %shift_right_logical3A_92 = vector.broadcast %shift_right_logical3A : i32 to vector<16xi32>
        %shift_right_logical3A_93 = arith.shrui %get3A_83, %shift_right_logical3A_92 : vector<16xi32>
        %mul3A_94 = arith.constant 16 : i32
        %mul3A_95 = arith.muli %scan3A_77, %mul3A_94 : i32
        %swap3A_96 = arith.index_cast %scan3A_56 : i32 to index
        %swap3A_97 = arith.index_cast %mul3A_95 : i32 to index
        %swap3A_98 = tpu.vector_load %arg7[%swap3A_96, %swap3A_97] {strides = array<i32>} : memref<2x128xi32, #tpu.memory_space<vmem>>, vector<1x16xi32>,
        %swap3A_99 = vector.shape_cast %swap3A_98 : vector<1x16xi32> to vector<16xi32>
        %swap3A_100 = vector.shape_cast %shift_right_logical3A_93 : vector<16xi32> to vector<1x16xi32>
        tpu.vector_store %arg7[%swap3A_96, %swap3A_97], %swap3A_100 {strides = array<i32>} : memref<2x128xi32, #tpu.memory_space<vmem>>, vector<1x16xi32>,
        %scan3A_101 = arith.constant 0 : i32
        scf.yield %scan3A_101 : i32
      }
      %scan3A_64 = arith.constant 8 : i32
      %dma_start3A = arith.constant 0 : i32
      %dma_start3A_65 = arith.constant 0 : i32
      %dma_start3A_66 = tpu.memref_slice %arg8[%scan3A_56, %dma_start3A, %dma_start3A_65] : memref<2x128x128xf32, #tpu.memory_space<vmem>> -> memref<1x128x128xf32, #tpu.memory_space<vmem>>
      %dma_start3A_67 = tpu.memref_squeeze %dma_start3A_66 : memref<1x128x128xf32, #tpu.memory_space<vmem>> -> memref<128x128xf32, #tpu.memory_space<vmem>>
      %dma_start3A_68 = arith.constant 0 : i32
      %dma_start3A_69 = tpu.memref_slice %arg6[%scan3A_56, %dma_start3A_68] : memref<2x128xi32, #tpu.memory_space<vmem>> -> memref<1x128xi32, #tpu.memory_space<vmem>>
      %dma_start3A_70 = tpu.memref_squeeze %dma_start3A_69 : memref<1x128xi32, #tpu.memory_space<vmem>> -> memref<128xi32, #tpu.memory_space<vmem>>
      %dma_start3A_71 = arith.constant 0 : i32
      %dma_start3A_72 = arith.constant 0 : i32
      %dma_start3A_73 = tpu.memref_slice %arg2[%dma_start3A_71, %dma_start3A_72] : memref<10112x128xf32, #tpu.memory_space<hbm>> -> memref<10112x128xf32, #tpu.memory_space<hbm>>
      %dma_start3A_74 = tpu.memref_slice %arg10[%scan3A_56] : memref<2x!tpu.dma_semaphore, #tpu.memory_space<semaphore_mem>> -> memref<1x!tpu.dma_semaphore, #tpu.memory_space<semaphore_mem>>
      %dma_start3A_75 = tpu.memref_squeeze %dma_start3A_74 : memref<1x!tpu.dma_semaphore, #tpu.memory_space<semaphore_mem>> -> memref<!tpu.dma_semaphore, #tpu.memory_space<semaphore_mem>>
      tpu.enqueue_indirect_dma source(%dma_start3A_73 : memref<10112x128xf32, #tpu.memory_space<hbm>>) target(%dma_start3A_67 : memref<128x128xf32, #tpu.memory_space<vmem>>) offsets(%dma_start3A_70 : memref<128xi32, #tpu.memory_space<vmem>>) semaphore(%dma_start3A_75 : memref<!tpu.dma_semaphore, #tpu.memory_space<semaphore_mem>>)
      %scan3A_76 = arith.constant 0 : i32
      scf.yield %scan3A_76 : i32
    }
    %scan3A_39 = arith.constant 2 : i32
    %while3A = arith.constant 0 : i32
    %while3A_40 = arith.constant 0 : i32
    %while3A_41 = arith.subi %select_n3A, %while3A : i32
    %while3A_42 = arith.addi %while3A, %while3A_41 : i32
    %while3A_43 = arith.constant 1 : i32
    %while3A_44 = arith.divsi %while3A_41, %while3A_43 : i32
    %while3A_45 = arith.muli %while3A_44, %while3A_43 : i32
    %while3A_46 = arith.addi %while3A, %while3A_45 : i32
    %while3A_47 = arith.constant 1 : i32
    %while3A_48 = scf.for %while3A_56 = %while3A to %while3A_46 step %while3A_47 iter_args(%while3A_57 = %while3A_40) -> (i32)  : i32 {
      %rem3A = arith.constant 2 : i32
      %rem3A_58 = arith.remsi %while3A_56, %rem3A : i32
      %dma_wait3A = arith.constant 0 : i32
      %dma_wait3A_59 = arith.constant 0 : i32
      %dma_wait3A_60 = tpu.memref_slice %arg8[%rem3A_58, %dma_wait3A, %dma_wait3A_59] : memref<2x128x128xf32, #tpu.memory_space<vmem>> -> memref<1x128x128xf32, #tpu.memory_space<vmem>>
      %dma_wait3A_61 = tpu.memref_squeeze %dma_wait3A_60 : memref<1x128x128xf32, #tpu.memory_space<vmem>> -> memref<128x128xf32, #tpu.memory_space<vmem>>
      %dma_wait3A_62 = arith.constant 0 : i32
      %dma_wait3A_63 = tpu.memref_slice %arg6[%rem3A_58, %dma_wait3A_62] : memref<2x128xi32, #tpu.memory_space<vmem>> -> memref<1x128xi32, #tpu.memory_space<vmem>>
      %dma_wait3A_64 = tpu.memref_squeeze %dma_wait3A_63 : memref<1x128xi32, #tpu.memory_space<vmem>> -> memref<128xi32, #tpu.memory_space<vmem>>
      %dma_wait3A_65 = arith.constant 0 : i32
      %dma_wait3A_66 = arith.constant 0 : i32
      %dma_wait3A_67 = tpu.memref_slice %arg2[%dma_wait3A_65, %dma_wait3A_66] : memref<10112x128xf32, #tpu.memory_space<hbm>> -> memref<10112x128xf32, #tpu.memory_space<hbm>>
      %dma_wait3A_68 = tpu.memref_slice %arg10[%rem3A_58] : memref<2x!tpu.dma_semaphore, #tpu.memory_space<semaphore_mem>> -> memref<1x!tpu.dma_semaphore, #tpu.memory_space<semaphore_mem>>
      %dma_wait3A_69 = tpu.memref_squeeze %dma_wait3A_68 : memref<1x!tpu.dma_semaphore, #tpu.memory_space<semaphore_mem>> -> memref<!tpu.dma_semaphore, #tpu.memory_space<semaphore_mem>>
      tpu.wait_indirect_dma semaphore(%dma_wait3A_69 : memref<!tpu.dma_semaphore, #tpu.memory_space<semaphore_mem>>) src(%dma_wait3A_67 : memref<10112x128xf32, #tpu.memory_space<hbm>>) dst(%dma_wait3A_61 : memref<128x128xf32, #tpu.memory_space<vmem>>)
      %dma_start3A = arith.constant 0 : i32
      %dma_start3A_70 = arith.constant 0 : i32
      %dma_start3A_71 = tpu.memref_slice %arg8[%rem3A_58, %dma_start3A, %dma_start3A_70] : memref<2x128x128xf32, #tpu.memory_space<vmem>> -> memref<1x128x128xf32, #tpu.memory_space<vmem>>
      %dma_start3A_72 = tpu.memref_squeeze %dma_start3A_71 : memref<1x128x128xf32, #tpu.memory_space<vmem>> -> memref<128x128xf32, #tpu.memory_space<vmem>>
      %dma_start3A_73 = arith.constant 0 : i32
      %dma_start3A_74 = tpu.memref_slice %arg7[%rem3A_58, %dma_start3A_73] : memref<2x128xi32, #tpu.memory_space<vmem>> -> memref<1x128xi32, #tpu.memory_space<vmem>>
      %dma_start3A_75 = tpu.memref_squeeze %dma_start3A_74 : memref<1x128xi32, #tpu.memory_space<vmem>> -> memref<128xi32, #tpu.memory_space<vmem>>
      %dma_start3A_76 = arith.constant 0 : i32
      %dma_start3A_77 = arith.constant 0 : i32
      %dma_start3A_78 = tpu.memref_slice %arg9[%dma_start3A_76, %dma_start3A_77] : memref<10112x128xf32, #tpu.memory_space<vmem_shared>> -> memref<10112x128xf32, #tpu.memory_space<vmem_shared>>
      %dma_start3A_79 = tpu.memref_slice %arg10[%rem3A_58] : memref<2x!tpu.dma_semaphore, #tpu.memory_space<semaphore_mem>> -> memref<1x!tpu.dma_semaphore, #tpu.memory_space<semaphore_mem>>
      %dma_start3A_80 = tpu.memref_squeeze %dma_start3A_79 : memref<1x!tpu.dma_semaphore, #tpu.memory_space<semaphore_mem>> -> memref<!tpu.dma_semaphore, #tpu.memory_space<semaphore_mem>>
      tpu.enqueue_indirect_dma source(%dma_start3A_72 : memref<128x128xf32, #tpu.memory_space<vmem>>) target(%dma_start3A_78 : memref<10112x128xf32, #tpu.memory_space<vmem_shared>>) offsets(%dma_start3A_75 : memref<128xi32, #tpu.memory_space<vmem>>) semaphore(%dma_start3A_80 : memref<!tpu.dma_semaphore, #tpu.memory_space<semaphore_mem>>) {add = true}
      %dma_wait3A_81 = arith.constant 0 : i32
      %dma_wait3A_82 = arith.constant 0 : i32
      %dma_wait3A_83 = tpu.memref_slice %arg8[%rem3A_58, %dma_wait3A_81, %dma_wait3A_82] : memref<2x128x128xf32, #tpu.memory_space<vmem>> -> memref<1x128x128xf32, #tpu.memory_space<vmem>>
      %dma_wait3A_84 = tpu.memref_squeeze %dma_wait3A_83 : memref<1x128x128xf32, #tpu.memory_space<vmem>> -> memref<128x128xf32, #tpu.memory_space<vmem>>
      %dma_wait3A_85 = arith.constant 0 : i32
      %dma_wait3A_86 = tpu.memref_slice %arg7[%rem3A_58, %dma_wait3A_85] : memref<2x128xi32, #tpu.memory_space<vmem>> -> memref<1x128xi32, #tpu.memory_space<vmem>>
      %dma_wait3A_87 = tpu.memref_squeeze %dma_wait3A_86 : memref<1x128xi32, #tpu.memory_space<vmem>> -> memref<128xi32, #tpu.memory_space<vmem>>
      %dma_wait3A_88 = arith.constant 0 : i32
      %dma_wait3A_89 = arith.constant 0 : i32
      %dma_wait3A_90 = tpu.memref_slice %arg9[%dma_wait3A_88, %dma_wait3A_89] : memref<10112x128xf32, #tpu.memory_space<vmem_shared>> -> memref<10112x128xf32, #tpu.memory_space<vmem_shared>>
      %dma_wait3A_91 = tpu.memref_slice %arg10[%rem3A_58] : memref<2x!tpu.dma_semaphore, #tpu.memory_space<semaphore_mem>> -> memref<1x!tpu.dma_semaphore, #tpu.memory_space<semaphore_mem>>
      %dma_wait3A_92 = tpu.memref_squeeze %dma_wait3A_91 : memref<1x!tpu.dma_semaphore, #tpu.memory_space<semaphore_mem>> -> memref<!tpu.dma_semaphore, #tpu.memory_space<semaphore_mem>>
      tpu.wait_indirect_dma semaphore(%dma_wait3A_92 : memref<!tpu.dma_semaphore, #tpu.memory_space<semaphore_mem>>) src(%dma_wait3A_84 : memref<128x128xf32, #tpu.memory_space<vmem>>) dst(%dma_wait3A_90 : memref<10112x128xf32, #tpu.memory_space<vmem_shared>>)
      %add3A_93 = arith.constant 2 : i32
      %add3A_94 = arith.addi %while3A_56, %add3A_93 : i32
      %lt3A = arith.cmpi slt, %add3A_94, %select_n3A : i32
      %convert_element_type3A = arith.extui %lt3A : i1 to i32
      %cond3A = arith.constant 0 : i32
      %cond3A_95 = arith.cmpi ne, %convert_element_type3A, %cond3A : i32
      scf.if %cond3A_95 {
        %add3A_97 = arith.constant 2 : i32
        %add3A_98 = arith.addi %while3A_56, %add3A_97 : i32
        %scan3A_99 = arith.constant 0 : i32
        %scan3A_100 = arith.constant 0 : i32
        %scan3A_101 = arith.constant 8 : i32
        %scan3A_102 = arith.addi %scan3A_100, %scan3A_101 : i32
        %scan3A_103 = arith.constant 1 : i32
        %scan3A_104 = scf.for %scan3A_118 = %scan3A_100 to %scan3A_102 step %scan3A_103 iter_args(%scan3A_119 = %scan3A_99) -> (i32)  : i32 {
          %mul3A_120 = arith.constant 16 : i32
          %mul3A_121 = arith.muli %scan3A_118, %mul3A_120 : i32
          %get3A = arith.index_cast %add3A_98 : i32 to index
          %get3A_122 = arith.index_cast %mul3A_121 : i32 to index
          %get3A_123 = tpu.vector_load %arg5[%get3A, %get3A_122] {strides = array<i32>} : memref<120x128xi32, #tpu.memory_space<vmem>>, vector<1x16xi32>,
          %get3A_124 = vector.shape_cast %get3A_123 : vector<1x16xi32> to vector<16xi32>
          %and3A = arith.constant 65535 : i32
          %and3A_125 = vector.broadcast %and3A : i32 to vector<16xi32>
          %and3A_126 = arith.andi %get3A_124, %and3A_125 : vector<16xi32>
          %mul3A_127 = arith.constant 16 : i32
          %mul3A_128 = arith.muli %scan3A_118, %mul3A_127 : i32
          %swap3A = arith.index_cast %rem3A_58 : i32 to index
          %swap3A_129 = arith.index_cast %mul3A_128 : i32 to index
          %swap3A_130 = tpu.vector_load %arg6[%swap3A, %swap3A_129] {strides = array<i32>} : memref<2x128xi32, #tpu.memory_space<vmem>>, vector<1x16xi32>,
          %swap3A_131 = vector.shape_cast %swap3A_130 : vector<1x16xi32> to vector<16xi32>
          %swap3A_132 = vector.shape_cast %and3A_126 : vector<16xi32> to vector<1x16xi32>
          tpu.vector_store %arg6[%swap3A, %swap3A_129], %swap3A_132 {strides = array<i32>} : memref<2x128xi32, #tpu.memory_space<vmem>>, vector<1x16xi32>,
          %shift_right_logical3A = arith.constant 16 : i32
          %shift_right_logical3A_133 = vector.broadcast %shift_right_logical3A : i32 to vector<16xi32>
          %shift_right_logical3A_134 = arith.shrui %get3A_124, %shift_right_logical3A_133 : vector<16xi32>
          %mul3A_135 = arith.constant 16 : i32
          %mul3A_136 = arith.muli %scan3A_118, %mul3A_135 : i32
          %swap3A_137 = arith.index_cast %rem3A_58 : i32 to index
          %swap3A_138 = arith.index_cast %mul3A_136 : i32 to index
          %swap3A_139 = tpu.vector_load %arg7[%swap3A_137, %swap3A_138] {strides = array<i32>} : memref<2x128xi32, #tpu.memory_space<vmem>>, vector<1x16xi32>,
          %swap3A_140 = vector.shape_cast %swap3A_139 : vector<1x16xi32> to vector<16xi32>
          %swap3A_141 = vector.shape_cast %shift_right_logical3A_134 : vector<16xi32> to vector<1x16xi32>
          tpu.vector_store %arg7[%swap3A_137, %swap3A_138], %swap3A_141 {strides = array<i32>} : memref<2x128xi32, #tpu.memory_space<vmem>>, vector<1x16xi32>,
          %scan3A_142 = arith.constant 0 : i32
          scf.yield %scan3A_142 : i32
        }
        %scan3A_105 = arith.constant 8 : i32
        %dma_start3A_106 = arith.constant 0 : i32
        %dma_start3A_107 = arith.constant 0 : i32
        %dma_start3A_108 = tpu.memref_slice %arg8[%rem3A_58, %dma_start3A_106, %dma_start3A_107] : memref<2x128x128xf32, #tpu.memory_space<vmem>> -> memref<1x128x128xf32, #tpu.memory_space<vmem>>
        %dma_start3A_109 = tpu.memref_squeeze %dma_start3A_108 : memref<1x128x128xf32, #tpu.memory_space<vmem>> -> memref<128x128xf32, #tpu.memory_space<vmem>>
        %dma_start3A_110 = arith.constant 0 : i32
        %dma_start3A_111 = tpu.memref_slice %arg6[%rem3A_58, %dma_start3A_110] : memref<2x128xi32, #tpu.memory_space<vmem>> -> memref<1x128xi32, #tpu.memory_space<vmem>>
        %dma_start3A_112 = tpu.memref_squeeze %dma_start3A_111 : memref<1x128xi32, #tpu.memory_space<vmem>> -> memref<128xi32, #tpu.memory_space<vmem>>
        %dma_start3A_113 = arith.constant 0 : i32
        %dma_start3A_114 = arith.constant 0 : i32
        %dma_start3A_115 = tpu.memref_slice %arg2[%dma_start3A_113, %dma_start3A_114] : memref<10112x128xf32, #tpu.memory_space<hbm>> -> memref<10112x128xf32, #tpu.memory_space<hbm>>
        %dma_start3A_116 = tpu.memref_slice %arg10[%rem3A_58] : memref<2x!tpu.dma_semaphore, #tpu.memory_space<semaphore_mem>> -> memref<1x!tpu.dma_semaphore, #tpu.memory_space<semaphore_mem>>
        %dma_start3A_117 = tpu.memref_squeeze %dma_start3A_116 : memref<1x!tpu.dma_semaphore, #tpu.memory_space<semaphore_mem>> -> memref<!tpu.dma_semaphore, #tpu.memory_space<semaphore_mem>>
        tpu.enqueue_indirect_dma source(%dma_start3A_115 : memref<10112x128xf32, #tpu.memory_space<hbm>>) target(%dma_start3A_109 : memref<128x128xf32, #tpu.memory_space<vmem>>) offsets(%dma_start3A_112 : memref<128xi32, #tpu.memory_space<vmem>>) semaphore(%dma_start3A_117 : memref<!tpu.dma_semaphore, #tpu.memory_space<semaphore_mem>>)
      } else {
      }
      %while3A_96 = arith.constant 0 : i32
      scf.yield %while3A_96 : i32
    }
    %while3A_49 = arith.constant 1 : i32
    %while3A_50 = scf.for %while3A_56 = %while3A_46 to %while3A_42 step %while3A_49 iter_args(%while3A_57 = %while3A_48) -> (i32)  : i32 {
      %rem3A = arith.constant 2 : i32
      %rem3A_58 = arith.remsi %while3A_56, %rem3A : i32
      %dma_wait3A = arith.constant 0 : i32
      %dma_wait3A_59 = arith.constant 0 : i32
      %dma_wait3A_60 = tpu.memref_slice %arg8[%rem3A_58, %dma_wait3A, %dma_wait3A_59] : memref<2x128x128xf32, #tpu.memory_space<vmem>> -> memref<1x128x128xf32, #tpu.memory_space<vmem>>
      %dma_wait3A_61 = tpu.memref_squeeze %dma_wait3A_60 : memref<1x128x128xf32, #tpu.memory_space<vmem>> -> memref<128x128xf32, #tpu.memory_space<vmem>>
      %dma_wait3A_62 = arith.constant 0 : i32
      %dma_wait3A_63 = tpu.memref_slice %arg6[%rem3A_58, %dma_wait3A_62] : memref<2x128xi32, #tpu.memory_space<vmem>> -> memref<1x128xi32, #tpu.memory_space<vmem>>
      %dma_wait3A_64 = tpu.memref_squeeze %dma_wait3A_63 : memref<1x128xi32, #tpu.memory_space<vmem>> -> memref<128xi32, #tpu.memory_space<vmem>>
      %dma_wait3A_65 = arith.constant 0 : i32
      %dma_wait3A_66 = arith.constant 0 : i32
      %dma_wait3A_67 = tpu.memref_slice %arg2[%dma_wait3A_65, %dma_wait3A_66] : memref<10112x128xf32, #tpu.memory_space<hbm>> -> memref<10112x128xf32, #tpu.memory_space<hbm>>
      %dma_wait3A_68 = tpu.memref_slice %arg10[%rem3A_58] : memref<2x!tpu.dma_semaphore, #tpu.memory_space<semaphore_mem>> -> memref<1x!tpu.dma_semaphore, #tpu.memory_space<semaphore_mem>>
      %dma_wait3A_69 = tpu.memref_squeeze %dma_wait3A_68 : memref<1x!tpu.dma_semaphore, #tpu.memory_space<semaphore_mem>> -> memref<!tpu.dma_semaphore, #tpu.memory_space<semaphore_mem>>
      tpu.wait_indirect_dma semaphore(%dma_wait3A_69 : memref<!tpu.dma_semaphore, #tpu.memory_space<semaphore_mem>>) src(%dma_wait3A_67 : memref<10112x128xf32, #tpu.memory_space<hbm>>) dst(%dma_wait3A_61 : memref<128x128xf32, #tpu.memory_space<vmem>>)
      %dma_start3A = arith.constant 0 : i32
      %dma_start3A_70 = arith.constant 0 : i32
      %dma_start3A_71 = tpu.memref_slice %arg8[%rem3A_58, %dma_start3A, %dma_start3A_70] : memref<2x128x128xf32, #tpu.memory_space<vmem>> -> memref<1x128x128xf32, #tpu.memory_space<vmem>>
      %dma_start3A_72 = tpu.memref_squeeze %dma_start3A_71 : memref<1x128x128xf32, #tpu.memory_space<vmem>> -> memref<128x128xf32, #tpu.memory_space<vmem>>
      %dma_start3A_73 = arith.constant 0 : i32
      %dma_start3A_74 = tpu.memref_slice %arg7[%rem3A_58, %dma_start3A_73] : memref<2x128xi32, #tpu.memory_space<vmem>> -> memref<1x128xi32, #tpu.memory_space<vmem>>
      %dma_start3A_75 = tpu.memref_squeeze %dma_start3A_74 : memref<1x128xi32, #tpu.memory_space<vmem>> -> memref<128xi32, #tpu.memory_space<vmem>>
      %dma_start3A_76 = arith.constant 0 : i32
      %dma_start3A_77 = arith.constant 0 : i32
      %dma_start3A_78 = tpu.memref_slice %arg9[%dma_start3A_76, %dma_start3A_77] : memref<10112x128xf32, #tpu.memory_space<vmem_shared>> -> memref<10112x128xf32, #tpu.memory_space<vmem_shared>>
      %dma_start3A_79 = tpu.memref_slice %arg10[%rem3A_58] : memref<2x!tpu.dma_semaphore, #tpu.memory_space<semaphore_mem>> -> memref<1x!tpu.dma_semaphore, #tpu.memory_space<semaphore_mem>>
      %dma_start3A_80 = tpu.memref_squeeze %dma_start3A_79 : memref<1x!tpu.dma_semaphore, #tpu.memory_space<semaphore_mem>> -> memref<!tpu.dma_semaphore, #tpu.memory_space<semaphore_mem>>
      tpu.enqueue_indirect_dma source(%dma_start3A_72 : memref<128x128xf32, #tpu.memory_space<vmem>>) target(%dma_start3A_78 : memref<10112x128xf32, #tpu.memory_space<vmem_shared>>) offsets(%dma_start3A_75 : memref<128xi32, #tpu.memory_space<vmem>>) semaphore(%dma_start3A_80 : memref<!tpu.dma_semaphore, #tpu.memory_space<semaphore_mem>>) {add = true}
      %dma_wait3A_81 = arith.constant 0 : i32
      %dma_wait3A_82 = arith.constant 0 : i32
      %dma_wait3A_83 = tpu.memref_slice %arg8[%rem3A_58, %dma_wait3A_81, %dma_wait3A_82] : memref<2x128x128xf32, #tpu.memory_space<vmem>> -> memref<1x128x128xf32, #tpu.memory_space<vmem>>
      %dma_wait3A_84 = tpu.memref_squeeze %dma_wait3A_83 : memref<1x128x128xf32, #tpu.memory_space<vmem>> -> memref<128x128xf32, #tpu.memory_space<vmem>>
      %dma_wait3A_85 = arith.constant 0 : i32
      %dma_wait3A_86 = tpu.memref_slice %arg7[%rem3A_58, %dma_wait3A_85] : memref<2x128xi32, #tpu.memory_space<vmem>> -> memref<1x128xi32, #tpu.memory_space<vmem>>
      %dma_wait3A_87 = tpu.memref_squeeze %dma_wait3A_86 : memref<1x128xi32, #tpu.memory_space<vmem>> -> memref<128xi32, #tpu.memory_space<vmem>>
      %dma_wait3A_88 = arith.constant 0 : i32
      %dma_wait3A_89 = arith.constant 0 : i32
      %dma_wait3A_90 = tpu.memref_slice %arg9[%dma_wait3A_88, %dma_wait3A_89] : memref<10112x128xf32, #tpu.memory_space<vmem_shared>> -> memref<10112x128xf32, #tpu.memory_space<vmem_shared>>
      %dma_wait3A_91 = tpu.memref_slice %arg10[%rem3A_58] : memref<2x!tpu.dma_semaphore, #tpu.memory_space<semaphore_mem>> -> memref<1x!tpu.dma_semaphore, #tpu.memory_space<semaphore_mem>>
      %dma_wait3A_92 = tpu.memref_squeeze %dma_wait3A_91 : memref<1x!tpu.dma_semaphore, #tpu.memory_space<semaphore_mem>> -> memref<!tpu.dma_semaphore, #tpu.memory_space<semaphore_mem>>
      tpu.wait_indirect_dma semaphore(%dma_wait3A_92 : memref<!tpu.dma_semaphore, #tpu.memory_space<semaphore_mem>>) src(%dma_wait3A_84 : memref<128x128xf32, #tpu.memory_space<vmem>>) dst(%dma_wait3A_90 : memref<10112x128xf32, #tpu.memory_space<vmem_shared>>)
      %add3A_93 = arith.constant 2 : i32
      %add3A_94 = arith.addi %while3A_56, %add3A_93 : i32
      %lt3A = arith.cmpi slt, %add3A_94, %select_n3A : i32
      %convert_element_type3A = arith.extui %lt3A : i1 to i32
      %cond3A = arith.constant 0 : i32
      %cond3A_95 = arith.cmpi ne, %convert_element_type3A, %cond3A : i32
      scf.if %cond3A_95 {
        %add3A_97 = arith.constant 2 : i32
        %add3A_98 = arith.addi %while3A_56, %add3A_97 : i32
        %scan3A_99 = arith.constant 0 : i32
        %scan3A_100 = arith.constant 0 : i32
        %scan3A_101 = arith.constant 8 : i32
        %scan3A_102 = arith.addi %scan3A_100, %scan3A_101 : i32
        %scan3A_103 = arith.constant 1 : i32
        %scan3A_104 = scf.for %scan3A_118 = %scan3A_100 to %scan3A_102 step %scan3A_103 iter_args(%scan3A_119 = %scan3A_99) -> (i32)  : i32 {
          %mul3A_120 = arith.constant 16 : i32
          %mul3A_121 = arith.muli %scan3A_118, %mul3A_120 : i32
          %get3A = arith.index_cast %add3A_98 : i32 to index
          %get3A_122 = arith.index_cast %mul3A_121 : i32 to index
          %get3A_123 = tpu.vector_load %arg5[%get3A, %get3A_122] {strides = array<i32>} : memref<120x128xi32, #tpu.memory_space<vmem>>, vector<1x16xi32>,
          %get3A_124 = vector.shape_cast %get3A_123 : vector<1x16xi32> to vector<16xi32>
          %and3A = arith.constant 65535 : i32
          %and3A_125 = vector.broadcast %and3A : i32 to vector<16xi32>
          %and3A_126 = arith.andi %get3A_124, %and3A_125 : vector<16xi32>
          %mul3A_127 = arith.constant 16 : i32
          %mul3A_128 = arith.muli %scan3A_118, %mul3A_127 : i32
          %swap3A = arith.index_cast %rem3A_58 : i32 to index
          %swap3A_129 = arith.index_cast %mul3A_128 : i32 to index
          %swap3A_130 = tpu.vector_load %arg6[%swap3A, %swap3A_129] {strides = array<i32>} : memref<2x128xi32, #tpu.memory_space<vmem>>, vector<1x16xi32>,
          %swap3A_131 = vector.shape_cast %swap3A_130 : vector<1x16xi32> to vector<16xi32>
          %swap3A_132 = vector.shape_cast %and3A_126 : vector<16xi32> to vector<1x16xi32>
          tpu.vector_store %arg6[%swap3A, %swap3A_129], %swap3A_132 {strides = array<i32>} : memref<2x128xi32, #tpu.memory_space<vmem>>, vector<1x16xi32>,
          %shift_right_logical3A = arith.constant 16 : i32
          %shift_right_logical3A_133 = vector.broadcast %shift_right_logical3A : i32 to vector<16xi32>
          %shift_right_logical3A_134 = arith.shrui %get3A_124, %shift_right_logical3A_133 : vector<16xi32>
          %mul3A_135 = arith.constant 16 : i32
          %mul3A_136 = arith.muli %scan3A_118, %mul3A_135 : i32
          %swap3A_137 = arith.index_cast %rem3A_58 : i32 to index
          %swap3A_138 = arith.index_cast %mul3A_136 : i32 to index
          %swap3A_139 = tpu.vector_load %arg7[%swap3A_137, %swap3A_138] {strides = array<i32>} : memref<2x128xi32, #tpu.memory_space<vmem>>, vector<1x16xi32>,
          %swap3A_140 = vector.shape_cast %swap3A_139 : vector<1x16xi32> to vector<16xi32>
          %swap3A_141 = vector.shape_cast %shift_right_logical3A_134 : vector<16xi32> to vector<1x16xi32>
          tpu.vector_store %arg7[%swap3A_137, %swap3A_138], %swap3A_141 {strides = array<i32>} : memref<2x128xi32, #tpu.memory_space<vmem>>, vector<1x16xi32>,
          %scan3A_142 = arith.constant 0 : i32
          scf.yield %scan3A_142 : i32
        }
        %scan3A_105 = arith.constant 8 : i32
        %dma_start3A_106 = arith.constant 0 : i32
        %dma_start3A_107 = arith.constant 0 : i32
        %dma_start3A_108 = tpu.memref_slice %arg8[%rem3A_58, %dma_start3A_106, %dma_start3A_107] : memref<2x128x128xf32, #tpu.memory_space<vmem>> -> memref<1x128x128xf32, #tpu.memory_space<vmem>>
        %dma_start3A_109 = tpu.memref_squeeze %dma_start3A_108 : memref<1x128x128xf32, #tpu.memory_space<vmem>> -> memref<128x128xf32, #tpu.memory_space<vmem>>
        %dma_start3A_110 = arith.constant 0 : i32
        %dma_start3A_111 = tpu.memref_slice %arg6[%rem3A_58, %dma_start3A_110] : memref<2x128xi32, #tpu.memory_space<vmem>> -> memref<1x128xi32, #tpu.memory_space<vmem>>
        %dma_start3A_112 = tpu.memref_squeeze %dma_start3A_111 : memref<1x128xi32, #tpu.memory_space<vmem>> -> memref<128xi32, #tpu.memory_space<vmem>>
        %dma_start3A_113 = arith.constant 0 : i32
        %dma_start3A_114 = arith.constant 0 : i32
        %dma_start3A_115 = tpu.memref_slice %arg2[%dma_start3A_113, %dma_start3A_114] : memref<10112x128xf32, #tpu.memory_space<hbm>> -> memref<10112x128xf32, #tpu.memory_space<hbm>>
        %dma_start3A_116 = tpu.memref_slice %arg10[%rem3A_58] : memref<2x!tpu.dma_semaphore, #tpu.memory_space<semaphore_mem>> -> memref<1x!tpu.dma_semaphore, #tpu.memory_space<semaphore_mem>>
        %dma_start3A_117 = tpu.memref_squeeze %dma_start3A_116 : memref<1x!tpu.dma_semaphore, #tpu.memory_space<semaphore_mem>> -> memref<!tpu.dma_semaphore, #tpu.memory_space<semaphore_mem>>
        tpu.enqueue_indirect_dma source(%dma_start3A_115 : memref<10112x128xf32, #tpu.memory_space<hbm>>) target(%dma_start3A_109 : memref<128x128xf32, #tpu.memory_space<vmem>>) offsets(%dma_start3A_112 : memref<128xi32, #tpu.memory_space<vmem>>) semaphore(%dma_start3A_117 : memref<!tpu.dma_semaphore, #tpu.memory_space<semaphore_mem>>)
      } else {
      }
      %while3A_96 = arith.constant 0 : i32
      scf.yield %while3A_96 : i32
    }
    %barrier3A_51 = arith.constant 0 : index
    tpu.barrier barrier_id(%barrier3A_51)
    %mul3A_52 = arith.constant 632 : i32
    %mul3A_53 = arith.muli %arg1, %mul3A_52 : i32
    %mul3A_54 = arith.constant 632 : i32
    %mul3A_55 = arith.muli %arg1, %mul3A_54 : i32
    "tpu.region"() ({
      %run_scoped3A_56 = tpu.sem_alloc : memref<!tpu.dma_semaphore, #tpu.memory_space<semaphore_mem>>
      %dma_start3A = arith.constant 0 : i32
      %dma_start3A_57 = arith.constant 0 : i32
      %dma_start3A_58 = tpu.memref_slice %arg4[%arg0, %dma_start3A, %dma_start3A_57] : memref<2x10112x128xf32, #tpu.memory_space<hbm>> -> memref<1x10112x128xf32, #tpu.memory_space<hbm>>
      %dma_start3A_59 = tpu.memref_squeeze %dma_start3A_58 : memref<1x10112x128xf32, #tpu.memory_space<hbm>> -> memref<10112x128xf32, #tpu.memory_space<hbm>>
      %dma_start3A_60 = arith.constant 0 : i32
      %dma_start3A_61 = tpu.memref_slice %dma_start3A_59[%mul3A_55, %dma_start3A_60] : memref<10112x128xf32, #tpu.memory_space<hbm>> -> memref<632x128xf32, #tpu.memory_space<hbm>>
      %dma_start3A_62 = arith.constant 0 : i32
      %dma_start3A_63 = tpu.memref_slice %arg9[%mul3A_53, %dma_start3A_62] : memref<10112x128xf32, #tpu.memory_space<vmem_shared>> -> memref<632x128xf32, #tpu.memory_space<vmem_shared>>
      tpu.enqueue_dma source(%dma_start3A_63 : memref<632x128xf32, #tpu.memory_space<vmem_shared>>) target(%dma_start3A_61 : memref<632x128xf32, #tpu.memory_space<hbm>>) target_semaphore(%run_scoped3A_56 : memref<!tpu.dma_semaphore, #tpu.memory_space<semaphore_mem>>)
      %dma_wait3A = arith.constant 0 : i32
      %dma_wait3A_64 = arith.constant 0 : i32
      %dma_wait3A_65 = tpu.memref_slice %arg4[%arg0, %dma_wait3A, %dma_wait3A_64] : memref<2x10112x128xf32, #tpu.memory_space<hbm>> -> memref<1x10112x128xf32, #tpu.memory_space<hbm>>
      %dma_wait3A_66 = tpu.memref_squeeze %dma_wait3A_65 : memref<1x10112x128xf32, #tpu.memory_space<hbm>> -> memref<10112x128xf32, #tpu.memory_space<hbm>>
      %dma_wait3A_67 = arith.constant 0 : i32
      %dma_wait3A_68 = tpu.memref_slice %dma_wait3A_66[%mul3A_55, %dma_wait3A_67] : memref<10112x128xf32, #tpu.memory_space<hbm>> -> memref<632x128xf32, #tpu.memory_space<hbm>>
      %dma_wait3A_69 = arith.constant 0 : i32
      %dma_wait3A_70 = tpu.memref_slice %arg9[%mul3A_53, %dma_wait3A_69] : memref<10112x128xf32, #tpu.memory_space<vmem_shared>> -> memref<632x128xf32, #tpu.memory_space<vmem_shared>>
      tpu.wait_dma2 semaphore(%run_scoped3A_56 : memref<!tpu.dma_semaphore, #tpu.memory_space<semaphore_mem>>) src(%dma_wait3A_70 : memref<632x128xf32, #tpu.memory_space<vmem_shared>>) dst(%dma_wait3A_68 : memref<632x128xf32, #tpu.memory_space<hbm>>)
      tpu.yield
    }) : () -> ()
    return
  }
}

module attributes {stable_mosaic.version = 14 : i64} {
  func.func @_tc_prologue_body(%arg0: memref<10112x128xf32, #tpu.memory_space<vmem>>, %arg1: memref<2x10112x128xf32, #tpu.memory_space<vmem>>, %arg2: memref<128x128xf32, #tpu.memory_space<vmem>>, %arg3: memref<10112x128xf32, #tpu.memory_space<vmem>>, %arg4: memref<10112x1xf32, #tpu.memory_space<vmem>>, %arg5: memref<10112x1xf32, #tpu.memory_space<vmem>>) attributes {dimension_semantics = [], scalar_prefetch = 0 : i64, scratch_operands = 0 : i64, tpu.core_type = #tpu.core_type<tc>} {
    %get3A = arith.constant 0 : index
    %get3A_0 = arith.constant 0 : index
    %get3A_1 = arith.constant 0 : index
    %get3A_2 = vector.load %arg1[%get3A, %get3A_0, %get3A_1] : memref<2x10112x128xf32, #tpu.memory_space<vmem>>, vector<1x10112x1xf32>
    %get3A_3 = vector.shape_cast %get3A_2 : vector<1x10112x1xf32> to vector<10112x1xf32>
    %get3A_4 = arith.constant 1 : index
    %get3A_5 = arith.constant 0 : index
    %get3A_6 = arith.constant 0 : index
    %get3A_7 = vector.load %arg1[%get3A_4, %get3A_5, %get3A_6] : memref<2x10112x128xf32, #tpu.memory_space<vmem>>, vector<1x10112x1xf32>
    %get3A_8 = vector.shape_cast %get3A_7 : vector<1x10112x1xf32> to vector<10112x1xf32>
    %gt3A = arith.constant 0.000000e+00 : f32
    %gt3A_9 = vector.broadcast %gt3A : f32 to vector<10112x1xf32>
    %gt3A_10 = arith.cmpf ogt, %get3A_3, %gt3A_9 : vector<10112x1xf32>
    %rsqrt3A = math.rsqrt %get3A_3 : vector<10112x1xf32>
    %jit3A = arith.constant 0.000000e+00 : f32
    %broadcast_in_dim3A = vector.broadcast %jit3A : f32 to vector<10112x1xf32>
    %select_n3A = arith.select %gt3A_10, %rsqrt3A, %broadcast_in_dim3A : vector<10112x1xi1>, vector<10112x1xf32>
    %gt3A_11 = arith.constant 0.000000e+00 : f32
    %gt3A_12 = vector.broadcast %gt3A_11 : f32 to vector<10112x1xf32>
    %gt3A_13 = arith.cmpf ogt, %get3A_8, %gt3A_12 : vector<10112x1xf32>
    %rsqrt3A_14 = math.rsqrt %get3A_8 : vector<10112x1xf32>
    %jit3A_15 = arith.constant 0.000000e+00 : f32
    %broadcast_in_dim3A_16 = vector.broadcast %jit3A_15 : f32 to vector<10112x1xf32>
    %select_n3A_17 = arith.select %gt3A_13, %rsqrt3A_14, %broadcast_in_dim3A_16 : vector<10112x1xi1>, vector<10112x1xf32>
    %swap3A = arith.constant 0 : index
    %swap3A_18 = arith.constant 0 : index
    %swap3A_19 = vector.load %arg4[%swap3A, %swap3A_18] : memref<10112x1xf32, #tpu.memory_space<vmem>>, vector<10112x1xf32>
    tpu.vector_store %arg4[%swap3A, %swap3A_18], %select_n3A {strides = array<i32>} : memref<10112x1xf32, #tpu.memory_space<vmem>>, vector<10112x1xf32>,
    %swap3A_20 = arith.constant 0 : index
    %swap3A_21 = arith.constant 0 : index
    %swap3A_22 = vector.load %arg5[%swap3A_20, %swap3A_21] : memref<10112x1xf32, #tpu.memory_space<vmem>>, vector<10112x1xf32>
    tpu.vector_store %arg5[%swap3A_20, %swap3A_21], %select_n3A_17 {strides = array<i32>} : memref<10112x1xf32, #tpu.memory_space<vmem>>, vector<10112x1xf32>,
    %get3A_23 = arith.constant 0 : index
    %get3A_24 = arith.constant 0 : index
    %get3A_25 = vector.load %arg0[%get3A_23, %get3A_24] : memref<10112x128xf32, #tpu.memory_space<vmem>>, vector<10112x128xf32>
    %mul3A = vector.broadcast %select_n3A : vector<10112x1xf32> to vector<10112x128xf32>
    %mul3A_26 = arith.mulf %get3A_25, %mul3A : vector<10112x128xf32>
    %get3A_27 = arith.constant 0 : index
    %get3A_28 = arith.constant 0 : index
    %get3A_29 = vector.load %arg2[%get3A_27, %get3A_28] : memref<128x128xf32, #tpu.memory_space<vmem>>, vector<128x128xf32>
    %dot_general3A = arith.constant dense<0.000000e+00> : vector<10112x128xf32>
    %dot_general3A_30 = tpu.matmul %mul3A_26, %get3A_29, %dot_general3A {dimension_numbers = #tpu.dot_dimension_numbers<[1], [0], [0], [1], [0, 0, 1, 1], [], []>, transpose_lhs_hint = false} : vector<10112x128xf32>, vector<128x128xf32>, vector<10112x128xf32> -> vector<10112x128xf32>
    %swap3A_31 = arith.constant 0 : index
    %swap3A_32 = arith.constant 0 : index
    %swap3A_33 = vector.load %arg3[%swap3A_31, %swap3A_32] : memref<10112x128xf32, #tpu.memory_space<vmem>>, vector<10112x128xf32>
    tpu.vector_store %arg3[%swap3A_31, %swap3A_32], %dot_general3A_30 {strides = array<i32>} : memref<10112x128xf32, #tpu.memory_space<vmem>>, vector<10112x128xf32>,
    return
  }
}

module attributes {stable_mosaic.version = 14 : i64} {
  func.func @_tc_mid_nomm_body(%arg0: memref<2x10112x128xf32, #tpu.memory_space<vmem>>, %arg1: memref<10112x1xf32, #tpu.memory_space<vmem>>, %arg2: memref<10112x1xf32, #tpu.memory_space<vmem>>, %arg3: memref<1x128xf32, #tpu.memory_space<vmem>>, %arg4: memref<10112x128xf32, #tpu.memory_space<vmem>>) attributes {dimension_semantics = [], scalar_prefetch = 0 : i64, scratch_operands = 0 : i64, tpu.core_type = #tpu.core_type<tc>} {
    %get3A = arith.constant 0 : index
    %get3A_0 = arith.constant 0 : index
    %get3A_1 = arith.constant 0 : index
    %get3A_2 = vector.load %arg0[%get3A, %get3A_0, %get3A_1] : memref<2x10112x128xf32, #tpu.memory_space<vmem>>, vector<1x10112x128xf32>
    %get3A_3 = vector.shape_cast %get3A_2 : vector<1x10112x128xf32> to vector<10112x128xf32>
    %get3A_4 = arith.constant 1 : index
    %get3A_5 = arith.constant 0 : index
    %get3A_6 = arith.constant 0 : index
    %get3A_7 = vector.load %arg0[%get3A_4, %get3A_5, %get3A_6] : memref<2x10112x128xf32, #tpu.memory_space<vmem>>, vector<1x10112x128xf32>
    %get3A_8 = vector.shape_cast %get3A_7 : vector<1x10112x128xf32> to vector<10112x128xf32>
    %add3A = arith.addf %get3A_3, %get3A_8 : vector<10112x128xf32>
    %get3A_9 = arith.constant 0 : index
    %get3A_10 = arith.constant 0 : index
    %get3A_11 = vector.load %arg1[%get3A_9, %get3A_10] : memref<10112x1xf32, #tpu.memory_space<vmem>>, vector<10112x1xf32>
    %mul3A = vector.broadcast %get3A_11 : vector<10112x1xf32> to vector<10112x128xf32>
    %mul3A_12 = arith.mulf %add3A, %mul3A : vector<10112x128xf32>
    %get3A_13 = arith.constant 0 : index
    %get3A_14 = arith.constant 0 : index
    %get3A_15 = vector.load %arg3[%get3A_13, %get3A_14] : memref<1x128xf32, #tpu.memory_space<vmem>>, vector<1x128xf32>
    %add3A_16 = vector.broadcast %get3A_15 : vector<1x128xf32> to vector<10112x128xf32>
    %add3A_17 = arith.addf %mul3A_12, %add3A_16 : vector<10112x128xf32>
    %max3A = arith.constant 0.000000e+00 : f32
    %max3A_18 = vector.broadcast %max3A : f32 to vector<10112x128xf32>
    %max3A_19 = arith.maximumf %add3A_17, %max3A_18 : vector<10112x128xf32>
    %iota3A = tpu.iota {dimensions = array<i32: 0>} : vector<10112x128xi32>
    %lt3A = arith.constant 10000 : i32
    %lt3A_20 = vector.broadcast %lt3A : i32 to vector<10112x128xi32>
    %lt3A_21 = arith.cmpi slt, %iota3A, %lt3A_20 : vector<10112x128xi32>
    %jit3A = arith.constant 0.000000e+00 : f32
    %broadcast_in_dim3A = vector.broadcast %jit3A : f32 to vector<10112x128xf32>
    %select_n3A = arith.select %lt3A_21, %max3A_19, %broadcast_in_dim3A : vector<10112x128xi1>, vector<10112x128xf32>
    %reduce_sum3A = vector.shape_cast %select_n3A : vector<10112x128xf32> to vector<1x10112x128xf32>
    %reduce_sum3A_22 = arith.constant dense<0.000000e+00> : vector<1xf32>
    %reduce_sum3A_23 = vector.multi_reduction <add>, %reduce_sum3A, %reduce_sum3A_22 [1, 2] : vector<1x10112x128xf32> to vector<1xf32>
    %reduce_sum3A_24 = vector.shape_cast %reduce_sum3A_23 : vector<1xf32> to vector<1x1x1xf32>
    %reduce_sum3A_25 = vector.extract %reduce_sum3A_24[0, 0, 0] : f32 from vector<1x1x1xf32>
    %div3A = arith.constant 1.280000e+06 : f32
    %div3A_26 = arith.divf %reduce_sum3A_25, %div3A : f32
    %sub3A = vector.broadcast %div3A_26 : f32 to vector<10112x128xf32>
    %sub3A_27 = arith.subf %max3A_19, %sub3A : vector<10112x128xf32>
    %integer_pow3A = arith.mulf %sub3A_27, %sub3A_27 : vector<10112x128xf32>
    %jit3A_28 = arith.constant 0.000000e+00 : f32
    %broadcast_in_dim3A_29 = vector.broadcast %jit3A_28 : f32 to vector<10112x128xf32>
    %select_n3A_30 = arith.select %lt3A_21, %integer_pow3A, %broadcast_in_dim3A_29 : vector<10112x128xi1>, vector<10112x128xf32>
    %reduce_sum3A_31 = vector.shape_cast %select_n3A_30 : vector<10112x128xf32> to vector<1x10112x128xf32>
    %reduce_sum3A_32 = arith.constant dense<0.000000e+00> : vector<1xf32>
    %reduce_sum3A_33 = vector.multi_reduction <add>, %reduce_sum3A_31, %reduce_sum3A_32 [1, 2] : vector<1x10112x128xf32> to vector<1xf32>
    %reduce_sum3A_34 = vector.shape_cast %reduce_sum3A_33 : vector<1xf32> to vector<1x1x1xf32>
    %reduce_sum3A_35 = vector.extract %reduce_sum3A_34[0, 0, 0] : f32 from vector<1x1x1xf32>
    %div3A_36 = arith.constant 1.280000e+06 : f32
    %div3A_37 = arith.divf %reduce_sum3A_35, %div3A_36 : f32
    %sub3A_38 = vector.broadcast %div3A_26 : f32 to vector<10112x128xf32>
    %sub3A_39 = arith.subf %max3A_19, %sub3A_38 : vector<10112x128xf32>
    %add3A_40 = arith.constant 9.99999974E-6 : f32
    %add3A_41 = arith.addf %div3A_37, %add3A_40 : f32
    %rsqrt3A = math.rsqrt %add3A_41 : f32
    %mul3A_42 = vector.broadcast %rsqrt3A : f32 to vector<10112x128xf32>
    %mul3A_43 = arith.mulf %sub3A_39, %mul3A_42 : vector<10112x128xf32>
    %get3A_44 = arith.constant 0 : index
    %get3A_45 = arith.constant 0 : index
    %get3A_46 = vector.load %arg2[%get3A_44, %get3A_45] : memref<10112x1xf32, #tpu.memory_space<vmem>>, vector<10112x1xf32>
    %mul3A_47 = vector.broadcast %get3A_46 : vector<10112x1xf32> to vector<10112x128xf32>
    %mul3A_48 = arith.mulf %mul3A_43, %mul3A_47 : vector<10112x128xf32>
    %swap3A = arith.constant 0 : index
    %swap3A_49 = arith.constant 0 : index
    %swap3A_50 = vector.load %arg4[%swap3A, %swap3A_49] : memref<10112x128xf32, #tpu.memory_space<vmem>>, vector<10112x128xf32>
    tpu.vector_store %arg4[%swap3A, %swap3A_49], %mul3A_48 {strides = array<i32>} : memref<10112x128xf32, #tpu.memory_space<vmem>>, vector<10112x128xf32>,
    return
  }
}

module attributes {stable_mosaic.version = 14 : i64} {
  func.func @_tc_mid_body(%arg0: memref<2x10112x128xf32, #tpu.memory_space<vmem>>, %arg1: memref<10112x1xf32, #tpu.memory_space<vmem>>, %arg2: memref<10112x1xf32, #tpu.memory_space<vmem>>, %arg3: memref<1x128xf32, #tpu.memory_space<vmem>>, %arg4: memref<128x128xf32, #tpu.memory_space<vmem>>, %arg5: memref<10112x128xf32, #tpu.memory_space<vmem>>) attributes {dimension_semantics = [], scalar_prefetch = 0 : i64, scratch_operands = 0 : i64, tpu.core_type = #tpu.core_type<tc>} {
    %get3A = arith.constant 0 : index
    %get3A_0 = arith.constant 0 : index
    %get3A_1 = arith.constant 0 : index
    %get3A_2 = vector.load %arg0[%get3A, %get3A_0, %get3A_1] : memref<2x10112x128xf32, #tpu.memory_space<vmem>>, vector<1x10112x128xf32>
    %get3A_3 = vector.shape_cast %get3A_2 : vector<1x10112x128xf32> to vector<10112x128xf32>
    %get3A_4 = arith.constant 1 : index
    %get3A_5 = arith.constant 0 : index
    %get3A_6 = arith.constant 0 : index
    %get3A_7 = vector.load %arg0[%get3A_4, %get3A_5, %get3A_6] : memref<2x10112x128xf32, #tpu.memory_space<vmem>>, vector<1x10112x128xf32>
    %get3A_8 = vector.shape_cast %get3A_7 : vector<1x10112x128xf32> to vector<10112x128xf32>
    %add3A = arith.addf %get3A_3, %get3A_8 : vector<10112x128xf32>
    %get3A_9 = arith.constant 0 : index
    %get3A_10 = arith.constant 0 : index
    %get3A_11 = vector.load %arg1[%get3A_9, %get3A_10] : memref<10112x1xf32, #tpu.memory_space<vmem>>, vector<10112x1xf32>
    %mul3A = vector.broadcast %get3A_11 : vector<10112x1xf32> to vector<10112x128xf32>
    %mul3A_12 = arith.mulf %add3A, %mul3A : vector<10112x128xf32>
    %get3A_13 = arith.constant 0 : index
    %get3A_14 = arith.constant 0 : index
    %get3A_15 = vector.load %arg3[%get3A_13, %get3A_14] : memref<1x128xf32, #tpu.memory_space<vmem>>, vector<1x128xf32>
    %add3A_16 = vector.broadcast %get3A_15 : vector<1x128xf32> to vector<10112x128xf32>
    %add3A_17 = arith.addf %mul3A_12, %add3A_16 : vector<10112x128xf32>
    %max3A = arith.constant 0.000000e+00 : f32
    %max3A_18 = vector.broadcast %max3A : f32 to vector<10112x128xf32>
    %max3A_19 = arith.maximumf %add3A_17, %max3A_18 : vector<10112x128xf32>
    %iota3A = tpu.iota {dimensions = array<i32: 0>} : vector<10112x128xi32>
    %lt3A = arith.constant 10000 : i32
    %lt3A_20 = vector.broadcast %lt3A : i32 to vector<10112x128xi32>
    %lt3A_21 = arith.cmpi slt, %iota3A, %lt3A_20 : vector<10112x128xi32>
    %jit3A = arith.constant 0.000000e+00 : f32
    %broadcast_in_dim3A = vector.broadcast %jit3A : f32 to vector<10112x128xf32>
    %select_n3A = arith.select %lt3A_21, %max3A_19, %broadcast_in_dim3A : vector<10112x128xi1>, vector<10112x128xf32>
    %reduce_sum3A = vector.shape_cast %select_n3A : vector<10112x128xf32> to vector<1x10112x128xf32>
    %reduce_sum3A_22 = arith.constant dense<0.000000e+00> : vector<1xf32>
    %reduce_sum3A_23 = vector.multi_reduction <add>, %reduce_sum3A, %reduce_sum3A_22 [1, 2] : vector<1x10112x128xf32> to vector<1xf32>
    %reduce_sum3A_24 = vector.shape_cast %reduce_sum3A_23 : vector<1xf32> to vector<1x1x1xf32>
    %reduce_sum3A_25 = vector.extract %reduce_sum3A_24[0, 0, 0] : f32 from vector<1x1x1xf32>
    %div3A = arith.constant 1.280000e+06 : f32
    %div3A_26 = arith.divf %reduce_sum3A_25, %div3A : f32
    %sub3A = vector.broadcast %div3A_26 : f32 to vector<10112x128xf32>
    %sub3A_27 = arith.subf %max3A_19, %sub3A : vector<10112x128xf32>
    %integer_pow3A = arith.mulf %sub3A_27, %sub3A_27 : vector<10112x128xf32>
    %jit3A_28 = arith.constant 0.000000e+00 : f32
    %broadcast_in_dim3A_29 = vector.broadcast %jit3A_28 : f32 to vector<10112x128xf32>
    %select_n3A_30 = arith.select %lt3A_21, %integer_pow3A, %broadcast_in_dim3A_29 : vector<10112x128xi1>, vector<10112x128xf32>
    %reduce_sum3A_31 = vector.shape_cast %select_n3A_30 : vector<10112x128xf32> to vector<1x10112x128xf32>
    %reduce_sum3A_32 = arith.constant dense<0.000000e+00> : vector<1xf32>
    %reduce_sum3A_33 = vector.multi_reduction <add>, %reduce_sum3A_31, %reduce_sum3A_32 [1, 2] : vector<1x10112x128xf32> to vector<1xf32>
    %reduce_sum3A_34 = vector.shape_cast %reduce_sum3A_33 : vector<1xf32> to vector<1x1x1xf32>
    %reduce_sum3A_35 = vector.extract %reduce_sum3A_34[0, 0, 0] : f32 from vector<1x1x1xf32>
    %div3A_36 = arith.constant 1.280000e+06 : f32
    %div3A_37 = arith.divf %reduce_sum3A_35, %div3A_36 : f32
    %sub3A_38 = vector.broadcast %div3A_26 : f32 to vector<10112x128xf32>
    %sub3A_39 = arith.subf %max3A_19, %sub3A_38 : vector<10112x128xf32>
    %add3A_40 = arith.constant 9.99999974E-6 : f32
    %add3A_41 = arith.addf %div3A_37, %add3A_40 : f32
    %rsqrt3A = math.rsqrt %add3A_41 : f32
    %mul3A_42 = vector.broadcast %rsqrt3A : f32 to vector<10112x128xf32>
    %mul3A_43 = arith.mulf %sub3A_39, %mul3A_42 : vector<10112x128xf32>
    %get3A_44 = arith.constant 0 : index
    %get3A_45 = arith.constant 0 : index
    %get3A_46 = vector.load %arg2[%get3A_44, %get3A_45] : memref<10112x1xf32, #tpu.memory_space<vmem>>, vector<10112x1xf32>
    %mul3A_47 = vector.broadcast %get3A_46 : vector<10112x1xf32> to vector<10112x128xf32>
    %mul3A_48 = arith.mulf %mul3A_43, %mul3A_47 : vector<10112x128xf32>
    %get3A_49 = arith.constant 0 : index
    %get3A_50 = arith.constant 0 : index
    %get3A_51 = vector.load %arg4[%get3A_49, %get3A_50] : memref<128x128xf32, #tpu.memory_space<vmem>>, vector<128x128xf32>
    %dot_general3A = arith.constant dense<0.000000e+00> : vector<10112x128xf32>
    %dot_general3A_52 = tpu.matmul %mul3A_48, %get3A_51, %dot_general3A {dimension_numbers = #tpu.dot_dimension_numbers<[1], [0], [0], [1], [0, 0, 1, 1], [], []>, transpose_lhs_hint = false} : vector<10112x128xf32>, vector<128x128xf32>, vector<10112x128xf32> -> vector<10112x128xf32>
    %swap3A = arith.constant 0 : index
    %swap3A_53 = arith.constant 0 : index
    %swap3A_54 = vector.load %arg5[%swap3A, %swap3A_53] : memref<10112x128xf32, #tpu.memory_space<vmem>>, vector<10112x128xf32>
    tpu.vector_store %arg5[%swap3A, %swap3A_53], %dot_general3A_52 {strides = array<i32>} : memref<10112x128xf32, #tpu.memory_space<vmem>>, vector<10112x128xf32>,
    return
  }
}

module attributes {stable_mosaic.version = 14 : i64} {
  func.func @_tc_epilogue_body(%arg0: memref<2x10112x128xf32, #tpu.memory_space<vmem>>, %arg1: memref<10112x1xf32, #tpu.memory_space<vmem>>, %arg2: memref<128x40xf32, #tpu.memory_space<vmem>>, %arg3: memref<1x40xf32, #tpu.memory_space<vmem>>, %arg4: memref<10000x40xf32, #tpu.memory_space<vmem>>) attributes {dimension_semantics = [], scalar_prefetch = 0 : i64, scratch_operands = 0 : i64, tpu.core_type = #tpu.core_type<tc>} {
    %get3A = arith.constant 0 : index
    %get3A_0 = arith.constant 0 : index
    %get3A_1 = arith.constant 0 : index
    %get3A_2 = vector.load %arg0[%get3A, %get3A_0, %get3A_1] : memref<2x10112x128xf32, #tpu.memory_space<vmem>>, vector<1x10112x128xf32>
    %get3A_3 = vector.shape_cast %get3A_2 : vector<1x10112x128xf32> to vector<10112x128xf32>
    %get3A_4 = arith.constant 1 : index
    %get3A_5 = arith.constant 0 : index
    %get3A_6 = arith.constant 0 : index
    %get3A_7 = vector.load %arg0[%get3A_4, %get3A_5, %get3A_6] : memref<2x10112x128xf32, #tpu.memory_space<vmem>>, vector<1x10112x128xf32>
    %get3A_8 = vector.shape_cast %get3A_7 : vector<1x10112x128xf32> to vector<10112x128xf32>
    %add3A = arith.addf %get3A_3, %get3A_8 : vector<10112x128xf32>
    %get3A_9 = arith.constant 0 : index
    %get3A_10 = arith.constant 0 : index
    %get3A_11 = vector.load %arg1[%get3A_9, %get3A_10] : memref<10112x1xf32, #tpu.memory_space<vmem>>, vector<10112x1xf32>
    %mul3A = vector.broadcast %get3A_11 : vector<10112x1xf32> to vector<10112x128xf32>
    %mul3A_12 = arith.mulf %add3A, %mul3A : vector<10112x128xf32>
    %slice3A = vector.extract_strided_slice %mul3A_12 {offsets = [0, 0], sizes = [10000, 128], strides = [1, 1]} : vector<10112x128xf32> to vector<10000x128xf32>
    %get3A_13 = arith.constant 0 : index
    %get3A_14 = arith.constant 0 : index
    %get3A_15 = vector.load %arg2[%get3A_13, %get3A_14] : memref<128x40xf32, #tpu.memory_space<vmem>>, vector<128x40xf32>
    %dot_general3A = arith.constant dense<0.000000e+00> : vector<10000x40xf32>
    %dot_general3A_16 = tpu.matmul %slice3A, %get3A_15, %dot_general3A {dimension_numbers = #tpu.dot_dimension_numbers<[1], [0], [0], [1], [0, 0, 1, 1], [], []>, transpose_lhs_hint = false} : vector<10000x128xf32>, vector<128x40xf32>, vector<10000x40xf32> -> vector<10000x40xf32>
    %get3A_17 = arith.constant 0 : index
    %get3A_18 = arith.constant 0 : index
    %get3A_19 = vector.load %arg3[%get3A_17, %get3A_18] : memref<1x40xf32, #tpu.memory_space<vmem>>, vector<1x40xf32>
    %add3A_20 = vector.broadcast %get3A_19 : vector<1x40xf32> to vector<10000x40xf32>
    %add3A_21 = arith.addf %dot_general3A_16, %add3A_20 : vector<10000x40xf32>
    %swap3A = arith.constant 0 : index
    %swap3A_22 = arith.constant 0 : index
    %swap3A_23 = vector.load %arg4[%swap3A, %swap3A_22] : memref<10000x40xf32, #tpu.memory_space<vmem>>, vector<10000x40xf32>
    tpu.vector_store %arg4[%swap3A, %swap3A_22], %add3A_21 {strides = array<i32>} : memref<10000x40xf32, #tpu.memory_space<vmem>>, vector<10000x40xf32>,
    return
  }
}

</mosaic_0001>

<sc_bundles>
// kernel: kernel.10.cloned.1.call-start
scs
__scs_entry_jumppad:
0x0: {  	(pc) =	sbr.rel $0x88, $3  }
0x1: {  	(tag) =	ssettag $0x0;
	lr =	simm.s32 $0x1  }
0x2: {  	[smem:$0x3F99] =	sst lr;
	_ =	strace $0xD0000000  }
0x3: {  	_ = 	snop  }
0x4: {  	_ = 	snop  }
0x5: {  	_ = 	snop  }
0x6: {  	_ = 	snop  }
0x7: {  	_ = 	snop  }
__scs_overlays_trampoline_lowered:
0x8: {  	[smem:$0x3FA8] =	sst s0  }
0x9: {  	[smem:$0x3FA9] =	sst s1  }
0xa: {  	[smem:$0x3FAA] =	sst s2  }
0xb: {  	[smem:$0x3FAB] =	sst s3  }
0xc: {  	[smem:$0x3FAC] =	sst s4  }
0xd: {  	[smem:$0x3FAD] =	sst s5  }
0xe: {  	[smem:$0x3FAE] =	sst s6  }
0xf: {  	[smem:$0x3FAF] =	sst s7  }
0x10: {  	[smem:$0x3FB0] =	sst s8  }
0x11: {  	[smem:$0x3FB1] =	sst s9;
	s0 =	simm.s32 @!p0 $0x0  }
0x12: {  	s1 =	sld [smem:$0x3F97];
	s0 =	simm.s32 @p0 $0x1  }
0x13: {  	[smem:$0x3FB2] =	sst s0;
	s0 =	simm.s32 @!p1 $0x0  }
0x14: {  	s2 =	sld [smem:$0x3F96];
	s0 =	simm.s32 @p1 $0x1  }
0x15: {  	[smem:$0x3FB3] =	sst s0;
	s0 =	simm.s32 @!p2 $0x0  }
0x16: {  	s3 =	sld [smem:$0x3FDB];
	s0 =	simm.s32 @p2 $0x1  }
0x17: {  	s4 =	simm.s32 $0x1BF5;
	[smem:$0x3FB5] =	sst s0  }
0x18: {  	s0 =	sld [smem:$0x3F98];
	_ =	swait.ge [sflag:s4], $0x0  }
0x19: {  	s7 =	sld [smem:$0x3F99]  }
0x1a: {  	s8 =	sadd.s32 $0xFFFFE003, lr  }
0x1b: {  	s9 =	sadd.s32 $0xFFFFFEF7, lr;
	s5 =	simm.s32 $0xFFFFFFFF;
	p2 =	slt.u32 s8, $0xFFFFF086  }
0x1c: {  	p1 =	slt.u32 s9, $0xF7A;
	s5 =	simm.s32 @!p2 $0x0  }
0x1d: {  	s5 =	simm.s32 @p1 $0x1;
	p0 =	seq.s32 s7, s2  }
0x1e: {  	s7 =	smul.u32 @!p0 $0xF7A, s2;
	p2 =	seq.s32 @!p0 s5, $0x0  }
0x1f: {  	s9 =	smul.u32 $0xF7A, s1;
	s8 =	simm.s32 @!p0 $0x1BF5;
	p2 =	por !p2, p0  }
0x20: {  	[sflag:s8] =	ssyncset.s32 @!p0 $0xFFFFF086;
	s6 =	sadd.s32 @!p0 s3, s7;
	s7 =	simm.s32 @!p0 $0x108  }
0x21: {  	s3 =	sadd.s32 s3, s9;
	s6 =	sadd.s32 @!p0 $0x88, s6;
	s7 =	simm.s32 @p2 $0x1082  }
0x22: {  	[simem:s7], [sflag:s8] =	dma.local @!p0 [hbm:s6], $0xF7A  }
0x23: {  	s9 =	sor.u32 $0xD0000000, s2;
	s6 =	simm.s32 $0x108;
	_ =	swait.ge @!p0 [sflag:s8], $0x0  }
0x24: {  	s3 =	sadd.s32 $0x88, s3;
	s6 =	simm.s32 @!p1 $0x1082;
	[sflag:s4] =	ssyncset.s32 $0xFFFFF086  }
0x25: {  	[simem:s6], [sflag:s4] =	dma.local [hbm:s3], $0xF7A  }
0x26: {  	[smem:$0x3F99] =	sst s1;
	(tag) =	ssettag s2;
	_ =	strace s9  }
0x27: {  	s1 =	sld [smem:$0x3FA9]  }
0x28: {  	s2 =	sld [smem:$0x3FAA]  }
0x29: {  	s4 =	sld [smem:$0x3FAC]  }
0x2a: {  	p0 =	seq.s32 s5, $0x0;
	s5 =	sld [smem:$0x3FAD]  }
0x2b: {  	s6 =	sld [smem:$0x3FAE]  }
0x2c: {  	s7 =	sld [smem:$0x3FAF]  }
0x2d: {  	s3 =	simm.s32 $0x108;
	s8 =	sld [smem:$0x3FB0]  }
0x2e: {  	s3 =	simm.s32 @!p0 $0x1082;
	s9 =	sld [smem:$0x3FB1]  }
0x2f: {  	lr =	sadd.s32 s0, s3;
	s0 =	sld [smem:$0x3FA8]  }
0x30: {  	s3 =	sld [smem:$0x3FAB]  }
0x31: {  	[smem:$0x3FB4] =	sst s10  }
0x32: {  	s10 =	sld [smem:$0x3FB2];
	_ =	sdelay $0x3  }
0x33: {  	p0 =	seq.s32 s10, $0x1;
	s10 =	sld [smem:$0x3FB4];
	_ =	sdelay $0x3  }
0x34: {  	[smem:$0x3FB4] =	sst s10  }
0x35: {  	s10 =	sld [smem:$0x3FB3];
	_ =	sdelay $0x3  }
0x36: {  	p1 =	seq.s32 s10, $0x1;
	s10 =	sld [smem:$0x3FB4];
	_ =	sdelay $0x3  }
0x37: {  	[smem:$0x3FB4] =	sst s10  }
0x38: {  	s10 =	sld [smem:$0x3FB5]  }
0x39: {  	_ = 	snop;
	(pc) =	sbr.ind lr, $3  }
0x3a: {  	_ = 	snop  }
0x3b: {  	_ = 	snop  }
0x3c: {  	p2 =	seq.s32 s10, $0x1;
	s10 =	sld [smem:$0x3FB4]  }
0x3d: {  	_ =	shalt  }
0x3e: {  	_ =	shalt  }
0x3f: {  	_ =	shalt  }
0x40: {  	_ =	shalt  }
0x41: {  	_ =	shalt  }
0x42: {  	_ =	shalt  }
0x43: {  	_ =	shalt  }
0x44: {  	_ =	shalt  }
0x45: {  	_ =	shalt  }
0x46: {  	_ =	shalt  }
0x47: {  	_ =	shalt  }
0x48: {  	_ =	shalt  }
0x49: {  	_ =	shalt  }
0x4a: {  	_ =	shalt  }
0x4b: {  	_ =	shalt  }
0x4c: {  	_ =	shalt  }
0x4d: {  	_ =	shalt  }
0x4e: {  	_ =	shalt  }
0x4f: {  	_ =	shalt  }
0x50: {  	_ =	shalt  }
0x51: {  	_ =	shalt  }
0x52: {  	_ =	shalt  }
0x53: {  	_ =	shalt  }
0x54: {  	_ =	shalt  }
0x55: {  	_ =	shalt  }
0x56: {  	_ =	shalt  }
0x57: {  	_ =	shalt  }
0x58: {  	_ =	shalt  }
0x59: {  	_ =	shalt  }
0x5a: {  	_ =	shalt  }
0x5b: {  	_ =	shalt  }
0x5c: {  	_ =	shalt  }
0x5d: {  	_ =	shalt  }
0x5e: {  	_ =	shalt  }
0x5f: {  	_ =	shalt  }
0x60: {  	_ =	shalt  }
0x61: {  	_ =	shalt  }
0x62: {  	_ =	shalt  }
0x63: {  	_ =	shalt  }
0x64: {  	_ =	shalt  }
0x65: {  	_ =	shalt  }
0x66: {  	_ =	shalt  }
0x67: {  	_ =	shalt  }
0x68: {  	_ =	shalt  }
0x69: {  	_ =	shalt  }
0x6a: {  	_ =	shalt  }
0x6b: {  	_ =	shalt  }
0x6c: {  	_ =	shalt  }
0x6d: {  	_ =	shalt  }
0x6e: {  	_ =	shalt  }
0x6f: {  	_ =	shalt  }
0x70: {  	_ =	shalt  }
0x71: {  	_ =	shalt  }
0x72: {  	_ =	shalt  }
0x73: {  	_ =	shalt  }
0x74: {  	_ =	shalt  }
0x75: {  	_ =	shalt  }
0x76: {  	_ =	shalt  }
0x77: {  	_ =	shalt  }
0x78: {  	_ =	shalt  }
0x79: {  	_ =	shalt  }
0x7a: {  	_ =	shalt  }
0x7b: {  	_ =	shalt  }
0x7c: {  	_ =	shalt  }
0x7d: {  	_ =	shalt  }
0x7e: {  	_ =	shalt  }
0x7f: {  	_ =	shalt  }
0x80: {  	_ =	shalt  }
0x81: {  	_ =	shalt  }
0x82: {  	_ =	shalt  }
0x83: {  	_ =	shalt  }
0x84: {  	_ =	shalt  }
0x85: {  	_ =	shalt  }
0x86: {  	_ =	shalt  }
0x87: {  	_ =	shalt  }
.Lfunc_end0:
.L_simem_size_0:
called_computation_lowered:
.L_overlay_start_0:
0x88: {  	s2 =	sld [smem:$0x3FD9]  }
0x89: {  	s3 =	sld [smem:$0x3FFE];
	_ =	sdelay $0x1  }
0x8a: {  	s1 =	srdreg.scid  }
0x8b: {  	s0 =	sand.u32 $0x1, s1  }
0x8c: {  	s16 =	sshll.u32 s0, $0xA;
	s2 =	sadd.s32 s3, s2  }
0x8d: {  	s2 =	sadd.s32 s2, s16  }
0x8e: {  	[smem:$0x3FC0] =	sst s2  }
0x8f: {  	_ = 	snop  }
0x90: {  	(tm) =	ssettm $0x1  }
0x91: {  	s17 =	sld [smem:$0x3FFB];
	_ =	sdelay $0x3  }
0x92: {  	_ =	strace s17  }
0x93: {  	s2 =	sld [smem:$0x3FFC];
	_ =	sdelay $0x3  }
0x94: {  	_ =	strace s2  }
0x95: {  	s2 =	sld [smem:$0x3FFD];
	_ =	sdelay $0x3  }
0x96: {  	_ =	strace s2  }
0x97: {  	_ =	strace $0x8FFFFFFF  }
0x98: {  	s18 =	sld [smem:$0x3FDB];
	_ =	sdelay $0x1  }
0x99: {  	s19 =	simm.s32 $_scs_section_size  }
0x9a: {  	s4 =	simm.s32 $_size__tile_overlayer_lowered;
	s5 =	simm.s32 $_tile_overlayer_lowered  }
0x9b: {  	s22 =	simm.s32 $0x1BFF;
	s21 =	sshll.u32 s5, $0x1;
	s2 =	sadd.s32 s19, s18  }
0x9c: {  	s6 =	simm.s32 $0x0;
	s20 =	sshll.u32 s4, $0x1;
	s4 =	sadd.s32 s21, s2  }
0x9d: {  	[timem:s6], [sflag:s22] =	dma.local [hbm:s4], s20  }
0x9e: {  	_ =	swait.ge [sflag:s22], s20  }
0x9f: {  	s3 =	ssub.s32 $0x0, s20;
	[sflag:s22] =	ssyncset.done $0x0  }
0xa0: {  	[sflag:s22] =	ssyncadd.s32 s3;
	_ =	sdelay $0x1  }
0xa1: {  	s23 =	simm.s32 $0x1B8B  }
0xa2: {  	_ =	swait.ge [sflag:s23], $0x1  }
0xa3: {  	[sflag:s23] =	ssyncset.done $0x0  }
0xa4: {  	s25 =	simm.s32 $0x1B8E;
	s24 =	sld [smem:$0x3FFE];
	[sflag:s23] =	ssyncadd.s32 $0xFFFFFFFF  }
0xa5: {  	s26 =	simm.s32 $execute0_lowered;
	[smem:$0x3FD2] =	sst s25  }
0xa6: {  	s4 =	sshll.u32 s26, $0x1;
	_ =	strace $0x80000046;
	[dreg:$0x1] =	wrdreg $0xFFFFFFFF  }
0xa7: {  	s28 =	simm.s32 $_size_execute0_lowered;
	s2 =	sadd.s32 s2, s4;
	[dreg:$0x0] =	wrdreg $0x0  }
0xa8: {  	s4 =	sshll.u32 s28, $0x1;
	[dreg:$0x2] =	wrdreg s2  }
0xa9: {  	[dreg:$0x3] =	wrdreg s4  }
0xaa: {  	[dreg:$0x4] =	wrdreg $0xC0  }
0xab: {  	_ =	task [dreg:s6], $0x5FFFF  }
0xac: {  	[dreg:$0x1] =	wrdreg $0xFFFFFFFF  }
0xad: {  	[dreg:$0x0] =	wrdreg $0x60  }
0xae: {  	[dreg:$0x2] =	wrdreg s24  }
0xaf: {  	[dreg:$0x3] =	wrdreg $0x90000  }
0xb0: {  	[dreg:$0x4] =	wrdreg $0x9  }
0xb1: {  	_ =	task.clear_ibuf [dreg:s6], $0x5FFFF;
	_ =	strace $0x90000046  }
0xb2: {  	s29 =	simm.s32 $0x9;
	_ =	strace $0x80000048  }
0xb3: {  	_ =	swait.ge [sflag:s29], $0x1  }
0xb4: {  	[sflag:s29] =	ssyncadd.s32 $0xFFFFFFFF  }
0xb5: {  	_ =	strace $0x90000048  }
0xb6: {  	_ =	sfence  }
0xb7: {  	s30 =	sld [smem:$0x0];
	_ =	sdelay $0x2  }
0xb8: {  	s31 =	sshll.u32 s1, $0xD;
	s1 =	sshrl.u32 s1, $0x2  }
0xb9: {  	s3 =	sand.u32 $0x4000, s31;
	s1 =	sadd.s32 s1, s30  }
0xba: {  	s0 =	sor.u32 s3, s0;
	s1 =	sshll.u32 s1, $0x11  }
0xbb: {  	s0 =	sor.u32 s1, s0  }
0xbc: {  	s0 =	sadd.s32 $0x8F2B, s0  }
0xbd: {  	[sflag:s0] =	ssyncadd.remote.s32 $0x1  }
0xbe: {  	_ =	sfence.sel $0xFFFF  }
0xbf: {  	[dreg:$0x0] =	wrdreg $0xFFFFFFFF;
	(pc) =	sbr.abs _section_cstart, $3  }
0xc0: {  	[dreg:$0x1] =	wrdreg $0xFFFFFFFF  }
0xc1: {  	_ =	task.clear_ibuf [dreg:s6], $0x2FFFF;
	_ =	strace $0x9FFFFFFF  }
0xc2: {  	(tm) =	ssettm $0x7FFFFFFF  }
0xc3: {  	_ =	shalt  }
tec
execute0_lowered:
.L_overlay_start_1:
0x0: {  	(tag) =	ssettag $0x1  }
0x1: {  	s5 =	rddreg [dreg:$0x0]  }
0x2: {  	s0 =	srdreg.scid;
	s2 =	rddreg [dreg:$0x1];
	s3 =	simm.s32 $0x0  }
0x3: {  	s12 =	simm.s32 $0x5000;
	s13 =	simm.s32 $0x80;
	s4 =	sand.u32 $0x1, s0  }
0x4: {  	s17 =	simm.s32 $0x0;
	s0 =	stileid.u32;
	s7 =	smul.u32 $0x27800, s4  }
0x5: {  	[smem:$0x7FF] =	sst s3;
	s1 =	sshll.u32 s4, $0x4;
	s8 =	smul.u32 $0x4F000, s0  }
0x6: {  	s4 =	ssub.s32 $0x2, s4;
	s15 =	smul.u32 $0x2780, s0;
	s1 =	sor.u32 s0, s1  }
0x7: {  	s31 =	sshll.u32 s0, $0x6;
	s29 =	sshrl.u32 s4, $0x1;
	s6 =	smul.u32 $0xA00, s1  }
0x8: {  	s1 =	rddreg [dreg:$0x2];
	_ =	strace $0x80000047;
	s10 =	sadd.s32 s7, s5  }
0x9: {  	s30 =	sshrl.u32 s8, $0x2;
	s11 =	ssub.s32 s4, s29;
	s14 =	sadd.s32 $0x16600, s10  }
0xa: {  	s10 =	smax.u32 s11, $0x1;
	s11 =	simm.s32 $0x1;
	s6 =	sadd.s32 s6, s5  }
0xb: {  	s5 =	sadd.s32 s30, s2;
	s14 =	sadd.s32 s15, s14;
	s15 =	sor.u32 $0x1C01, s31  }
0xc: {  	s4 =	sadd.s32 $0x2600, s6;
	s6 =	sadd.s32 $0x4000, s5;
	s7 =	sadd.s32 $0x8000, s5  }
0xd: {  	v0 =	vimm.f32 $0.0e+00;
	v1 =	vimm.f32 $1.000000000e+00;
	s8 =	sadd.s32 $0xC000, s5;
	s9 =	sadd.s32 $0x10000, s5;
	s16 =	sshrl.u32 s5, $0x3  }
.LBB2_1:
0xe: {  	[tilespmem:s3], [sflag:$0x1] =	stream.linear.gather [hbm4b:s4+s3], $0x4F00, $0x38;
	[tilespmem:$0x1CC00] =	vst v63  }
0xf: {  	s18 =	sand.u32 $0xFE00, s3;
	s19 =	sand.u32 $0x70, s3;
	_ =	swait.ge [sflag:s11], $0x4F00  }
0x10: {  	s20 =	sshrl.u32 s18, $0x2;
	s18 =	simm.s32 $0x40;
	[sflag:s11] =	ssyncset.done $0x0  }
0x11: {  	s20 =	sor.u32 s19, s20;
	s19 =	simm.s32 $0x0;
	[sflag:s11] =	ssyncadd.s32 $0xFFFFB100  }
.LBB2_2:
0x12: {  	p0 =	sne.s32 s18, $0xFFC0  }
0x13: {  	[tilespmem:s20+$0x5000] =	vst v0;
	s19 =	sadd.s32 $0x10, s19;
	s20 =	smov.u32 s18;
	s18 =	sadd.s32 $0x40, s18  }
.Ltmp0:
0x14: {  	(pc) =	sbr.rel @p0 .LBB2_2-.Ltmp0, $4  }
0x15: {  	_ = 	snop  }
0x16: {  	s20 =	sand.u32 $0xFE00, s20  }
0x17: {  	s21 =	sand.u32 $0x70, s19;
	s20 =	sshrl.u32 s20, $0x2  }
0x18: {  	s20 =	sor.u32 s21, s20  }
0x19: {  	[tilespmem:s20+$0x5000] =	vst v0  }
0x1a: {  	[spmem:s5] =	stream.linear.scatter [tilespmem:s12], [sflag:$0x1], $0x4000, $0x38;
	[tilespmem:$0x1CC00] =	vst v63  }
0x1b: {  	_ =	swait.ge [sflag:s11], $0x4000  }
0x1c: {  	[sflag:s11] =	ssyncset.done $0x0  }
0x1d: {  	[sflag:s11] =	ssyncadd.s32 $0xFFFFC000  }
0x1e: {  	[spmem:s6] =	stream.linear.scatter [tilespmem:s12], [sflag:$0x1], $0x4000, $0x38;
	[tilespmem:$0x1CC00] =	vst v63  }
0x1f: {  	_ =	swait.ge [sflag:s11], $0x4000  }
0x20: {  	[sflag:s11] =	ssyncset.done $0x0  }
0x21: {  	[sflag:s11] =	ssyncadd.s32 $0xFFFFC000  }
0x22: {  	[spmem:s7] =	stream.linear.scatter [tilespmem:s12], [sflag:$0x1], $0x4000, $0x38;
	[tilespmem:$0x1CC00] =	vst v63  }
0x23: {  	_ =	swait.ge [sflag:s11], $0x4000  }
0x24: {  	[sflag:s11] =	ssyncset.done $0x0  }
0x25: {  	[sflag:s11] =	ssyncadd.s32 $0xFFFFC000  }
0x26: {  	[spmem:s8] =	stream.linear.scatter [tilespmem:s12], [sflag:$0x1], $0x4000, $0x38;
	[tilespmem:$0x1CC00] =	vst v63  }
0x27: {  	_ =	swait.ge [sflag:s11], $0x4000  }
0x28: {  	[sflag:s11] =	ssyncset.done $0x0  }
0x29: {  	s18 =	simm.s32 $0x0;
	[sflag:s11] =	ssyncadd.s32 $0xFFFFC000  }
0x2a: {  	[spmem:s9] =	stream.linear.scatter [tilespmem:s12], [sflag:$0x1], $0x3C00, $0x38;
	[tilespmem:$0x1CC00] =	vst v63  }
0x2b: {  	s19 =	sand.u32 $0xFE00, s18;
	_ =	swait.ge [sflag:s11], $0x3C00  }
0x2c: {  	s31 =	sand.u32 $0x70, s18;
	s21 =	sshrl.u32 s19, $0x2;
	[sflag:s11] =	ssyncset.done $0x0  }
0x2d: {  	s19 =	simm.s32 $0x40;
	s20 =	sor.u32 s31, s21;
	[sflag:s11] =	ssyncadd.s32 $0xFFFFC400  }
.LBB2_4:
0x2e: {  	p0 =	sne.s32 s19, $0xFFC0  }
0x2f: {  	[tilespmem:s20+$0x5000] =	vst v1;
	s18 =	sadd.s32 $0x10, s18;
	s20 =	smov.u32 s19;
	s19 =	sadd.s32 $0x40, s19  }
.Ltmp1:
0x30: {  	(pc) =	sbr.rel @p0 .LBB2_4-.Ltmp1, $4  }
0x31: {  	_ = 	snop  }
0x32: {  	s20 =	sand.u32 $0xFE00, s20  }
0x33: {  	s21 =	sand.u32 $0x70, s18;
	s20 =	sshrl.u32 s20, $0x2  }
0x34: {  	s20 =	sor.u32 s21, s20  }
0x35: {  	[tilespmem:s20+$0x5000] =	vst v1  }
0x36: {  	s18 =	simm.s32 $0x0;
	[bflag:$0x0] =	sbarrier.arrive $0xFFFF  }
0x37: {  	[spmem:s2] =	stream.indirect.scatter.add.f32 [tilespmem:s12], [sflag:$0x1], $0x80, s18, s13, $0xb8;
	[tilespmem:$0x1CC00] =	vst v63  }
0x38: {  	_ =	swait.ge [sflag:s11], $0x4000  }
0x39: {  	s18 =	simm.s32 $0x200;
	[sflag:s11] =	ssyncset.done $0x0  }
.LBB2_6:
0x3a: {  	s19 =	sshra.s32 s18, $0x2;
	[sflag:s11] =	ssyncadd.s32 $0xFFFFC000;
	p0 =	sne.s32 s18, $0x13A00  }
0x3b: {  	[spmem:s2] =	stream.indirect.scatter.add.f32 [tilespmem:s12], [sflag:$0x1], $0x80, s19, s13, $0xb8;
	[tilespmem:$0x1CC00] =	vst v63  }
.Ltmp2:
0x3c: {  	_ = 	snop;
	(pc) =	sbr.rel @p0 .LBB2_6-.Ltmp2, $4  }
0x3d: {  	_ = 	snop  }
0x3e: {  	s18 =	sadd.s32 $0x200, s18  }
0x3f: {  	_ =	swait.ge [sflag:s11], $0x4000  }
0x40: {  	[sflag:s11] =	ssyncset.done $0x0  }
0x41: {  	s17 =	sadd.s32 $0x1, s17  }
0x42: {  	[sflag:s11] =	ssyncadd.s32 $0xFFFFC000;
	p0 =	sne.s32 s17, s10  }
.Ltmp3:
0x43: {  	[bflag:$0x0] =	sbarrier.arrive $0xFFFF;
	(pc) =	sbr.rel @p0 .LBB2_1-.Ltmp3, $4  }
0x44: {  	[hbm:s14], [sflag:s15] =	dma.local [spmem:s16], $0x2780  }
0x45: {  	_ =	swait.ge [sflag:s11], $0x2780  }
0x46: {  	[sflag:s11] =	ssyncset.done $0x0  }
0x47: {  	[sflag:s11] =	ssyncadd.s32 $0xFFFFD880  }
0x48: {  	_ =	sfence.sel $0x180000  }
0x49: {  	[bflag:$0x0] =	sbarrier.arrive $0xFFFF  }
0x4a: {  	p0 =	sne.s32 s0, $0x0;
	_ =	strace $0x90000047  }
0x4b: {  	s0 =	sadd.s32 @!p0 $0x100000, s1;
	[bflag:$0x2] =	sbarrier.arrive $0xFFFF  }
0x4c: {  	[sflag:s0] =	ssyncadd.tile.s32 @!p0 $0x1;
	_ =	shalt  }
.Lfunc_end2:
_tile_overlayer_lowered:
.L_overlay_start_2:
0x4d: {  	(tag) =	ssettag $0x2  }
0x4e: {  	s0 =	rddreg [dreg:$0x0];
	s2 =	stileid.u32  }
0x4f: {  	s1 =	rddreg [dreg:$0x1];
	p0 =	sne.s32 s2, $0x0  }
0x50: {  	s3 =	rddreg [dreg:$0x2];
	[bflag:$0x3] =	sbarrier.arrive $0xFFFF;
	s2 =	simm.s32 @!p0 $0x1C01  }
0x51: {  	[timem:s3], [sflag:s2] =	dma.local @!p0 [hbm:s0], s1  }
0x52: {  	s0 =	simm.s32 @!p0 $0x1  }
0x53: {  	_ =	swait.ge @!p0 [sflag:s0], s1  }
0x54: {  	s1 =	ssub.s32 @!p0 $0x0, s1;
	[sflag:s0] =	ssyncset.done @!p0 $0x0  }
0x55: {  	[sflag:s0] =	ssyncadd.s32 @!p0 s1  }
0x56: {  	[bflag:$0x3] =	sbarrier.arrive $0xFFFF  }
0x57: {  	_ =	shalt  }

// kernel: kernel.13.cloned.1.call-start
scs
__scs_entry_jumppad:
0x0: {  	(pc) =	sbr.rel $0x88, $3  }
0x1: {  	(tag) =	ssettag $0x0;
	lr =	simm.s32 $0x1  }
0x2: {  	[smem:$0x3F99] =	sst lr;
	_ =	strace $0xD0000000  }
0x3: {  	_ = 	snop  }
0x4: {  	_ = 	snop  }
0x5: {  	_ = 	snop  }
0x6: {  	_ = 	snop  }
0x7: {  	_ = 	snop  }
__scs_overlays_trampoline_lowered:
0x8: {  	[smem:$0x3FA8] =	sst s0  }
0x9: {  	[smem:$0x3FA9] =	sst s1  }
0xa: {  	[smem:$0x3FAA] =	sst s2  }
0xb: {  	[smem:$0x3FAB] =	sst s3  }
0xc: {  	[smem:$0x3FAC] =	sst s4  }
0xd: {  	[smem:$0x3FAD] =	sst s5  }
0xe: {  	[smem:$0x3FAE] =	sst s6  }
0xf: {  	[smem:$0x3FAF] =	sst s7  }
0x10: {  	[smem:$0x3FB0] =	sst s8  }
0x11: {  	[smem:$0x3FB1] =	sst s9;
	s0 =	simm.s32 @!p0 $0x0  }
0x12: {  	s1 =	sld [smem:$0x3F97];
	s0 =	simm.s32 @p0 $0x1  }
0x13: {  	[smem:$0x3FB2] =	sst s0;
	s0 =	simm.s32 @!p1 $0x0  }
0x14: {  	s2 =	sld [smem:$0x3F96];
	s0 =	simm.s32 @p1 $0x1  }
0x15: {  	[smem:$0x3FB3] =	sst s0;
	s0 =	simm.s32 @!p2 $0x0  }
0x16: {  	s3 =	sld [smem:$0x3FDB];
	s0 =	simm.s32 @p2 $0x1  }
0x17: {  	s4 =	simm.s32 $0x1BF5;
	[smem:$0x3FB5] =	sst s0  }
0x18: {  	s0 =	sld [smem:$0x3F98];
	_ =	swait.ge [sflag:s4], $0x0  }
0x19: {  	s7 =	sld [smem:$0x3F99]  }
0x1a: {  	s8 =	sadd.s32 $0xFFFFE003, lr  }
0x1b: {  	s9 =	sadd.s32 $0xFFFFFEF7, lr;
	s5 =	simm.s32 $0xFFFFFFFF;
	p2 =	slt.u32 s8, $0xFFFFF086  }
0x1c: {  	p1 =	slt.u32 s9, $0xF7A;
	s5 =	simm.s32 @!p2 $0x0  }
0x1d: {  	s5 =	simm.s32 @p1 $0x1;
	p0 =	seq.s32 s7, s2  }
0x1e: {  	s7 =	smul.u32 @!p0 $0xF7A, s2;
	p2 =	seq.s32 @!p0 s5, $0x0  }
0x1f: {  	s9 =	smul.u32 $0xF7A, s1;
	s8 =	simm.s32 @!p0 $0x1BF5;
	p2 =	por !p2, p0  }
0x20: {  	[sflag:s8] =	ssyncset.s32 @!p0 $0xFFFFF086;
	s6 =	sadd.s32 @!p0 s3, s7;
	s7 =	simm.s32 @!p0 $0x108  }
0x21: {  	s3 =	sadd.s32 s3, s9;
	s6 =	sadd.s32 @!p0 $0x88, s6;
	s7 =	simm.s32 @p2 $0x1082  }
0x22: {  	[simem:s7], [sflag:s8] =	dma.local @!p0 [hbm:s6], $0xF7A  }
0x23: {  	s9 =	sor.u32 $0xD0000000, s2;
	s6 =	simm.s32 $0x108;
	_ =	swait.ge @!p0 [sflag:s8], $0x0  }
0x24: {  	s3 =	sadd.s32 $0x88, s3;
	s6 =	simm.s32 @!p1 $0x1082;
	[sflag:s4] =	ssyncset.s32 $0xFFFFF086  }
0x25: {  	[simem:s6], [sflag:s4] =	dma.local [hbm:s3], $0xF7A  }
0x26: {  	[smem:$0x3F99] =	sst s1;
	(tag) =	ssettag s2;
	_ =	strace s9  }
0x27: {  	s1 =	sld [smem:$0x3FA9]  }
0x28: {  	s2 =	sld [smem:$0x3FAA]  }
0x29: {  	s4 =	sld [smem:$0x3FAC]  }
0x2a: {  	p0 =	seq.s32 s5, $0x0;
	s5 =	sld [smem:$0x3FAD]  }
0x2b: {  	s6 =	sld [smem:$0x3FAE]  }
0x2c: {  	s7 =	sld [smem:$0x3FAF]  }
0x2d: {  	s3 =	simm.s32 $0x108;
	s8 =	sld [smem:$0x3FB0]  }
0x2e: {  	s3 =	simm.s32 @!p0 $0x1082;
	s9 =	sld [smem:$0x3FB1]  }
0x2f: {  	lr =	sadd.s32 s0, s3;
	s0 =	sld [smem:$0x3FA8]  }
0x30: {  	s3 =	sld [smem:$0x3FAB]  }
0x31: {  	[smem:$0x3FB4] =	sst s10  }
0x32: {  	s10 =	sld [smem:$0x3FB2];
	_ =	sdelay $0x3  }
0x33: {  	p0 =	seq.s32 s10, $0x1;
	s10 =	sld [smem:$0x3FB4];
	_ =	sdelay $0x3  }
0x34: {  	[smem:$0x3FB4] =	sst s10  }
0x35: {  	s10 =	sld [smem:$0x3FB3];
	_ =	sdelay $0x3  }
0x36: {  	p1 =	seq.s32 s10, $0x1;
	s10 =	sld [smem:$0x3FB4];
	_ =	sdelay $0x3  }
0x37: {  	[smem:$0x3FB4] =	sst s10  }
0x38: {  	s10 =	sld [smem:$0x3FB5]  }
0x39: {  	_ = 	snop;
	(pc) =	sbr.ind lr, $3  }
0x3a: {  	_ = 	snop  }
0x3b: {  	_ = 	snop  }
0x3c: {  	p2 =	seq.s32 s10, $0x1;
	s10 =	sld [smem:$0x3FB4]  }
0x3d: {  	_ =	shalt  }
0x3e: {  	_ =	shalt  }
0x3f: {  	_ =	shalt  }
0x40: {  	_ =	shalt  }
0x41: {  	_ =	shalt  }
0x42: {  	_ =	shalt  }
0x43: {  	_ =	shalt  }
0x44: {  	_ =	shalt  }
0x45: {  	_ =	shalt  }
0x46: {  	_ =	shalt  }
0x47: {  	_ =	shalt  }
0x48: {  	_ =	shalt  }
0x49: {  	_ =	shalt  }
0x4a: {  	_ =	shalt  }
0x4b: {  	_ =	shalt  }
0x4c: {  	_ =	shalt  }
0x4d: {  	_ =	shalt  }
0x4e: {  	_ =	shalt  }
0x4f: {  	_ =	shalt  }
0x50: {  	_ =	shalt  }
0x51: {  	_ =	shalt  }
0x52: {  	_ =	shalt  }
0x53: {  	_ =	shalt  }
0x54: {  	_ =	shalt  }
0x55: {  	_ =	shalt  }
0x56: {  	_ =	shalt  }
0x57: {  	_ =	shalt  }
0x58: {  	_ =	shalt  }
0x59: {  	_ =	shalt  }
0x5a: {  	_ =	shalt  }
0x5b: {  	_ =	shalt  }
0x5c: {  	_ =	shalt  }
0x5d: {  	_ =	shalt  }
0x5e: {  	_ =	shalt  }
0x5f: {  	_ =	shalt  }
0x60: {  	_ =	shalt  }
0x61: {  	_ =	shalt  }
0x62: {  	_ =	shalt  }
0x63: {  	_ =	shalt  }
0x64: {  	_ =	shalt  }
0x65: {  	_ =	shalt  }
0x66: {  	_ =	shalt  }
0x67: {  	_ =	shalt  }
0x68: {  	_ =	shalt  }
0x69: {  	_ =	shalt  }
0x6a: {  	_ =	shalt  }
0x6b: {  	_ =	shalt  }
0x6c: {  	_ =	shalt  }
0x6d: {  	_ =	shalt  }
0x6e: {  	_ =	shalt  }
0x6f: {  	_ =	shalt  }
0x70: {  	_ =	shalt  }
0x71: {  	_ =	shalt  }
0x72: {  	_ =	shalt  }
0x73: {  	_ =	shalt  }
0x74: {  	_ =	shalt  }
0x75: {  	_ =	shalt  }
0x76: {  	_ =	shalt  }
0x77: {  	_ =	shalt  }
0x78: {  	_ =	shalt  }
0x79: {  	_ =	shalt  }
0x7a: {  	_ =	shalt  }
0x7b: {  	_ =	shalt  }
0x7c: {  	_ =	shalt  }
0x7d: {  	_ =	shalt  }
0x7e: {  	_ =	shalt  }
0x7f: {  	_ =	shalt  }
0x80: {  	_ =	shalt  }
0x81: {  	_ =	shalt  }
0x82: {  	_ =	shalt  }
0x83: {  	_ =	shalt  }
0x84: {  	_ =	shalt  }
0x85: {  	_ =	shalt  }
0x86: {  	_ =	shalt  }
0x87: {  	_ =	shalt  }
.Lfunc_end0:
.L_simem_size_0:
called_computation.1_lowered:
.L_overlay_start_0:
0x88: {  	s2 =	sld [smem:$0x3FD9]  }
0x89: {  	s3 =	sld [smem:$0x3FFE];
	_ =	sdelay $0x1  }
0x8a: {  	s1 =	srdreg.scid  }
0x8b: {  	s0 =	sand.u32 $0x1, s1  }
0x8c: {  	s16 =	sshll.u32 s0, $0xA;
	s2 =	sadd.s32 s3, s2  }
0x8d: {  	s2 =	sadd.s32 s2, s16  }
0x8e: {  	[smem:$0x3FC0] =	sst s2  }
0x8f: {  	_ = 	snop  }
0x90: {  	(tm) =	ssettm $0x1  }
0x91: {  	s17 =	sld [smem:$0x3FFB];
	_ =	sdelay $0x3  }
0x92: {  	_ =	strace s17  }
0x93: {  	s2 =	sld [smem:$0x3FFC];
	_ =	sdelay $0x3  }
0x94: {  	_ =	strace s2  }
0x95: {  	s2 =	sld [smem:$0x3FFD];
	_ =	sdelay $0x3  }
0x96: {  	_ =	strace s2  }
0x97: {  	_ =	strace $0x8FFFFFFF  }
0x98: {  	s18 =	sld [smem:$0x3FDB];
	_ =	sdelay $0x1  }
0x99: {  	s19 =	simm.s32 $_scs_section_size  }
0x9a: {  	s4 =	simm.s32 $_size__tile_overlayer_lowered;
	s5 =	simm.s32 $_tile_overlayer_lowered  }
0x9b: {  	s22 =	simm.s32 $0x1BFF;
	s21 =	sshll.u32 s5, $0x1;
	s2 =	sadd.s32 s19, s18  }
0x9c: {  	s6 =	simm.s32 $0x0;
	s20 =	sshll.u32 s4, $0x1;
	s4 =	sadd.s32 s21, s2  }
0x9d: {  	[timem:s6], [sflag:s22] =	dma.local [hbm:s4], s20  }
0x9e: {  	_ =	swait.ge [sflag:s22], s20  }
0x9f: {  	s3 =	ssub.s32 $0x0, s20;
	[sflag:s22] =	ssyncset.done $0x0  }
0xa0: {  	[sflag:s22] =	ssyncadd.s32 s3;
	_ =	sdelay $0x1  }
0xa1: {  	s23 =	simm.s32 $0x1B8B  }
0xa2: {  	_ =	swait.ge [sflag:s23], $0x1  }
0xa3: {  	[sflag:s23] =	ssyncset.done $0x0  }
0xa4: {  	s25 =	simm.s32 $0x1B8E;
	s24 =	sld [smem:$0x3FFE];
	[sflag:s23] =	ssyncadd.s32 $0xFFFFFFFF  }
0xa5: {  	s26 =	simm.s32 $execute0_lowered;
	[smem:$0x3FD2] =	sst s25  }
0xa6: {  	s4 =	sshll.u32 s26, $0x1;
	_ =	strace $0x80000049;
	[dreg:$0x1] =	wrdreg $0xFFFFFFFF  }
0xa7: {  	s28 =	simm.s32 $_size_execute0_lowered;
	s2 =	sadd.s32 s2, s4;
	[dreg:$0x0] =	wrdreg $0x0  }
0xa8: {  	s4 =	sshll.u32 s28, $0x1;
	[dreg:$0x2] =	wrdreg s2  }
0xa9: {  	[dreg:$0x3] =	wrdreg s4  }
0xaa: {  	[dreg:$0x4] =	wrdreg $0xC0  }
0xab: {  	_ =	task [dreg:s6], $0x5FFFF  }
0xac: {  	[dreg:$0x1] =	wrdreg $0xFFFFFFFF  }
0xad: {  	[dreg:$0x0] =	wrdreg $0x60  }
0xae: {  	[dreg:$0x2] =	wrdreg s24  }
0xaf: {  	[dreg:$0x3] =	wrdreg $0xBE000  }
0xb0: {  	[dreg:$0x4] =	wrdreg $0x9  }
0xb1: {  	_ =	task.clear_ibuf [dreg:s6], $0x5FFFF;
	_ =	strace $0x90000049  }
0xb2: {  	s29 =	simm.s32 $0x9;
	_ =	strace $0x8000004B  }
0xb3: {  	_ =	swait.ge [sflag:s29], $0x1  }
0xb4: {  	[sflag:s29] =	ssyncadd.s32 $0xFFFFFFFF  }
0xb5: {  	_ =	strace $0x9000004B  }
0xb6: {  	_ =	sfence  }
0xb7: {  	s30 =	sld [smem:$0x0];
	_ =	sdelay $0x2  }
0xb8: {  	s31 =	sshll.u32 s1, $0xD;
	s1 =	sshrl.u32 s1, $0x2  }
0xb9: {  	s3 =	sand.u32 $0x4000, s31;
	s1 =	sadd.s32 s1, s30  }
0xba: {  	s0 =	sor.u32 s3, s0;
	s1 =	sshll.u32 s1, $0x11  }
0xbb: {  	s0 =	sor.u32 s1, s0  }
0xbc: {  	s0 =	sadd.s32 $0x8F2B, s0  }
0xbd: {  	[sflag:s0] =	ssyncadd.remote.s32 $0x1  }
0xbe: {  	_ =	sfence.sel $0xFFFF  }
0xbf: {  	[dreg:$0x0] =	wrdreg $0xFFFFFFFF;
	(pc) =	sbr.abs _section_cstart, $3  }
0xc0: {  	[dreg:$0x1] =	wrdreg $0xFFFFFFFF  }
0xc1: {  	_ =	task.clear_ibuf [dreg:s6], $0x2FFFF;
	_ =	strace $0x9FFFFFFF  }
0xc2: {  	(tm) =	ssettm $0x7FFFFFFF  }
0xc3: {  	_ =	shalt  }
tec
execute0_lowered:
.L_overlay_start_1:
0x0: {  	(tag) =	ssettag $0x1  }
0x1: {  	s0 =	srdreg.scid;
	s1 =	rddreg [dreg:$0x0]  }
0x2: {  	s2 =	rddreg [dreg:$0x1];
	s11 =	stileid.u32;
	s3 =	simm.s32 $0x0  }
0x3: {  	s13 =	simm.s32 $0x3;
	s14 =	simm.s32 $0x3E00;
	s15 =	simm.s32 $0x80  }
0x4: {  	s0 =	sand.u32 $0x1, s0;
	[smem:$0x7FF] =	sst s3;
	s9 =	smul.u32 $0x4F000, s11  }
0x5: {  	s30 =	smul.u32 $0x2780, s11;
	s4 =	sshll.u32 s0, $0x4;
	s7 =	ssub.s32 $0x2, s0  }
0x6: {  	_ =	strace $0x8000004A;
	s8 =	sshrl.u32 s7, $0x1;
	s23 =	sshrl.u32 s9, $0x2  }
0x7: {  	s6 =	smul.u32 $0x27800, s0;
	s12 =	ssub.s32 s7, s8;
	s7 =	sadd.s32 s23, s2  }
0x8: {  	p0 =	seq.s32 s0, $0x0;
	s4 =	sor.u32 s11, s4;
	s0 =	sadd.s32 $0x4000, s7  }
0x9: {  	s5 =	smul.u32 $0x780, s4;
	s25 =	sadd.s32 $0x8000, s7;
	[dreg:$0x4] =	wrdreg s0  }
0xa: {  	s4 =	sadd.s32 $0x2600, s1;
	s26 =	sadd.s32 $0xC000, s7;
	[dreg:$0x5] =	wrdreg s25  }
0xb: {  	s28 =	sadd.s32 $0x10000, s7;
	s31 =	smax.u32 s12, $0x1;
	[dreg:$0x6] =	wrdreg s26  }
0xc: {  	s10 =	sadd.s32 s5, s1;
	s1 =	sadd.s32 s6, s1;
	[dreg:$0x7] =	wrdreg s28  }
0xd: {  	[dreg:$0x8] =	wrdreg s31;
	s24 =	sadd.s32 $0x65600, s10;
	s29 =	sadd.s32 $0x74600, s1  }
0xe: {  	s5 =	simm.s32 $0x78;
	[dreg:$0x3] =	wrdreg s24;
	s0 =	sadd.s32 s30, s29  }
0xf: {  	v0 =	vimm.f32 $0.0e+00;
	s20 =	simm.s32 $0x0;
	s5 =	simm.s32 @!p0 $0x26;
	[dreg:$0x9] =	wrdreg s0  }
.LBB2_1:
0x10: {  	s0 =	rddreg [dreg:$0x3]  }
0x11: {  	[tilespmem:s3], [sflag:$0x3] =	stream.linear.gather [hbm4b:s0+s3], $0x3C00, $0x38;
	[tilespmem:$0x1FA00] =	vst v63  }
0x12: {  	s31 =	sand.u32 $0xFE00, s3;
	s1 =	sand.u32 $0x70, s3;
	_ =	swait.ge [sflag:s13], $0x3C00  }
0x13: {  	s16 =	sshrl.u32 s31, $0x2;
	s0 =	simm.s32 $0x40;
	[sflag:s13] =	ssyncset.done $0x0  }
0x14: {  	s16 =	sor.u32 s1, s16;
	s1 =	simm.s32 $0x0;
	[sflag:s13] =	ssyncadd.s32 $0xFFFFC400  }
.LBB2_2:
0x15: {  	p0 =	sne.s32 s0, $0xFFC0  }
0x16: {  	[tilespmem:s16+$0x3E00] =	vst v0;
	s1 =	sadd.s32 $0x10, s1;
	s16 =	smov.u32 s0;
	s0 =	sadd.s32 $0x40, s0  }
.Ltmp0:
0x17: {  	(pc) =	sbr.rel @p0 .LBB2_2-.Ltmp0, $4  }
0x18: {  	_ = 	snop  }
0x19: {  	s16 =	sand.u32 $0xFE00, s16  }
0x1a: {  	s17 =	sand.u32 $0x70, s1;
	s16 =	sshrl.u32 s16, $0x2  }
0x1b: {  	s16 =	sor.u32 s17, s16  }
0x1c: {  	[tilespmem:s16+$0x3E00] =	vst v0  }
0x1d: {  	[spmem:s7] =	stream.linear.scatter [tilespmem:s14], [sflag:$0x3], $0x4000, $0x38;
	[tilespmem:$0x1FA00] =	vst v63  }
0x1e: {  	_ =	swait.ge [sflag:s13], $0x4000  }
0x1f: {  	[sflag:s13] =	ssyncset.done $0x0  }
0x20: {  	s0 =	rddreg [dreg:$0x4];
	[sflag:s13] =	ssyncadd.s32 $0xFFFFC000  }
0x21: {  	[spmem:s0] =	stream.linear.scatter [tilespmem:s14], [sflag:$0x3], $0x4000, $0x38;
	[tilespmem:$0x1FA00] =	vst v63  }
0x22: {  	_ =	swait.ge [sflag:s13], $0x4000  }
0x23: {  	[sflag:s13] =	ssyncset.done $0x0  }
0x24: {  	s26 =	rddreg [dreg:$0x5];
	[sflag:s13] =	ssyncadd.s32 $0xFFFFC000  }
0x25: {  	[spmem:s26] =	stream.linear.scatter [tilespmem:s14], [sflag:$0x3], $0x4000, $0x38;
	[tilespmem:$0x1FA00] =	vst v63  }
0x26: {  	_ =	swait.ge [sflag:s13], $0x4000  }
0x27: {  	[sflag:s13] =	ssyncset.done $0x0  }
0x28: {  	s28 =	rddreg [dreg:$0x6];
	[sflag:s13] =	ssyncadd.s32 $0xFFFFC000  }
0x29: {  	[spmem:s28] =	stream.linear.scatter [tilespmem:s14], [sflag:$0x3], $0x4000, $0x38;
	[tilespmem:$0x1FA00] =	vst v63  }
0x2a: {  	_ =	swait.ge [sflag:s13], $0x4000  }
0x2b: {  	[sflag:s13] =	ssyncset.done $0x0  }
0x2c: {  	s29 =	rddreg [dreg:$0x7];
	[sflag:s13] =	ssyncadd.s32 $0xFFFFC000  }
0x2d: {  	[spmem:s29] =	stream.linear.scatter [tilespmem:s14], [sflag:$0x3], $0x3C00, $0x38;
	[tilespmem:$0x1FA00] =	vst v63  }
0x2e: {  	_ =	swait.ge [sflag:s13], $0x3C00  }
0x2f: {  	[sflag:s13] =	ssyncset.done $0x0  }
0x30: {  	[sflag:s13] =	ssyncadd.s32 $0xFFFFC400  }
0x31: {  	[bflag:$0x0] =	sbarrier.arrive $0xFFFF  }
0x32: {  	v1 =	vld [tilespmem:$0x0];
	_ =	sdelay $0x1  }
0x33: {  	v2 =	vld [tilespmem:$0x10];
	_ =	sdelay $0x1  }
0x34: {  	v3 =	vld [tilespmem:$0x20]  }
0x35: {  	v4 =	vand.u32 $0xFFFF, v1  }
0x36: {  	v59 =	vld [tilespmem:$0x30];
	v1 =	vshrl.u32 v1, $0x10;
	[tilespmem:$0x3C00] =	vst v4  }
0x37: {  	[tilespmem:$0x3D00] =	vst v1;
	v1 =	vand.u32 $0xFFFF, v2  }
0x38: {  	[tilespmem:$0x3C10] =	vst v1;
	v1 =	vshrl.u32 v2, $0x10;
	v2 =	vld [tilespmem:$0x40]  }
0x39: {  	[tilespmem:$0x3D10] =	vst v1;
	v1 =	vand.u32 $0xFFFF, v3  }
0x3a: {  	[tilespmem:$0x3C20] =	vst v1;
	v1 =	vshrl.u32 v3, $0x10;
	v3 =	vld [tilespmem:$0x50]  }
0x3b: {  	[tilespmem:$0x3D20] =	vst v1;
	v1 =	vand.u32 $0xFFFF, v59  }
0x3c: {  	v60 =	vld [tilespmem:$0x60];
	[tilespmem:$0x3C30] =	vst v1;
	v1 =	vshrl.u32 v59, $0x10  }
0x3d: {  	[tilespmem:$0x3D30] =	vst v1;
	v1 =	vand.u32 $0xFFFF, v2  }
0x3e: {  	[tilespmem:$0x3C40] =	vst v1;
	v1 =	vshrl.u32 v2, $0x10;
	v2 =	vld [tilespmem:$0x70]  }
0x3f: {  	[tilespmem:$0x3D40] =	vst v1;
	v1 =	vand.u32 $0xFFFF, v3  }
0x40: {  	[tilespmem:$0x3C50] =	vst v1;
	v1 =	vshrl.u32 v3, $0x10  }
0x41: {  	[tilespmem:$0x3D50] =	vst v1;
	v1 =	vand.u32 $0xFFFF, v60  }
0x42: {  	[tilespmem:$0x3C60] =	vst v1;
	v1 =	vshrl.u32 v60, $0x10  }
0x43: {  	[tilespmem:$0x3D60] =	vst v1;
	v1 =	vand.u32 $0xFFFF, v2  }
0x44: {  	[tilespmem:$0x3C70] =	vst v1;
	v1 =	vshrl.u32 v2, $0x10  }
0x45: {  	s30 =	simm.s32 $0x3C00;
	[tilespmem:$0x3D70] =	vst v1  }
0x46: {  	[tilespmem:s14], [sflag:$0x1] =	stream.indirect.gather [hbm4b:s4+s15], $0x80, s30, s15, $0xb8;
	[tilespmem:$0x1FA00] =	vst v63  }
0x47: {  	v1 =	vld [tilespmem:$0x80];
	_ =	sdelay $0x1  }
0x48: {  	v2 =	vld [tilespmem:$0x90];
	_ =	sdelay $0x1  }
0x49: {  	v3 =	vld [tilespmem:$0xA0]  }
0x4a: {  	v61 =	vand.u32 $0xFFFF, v1  }
0x4b: {  	v62 =	vld [tilespmem:$0xB0];
	v1 =	vshrl.u32 v1, $0x10;
	[tilespmem:$0x3C80] =	vst v61  }
0x4c: {  	[tilespmem:$0x3D80] =	vst v1;
	v1 =	vand.u32 $0xFFFF, v2  }
0x4d: {  	[tilespmem:$0x3C90] =	vst v1;
	v1 =	vshrl.u32 v2, $0x10;
	v2 =	vld [tilespmem:$0xC0]  }
0x4e: {  	[tilespmem:$0x3D90] =	vst v1;
	v1 =	vand.u32 $0xFFFF, v3  }
0x4f: {  	[tilespmem:$0x3CA0] =	vst v1;
	v1 =	vshrl.u32 v3, $0x10;
	v3 =	vld [tilespmem:$0xD0]  }
0x50: {  	[tilespmem:$0x3DA0] =	vst v1;
	v1 =	vand.u32 $0xFFFF, v62  }
0x51: {  	v63 =	vld [tilespmem:$0xE0];
	[tilespmem:$0x3CB0] =	vst v1;
	v1 =	vshrl.u32 v62, $0x10  }
0x52: {  	[tilespmem:$0x3DB0] =	vst v1;
	v1 =	vand.u32 $0xFFFF, v2  }
0x53: {  	[tilespmem:$0x3CC0] =	vst v1;
	v1 =	vshrl.u32 v2, $0x10;
	v2 =	vld [tilespmem:$0xF0]  }
0x54: {  	[tilespmem:$0x3DC0] =	vst v1;
	v1 =	vand.u32 $0xFFFF, v3  }
0x55: {  	[tilespmem:$0x3CD0] =	vst v1;
	v1 =	vshrl.u32 v3, $0x10  }
0x56: {  	p0 =	sne.s32 s5, $0x1;
	[tilespmem:$0x3DD0] =	vst v1;
	v1 =	vand.u32 $0xFFFF, v63  }
.Ltmp1:
0x57: {  	[tilespmem:$0x3CE0] =	vst v1;
	v1 =	vshrl.u32 v63, $0x10;
	(pc) =	sbr.rel @!p0 .LBB2_4-.Ltmp1, $4  }
0x58: {  	[tilespmem:$0x3DE0] =	vst v1;
	v1 =	vand.u32 $0xFFFF, v2  }
0x59: {  	s31 =	simm.s32 $0x3C80;
	s1 =	simm.s32 $0x7E00;
	s17 =	simm.s32 $0x0;
	[tilespmem:$0x3CF0] =	vst v1;
	v1 =	vshrl.u32 v2, $0x10  }
0x5a: {  	s21 =	simm.s32 $0x170;
	s24 =	simm.s32 $0x1;
	p1 =	por $0x0, $0x0;
	[tilespmem:$0x3DF0] =	vst v1  }
0x5b: {  	[tilespmem:s1], [sflag:$0x2] =	stream.indirect.gather [hbm4b:s4+s15], $0x80, s31, s15, $0xb8;
	[tilespmem:$0x1FA00] =	vst v63  }
0x5c: {  	s0 =	sand.u32 $0x1, s17  }
0x5d: {  	s22 =	sadd.s32 $0x1, s0  }
0x5e: {  	_ =	swait.ge [sflag:s22], $0x4000  }
0x5f: {  	s1 =	sshll.u32 s0, $0xE;
	s0 =	sshll.u32 s0, $0x7;
	[sflag:s22] =	ssyncset.done $0x0  }
0x60: {  	s23 =	sor.u32 $0x3E00, s1;
	s31 =	sor.u32 $0x3D00, s0;
	[sflag:s22] =	ssyncadd.s32 $0xFFFFC000  }
0x61: {  	[spmem:s2] =	stream.indirect.scatter.add.f32 [tilespmem:s23], [sflag:s22], $0x80, s31, s15, $0xb8;
	[tilespmem:$0x1FA00] =	vst v63  }
0x62: {  	_ =	swait.ge [sflag:s22], $0x4000  }
0x63: {  	[sflag:s22] =	ssyncset.done $0x0  }
0x64: {  	p0 =	sle.u32 s5, $0x2;
	[sflag:s22] =	ssyncadd.s32 $0xFFFFC000  }
0x65: {  	v1 =	vld @!p0 [tilespmem:s21+$0xFFFFFF90];
	_ =	sdelay $0x4  }
0x66: {  	v2 =	vand.u32 @!p0 $0xFFFF, v1  }
0x67: {  	v1 =	vshrl.u32 @!p0 v1, $0x10;
	[tilespmem:s0+$0x3C00] =	vst @!p0 v2  }
0x68: {  	[tilespmem:s0+$0x3D00] =	vst @!p0 v1  }
0x69: {  	v1 =	vld @!p0 [tilespmem:s21+$0xFFFFFFA0];
	_ =	sdelay $0x4  }
0x6a: {  	s1 =	sor.u32 @!p0 $0x3C10, s0;
	v2 =	vand.u32 @!p0 $0xFFFF, v1  }
0x6b: {  	s16 =	sor.u32 @!p0 $0x3D10, s0;
	v1 =	vshrl.u32 @!p0 v1, $0x10;
	[tilespmem:s1+$0x0] =	vst @!p0 v2  }
0x6c: {  	[tilespmem:s16+$0x0] =	vst @!p0 v1  }
0x6d: {  	v1 =	vld @!p0 [tilespmem:s21+$0xFFFFFFB0];
	_ =	sdelay $0x4  }
0x6e: {  	s1 =	sor.u32 @!p0 $0x3C20, s0;
	v2 =	vand.u32 @!p0 $0xFFFF, v1  }
0x6f: {  	s16 =	sor.u32 @!p0 $0x3D20, s0;
	v1 =	vshrl.u32 @!p0 v1, $0x10;
	[tilespmem:s1+$0x0] =	vst @!p0 v2  }
0x70: {  	[tilespmem:s16+$0x0] =	vst @!p0 v1  }
0x71: {  	v1 =	vld @!p0 [tilespmem:s21+$0xFFFFFFC0];
	_ =	sdelay $0x4  }
0x72: {  	s1 =	sor.u32 @!p0 $0x3C30, s0;
	v2 =	vand.u32 @!p0 $0xFFFF, v1  }
0x73: {  	s16 =	sor.u32 @!p0 $0x3D30, s0;
	v1 =	vshrl.u32 @!p0 v1, $0x10;
	[tilespmem:s1+$0x0] =	vst @!p0 v2  }
0x74: {  	[tilespmem:s16+$0x0] =	vst @!p0 v1  }
0x75: {  	v1 =	vld @!p0 [tilespmem:s21+$0xFFFFFFD0];
	_ =	sdelay $0x4  }
0x76: {  	s1 =	sor.u32 @!p0 $0x3C40, s0;
	v2 =	vand.u32 @!p0 $0xFFFF, v1  }
0x77: {  	s16 =	sor.u32 @!p0 $0x3D40, s0;
	v1 =	vshrl.u32 @!p0 v1, $0x10;
	[tilespmem:s1+$0x0] =	vst @!p0 v2  }
0x78: {  	[tilespmem:s16+$0x0] =	vst @!p0 v1  }
0x79: {  	v1 =	vld @!p0 [tilespmem:s21+$0xFFFFFFE0];
	_ =	sdelay $0x4  }
0x7a: {  	s1 =	sor.u32 @!p0 $0x3C50, s0;
	v2 =	vand.u32 @!p0 $0xFFFF, v1  }
0x7b: {  	s16 =	sor.u32 @!p0 $0x3D50, s0;
	v1 =	vshrl.u32 @!p0 v1, $0x10;
	[tilespmem:s1+$0x0] =	vst @!p0 v2  }
0x7c: {  	[tilespmem:s16+$0x0] =	vst @!p0 v1  }
0x7d: {  	v1 =	vld @!p0 [tilespmem:s21+$0xFFFFFFF0];
	_ =	sdelay $0x4  }
0x7e: {  	s1 =	sor.u32 @!p0 $0x3C60, s0;
	v2 =	vand.u32 @!p0 $0xFFFF, v1  }
0x7f: {  	s16 =	sor.u32 @!p0 $0x3D60, s0;
	v1 =	vshrl.u32 @!p0 v1, $0x10;
	[tilespmem:s1+$0x0] =	vst @!p0 v2  }
0x80: {  	[tilespmem:s16+$0x0] =	vst @!p0 v1  }
0x81: {  	p2 =	sne.s32 s5, $0x2;
	v1 =	vld @!p0 [tilespmem:s21+$0x0]  }
.Ltmp2:
0x82: {  	_ = 	snop;
	(pc) =	sbr.rel @!p2 .LBB2_6-.Ltmp2, $3  }
0x83: {  	_ =	sdelay $0x1  }
0x84: {  	s26 =	simm.s32 $0x2;
	p1 =	por $0x1, $0x1;
	s25 =	simm.s32 $0x170  }
0x85: {  	s29 =	sor.u32 @!p0 $0x3C70, s0;
	s28 =	sor.u32 @!p0 $0x3C00, s0;
	s30 =	sor.u32 @!p0 $0x3D70, s0;
	v2 =	vand.u32 @!p0 $0xFFFF, v1;
	v1 =	vshrl.u32 @!p0 v1, $0x10  }
.LBB2_7:
0x86: {  	s0 =	sand.u32 $0x1, s24  }
0x87: {  	[tilespmem:s29+$0x0] =	vst @!p0 v2;
	s25 =	sadd.s32 $0x80, s25;
	s1 =	smov.u32 s26;
	s26 =	sadd.s32 $0x1, s26  }
0x88: {  	s18 =	simm.s32 @!p0 $0x80;
	s16 =	sshll.u32 s0, $0xE;
	s17 =	sadd.s32 $0x1, s0;
	[tilespmem:s30+$0x0] =	vst @!p0 v1  }
0x89: {  	[tilespmem:s23], [sflag:s22] =	stream.indirect.gather @!p0 [hbm4b:s4+s18], $0x80, s28, s18, $0xb8;
	[tilespmem:$0x1FA00] =	vst v63  }
0x8a: {  	p2 =	sne.s32 s5, s26;
	s22 =	smov.u32 s17;
	_ =	swait.ge [sflag:s17], $0x4000  }
0x8b: {  	s6 =	sshll.u32 s0, $0x7;
	s0 =	sadd.s32 $0x2, s24;
	[sflag:s22] =	ssyncset.done $0x0  }
0x8c: {  	s23 =	sor.u32 $0x3E00, s16;
	s16 =	sor.u32 $0x3D00, s6;
	[sflag:s22] =	ssyncadd.s32 $0xFFFFC000  }
0x8d: {  	[spmem:s2] =	stream.indirect.scatter.add.f32 [tilespmem:s23], [sflag:s22], $0x80, s16, s15, $0xb8;
	[tilespmem:$0x1FA00] =	vst v63  }
0x8e: {  	s24 =	smov.u32 s1;
	p0 =	sge.u32 s0, s5;
	_ =	swait.ge [sflag:s22], $0x4000  }
0x8f: {  	s8 =	sor.u32 @!p0 $0x3C10, s6;
	s9 =	sor.u32 @!p0 $0x3D10, s6;
	[sflag:s22] =	ssyncset.done $0x0  }
0x90: {  	s10 =	sor.u32 @!p0 $0x3C20, s6;
	s11 =	sor.u32 @!p0 $0x3D20, s6;
	[sflag:s22] =	ssyncadd.s32 $0xFFFFC000  }
0x91: {  	s12 =	sor.u32 @!p0 $0x3C30, s6;
	s19 =	sor.u32 @!p0 $0x3D30, s6;
	s18 =	sor.u32 @!p0 $0x3C40, s6;
	v1 =	vld @!p0 [tilespmem:s25+$0xFFFFFF90]  }
0x92: {  	s1 =	sor.u32 @!p0 $0x3D40, s6;
	s17 =	sor.u32 @!p0 $0x3C50, s6;
	s16 =	sor.u32 @!p0 $0x3D50, s6  }
0x93: {  	s0 =	sor.u32 @!p0 $0x3C60, s6;
	s31 =	sor.u32 @!p0 $0x3D60, s6;
	s29 =	sor.u32 @!p0 $0x3C70, s6  }
0x94: {  	s28 =	sor.u32 @!p0 $0x3C00, s6;
	s30 =	sor.u32 @!p0 $0x3D70, s6;
	_ =	sdelay $0x1  }
0x95: {  	v2 =	vand.u32 @!p0 $0xFFFF, v1;
	v1 =	vshrl.u32 @!p0 v1, $0x10  }
0x96: {  	[tilespmem:s6+$0x3C00] =	vst @!p0 v2  }
0x97: {  	[tilespmem:s6+$0x3D00] =	vst @!p0 v1  }
0x98: {  	v1 =	vld @!p0 [tilespmem:s25+$0xFFFFFFA0];
	_ =	sdelay $0x4  }
0x99: {  	v2 =	vand.u32 @!p0 $0xFFFF, v1;
	v1 =	vshrl.u32 @!p0 v1, $0x10  }
0x9a: {  	[tilespmem:s8+$0x0] =	vst @!p0 v2  }
0x9b: {  	[tilespmem:s9+$0x0] =	vst @!p0 v1  }
0x9c: {  	v1 =	vld @!p0 [tilespmem:s25+$0xFFFFFFB0];
	_ =	sdelay $0x4  }
0x9d: {  	v2 =	vand.u32 @!p0 $0xFFFF, v1;
	v1 =	vshrl.u32 @!p0 v1, $0x10  }
0x9e: {  	[tilespmem:s10+$0x0] =	vst @!p0 v2  }
0x9f: {  	[tilespmem:s11+$0x0] =	vst @!p0 v1  }
0xa0: {  	v1 =	vld @!p0 [tilespmem:s25+$0xFFFFFFC0];
	_ =	sdelay $0x4  }
0xa1: {  	v2 =	vand.u32 @!p0 $0xFFFF, v1;
	v1 =	vshrl.u32 @!p0 v1, $0x10  }
0xa2: {  	[tilespmem:s12+$0x0] =	vst @!p0 v2  }
0xa3: {  	[tilespmem:s19+$0x0] =	vst @!p0 v1  }
0xa4: {  	v1 =	vld @!p0 [tilespmem:s25+$0xFFFFFFD0];
	_ =	sdelay $0x4  }
0xa5: {  	v2 =	vand.u32 @!p0 $0xFFFF, v1;
	v1 =	vshrl.u32 @!p0 v1, $0x10  }
0xa6: {  	[tilespmem:s18+$0x0] =	vst @!p0 v2  }
0xa7: {  	[tilespmem:s1+$0x0] =	vst @!p0 v1  }
0xa8: {  	v1 =	vld @!p0 [tilespmem:s25+$0xFFFFFFE0];
	_ =	sdelay $0x4  }
0xa9: {  	v2 =	vand.u32 @!p0 $0xFFFF, v1;
	v1 =	vshrl.u32 @!p0 v1, $0x10  }
0xaa: {  	[tilespmem:s17+$0x0] =	vst @!p0 v2  }
0xab: {  	[tilespmem:s16+$0x0] =	vst @!p0 v1  }
0xac: {  	v1 =	vld @!p0 [tilespmem:s25+$0xFFFFFFF0];
	_ =	sdelay $0x4  }
0xad: {  	v2 =	vand.u32 @!p0 $0xFFFF, v1;
	v1 =	vshrl.u32 @!p0 v1, $0x10  }
0xae: {  	[tilespmem:s0+$0x0] =	vst @!p0 v2  }
0xaf: {  	[tilespmem:s31+$0x0] =	vst @!p0 v1  }
0xb0: {  	v1 =	vld @!p0 [tilespmem:s25+$0x0]  }
.Ltmp3:
0xb1: {  	(pc) =	sbr.rel @p2 .LBB2_7-.Ltmp3, $2  }
0xb2: {  	_ =	sdelay $0x2  }
0xb3: {  	v2 =	vand.u32 @!p0 $0xFFFF, v1;
	v1 =	vshrl.u32 @!p0 v1, $0x10  }
0xb4: {  	s17 =	smov.u32 s24  }
.LBB2_9:
0xb5: {  	p0 =	por p0, !p1  }
0xb6: {  	[tilespmem:s29+$0x0] =	vst @!p0 v2  }
0xb7: {  	s1 =	sand.u32 $0x1, s17;
	s0 =	simm.s32 @!p0 $0x80;
	[tilespmem:s30+$0x0] =	vst @!p0 v1  }
0xb8: {  	[tilespmem:s23], [sflag:s22] =	stream.indirect.gather @!p0 [hbm4b:s4+s0], $0x80, s28, s0, $0xb8;
	[tilespmem:$0x1FA00] =	vst v63  }
0xb9: {  	s0 =	sadd.s32 $0x1, s1  }
0xba: {  	_ =	swait.ge [sflag:s0], $0x4000  }
0xbb: {  	s6 =	sshll.u32 s1, $0xE;
	s16 =	sshll.u32 s1, $0x7;
	[sflag:s0] =	ssyncset.done $0x0  }
0xbc: {  	s26 =	sor.u32 $0x3D00, s16;
	s1 =	sor.u32 $0x3E00, s6;
	[sflag:s0] =	ssyncadd.s32 $0xFFFFC000  }
0xbd: {  	[spmem:s2] =	stream.indirect.scatter.add.f32 [tilespmem:s1], [sflag:s0], $0x80, s26, s15, $0xb8;
	[tilespmem:$0x1FA00] =	vst v63  }
0xbe: {  	_ =	swait.ge [sflag:s0], $0x4000  }
0xbf: {  	s8 =	sadd.s32 $0x2, s17;
	s6 =	sadd.s32 @p1 $0x80, s25;
	[sflag:s0] =	ssyncset.done $0x0  }
0xc0: {  	p0 =	sge.u32 s8, s5;
	s21 =	smov.u32 @p1 s6;
	[sflag:s0] =	ssyncadd.s32 $0xFFFFC000  }
0xc1: {  	v1 =	vld @!p0 [tilespmem:s21+$0xFFFFFF90];
	_ =	sdelay $0x4  }
0xc2: {  	v2 =	vand.u32 @!p0 $0xFFFF, v1  }
0xc3: {  	v1 =	vshrl.u32 @!p0 v1, $0x10;
	[tilespmem:s16+$0x3C00] =	vst @!p0 v2  }
0xc4: {  	[tilespmem:s16+$0x3D00] =	vst @!p0 v1  }
0xc5: {  	v1 =	vld @!p0 [tilespmem:s21+$0xFFFFFFA0];
	_ =	sdelay $0x4  }
0xc6: {  	s6 =	sor.u32 @!p0 $0x3C10, s16;
	v2 =	vand.u32 @!p0 $0xFFFF, v1  }
0xc7: {  	v1 =	vshrl.u32 @!p0 v1, $0x10;
	[tilespmem:s6+$0x0] =	vst @!p0 v2;
	s6 =	sor.u32 @!p0 $0x3D10, s16  }
0xc8: {  	[tilespmem:s6+$0x0] =	vst @!p0 v1  }
0xc9: {  	v1 =	vld @!p0 [tilespmem:s21+$0xFFFFFFB0];
	_ =	sdelay $0x4  }
0xca: {  	s6 =	sor.u32 @!p0 $0x3C20, s16;
	v2 =	vand.u32 @!p0 $0xFFFF, v1  }
0xcb: {  	v1 =	vshrl.u32 @!p0 v1, $0x10;
	[tilespmem:s6+$0x0] =	vst @!p0 v2;
	s6 =	sor.u32 @!p0 $0x3D20, s16  }
0xcc: {  	[tilespmem:s6+$0x0] =	vst @!p0 v1  }
0xcd: {  	v1 =	vld @!p0 [tilespmem:s21+$0xFFFFFFC0];
	_ =	sdelay $0x4  }
0xce: {  	s6 =	sor.u32 @!p0 $0x3C30, s16;
	v2 =	vand.u32 @!p0 $0xFFFF, v1  }
0xcf: {  	v1 =	vshrl.u32 @!p0 v1, $0x10;
	[tilespmem:s6+$0x0] =	vst @!p0 v2;
	s6 =	sor.u32 @!p0 $0x3D30, s16  }
0xd0: {  	[tilespmem:s6+$0x0] =	vst @!p0 v1  }
0xd1: {  	v1 =	vld @!p0 [tilespmem:s21+$0xFFFFFFD0];
	_ =	sdelay $0x4  }
0xd2: {  	s6 =	sor.u32 @!p0 $0x3C40, s16;
	v2 =	vand.u32 @!p0 $0xFFFF, v1  }
0xd3: {  	v1 =	vshrl.u32 @!p0 v1, $0x10;
	[tilespmem:s6+$0x0] =	vst @!p0 v2;
	s6 =	sor.u32 @!p0 $0x3D40, s16  }
0xd4: {  	[tilespmem:s6+$0x0] =	vst @!p0 v1  }
0xd5: {  	v1 =	vld @!p0 [tilespmem:s21+$0xFFFFFFE0];
	_ =	sdelay $0x4  }
0xd6: {  	s6 =	sor.u32 @!p0 $0x3C50, s16;
	v2 =	vand.u32 @!p0 $0xFFFF, v1  }
0xd7: {  	v1 =	vshrl.u32 @!p0 v1, $0x10;
	[tilespmem:s6+$0x0] =	vst @!p0 v2;
	s6 =	sor.u32 @!p0 $0x3D50, s16  }
0xd8: {  	[tilespmem:s6+$0x0] =	vst @!p0 v1  }
0xd9: {  	v1 =	vld @!p0 [tilespmem:s21+$0xFFFFFFF0];
	_ =	sdelay $0x4  }
0xda: {  	s6 =	sor.u32 @!p0 $0x3C60, s16;
	v2 =	vand.u32 @!p0 $0xFFFF, v1  }
0xdb: {  	v1 =	vshrl.u32 @!p0 v1, $0x10;
	[tilespmem:s6+$0x0] =	vst @!p0 v2;
	s6 =	sor.u32 @!p0 $0x3D60, s16  }
0xdc: {  	[tilespmem:s6+$0x0] =	vst @!p0 v1  }
0xdd: {  	v1 =	vld @!p0 [tilespmem:s21+$0x0];
	_ =	sdelay $0x4  }
0xde: {  	s6 =	sor.u32 @!p0 $0x3C70, s16;
	v2 =	vand.u32 @!p0 $0xFFFF, v1  }
0xdf: {  	v1 =	vshrl.u32 @!p0 v1, $0x10;
	[tilespmem:s6+$0x0] =	vst @!p0 v2;
	s6 =	sor.u32 @!p0 $0x3D70, s16  }
0xe0: {  	s28 =	stileid.u32;
	s8 =	sor.u32 @!p0 $0x3C00, s16;
	[tilespmem:s6+$0x0] =	vst @!p0 v1;
	s6 =	simm.s32 @!p0 $0x80  }
0xe1: {  	[tilespmem:s1], [sflag:s0] =	stream.indirect.gather @!p0 [hbm4b:s4+s6], $0x80, s8, s6, $0xb8;
	[tilespmem:$0x1FA00] =	vst v63  }
0xe2: {  	s0 =	sshll.u32 s28, $0x6;
	[bflag:$0x0] =	sbarrier.arrive $0xFFFF  }
0xe3: {  	s29 =	sshrl.u32 s7, $0x3;
	s0 =	sor.u32 $0x1C03, s0;
	s30 =	rddreg [dreg:$0x9]  }
0xe4: {  	[hbm:s30], [sflag:s0] =	dma.local [spmem:s29], $0x2780  }
0xe5: {  	_ =	swait.ge [sflag:s13], $0x2780  }
0xe6: {  	s20 =	sadd.s32 $0x1, s20;
	s31 =	rddreg [dreg:$0x8]  }
0xe7: {  	p0 =	sne.s32 s20, s31  }
.Ltmp4:
0xe8: {  	_ = 	snop;
	(pc) =	sbr.rel @p0 .LBB2_1-.Ltmp4, $4  }
.Ltmp5:
0xe9: {  	_ = 	snop;
	(pc) =	sbr.rel @!p0 .LBB2_10-.Ltmp5, $4  }
0xea: {  	_ = 	snop  }
0xeb: {  	[sflag:s13] =	ssyncset.done $0x0  }
0xec: {  	[sflag:s13] =	ssyncadd.s32 $0xFFFFD880  }
0xed: {  	_ = 	snop  }
.LBB2_4:
.Ltmp6:
0xee: {  	(pc) =	sbr.rel .LBB2_9-.Ltmp6, $2  }
0xef: {  	_ =	sdelay $0x2  }
0xf0: {  	s25 =	simm.s32 $0x170  }
.LBB2_6:
.Ltmp7:
0xf1: {  	(pc) =	sbr.rel .LBB2_9-.Ltmp7, $2  }
0xf2: {  	_ =	sdelay $0x2  }
0xf3: {  	s17 =	simm.s32 $0x1;
	s25 =	simm.s32 $0x170  }
.LBB2_10:
0xf4: {  	_ =	sfence.sel $0x180000  }
0xf5: {  	[bflag:$0x0] =	sbarrier.arrive $0xFFFF  }
0xf6: {  	_ =	strace $0x9000004A  }
0xf7: {  	s0 =	stileid.u32;
	[bflag:$0x2] =	sbarrier.arrive $0xFFFF  }
0xf8: {  	p0 =	sne.s32 s0, $0x0;
	s0 =	rddreg [dreg:$0x2]  }
0xf9: {  	s0 =	sadd.s32 @!p0 $0x100000, s0  }
0xfa: {  	[sflag:s0] =	ssyncadd.tile.s32 @!p0 $0x1;
	_ =	shalt  }
.Lfunc_end2:
_tile_overlayer_lowered:
.L_overlay_start_2:
0xfb: {  	(tag) =	ssettag $0x2  }
0xfc: {  	s0 =	rddreg [dreg:$0x0];
	s2 =	stileid.u32  }
0xfd: {  	s1 =	rddreg [dreg:$0x1];
	p0 =	sne.s32 s2, $0x0  }
0xfe: {  	s3 =	rddreg [dreg:$0x2];
	[bflag:$0x3] =	sbarrier.arrive $0xFFFF;
	s2 =	simm.s32 @!p0 $0x1C03  }
0xff: {  	[timem:s3], [sflag:s2] =	dma.local @!p0 [hbm:s0], s1  }
0x100: {  	s0 =	simm.s32 @!p0 $0x3  }
0x101: {  	_ =	swait.ge @!p0 [sflag:s0], s1  }
0x102: {  	s1 =	ssub.s32 @!p0 $0x0, s1;
	[sflag:s0] =	ssyncset.done @!p0 $0x0  }
0x103: {  	[sflag:s0] =	ssyncadd.s32 @!p0 s1  }
0x104: {  	[bflag:$0x3] =	sbarrier.arrive $0xFFFF  }
0x105: {  	_ =	shalt  }

// kernel: kernel.16.cloned.1.call-start
scs
__scs_entry_jumppad:
0x0: {  	(pc) =	sbr.rel $0x88, $3  }
0x1: {  	(tag) =	ssettag $0x0;
	lr =	simm.s32 $0x1  }
0x2: {  	[smem:$0x3F99] =	sst lr;
	_ =	strace $0xD0000000  }
0x3: {  	_ = 	snop  }
0x4: {  	_ = 	snop  }
0x5: {  	_ = 	snop  }
0x6: {  	_ = 	snop  }
0x7: {  	_ = 	snop  }
__scs_overlays_trampoline_lowered:
0x8: {  	[smem:$0x3FA8] =	sst s0  }
0x9: {  	[smem:$0x3FA9] =	sst s1  }
0xa: {  	[smem:$0x3FAA] =	sst s2  }
0xb: {  	[smem:$0x3FAB] =	sst s3  }
0xc: {  	[smem:$0x3FAC] =	sst s4  }
0xd: {  	[smem:$0x3FAD] =	sst s5  }
0xe: {  	[smem:$0x3FAE] =	sst s6  }
0xf: {  	[smem:$0x3FAF] =	sst s7  }
0x10: {  	[smem:$0x3FB0] =	sst s8  }
0x11: {  	[smem:$0x3FB1] =	sst s9;
	s0 =	simm.s32 @!p0 $0x0  }
0x12: {  	s1 =	sld [smem:$0x3F97];
	s0 =	simm.s32 @p0 $0x1  }
0x13: {  	[smem:$0x3FB2] =	sst s0;
	s0 =	simm.s32 @!p1 $0x0  }
0x14: {  	s2 =	sld [smem:$0x3F96];
	s0 =	simm.s32 @p1 $0x1  }
0x15: {  	[smem:$0x3FB3] =	sst s0;
	s0 =	simm.s32 @!p2 $0x0  }
0x16: {  	s3 =	sld [smem:$0x3FDB];
	s0 =	simm.s32 @p2 $0x1  }
0x17: {  	s4 =	simm.s32 $0x1BF5;
	[smem:$0x3FB5] =	sst s0  }
0x18: {  	s0 =	sld [smem:$0x3F98];
	_ =	swait.ge [sflag:s4], $0x0  }
0x19: {  	s7 =	sld [smem:$0x3F99]  }
0x1a: {  	s8 =	sadd.s32 $0xFFFFE003, lr  }
0x1b: {  	s9 =	sadd.s32 $0xFFFFFEF7, lr;
	s5 =	simm.s32 $0xFFFFFFFF;
	p2 =	slt.u32 s8, $0xFFFFF086  }
0x1c: {  	p1 =	slt.u32 s9, $0xF7A;
	s5 =	simm.s32 @!p2 $0x0  }
0x1d: {  	s5 =	simm.s32 @p1 $0x1;
	p0 =	seq.s32 s7, s2  }
0x1e: {  	s7 =	smul.u32 @!p0 $0xF7A, s2;
	p2 =	seq.s32 @!p0 s5, $0x0  }
0x1f: {  	s9 =	smul.u32 $0xF7A, s1;
	s8 =	simm.s32 @!p0 $0x1BF5;
	p2 =	por !p2, p0  }
0x20: {  	[sflag:s8] =	ssyncset.s32 @!p0 $0xFFFFF086;
	s6 =	sadd.s32 @!p0 s3, s7;
	s7 =	simm.s32 @!p0 $0x108  }
0x21: {  	s3 =	sadd.s32 s3, s9;
	s6 =	sadd.s32 @!p0 $0x88, s6;
	s7 =	simm.s32 @p2 $0x1082  }
0x22: {  	[simem:s7], [sflag:s8] =	dma.local @!p0 [hbm:s6], $0xF7A  }
0x23: {  	s9 =	sor.u32 $0xD0000000, s2;
	s6 =	simm.s32 $0x108;
	_ =	swait.ge @!p0 [sflag:s8], $0x0  }
0x24: {  	s3 =	sadd.s32 $0x88, s3;
	s6 =	simm.s32 @!p1 $0x1082;
	[sflag:s4] =	ssyncset.s32 $0xFFFFF086  }
0x25: {  	[simem:s6], [sflag:s4] =	dma.local [hbm:s3], $0xF7A  }
0x26: {  	[smem:$0x3F99] =	sst s1;
	(tag) =	ssettag s2;
	_ =	strace s9  }
0x27: {  	s1 =	sld [smem:$0x3FA9]  }
0x28: {  	s2 =	sld [smem:$0x3FAA]  }
0x29: {  	s4 =	sld [smem:$0x3FAC]  }
0x2a: {  	p0 =	seq.s32 s5, $0x0;
	s5 =	sld [smem:$0x3FAD]  }
0x2b: {  	s6 =	sld [smem:$0x3FAE]  }
0x2c: {  	s7 =	sld [smem:$0x3FAF]  }
0x2d: {  	s3 =	simm.s32 $0x108;
	s8 =	sld [smem:$0x3FB0]  }
0x2e: {  	s3 =	simm.s32 @!p0 $0x1082;
	s9 =	sld [smem:$0x3FB1]  }
0x2f: {  	lr =	sadd.s32 s0, s3;
	s0 =	sld [smem:$0x3FA8]  }
0x30: {  	s3 =	sld [smem:$0x3FAB]  }
0x31: {  	[smem:$0x3FB4] =	sst s10  }
0x32: {  	s10 =	sld [smem:$0x3FB2];
	_ =	sdelay $0x3  }
0x33: {  	p0 =	seq.s32 s10, $0x1;
	s10 =	sld [smem:$0x3FB4];
	_ =	sdelay $0x3  }
0x34: {  	[smem:$0x3FB4] =	sst s10  }
0x35: {  	s10 =	sld [smem:$0x3FB3];
	_ =	sdelay $0x3  }
0x36: {  	p1 =	seq.s32 s10, $0x1;
	s10 =	sld [smem:$0x3FB4];
	_ =	sdelay $0x3  }
0x37: {  	[smem:$0x3FB4] =	sst s10  }
0x38: {  	s10 =	sld [smem:$0x3FB5]  }
0x39: {  	_ = 	snop;
	(pc) =	sbr.ind lr, $3  }
0x3a: {  	_ = 	snop  }
0x3b: {  	_ = 	snop  }
0x3c: {  	p2 =	seq.s32 s10, $0x1;
	s10 =	sld [smem:$0x3FB4]  }
0x3d: {  	_ =	shalt  }
0x3e: {  	_ =	shalt  }
0x3f: {  	_ =	shalt  }
0x40: {  	_ =	shalt  }
0x41: {  	_ =	shalt  }
0x42: {  	_ =	shalt  }
0x43: {  	_ =	shalt  }
0x44: {  	_ =	shalt  }
0x45: {  	_ =	shalt  }
0x46: {  	_ =	shalt  }
0x47: {  	_ =	shalt  }
0x48: {  	_ =	shalt  }
0x49: {  	_ =	shalt  }
0x4a: {  	_ =	shalt  }
0x4b: {  	_ =	shalt  }
0x4c: {  	_ =	shalt  }
0x4d: {  	_ =	shalt  }
0x4e: {  	_ =	shalt  }
0x4f: {  	_ =	shalt  }
0x50: {  	_ =	shalt  }
0x51: {  	_ =	shalt  }
0x52: {  	_ =	shalt  }
0x53: {  	_ =	shalt  }
0x54: {  	_ =	shalt  }
0x55: {  	_ =	shalt  }
0x56: {  	_ =	shalt  }
0x57: {  	_ =	shalt  }
0x58: {  	_ =	shalt  }
0x59: {  	_ =	shalt  }
0x5a: {  	_ =	shalt  }
0x5b: {  	_ =	shalt  }
0x5c: {  	_ =	shalt  }
0x5d: {  	_ =	shalt  }
0x5e: {  	_ =	shalt  }
0x5f: {  	_ =	shalt  }
0x60: {  	_ =	shalt  }
0x61: {  	_ =	shalt  }
0x62: {  	_ =	shalt  }
0x63: {  	_ =	shalt  }
0x64: {  	_ =	shalt  }
0x65: {  	_ =	shalt  }
0x66: {  	_ =	shalt  }
0x67: {  	_ =	shalt  }
0x68: {  	_ =	shalt  }
0x69: {  	_ =	shalt  }
0x6a: {  	_ =	shalt  }
0x6b: {  	_ =	shalt  }
0x6c: {  	_ =	shalt  }
0x6d: {  	_ =	shalt  }
0x6e: {  	_ =	shalt  }
0x6f: {  	_ =	shalt  }
0x70: {  	_ =	shalt  }
0x71: {  	_ =	shalt  }
0x72: {  	_ =	shalt  }
0x73: {  	_ =	shalt  }
0x74: {  	_ =	shalt  }
0x75: {  	_ =	shalt  }
0x76: {  	_ =	shalt  }
0x77: {  	_ =	shalt  }
0x78: {  	_ =	shalt  }
0x79: {  	_ =	shalt  }
0x7a: {  	_ =	shalt  }
0x7b: {  	_ =	shalt  }
0x7c: {  	_ =	shalt  }
0x7d: {  	_ =	shalt  }
0x7e: {  	_ =	shalt  }
0x7f: {  	_ =	shalt  }
0x80: {  	_ =	shalt  }
0x81: {  	_ =	shalt  }
0x82: {  	_ =	shalt  }
0x83: {  	_ =	shalt  }
0x84: {  	_ =	shalt  }
0x85: {  	_ =	shalt  }
0x86: {  	_ =	shalt  }
0x87: {  	_ =	shalt  }
.Lfunc_end0:
.L_simem_size_0:
called_computation.2_lowered:
.L_overlay_start_0:
0x88: {  	s2 =	sld [smem:$0x3FD9]  }
0x89: {  	s3 =	sld [smem:$0x3FFE];
	_ =	sdelay $0x1  }
0x8a: {  	s1 =	srdreg.scid  }
0x8b: {  	s0 =	sand.u32 $0x1, s1  }
0x8c: {  	s16 =	sshll.u32 s0, $0xA;
	s2 =	sadd.s32 s3, s2  }
0x8d: {  	s2 =	sadd.s32 s2, s16  }
0x8e: {  	[smem:$0x3FC0] =	sst s2  }
0x8f: {  	_ = 	snop  }
0x90: {  	(tm) =	ssettm $0x1  }
0x91: {  	s17 =	sld [smem:$0x3FFB];
	_ =	sdelay $0x3  }
0x92: {  	_ =	strace s17  }
0x93: {  	s2 =	sld [smem:$0x3FFC];
	_ =	sdelay $0x3  }
0x94: {  	_ =	strace s2  }
0x95: {  	s2 =	sld [smem:$0x3FFD];
	_ =	sdelay $0x3  }
0x96: {  	_ =	strace s2  }
0x97: {  	_ =	strace $0x8FFFFFFF  }
0x98: {  	s18 =	sld [smem:$0x3FDB];
	_ =	sdelay $0x1  }
0x99: {  	s19 =	simm.s32 $_scs_section_size  }
0x9a: {  	s4 =	simm.s32 $_size__tile_overlayer_lowered;
	s5 =	simm.s32 $_tile_overlayer_lowered  }
0x9b: {  	s22 =	simm.s32 $0x1BFF;
	s21 =	sshll.u32 s5, $0x1;
	s2 =	sadd.s32 s19, s18  }
0x9c: {  	s6 =	simm.s32 $0x0;
	s20 =	sshll.u32 s4, $0x1;
	s4 =	sadd.s32 s21, s2  }
0x9d: {  	[timem:s6], [sflag:s22] =	dma.local [hbm:s4], s20  }
0x9e: {  	_ =	swait.ge [sflag:s22], s20  }
0x9f: {  	s3 =	ssub.s32 $0x0, s20;
	[sflag:s22] =	ssyncset.done $0x0  }
0xa0: {  	[sflag:s22] =	ssyncadd.s32 s3;
	_ =	sdelay $0x1  }
0xa1: {  	s23 =	simm.s32 $0x1B8B  }
0xa2: {  	_ =	swait.ge [sflag:s23], $0x1  }
0xa3: {  	[sflag:s23] =	ssyncset.done $0x0  }
0xa4: {  	s25 =	simm.s32 $0x1B8E;
	s24 =	sld [smem:$0x3FFE];
	[sflag:s23] =	ssyncadd.s32 $0xFFFFFFFF  }
0xa5: {  	s26 =	simm.s32 $execute0_lowered;
	[smem:$0x3FD2] =	sst s25  }
0xa6: {  	s4 =	sshll.u32 s26, $0x1;
	_ =	strace $0x8000004C;
	[dreg:$0x1] =	wrdreg $0xFFFFFFFF  }
0xa7: {  	s28 =	simm.s32 $_size_execute0_lowered;
	s2 =	sadd.s32 s2, s4;
	[dreg:$0x0] =	wrdreg $0x0  }
0xa8: {  	s4 =	sshll.u32 s28, $0x1;
	[dreg:$0x2] =	wrdreg s2  }
0xa9: {  	[dreg:$0x3] =	wrdreg s4  }
0xaa: {  	[dreg:$0x4] =	wrdreg $0xC0  }
0xab: {  	_ =	task [dreg:s6], $0x5FFFF  }
0xac: {  	[dreg:$0x1] =	wrdreg $0xFFFFFFFF  }
0xad: {  	[dreg:$0x0] =	wrdreg $0x60  }
0xae: {  	[dreg:$0x2] =	wrdreg s24  }
0xaf: {  	[dreg:$0x3] =	wrdreg $0xBE000  }
0xb0: {  	[dreg:$0x4] =	wrdreg $0x9  }
0xb1: {  	_ =	task.clear_ibuf [dreg:s6], $0x5FFFF;
	_ =	strace $0x9000004C  }
0xb2: {  	s29 =	simm.s32 $0x9;
	_ =	strace $0x8000004E  }
0xb3: {  	_ =	swait.ge [sflag:s29], $0x1  }
0xb4: {  	[sflag:s29] =	ssyncadd.s32 $0xFFFFFFFF  }
0xb5: {  	_ =	strace $0x9000004E  }
0xb6: {  	_ =	sfence  }
0xb7: {  	s30 =	sld [smem:$0x0];
	_ =	sdelay $0x2  }
0xb8: {  	s31 =	sshll.u32 s1, $0xD;
	s1 =	sshrl.u32 s1, $0x2  }
0xb9: {  	s3 =	sand.u32 $0x4000, s31;
	s1 =	sadd.s32 s1, s30  }
0xba: {  	s0 =	sor.u32 s3, s0;
	s1 =	sshll.u32 s1, $0x11  }
0xbb: {  	s0 =	sor.u32 s1, s0  }
0xbc: {  	s0 =	sadd.s32 $0x8F2B, s0  }
0xbd: {  	[sflag:s0] =	ssyncadd.remote.s32 $0x1  }
0xbe: {  	_ =	sfence.sel $0xFFFF  }
0xbf: {  	[dreg:$0x0] =	wrdreg $0xFFFFFFFF;
	(pc) =	sbr.abs _section_cstart, $3  }
0xc0: {  	[dreg:$0x1] =	wrdreg $0xFFFFFFFF  }
0xc1: {  	_ =	task.clear_ibuf [dreg:s6], $0x2FFFF;
	_ =	strace $0x9FFFFFFF  }
0xc2: {  	(tm) =	ssettm $0x7FFFFFFF  }
0xc3: {  	_ =	shalt  }
tec
execute0_lowered:
.L_overlay_start_1:
0x0: {  	(tag) =	ssettag $0x1  }
0x1: {  	s0 =	srdreg.scid;
	s1 =	rddreg [dreg:$0x0]  }
0x2: {  	s2 =	rddreg [dreg:$0x1];
	s11 =	stileid.u32;
	s3 =	simm.s32 $0x0  }
0x3: {  	s13 =	simm.s32 $0x3;
	s14 =	simm.s32 $0x3E00;
	s15 =	simm.s32 $0x80  }
0x4: {  	s0 =	sand.u32 $0x1, s0;
	[smem:$0x7FF] =	sst s3;
	s9 =	smul.u32 $0x4F000, s11  }
0x5: {  	s30 =	smul.u32 $0x2780, s11;
	s4 =	sshll.u32 s0, $0x4;
	s7 =	ssub.s32 $0x2, s0  }
0x6: {  	_ =	strace $0x8000004D;
	s8 =	sshrl.u32 s7, $0x1;
	s23 =	sshrl.u32 s9, $0x2  }
0x7: {  	s6 =	smul.u32 $0x27800, s0;
	s12 =	ssub.s32 s7, s8;
	s7 =	sadd.s32 s23, s2  }
0x8: {  	p0 =	seq.s32 s0, $0x0;
	s4 =	sor.u32 s11, s4;
	s0 =	sadd.s32 $0x4000, s7  }
0x9: {  	s5 =	smul.u32 $0x780, s4;
	s25 =	sadd.s32 $0x8000, s7;
	[dreg:$0x4] =	wrdreg s0  }
0xa: {  	s4 =	sadd.s32 $0x2600, s1;
	s26 =	sadd.s32 $0xC000, s7;
	[dreg:$0x5] =	wrdreg s25  }
0xb: {  	s28 =	sadd.s32 $0x10000, s7;
	s31 =	smax.u32 s12, $0x1;
	[dreg:$0x6] =	wrdreg s26  }
0xc: {  	s10 =	sadd.s32 s5, s1;
	s1 =	sadd.s32 s6, s1;
	[dreg:$0x7] =	wrdreg s28  }
0xd: {  	[dreg:$0x8] =	wrdreg s31;
	s24 =	sadd.s32 $0x65600, s10;
	s29 =	sadd.s32 $0x74600, s1  }
0xe: {  	s5 =	simm.s32 $0x78;
	[dreg:$0x3] =	wrdreg s24;
	s0 =	sadd.s32 s30, s29  }
0xf: {  	v0 =	vimm.f32 $0.0e+00;
	s20 =	simm.s32 $0x0;
	s5 =	simm.s32 @!p0 $0x26;
	[dreg:$0x9] =	wrdreg s0  }
.LBB2_1:
0x10: {  	s0 =	rddreg [dreg:$0x3]  }
0x11: {  	[tilespmem:s3], [sflag:$0x3] =	stream.linear.gather [hbm4b:s0+s3], $0x3C00, $0x38;
	[tilespmem:$0x1FA00] =	vst v63  }
0x12: {  	s31 =	sand.u32 $0xFE00, s3;
	s1 =	sand.u32 $0x70, s3;
	_ =	swait.ge [sflag:s13], $0x3C00  }
0x13: {  	s16 =	sshrl.u32 s31, $0x2;
	s0 =	simm.s32 $0x40;
	[sflag:s13] =	ssyncset.done $0x0  }
0x14: {  	s16 =	sor.u32 s1, s16;
	s1 =	simm.s32 $0x0;
	[sflag:s13] =	ssyncadd.s32 $0xFFFFC400  }
.LBB2_2:
0x15: {  	p0 =	sne.s32 s0, $0xFFC0  }
0x16: {  	[tilespmem:s16+$0x3E00] =	vst v0;
	s1 =	sadd.s32 $0x10, s1;
	s16 =	smov.u32 s0;
	s0 =	sadd.s32 $0x40, s0  }
.Ltmp0:
0x17: {  	(pc) =	sbr.rel @p0 .LBB2_2-.Ltmp0, $4  }
0x18: {  	_ = 	snop  }
0x19: {  	s16 =	sand.u32 $0xFE00, s16  }
0x1a: {  	s17 =	sand.u32 $0x70, s1;
	s16 =	sshrl.u32 s16, $0x2  }
0x1b: {  	s16 =	sor.u32 s17, s16  }
0x1c: {  	[tilespmem:s16+$0x3E00] =	vst v0  }
0x1d: {  	[spmem:s7] =	stream.linear.scatter [tilespmem:s14], [sflag:$0x3], $0x4000, $0x38;
	[tilespmem:$0x1FA00] =	vst v63  }
0x1e: {  	_ =	swait.ge [sflag:s13], $0x4000  }
0x1f: {  	[sflag:s13] =	ssyncset.done $0x0  }
0x20: {  	s0 =	rddreg [dreg:$0x4];
	[sflag:s13] =	ssyncadd.s32 $0xFFFFC000  }
0x21: {  	[spmem:s0] =	stream.linear.scatter [tilespmem:s14], [sflag:$0x3], $0x4000, $0x38;
	[tilespmem:$0x1FA00] =	vst v63  }
0x22: {  	_ =	swait.ge [sflag:s13], $0x4000  }
0x23: {  	[sflag:s13] =	ssyncset.done $0x0  }
0x24: {  	s26 =	rddreg [dreg:$0x5];
	[sflag:s13] =	ssyncadd.s32 $0xFFFFC000  }
0x25: {  	[spmem:s26] =	stream.linear.scatter [tilespmem:s14], [sflag:$0x3], $0x4000, $0x38;
	[tilespmem:$0x1FA00] =	vst v63  }
0x26: {  	_ =	swait.ge [sflag:s13], $0x4000  }
0x27: {  	[sflag:s13] =	ssyncset.done $0x0  }
0x28: {  	s28 =	rddreg [dreg:$0x6];
	[sflag:s13] =	ssyncadd.s32 $0xFFFFC000  }
0x29: {  	[spmem:s28] =	stream.linear.scatter [tilespmem:s14], [sflag:$0x3], $0x4000, $0x38;
	[tilespmem:$0x1FA00] =	vst v63  }
0x2a: {  	_ =	swait.ge [sflag:s13], $0x4000  }
0x2b: {  	[sflag:s13] =	ssyncset.done $0x0  }
0x2c: {  	s29 =	rddreg [dreg:$0x7];
	[sflag:s13] =	ssyncadd.s32 $0xFFFFC000  }
0x2d: {  	[spmem:s29] =	stream.linear.scatter [tilespmem:s14], [sflag:$0x3], $0x3C00, $0x38;
	[tilespmem:$0x1FA00] =	vst v63  }
0x2e: {  	_ =	swait.ge [sflag:s13], $0x3C00  }
0x2f: {  	[sflag:s13] =	ssyncset.done $0x0  }
0x30: {  	[sflag:s13] =	ssyncadd.s32 $0xFFFFC400  }
0x31: {  	[bflag:$0x0] =	sbarrier.arrive $0xFFFF  }
0x32: {  	v1 =	vld [tilespmem:$0x0];
	_ =	sdelay $0x1  }
0x33: {  	v2 =	vld [tilespmem:$0x10];
	_ =	sdelay $0x1  }
0x34: {  	v3 =	vld [tilespmem:$0x20]  }
0x35: {  	v4 =	vand.u32 $0xFFFF, v1  }
0x36: {  	v59 =	vld [tilespmem:$0x30];
	v1 =	vshrl.u32 v1, $0x10;
	[tilespmem:$0x3C00] =	vst v4  }
0x37: {  	[tilespmem:$0x3D00] =	vst v1;
	v1 =	vand.u32 $0xFFFF, v2  }
0x38: {  	[tilespmem:$0x3C10] =	vst v1;
	v1 =	vshrl.u32 v2, $0x10;
	v2 =	vld [tilespmem:$0x40]  }
0x39: {  	[tilespmem:$0x3D10] =	vst v1;
	v1 =	vand.u32 $0xFFFF, v3  }
0x3a: {  	[tilespmem:$0x3C20] =	vst v1;
	v1 =	vshrl.u32 v3, $0x10;
	v3 =	vld [tilespmem:$0x50]  }
0x3b: {  	[tilespmem:$0x3D20] =	vst v1;
	v1 =	vand.u32 $0xFFFF, v59  }
0x3c: {  	v60 =	vld [tilespmem:$0x60];
	[tilespmem:$0x3C30] =	vst v1;
	v1 =	vshrl.u32 v59, $0x10  }
0x3d: {  	[tilespmem:$0x3D30] =	vst v1;
	v1 =	vand.u32 $0xFFFF, v2  }
0x3e: {  	[tilespmem:$0x3C40] =	vst v1;
	v1 =	vshrl.u32 v2, $0x10;
	v2 =	vld [tilespmem:$0x70]  }
0x3f: {  	[tilespmem:$0x3D40] =	vst v1;
	v1 =	vand.u32 $0xFFFF, v3  }
0x40: {  	[tilespmem:$0x3C50] =	vst v1;
	v1 =	vshrl.u32 v3, $0x10  }
0x41: {  	[tilespmem:$0x3D50] =	vst v1;
	v1 =	vand.u32 $0xFFFF, v60  }
0x42: {  	[tilespmem:$0x3C60] =	vst v1;
	v1 =	vshrl.u32 v60, $0x10  }
0x43: {  	[tilespmem:$0x3D60] =	vst v1;
	v1 =	vand.u32 $0xFFFF, v2  }
0x44: {  	[tilespmem:$0x3C70] =	vst v1;
	v1 =	vshrl.u32 v2, $0x10  }
0x45: {  	s30 =	simm.s32 $0x3C00;
	[tilespmem:$0x3D70] =	vst v1  }
0x46: {  	[tilespmem:s14], [sflag:$0x1] =	stream.indirect.gather [hbm4b:s4+s15], $0x80, s30, s15, $0xb8;
	[tilespmem:$0x1FA00] =	vst v63  }
0x47: {  	v1 =	vld [tilespmem:$0x80];
	_ =	sdelay $0x1  }
0x48: {  	v2 =	vld [tilespmem:$0x90];
	_ =	sdelay $0x1  }
0x49: {  	v3 =	vld [tilespmem:$0xA0]  }
0x4a: {  	v61 =	vand.u32 $0xFFFF, v1  }
0x4b: {  	v62 =	vld [tilespmem:$0xB0];
	v1 =	vshrl.u32 v1, $0x10;
	[tilespmem:$0x3C80] =	vst v61  }
0x4c: {  	[tilespmem:$0x3D80] =	vst v1;
	v1 =	vand.u32 $0xFFFF, v2  }
0x4d: {  	[tilespmem:$0x3C90] =	vst v1;
	v1 =	vshrl.u32 v2, $0x10;
	v2 =	vld [tilespmem:$0xC0]  }
0x4e: {  	[tilespmem:$0x3D90] =	vst v1;
	v1 =	vand.u32 $0xFFFF, v3  }
0x4f: {  	[tilespmem:$0x3CA0] =	vst v1;
	v1 =	vshrl.u32 v3, $0x10;
	v3 =	vld [tilespmem:$0xD0]  }
0x50: {  	[tilespmem:$0x3DA0] =	vst v1;
	v1 =	vand.u32 $0xFFFF, v62  }
0x51: {  	v63 =	vld [tilespmem:$0xE0];
	[tilespmem:$0x3CB0] =	vst v1;
	v1 =	vshrl.u32 v62, $0x10  }
0x52: {  	[tilespmem:$0x3DB0] =	vst v1;
	v1 =	vand.u32 $0xFFFF, v2  }
0x53: {  	[tilespmem:$0x3CC0] =	vst v1;
	v1 =	vshrl.u32 v2, $0x10;
	v2 =	vld [tilespmem:$0xF0]  }
0x54: {  	[tilespmem:$0x3DC0] =	vst v1;
	v1 =	vand.u32 $0xFFFF, v3  }
0x55: {  	[tilespmem:$0x3CD0] =	vst v1;
	v1 =	vshrl.u32 v3, $0x10  }
0x56: {  	p0 =	sne.s32 s5, $0x1;
	[tilespmem:$0x3DD0] =	vst v1;
	v1 =	vand.u32 $0xFFFF, v63  }
.Ltmp1:
0x57: {  	[tilespmem:$0x3CE0] =	vst v1;
	v1 =	vshrl.u32 v63, $0x10;
	(pc) =	sbr.rel @!p0 .LBB2_4-.Ltmp1, $4  }
0x58: {  	[tilespmem:$0x3DE0] =	vst v1;
	v1 =	vand.u32 $0xFFFF, v2  }
0x59: {  	s31 =	simm.s32 $0x3C80;
	s1 =	simm.s32 $0x7E00;
	s17 =	simm.s32 $0x0;
	[tilespmem:$0x3CF0] =	vst v1;
	v1 =	vshrl.u32 v2, $0x10  }
0x5a: {  	s21 =	simm.s32 $0x170;
	s24 =	simm.s32 $0x1;
	p1 =	por $0x0, $0x0;
	[tilespmem:$0x3DF0] =	vst v1  }
0x5b: {  	[tilespmem:s1], [sflag:$0x2] =	stream.indirect.gather [hbm4b:s4+s15], $0x80, s31, s15, $0xb8;
	[tilespmem:$0x1FA00] =	vst v63  }
0x5c: {  	s0 =	sand.u32 $0x1, s17  }
0x5d: {  	s22 =	sadd.s32 $0x1, s0  }
0x5e: {  	_ =	swait.ge [sflag:s22], $0x4000  }
0x5f: {  	s1 =	sshll.u32 s0, $0xE;
	s0 =	sshll.u32 s0, $0x7;
	[sflag:s22] =	ssyncset.done $0x0  }
0x60: {  	s23 =	sor.u32 $0x3E00, s1;
	s31 =	sor.u32 $0x3D00, s0;
	[sflag:s22] =	ssyncadd.s32 $0xFFFFC000  }
0x61: {  	[spmem:s2] =	stream.indirect.scatter.add.f32 [tilespmem:s23], [sflag:s22], $0x80, s31, s15, $0xb8;
	[tilespmem:$0x1FA00] =	vst v63  }
0x62: {  	_ =	swait.ge [sflag:s22], $0x4000  }
0x63: {  	[sflag:s22] =	ssyncset.done $0x0  }
0x64: {  	p0 =	sle.u32 s5, $0x2;
	[sflag:s22] =	ssyncadd.s32 $0xFFFFC000  }
0x65: {  	v1 =	vld @!p0 [tilespmem:s21+$0xFFFFFF90];
	_ =	sdelay $0x4  }
0x66: {  	v2 =	vand.u32 @!p0 $0xFFFF, v1  }
0x67: {  	v1 =	vshrl.u32 @!p0 v1, $0x10;
	[tilespmem:s0+$0x3C00] =	vst @!p0 v2  }
0x68: {  	[tilespmem:s0+$0x3D00] =	vst @!p0 v1  }
0x69: {  	v1 =	vld @!p0 [tilespmem:s21+$0xFFFFFFA0];
	_ =	sdelay $0x4  }
0x6a: {  	s1 =	sor.u32 @!p0 $0x3C10, s0;
	v2 =	vand.u32 @!p0 $0xFFFF, v1  }
0x6b: {  	s16 =	sor.u32 @!p0 $0x3D10, s0;
	v1 =	vshrl.u32 @!p0 v1, $0x10;
	[tilespmem:s1+$0x0] =	vst @!p0 v2  }
0x6c: {  	[tilespmem:s16+$0x0] =	vst @!p0 v1  }
0x6d: {  	v1 =	vld @!p0 [tilespmem:s21+$0xFFFFFFB0];
	_ =	sdelay $0x4  }
0x6e: {  	s1 =	sor.u32 @!p0 $0x3C20, s0;
	v2 =	vand.u32 @!p0 $0xFFFF, v1  }
0x6f: {  	s16 =	sor.u32 @!p0 $0x3D20, s0;
	v1 =	vshrl.u32 @!p0 v1, $0x10;
	[tilespmem:s1+$0x0] =	vst @!p0 v2  }
0x70: {  	[tilespmem:s16+$0x0] =	vst @!p0 v1  }
0x71: {  	v1 =	vld @!p0 [tilespmem:s21+$0xFFFFFFC0];
	_ =	sdelay $0x4  }
0x72: {  	s1 =	sor.u32 @!p0 $0x3C30, s0;
	v2 =	vand.u32 @!p0 $0xFFFF, v1  }
0x73: {  	s16 =	sor.u32 @!p0 $0x3D30, s0;
	v1 =	vshrl.u32 @!p0 v1, $0x10;
	[tilespmem:s1+$0x0] =	vst @!p0 v2  }
0x74: {  	[tilespmem:s16+$0x0] =	vst @!p0 v1  }
0x75: {  	v1 =	vld @!p0 [tilespmem:s21+$0xFFFFFFD0];
	_ =	sdelay $0x4  }
0x76: {  	s1 =	sor.u32 @!p0 $0x3C40, s0;
	v2 =	vand.u32 @!p0 $0xFFFF, v1  }
0x77: {  	s16 =	sor.u32 @!p0 $0x3D40, s0;
	v1 =	vshrl.u32 @!p0 v1, $0x10;
	[tilespmem:s1+$0x0] =	vst @!p0 v2  }
0x78: {  	[tilespmem:s16+$0x0] =	vst @!p0 v1  }
0x79: {  	v1 =	vld @!p0 [tilespmem:s21+$0xFFFFFFE0];
	_ =	sdelay $0x4  }
0x7a: {  	s1 =	sor.u32 @!p0 $0x3C50, s0;
	v2 =	vand.u32 @!p0 $0xFFFF, v1  }
0x7b: {  	s16 =	sor.u32 @!p0 $0x3D50, s0;
	v1 =	vshrl.u32 @!p0 v1, $0x10;
	[tilespmem:s1+$0x0] =	vst @!p0 v2  }
0x7c: {  	[tilespmem:s16+$0x0] =	vst @!p0 v1  }
0x7d: {  	v1 =	vld @!p0 [tilespmem:s21+$0xFFFFFFF0];
	_ =	sdelay $0x4  }
0x7e: {  	s1 =	sor.u32 @!p0 $0x3C60, s0;
	v2 =	vand.u32 @!p0 $0xFFFF, v1  }
0x7f: {  	s16 =	sor.u32 @!p0 $0x3D60, s0;
	v1 =	vshrl.u32 @!p0 v1, $0x10;
	[tilespmem:s1+$0x0] =	vst @!p0 v2  }
0x80: {  	[tilespmem:s16+$0x0] =	vst @!p0 v1  }
0x81: {  	p2 =	sne.s32 s5, $0x2;
	v1 =	vld @!p0 [tilespmem:s21+$0x0]  }
.Ltmp2:
0x82: {  	_ = 	snop;
	(pc) =	sbr.rel @!p2 .LBB2_6-.Ltmp2, $3  }
0x83: {  	_ =	sdelay $0x1  }
0x84: {  	s26 =	simm.s32 $0x2;
	p1 =	por $0x1, $0x1;
	s25 =	simm.s32 $0x170  }
0x85: {  	s29 =	sor.u32 @!p0 $0x3C70, s0;
	s28 =	sor.u32 @!p0 $0x3C00, s0;
	s30 =	sor.u32 @!p0 $0x3D70, s0;
	v2 =	vand.u32 @!p0 $0xFFFF, v1;
	v1 =	vshrl.u32 @!p0 v1, $0x10  }
.LBB2_7:
0x86: {  	s0 =	sand.u32 $0x1, s24  }
0x87: {  	[tilespmem:s29+$0x0] =	vst @!p0 v2;
	s25 =	sadd.s32 $0x80, s25;
	s1 =	smov.u32 s26;
	s26 =	sadd.s32 $0x1, s26  }
0x88: {  	s18 =	simm.s32 @!p0 $0x80;
	s16 =	sshll.u32 s0, $0xE;
	s17 =	sadd.s32 $0x1, s0;
	[tilespmem:s30+$0x0] =	vst @!p0 v1  }
0x89: {  	[tilespmem:s23], [sflag:s22] =	stream.indirect.gather @!p0 [hbm4b:s4+s18], $0x80, s28, s18, $0xb8;
	[tilespmem:$0x1FA00] =	vst v63  }
0x8a: {  	p2 =	sne.s32 s5, s26;
	s22 =	smov.u32 s17;
	_ =	swait.ge [sflag:s17], $0x4000  }
0x8b: {  	s6 =	sshll.u32 s0, $0x7;
	s0 =	sadd.s32 $0x2, s24;
	[sflag:s22] =	ssyncset.done $0x0  }
0x8c: {  	s23 =	sor.u32 $0x3E00, s16;
	s16 =	sor.u32 $0x3D00, s6;
	[sflag:s22] =	ssyncadd.s32 $0xFFFFC000  }
0x8d: {  	[spmem:s2] =	stream.indirect.scatter.add.f32 [tilespmem:s23], [sflag:s22], $0x80, s16, s15, $0xb8;
	[tilespmem:$0x1FA00] =	vst v63  }
0x8e: {  	s24 =	smov.u32 s1;
	p0 =	sge.u32 s0, s5;
	_ =	swait.ge [sflag:s22], $0x4000  }
0x8f: {  	s8 =	sor.u32 @!p0 $0x3C10, s6;
	s9 =	sor.u32 @!p0 $0x3D10, s6;
	[sflag:s22] =	ssyncset.done $0x0  }
0x90: {  	s10 =	sor.u32 @!p0 $0x3C20, s6;
	s11 =	sor.u32 @!p0 $0x3D20, s6;
	[sflag:s22] =	ssyncadd.s32 $0xFFFFC000  }
0x91: {  	s12 =	sor.u32 @!p0 $0x3C30, s6;
	s19 =	sor.u32 @!p0 $0x3D30, s6;
	s18 =	sor.u32 @!p0 $0x3C40, s6;
	v1 =	vld @!p0 [tilespmem:s25+$0xFFFFFF90]  }
0x92: {  	s1 =	sor.u32 @!p0 $0x3D40, s6;
	s17 =	sor.u32 @!p0 $0x3C50, s6;
	s16 =	sor.u32 @!p0 $0x3D50, s6  }
0x93: {  	s0 =	sor.u32 @!p0 $0x3C60, s6;
	s31 =	sor.u32 @!p0 $0x3D60, s6;
	s29 =	sor.u32 @!p0 $0x3C70, s6  }
0x94: {  	s28 =	sor.u32 @!p0 $0x3C00, s6;
	s30 =	sor.u32 @!p0 $0x3D70, s6;
	_ =	sdelay $0x1  }
0x95: {  	v2 =	vand.u32 @!p0 $0xFFFF, v1;
	v1 =	vshrl.u32 @!p0 v1, $0x10  }
0x96: {  	[tilespmem:s6+$0x3C00] =	vst @!p0 v2  }
0x97: {  	[tilespmem:s6+$0x3D00] =	vst @!p0 v1  }
0x98: {  	v1 =	vld @!p0 [tilespmem:s25+$0xFFFFFFA0];
	_ =	sdelay $0x4  }
0x99: {  	v2 =	vand.u32 @!p0 $0xFFFF, v1;
	v1 =	vshrl.u32 @!p0 v1, $0x10  }
0x9a: {  	[tilespmem:s8+$0x0] =	vst @!p0 v2  }
0x9b: {  	[tilespmem:s9+$0x0] =	vst @!p0 v1  }
0x9c: {  	v1 =	vld @!p0 [tilespmem:s25+$0xFFFFFFB0];
	_ =	sdelay $0x4  }
0x9d: {  	v2 =	vand.u32 @!p0 $0xFFFF, v1;
	v1 =	vshrl.u32 @!p0 v1, $0x10  }
0x9e: {  	[tilespmem:s10+$0x0] =	vst @!p0 v2  }
0x9f: {  	[tilespmem:s11+$0x0] =	vst @!p0 v1  }
0xa0: {  	v1 =	vld @!p0 [tilespmem:s25+$0xFFFFFFC0];
	_ =	sdelay $0x4  }
0xa1: {  	v2 =	vand.u32 @!p0 $0xFFFF, v1;
	v1 =	vshrl.u32 @!p0 v1, $0x10  }
0xa2: {  	[tilespmem:s12+$0x0] =	vst @!p0 v2  }
0xa3: {  	[tilespmem:s19+$0x0] =	vst @!p0 v1  }
0xa4: {  	v1 =	vld @!p0 [tilespmem:s25+$0xFFFFFFD0];
	_ =	sdelay $0x4  }
0xa5: {  	v2 =	vand.u32 @!p0 $0xFFFF, v1;
	v1 =	vshrl.u32 @!p0 v1, $0x10  }
0xa6: {  	[tilespmem:s18+$0x0] =	vst @!p0 v2  }
0xa7: {  	[tilespmem:s1+$0x0] =	vst @!p0 v1  }
0xa8: {  	v1 =	vld @!p0 [tilespmem:s25+$0xFFFFFFE0];
	_ =	sdelay $0x4  }
0xa9: {  	v2 =	vand.u32 @!p0 $0xFFFF, v1;
	v1 =	vshrl.u32 @!p0 v1, $0x10  }
0xaa: {  	[tilespmem:s17+$0x0] =	vst @!p0 v2  }
0xab: {  	[tilespmem:s16+$0x0] =	vst @!p0 v1  }
0xac: {  	v1 =	vld @!p0 [tilespmem:s25+$0xFFFFFFF0];
	_ =	sdelay $0x4  }
0xad: {  	v2 =	vand.u32 @!p0 $0xFFFF, v1;
	v1 =	vshrl.u32 @!p0 v1, $0x10  }
0xae: {  	[tilespmem:s0+$0x0] =	vst @!p0 v2  }
0xaf: {  	[tilespmem:s31+$0x0] =	vst @!p0 v1  }
0xb0: {  	v1 =	vld @!p0 [tilespmem:s25+$0x0]  }
.Ltmp3:
0xb1: {  	(pc) =	sbr.rel @p2 .LBB2_7-.Ltmp3, $2  }
0xb2: {  	_ =	sdelay $0x2  }
0xb3: {  	v2 =	vand.u32 @!p0 $0xFFFF, v1;
	v1 =	vshrl.u32 @!p0 v1, $0x10  }
0xb4: {  	s17 =	smov.u32 s24  }
.LBB2_9:
0xb5: {  	p0 =	por p0, !p1  }
0xb6: {  	[tilespmem:s29+$0x0] =	vst @!p0 v2  }
0xb7: {  	s1 =	sand.u32 $0x1, s17;
	s0 =	simm.s32 @!p0 $0x80;
	[tilespmem:s30+$0x0] =	vst @!p0 v1  }
0xb8: {  	[tilespmem:s23], [sflag:s22] =	stream.indirect.gather @!p0 [hbm4b:s4+s0], $0x80, s28, s0, $0xb8;
	[tilespmem:$0x1FA00] =	vst v63  }
0xb9: {  	s0 =	sadd.s32 $0x1, s1  }
0xba: {  	_ =	swait.ge [sflag:s0], $0x4000  }
0xbb: {  	s6 =	sshll.u32 s1, $0xE;
	s16 =	sshll.u32 s1, $0x7;
	[sflag:s0] =	ssyncset.done $0x0  }
0xbc: {  	s26 =	sor.u32 $0x3D00, s16;
	s1 =	sor.u32 $0x3E00, s6;
	[sflag:s0] =	ssyncadd.s32 $0xFFFFC000  }
0xbd: {  	[spmem:s2] =	stream.indirect.scatter.add.f32 [tilespmem:s1], [sflag:s0], $0x80, s26, s15, $0xb8;
	[tilespmem:$0x1FA00] =	vst v63  }
0xbe: {  	_ =	swait.ge [sflag:s0], $0x4000  }
0xbf: {  	s8 =	sadd.s32 $0x2, s17;
	s6 =	sadd.s32 @p1 $0x80, s25;
	[sflag:s0] =	ssyncset.done $0x0  }
0xc0: {  	p0 =	sge.u32 s8, s5;
	s21 =	smov.u32 @p1 s6;
	[sflag:s0] =	ssyncadd.s32 $0xFFFFC000  }
0xc1: {  	v1 =	vld @!p0 [tilespmem:s21+$0xFFFFFF90];
	_ =	sdelay $0x4  }
0xc2: {  	v2 =	vand.u32 @!p0 $0xFFFF, v1  }
0xc3: {  	v1 =	vshrl.u32 @!p0 v1, $0x10;
	[tilespmem:s16+$0x3C00] =	vst @!p0 v2  }
0xc4: {  	[tilespmem:s16+$0x3D00] =	vst @!p0 v1  }
0xc5: {  	v1 =	vld @!p0 [tilespmem:s21+$0xFFFFFFA0];
	_ =	sdelay $0x4  }
0xc6: {  	s6 =	sor.u32 @!p0 $0x3C10, s16;
	v2 =	vand.u32 @!p0 $0xFFFF, v1  }
0xc7: {  	v1 =	vshrl.u32 @!p0 v1, $0x10;
	[tilespmem:s6+$0x0] =	vst @!p0 v2;
	s6 =	sor.u32 @!p0 $0x3D10, s16  }
0xc8: {  	[tilespmem:s6+$0x0] =	vst @!p0 v1  }
0xc9: {  	v1 =	vld @!p0 [tilespmem:s21+$0xFFFFFFB0];
	_ =	sdelay $0x4  }
0xca: {  	s6 =	sor.u32 @!p0 $0x3C20, s16;
	v2 =	vand.u32 @!p0 $0xFFFF, v1  }
0xcb: {  	v1 =	vshrl.u32 @!p0 v1, $0x10;
	[tilespmem:s6+$0x0] =	vst @!p0 v2;
	s6 =	sor.u32 @!p0 $0x3D20, s16  }
0xcc: {  	[tilespmem:s6+$0x0] =	vst @!p0 v1  }
0xcd: {  	v1 =	vld @!p0 [tilespmem:s21+$0xFFFFFFC0];
	_ =	sdelay $0x4  }
0xce: {  	s6 =	sor.u32 @!p0 $0x3C30, s16;
	v2 =	vand.u32 @!p0 $0xFFFF, v1  }
0xcf: {  	v1 =	vshrl.u32 @!p0 v1, $0x10;
	[tilespmem:s6+$0x0] =	vst @!p0 v2;
	s6 =	sor.u32 @!p0 $0x3D30, s16  }
0xd0: {  	[tilespmem:s6+$0x0] =	vst @!p0 v1  }
0xd1: {  	v1 =	vld @!p0 [tilespmem:s21+$0xFFFFFFD0];
	_ =	sdelay $0x4  }
0xd2: {  	s6 =	sor.u32 @!p0 $0x3C40, s16;
	v2 =	vand.u32 @!p0 $0xFFFF, v1  }
0xd3: {  	v1 =	vshrl.u32 @!p0 v1, $0x10;
	[tilespmem:s6+$0x0] =	vst @!p0 v2;
	s6 =	sor.u32 @!p0 $0x3D40, s16  }
0xd4: {  	[tilespmem:s6+$0x0] =	vst @!p0 v1  }
0xd5: {  	v1 =	vld @!p0 [tilespmem:s21+$0xFFFFFFE0];
	_ =	sdelay $0x4  }
0xd6: {  	s6 =	sor.u32 @!p0 $0x3C50, s16;
	v2 =	vand.u32 @!p0 $0xFFFF, v1  }
0xd7: {  	v1 =	vshrl.u32 @!p0 v1, $0x10;
	[tilespmem:s6+$0x0] =	vst @!p0 v2;
	s6 =	sor.u32 @!p0 $0x3D50, s16  }
0xd8: {  	[tilespmem:s6+$0x0] =	vst @!p0 v1  }
0xd9: {  	v1 =	vld @!p0 [tilespmem:s21+$0xFFFFFFF0];
	_ =	sdelay $0x4  }
0xda: {  	s6 =	sor.u32 @!p0 $0x3C60, s16;
	v2 =	vand.u32 @!p0 $0xFFFF, v1  }
0xdb: {  	v1 =	vshrl.u32 @!p0 v1, $0x10;
	[tilespmem:s6+$0x0] =	vst @!p0 v2;
	s6 =	sor.u32 @!p0 $0x3D60, s16  }
0xdc: {  	[tilespmem:s6+$0x0] =	vst @!p0 v1  }
0xdd: {  	v1 =	vld @!p0 [tilespmem:s21+$0x0];
	_ =	sdelay $0x4  }
0xde: {  	s6 =	sor.u32 @!p0 $0x3C70, s16;
	v2 =	vand.u32 @!p0 $0xFFFF, v1  }
0xdf: {  	v1 =	vshrl.u32 @!p0 v1, $0x10;
	[tilespmem:s6+$0x0] =	vst @!p0 v2;
	s6 =	sor.u32 @!p0 $0x3D70, s16  }
0xe0: {  	s28 =	stileid.u32;
	s8 =	sor.u32 @!p0 $0x3C00, s16;
	[tilespmem:s6+$0x0] =	vst @!p0 v1;
	s6 =	simm.s32 @!p0 $0x80  }
0xe1: {  	[tilespmem:s1], [sflag:s0] =	stream.indirect.gather @!p0 [hbm4b:s4+s6], $0x80, s8, s6, $0xb8;
	[tilespmem:$0x1FA00] =	vst v63  }
0xe2: {  	s0 =	sshll.u32 s28, $0x6;
	[bflag:$0x0] =	sbarrier.arrive $0xFFFF  }
0xe3: {  	s29 =	sshrl.u32 s7, $0x3;
	s0 =	sor.u32 $0x1C03, s0;
	s30 =	rddreg [dreg:$0x9]  }
0xe4: {  	[hbm:s30], [sflag:s0] =	dma.local [spmem:s29], $0x2780  }
0xe5: {  	_ =	swait.ge [sflag:s13], $0x2780  }
0xe6: {  	s20 =	sadd.s32 $0x1, s20;
	s31 =	rddreg [dreg:$0x8]  }
0xe7: {  	p0 =	sne.s32 s20, s31  }
.Ltmp4:
0xe8: {  	_ = 	snop;
	(pc) =	sbr.rel @p0 .LBB2_1-.Ltmp4, $4  }
.Ltmp5:
0xe9: {  	_ = 	snop;
	(pc) =	sbr.rel @!p0 .LBB2_10-.Ltmp5, $4  }
0xea: {  	_ = 	snop  }
0xeb: {  	[sflag:s13] =	ssyncset.done $0x0  }
0xec: {  	[sflag:s13] =	ssyncadd.s32 $0xFFFFD880  }
0xed: {  	_ = 	snop  }
.LBB2_4:
.Ltmp6:
0xee: {  	(pc) =	sbr.rel .LBB2_9-.Ltmp6, $2  }
0xef: {  	_ =	sdelay $0x2  }
0xf0: {  	s25 =	simm.s32 $0x170  }
.LBB2_6:
.Ltmp7:
0xf1: {  	(pc) =	sbr.rel .LBB2_9-.Ltmp7, $2  }
0xf2: {  	_ =	sdelay $0x2  }
0xf3: {  	s17 =	simm.s32 $0x1;
	s25 =	simm.s32 $0x170  }
.LBB2_10:
0xf4: {  	_ =	sfence.sel $0x180000  }
0xf5: {  	[bflag:$0x0] =	sbarrier.arrive $0xFFFF  }
0xf6: {  	_ =	strace $0x9000004D  }
0xf7: {  	s0 =	stileid.u32;
	[bflag:$0x2] =	sbarrier.arrive $0xFFFF  }
0xf8: {  	p0 =	sne.s32 s0, $0x0;
	s0 =	rddreg [dreg:$0x2]  }
0xf9: {  	s0 =	sadd.s32 @!p0 $0x100000, s0  }
0xfa: {  	[sflag:s0] =	ssyncadd.tile.s32 @!p0 $0x1;
	_ =	shalt  }
.Lfunc_end2:
_tile_overlayer_lowered:
.L_overlay_start_2:
0xfb: {  	(tag) =	ssettag $0x2  }
0xfc: {  	s0 =	rddreg [dreg:$0x0];
	s2 =	stileid.u32  }
0xfd: {  	s1 =	rddreg [dreg:$0x1];
	p0 =	sne.s32 s2, $0x0  }
0xfe: {  	s3 =	rddreg [dreg:$0x2];
	[bflag:$0x3] =	sbarrier.arrive $0xFFFF;
	s2 =	simm.s32 @!p0 $0x1C03  }
0xff: {  	[timem:s3], [sflag:s2] =	dma.local @!p0 [hbm:s0], s1  }
0x100: {  	s0 =	simm.s32 @!p0 $0x3  }
0x101: {  	_ =	swait.ge @!p0 [sflag:s0], s1  }
0x102: {  	s1 =	ssub.s32 @!p0 $0x0, s1;
	[sflag:s0] =	ssyncset.done @!p0 $0x0  }
0x103: {  	[sflag:s0] =	ssyncadd.s32 @!p0 s1  }
0x104: {  	[bflag:$0x3] =	sbarrier.arrive $0xFFFF  }
0x105: {  	_ =	shalt  }

// kernel: kernel.19.cloned.1.call-start
scs
__scs_entry_jumppad:
0x0: {  	(pc) =	sbr.rel $0x88, $3  }
0x1: {  	(tag) =	ssettag $0x0;
	lr =	simm.s32 $0x1  }
0x2: {  	[smem:$0x3F99] =	sst lr;
	_ =	strace $0xD0000000  }
0x3: {  	_ = 	snop  }
0x4: {  	_ = 	snop  }
0x5: {  	_ = 	snop  }
0x6: {  	_ = 	snop  }
0x7: {  	_ = 	snop  }
__scs_overlays_trampoline_lowered:
0x8: {  	[smem:$0x3FA8] =	sst s0  }
0x9: {  	[smem:$0x3FA9] =	sst s1  }
0xa: {  	[smem:$0x3FAA] =	sst s2  }
0xb: {  	[smem:$0x3FAB] =	sst s3  }
0xc: {  	[smem:$0x3FAC] =	sst s4  }
0xd: {  	[smem:$0x3FAD] =	sst s5  }
0xe: {  	[smem:$0x3FAE] =	sst s6  }
0xf: {  	[smem:$0x3FAF] =	sst s7  }
0x10: {  	[smem:$0x3FB0] =	sst s8  }
0x11: {  	[smem:$0x3FB1] =	sst s9;
	s0 =	simm.s32 @!p0 $0x0  }
0x12: {  	s1 =	sld [smem:$0x3F97];
	s0 =	simm.s32 @p0 $0x1  }
0x13: {  	[smem:$0x3FB2] =	sst s0;
	s0 =	simm.s32 @!p1 $0x0  }
0x14: {  	s2 =	sld [smem:$0x3F96];
	s0 =	simm.s32 @p1 $0x1  }
0x15: {  	[smem:$0x3FB3] =	sst s0;
	s0 =	simm.s32 @!p2 $0x0  }
0x16: {  	s3 =	sld [smem:$0x3FDB];
	s0 =	simm.s32 @p2 $0x1  }
0x17: {  	s4 =	simm.s32 $0x1BF5;
	[smem:$0x3FB5] =	sst s0  }
0x18: {  	s0 =	sld [smem:$0x3F98];
	_ =	swait.ge [sflag:s4], $0x0  }
0x19: {  	s7 =	sld [smem:$0x3F99]  }
0x1a: {  	s8 =	sadd.s32 $0xFFFFE003, lr  }
0x1b: {  	s9 =	sadd.s32 $0xFFFFFEF7, lr;
	s5 =	simm.s32 $0xFFFFFFFF;
	p2 =	slt.u32 s8, $0xFFFFF086  }
0x1c: {  	p1 =	slt.u32 s9, $0xF7A;
	s5 =	simm.s32 @!p2 $0x0  }
0x1d: {  	s5 =	simm.s32 @p1 $0x1;
	p0 =	seq.s32 s7, s2  }
0x1e: {  	s7 =	smul.u32 @!p0 $0xF7A, s2;
	p2 =	seq.s32 @!p0 s5, $0x0  }
0x1f: {  	s9 =	smul.u32 $0xF7A, s1;
	s8 =	simm.s32 @!p0 $0x1BF5;
	p2 =	por !p2, p0  }
0x20: {  	[sflag:s8] =	ssyncset.s32 @!p0 $0xFFFFF086;
	s6 =	sadd.s32 @!p0 s3, s7;
	s7 =	simm.s32 @!p0 $0x108  }
0x21: {  	s3 =	sadd.s32 s3, s9;
	s6 =	sadd.s32 @!p0 $0x88, s6;
	s7 =	simm.s32 @p2 $0x1082  }
0x22: {  	[simem:s7], [sflag:s8] =	dma.local @!p0 [hbm:s6], $0xF7A  }
0x23: {  	s9 =	sor.u32 $0xD0000000, s2;
	s6 =	simm.s32 $0x108;
	_ =	swait.ge @!p0 [sflag:s8], $0x0  }
0x24: {  	s3 =	sadd.s32 $0x88, s3;
	s6 =	simm.s32 @!p1 $0x1082;
	[sflag:s4] =	ssyncset.s32 $0xFFFFF086  }
0x25: {  	[simem:s6], [sflag:s4] =	dma.local [hbm:s3], $0xF7A  }
0x26: {  	[smem:$0x3F99] =	sst s1;
	(tag) =	ssettag s2;
	_ =	strace s9  }
0x27: {  	s1 =	sld [smem:$0x3FA9]  }
0x28: {  	s2 =	sld [smem:$0x3FAA]  }
0x29: {  	s4 =	sld [smem:$0x3FAC]  }
0x2a: {  	p0 =	seq.s32 s5, $0x0;
	s5 =	sld [smem:$0x3FAD]  }
0x2b: {  	s6 =	sld [smem:$0x3FAE]  }
0x2c: {  	s7 =	sld [smem:$0x3FAF]  }
0x2d: {  	s3 =	simm.s32 $0x108;
	s8 =	sld [smem:$0x3FB0]  }
0x2e: {  	s3 =	simm.s32 @!p0 $0x1082;
	s9 =	sld [smem:$0x3FB1]  }
0x2f: {  	lr =	sadd.s32 s0, s3;
	s0 =	sld [smem:$0x3FA8]  }
0x30: {  	s3 =	sld [smem:$0x3FAB]  }
0x31: {  	[smem:$0x3FB4] =	sst s10  }
0x32: {  	s10 =	sld [smem:$0x3FB2];
	_ =	sdelay $0x3  }
0x33: {  	p0 =	seq.s32 s10, $0x1;
	s10 =	sld [smem:$0x3FB4];
	_ =	sdelay $0x3  }
0x34: {  	[smem:$0x3FB4] =	sst s10  }
0x35: {  	s10 =	sld [smem:$0x3FB3];
	_ =	sdelay $0x3  }
0x36: {  	p1 =	seq.s32 s10, $0x1;
	s10 =	sld [smem:$0x3FB4];
	_ =	sdelay $0x3  }
0x37: {  	[smem:$0x3FB4] =	sst s10  }
0x38: {  	s10 =	sld [smem:$0x3FB5]  }
0x39: {  	_ = 	snop;
	(pc) =	sbr.ind lr, $3  }
0x3a: {  	_ = 	snop  }
0x3b: {  	_ = 	snop  }
0x3c: {  	p2 =	seq.s32 s10, $0x1;
	s10 =	sld [smem:$0x3FB4]  }
0x3d: {  	_ =	shalt  }
0x3e: {  	_ =	shalt  }
0x3f: {  	_ =	shalt  }
0x40: {  	_ =	shalt  }
0x41: {  	_ =	shalt  }
0x42: {  	_ =	shalt  }
0x43: {  	_ =	shalt  }
0x44: {  	_ =	shalt  }
0x45: {  	_ =	shalt  }
0x46: {  	_ =	shalt  }
0x47: {  	_ =	shalt  }
0x48: {  	_ =	shalt  }
0x49: {  	_ =	shalt  }
0x4a: {  	_ =	shalt  }
0x4b: {  	_ =	shalt  }
0x4c: {  	_ =	shalt  }
0x4d: {  	_ =	shalt  }
0x4e: {  	_ =	shalt  }
0x4f: {  	_ =	shalt  }
0x50: {  	_ =	shalt  }
0x51: {  	_ =	shalt  }
0x52: {  	_ =	shalt  }
0x53: {  	_ =	shalt  }
0x54: {  	_ =	shalt  }
0x55: {  	_ =	shalt  }
0x56: {  	_ =	shalt  }
0x57: {  	_ =	shalt  }
0x58: {  	_ =	shalt  }
0x59: {  	_ =	shalt  }
0x5a: {  	_ =	shalt  }
0x5b: {  	_ =	shalt  }
0x5c: {  	_ =	shalt  }
0x5d: {  	_ =	shalt  }
0x5e: {  	_ =	shalt  }
0x5f: {  	_ =	shalt  }
0x60: {  	_ =	shalt  }
0x61: {  	_ =	shalt  }
0x62: {  	_ =	shalt  }
0x63: {  	_ =	shalt  }
0x64: {  	_ =	shalt  }
0x65: {  	_ =	shalt  }
0x66: {  	_ =	shalt  }
0x67: {  	_ =	shalt  }
0x68: {  	_ =	shalt  }
0x69: {  	_ =	shalt  }
0x6a: {  	_ =	shalt  }
0x6b: {  	_ =	shalt  }
0x6c: {  	_ =	shalt  }
0x6d: {  	_ =	shalt  }
0x6e: {  	_ =	shalt  }
0x6f: {  	_ =	shalt  }
0x70: {  	_ =	shalt  }
0x71: {  	_ =	shalt  }
0x72: {  	_ =	shalt  }
0x73: {  	_ =	shalt  }
0x74: {  	_ =	shalt  }
0x75: {  	_ =	shalt  }
0x76: {  	_ =	shalt  }
0x77: {  	_ =	shalt  }
0x78: {  	_ =	shalt  }
0x79: {  	_ =	shalt  }
0x7a: {  	_ =	shalt  }
0x7b: {  	_ =	shalt  }
0x7c: {  	_ =	shalt  }
0x7d: {  	_ =	shalt  }
0x7e: {  	_ =	shalt  }
0x7f: {  	_ =	shalt  }
0x80: {  	_ =	shalt  }
0x81: {  	_ =	shalt  }
0x82: {  	_ =	shalt  }
0x83: {  	_ =	shalt  }
0x84: {  	_ =	shalt  }
0x85: {  	_ =	shalt  }
0x86: {  	_ =	shalt  }
0x87: {  	_ =	shalt  }
.Lfunc_end0:
.L_simem_size_0:
called_computation.3_lowered:
.L_overlay_start_0:
0x88: {  	s2 =	sld [smem:$0x3FD9]  }
0x89: {  	s3 =	sld [smem:$0x3FFE];
	_ =	sdelay $0x1  }
0x8a: {  	s1 =	srdreg.scid  }
0x8b: {  	s0 =	sand.u32 $0x1, s1  }
0x8c: {  	s16 =	sshll.u32 s0, $0xA;
	s2 =	sadd.s32 s3, s2  }
0x8d: {  	s2 =	sadd.s32 s2, s16  }
0x8e: {  	[smem:$0x3FC0] =	sst s2  }
0x8f: {  	_ = 	snop  }
0x90: {  	(tm) =	ssettm $0x1  }
0x91: {  	s17 =	sld [smem:$0x3FFB];
	_ =	sdelay $0x3  }
0x92: {  	_ =	strace s17  }
0x93: {  	s2 =	sld [smem:$0x3FFC];
	_ =	sdelay $0x3  }
0x94: {  	_ =	strace s2  }
0x95: {  	s2 =	sld [smem:$0x3FFD];
	_ =	sdelay $0x3  }
0x96: {  	_ =	strace s2  }
0x97: {  	_ =	strace $0x8FFFFFFF  }
0x98: {  	s18 =	sld [smem:$0x3FDB];
	_ =	sdelay $0x1  }
0x99: {  	s19 =	simm.s32 $_scs_section_size  }
0x9a: {  	s4 =	simm.s32 $_size__tile_overlayer_lowered;
	s5 =	simm.s32 $_tile_overlayer_lowered  }
0x9b: {  	s22 =	simm.s32 $0x1BFF;
	s21 =	sshll.u32 s5, $0x1;
	s2 =	sadd.s32 s19, s18  }
0x9c: {  	s6 =	simm.s32 $0x0;
	s20 =	sshll.u32 s4, $0x1;
	s4 =	sadd.s32 s21, s2  }
0x9d: {  	[timem:s6], [sflag:s22] =	dma.local [hbm:s4], s20  }
0x9e: {  	_ =	swait.ge [sflag:s22], s20  }
0x9f: {  	s3 =	ssub.s32 $0x0, s20;
	[sflag:s22] =	ssyncset.done $0x0  }
0xa0: {  	[sflag:s22] =	ssyncadd.s32 s3;
	_ =	sdelay $0x1  }
0xa1: {  	s23 =	simm.s32 $0x1B8B  }
0xa2: {  	_ =	swait.ge [sflag:s23], $0x1  }
0xa3: {  	[sflag:s23] =	ssyncset.done $0x0  }
0xa4: {  	s25 =	simm.s32 $0x1B8E;
	s24 =	sld [smem:$0x3FFE];
	[sflag:s23] =	ssyncadd.s32 $0xFFFFFFFF  }
0xa5: {  	s26 =	simm.s32 $execute0_lowered;
	[smem:$0x3FD2] =	sst s25  }
0xa6: {  	s4 =	sshll.u32 s26, $0x1;
	_ =	strace $0x8000004F;
	[dreg:$0x1] =	wrdreg $0xFFFFFFFF  }
0xa7: {  	s28 =	simm.s32 $_size_execute0_lowered;
	s2 =	sadd.s32 s2, s4;
	[dreg:$0x0] =	wrdreg $0x0  }
0xa8: {  	s4 =	sshll.u32 s28, $0x1;
	[dreg:$0x2] =	wrdreg s2  }
0xa9: {  	[dreg:$0x3] =	wrdreg s4  }
0xaa: {  	[dreg:$0x4] =	wrdreg $0xC0  }
0xab: {  	_ =	task [dreg:s6], $0x5FFFF  }
0xac: {  	[dreg:$0x1] =	wrdreg $0xFFFFFFFF  }
0xad: {  	[dreg:$0x0] =	wrdreg $0x60  }
0xae: {  	[dreg:$0x2] =	wrdreg s24  }
0xaf: {  	[dreg:$0x3] =	wrdreg $0xBE000  }
0xb0: {  	[dreg:$0x4] =	wrdreg $0x9  }
0xb1: {  	_ =	task.clear_ibuf [dreg:s6], $0x5FFFF;
	_ =	strace $0x9000004F  }
0xb2: {  	s29 =	simm.s32 $0x9;
	_ =	strace $0x80000051  }
0xb3: {  	_ =	swait.ge [sflag:s29], $0x1  }
0xb4: {  	[sflag:s29] =	ssyncadd.s32 $0xFFFFFFFF  }
0xb5: {  	_ =	strace $0x90000051  }
0xb6: {  	_ =	sfence  }
0xb7: {  	s30 =	sld [smem:$0x0];
	_ =	sdelay $0x2  }
0xb8: {  	s31 =	sshll.u32 s1, $0xD;
	s1 =	sshrl.u32 s1, $0x2  }
0xb9: {  	s3 =	sand.u32 $0x4000, s31;
	s1 =	sadd.s32 s1, s30  }
0xba: {  	s0 =	sor.u32 s3, s0;
	s1 =	sshll.u32 s1, $0x11  }
0xbb: {  	s0 =	sor.u32 s1, s0  }
0xbc: {  	s0 =	sadd.s32 $0x8F2B, s0  }
0xbd: {  	[sflag:s0] =	ssyncadd.remote.s32 $0x1  }
0xbe: {  	_ =	sfence.sel $0xFFFF  }
0xbf: {  	[dreg:$0x0] =	wrdreg $0xFFFFFFFF;
	(pc) =	sbr.abs _section_cstart, $3  }
0xc0: {  	[dreg:$0x1] =	wrdreg $0xFFFFFFFF  }
0xc1: {  	_ =	task.clear_ibuf [dreg:s6], $0x2FFFF;
	_ =	strace $0x9FFFFFFF  }
0xc2: {  	(tm) =	ssettm $0x7FFFFFFF  }
0xc3: {  	_ =	shalt  }
tec
execute0_lowered:
.L_overlay_start_1:
0x0: {  	(tag) =	ssettag $0x1  }
0x1: {  	s0 =	srdreg.scid;
	s1 =	rddreg [dreg:$0x0]  }
0x2: {  	s2 =	rddreg [dreg:$0x1];
	s11 =	stileid.u32;
	s3 =	simm.s32 $0x0  }
0x3: {  	s13 =	simm.s32 $0x3;
	s14 =	simm.s32 $0x3E00;
	s15 =	simm.s32 $0x80  }
0x4: {  	s0 =	sand.u32 $0x1, s0;
	[smem:$0x7FF] =	sst s3;
	s9 =	smul.u32 $0x4F000, s11  }
0x5: {  	s30 =	smul.u32 $0x2780, s11;
	s4 =	sshll.u32 s0, $0x4;
	s7 =	ssub.s32 $0x2, s0  }
0x6: {  	_ =	strace $0x80000050;
	s8 =	sshrl.u32 s7, $0x1;
	s23 =	sshrl.u32 s9, $0x2  }
0x7: {  	s6 =	smul.u32 $0x27800, s0;
	s12 =	ssub.s32 s7, s8;
	s7 =	sadd.s32 s23, s2  }
0x8: {  	p0 =	seq.s32 s0, $0x0;
	s4 =	sor.u32 s11, s4;
	s0 =	sadd.s32 $0x4000, s7  }
0x9: {  	s5 =	smul.u32 $0x780, s4;
	s25 =	sadd.s32 $0x8000, s7;
	[dreg:$0x4] =	wrdreg s0  }
0xa: {  	s4 =	sadd.s32 $0x2600, s1;
	s26 =	sadd.s32 $0xC000, s7;
	[dreg:$0x5] =	wrdreg s25  }
0xb: {  	s28 =	sadd.s32 $0x10000, s7;
	s31 =	smax.u32 s12, $0x1;
	[dreg:$0x6] =	wrdreg s26  }
0xc: {  	s10 =	sadd.s32 s5, s1;
	s1 =	sadd.s32 s6, s1;
	[dreg:$0x7] =	wrdreg s28  }
0xd: {  	[dreg:$0x8] =	wrdreg s31;
	s24 =	sadd.s32 $0x65600, s10;
	s29 =	sadd.s32 $0x74600, s1  }
0xe: {  	s5 =	simm.s32 $0x78;
	[dreg:$0x3] =	wrdreg s24;
	s0 =	sadd.s32 s30, s29  }
0xf: {  	v0 =	vimm.f32 $0.0e+00;
	s20 =	simm.s32 $0x0;
	s5 =	simm.s32 @!p0 $0x26;
	[dreg:$0x9] =	wrdreg s0  }
.LBB2_1:
0x10: {  	s0 =	rddreg [dreg:$0x3]  }
0x11: {  	[tilespmem:s3], [sflag:$0x3] =	stream.linear.gather [hbm4b:s0+s3], $0x3C00, $0x38;
	[tilespmem:$0x1FA00] =	vst v63  }
0x12: {  	s31 =	sand.u32 $0xFE00, s3;
	s1 =	sand.u32 $0x70, s3;
	_ =	swait.ge [sflag:s13], $0x3C00  }
0x13: {  	s16 =	sshrl.u32 s31, $0x2;
	s0 =	simm.s32 $0x40;
	[sflag:s13] =	ssyncset.done $0x0  }
0x14: {  	s16 =	sor.u32 s1, s16;
	s1 =	simm.s32 $0x0;
	[sflag:s13] =	ssyncadd.s32 $0xFFFFC400  }
.LBB2_2:
0x15: {  	p0 =	sne.s32 s0, $0xFFC0  }
0x16: {  	[tilespmem:s16+$0x3E00] =	vst v0;
	s1 =	sadd.s32 $0x10, s1;
	s16 =	smov.u32 s0;
	s0 =	sadd.s32 $0x40, s0  }
.Ltmp0:
0x17: {  	(pc) =	sbr.rel @p0 .LBB2_2-.Ltmp0, $4  }
0x18: {  	_ = 	snop  }
0x19: {  	s16 =	sand.u32 $0xFE00, s16  }
0x1a: {  	s17 =	sand.u32 $0x70, s1;
	s16 =	sshrl.u32 s16, $0x2  }
0x1b: {  	s16 =	sor.u32 s17, s16  }
0x1c: {  	[tilespmem:s16+$0x3E00] =	vst v0  }
0x1d: {  	[spmem:s7] =	stream.linear.scatter [tilespmem:s14], [sflag:$0x3], $0x4000, $0x38;
	[tilespmem:$0x1FA00] =	vst v63  }
0x1e: {  	_ =	swait.ge [sflag:s13], $0x4000  }
0x1f: {  	[sflag:s13] =	ssyncset.done $0x0  }
0x20: {  	s0 =	rddreg [dreg:$0x4];
	[sflag:s13] =	ssyncadd.s32 $0xFFFFC000  }
0x21: {  	[spmem:s0] =	stream.linear.scatter [tilespmem:s14], [sflag:$0x3], $0x4000, $0x38;
	[tilespmem:$0x1FA00] =	vst v63  }
0x22: {  	_ =	swait.ge [sflag:s13], $0x4000  }
0x23: {  	[sflag:s13] =	ssyncset.done $0x0  }
0x24: {  	s26 =	rddreg [dreg:$0x5];
	[sflag:s13] =	ssyncadd.s32 $0xFFFFC000  }
0x25: {  	[spmem:s26] =	stream.linear.scatter [tilespmem:s14], [sflag:$0x3], $0x4000, $0x38;
	[tilespmem:$0x1FA00] =	vst v63  }
0x26: {  	_ =	swait.ge [sflag:s13], $0x4000  }
0x27: {  	[sflag:s13] =	ssyncset.done $0x0  }
0x28: {  	s28 =	rddreg [dreg:$0x6];
	[sflag:s13] =	ssyncadd.s32 $0xFFFFC000  }
0x29: {  	[spmem:s28] =	stream.linear.scatter [tilespmem:s14], [sflag:$0x3], $0x4000, $0x38;
	[tilespmem:$0x1FA00] =	vst v63  }
0x2a: {  	_ =	swait.ge [sflag:s13], $0x4000  }
0x2b: {  	[sflag:s13] =	ssyncset.done $0x0  }
0x2c: {  	s29 =	rddreg [dreg:$0x7];
	[sflag:s13] =	ssyncadd.s32 $0xFFFFC000  }
0x2d: {  	[spmem:s29] =	stream.linear.scatter [tilespmem:s14], [sflag:$0x3], $0x3C00, $0x38;
	[tilespmem:$0x1FA00] =	vst v63  }
0x2e: {  	_ =	swait.ge [sflag:s13], $0x3C00  }
0x2f: {  	[sflag:s13] =	ssyncset.done $0x0  }
0x30: {  	[sflag:s13] =	ssyncadd.s32 $0xFFFFC400  }
0x31: {  	[bflag:$0x0] =	sbarrier.arrive $0xFFFF  }
0x32: {  	v1 =	vld [tilespmem:$0x0];
	_ =	sdelay $0x1  }
0x33: {  	v2 =	vld [tilespmem:$0x10];
	_ =	sdelay $0x1  }
0x34: {  	v3 =	vld [tilespmem:$0x20]  }
0x35: {  	v4 =	vand.u32 $0xFFFF, v1  }
0x36: {  	v59 =	vld [tilespmem:$0x30];
	v1 =	vshrl.u32 v1, $0x10;
	[tilespmem:$0x3C00] =	vst v4  }
0x37: {  	[tilespmem:$0x3D00] =	vst v1;
	v1 =	vand.u32 $0xFFFF, v2  }
0x38: {  	[tilespmem:$0x3C10] =	vst v1;
	v1 =	vshrl.u32 v2, $0x10;
	v2 =	vld [tilespmem:$0x40]  }
0x39: {  	[tilespmem:$0x3D10] =	vst v1;
	v1 =	vand.u32 $0xFFFF, v3  }
0x3a: {  	[tilespmem:$0x3C20] =	vst v1;
	v1 =	vshrl.u32 v3, $0x10;
	v3 =	vld [tilespmem:$0x50]  }
0x3b: {  	[tilespmem:$0x3D20] =	vst v1;
	v1 =	vand.u32 $0xFFFF, v59  }
0x3c: {  	v60 =	vld [tilespmem:$0x60];
	[tilespmem:$0x3C30] =	vst v1;
	v1 =	vshrl.u32 v59, $0x10  }
0x3d: {  	[tilespmem:$0x3D30] =	vst v1;
	v1 =	vand.u32 $0xFFFF, v2  }
0x3e: {  	[tilespmem:$0x3C40] =	vst v1;
	v1 =	vshrl.u32 v2, $0x10;
	v2 =	vld [tilespmem:$0x70]  }
0x3f: {  	[tilespmem:$0x3D40] =	vst v1;
	v1 =	vand.u32 $0xFFFF, v3  }
0x40: {  	[tilespmem:$0x3C50] =	vst v1;
	v1 =	vshrl.u32 v3, $0x10  }
0x41: {  	[tilespmem:$0x3D50] =	vst v1;
	v1 =	vand.u32 $0xFFFF, v60  }
0x42: {  	[tilespmem:$0x3C60] =	vst v1;
	v1 =	vshrl.u32 v60, $0x10  }
0x43: {  	[tilespmem:$0x3D60] =	vst v1;
	v1 =	vand.u32 $0xFFFF, v2  }
0x44: {  	[tilespmem:$0x3C70] =	vst v1;
	v1 =	vshrl.u32 v2, $0x10  }
0x45: {  	s30 =	simm.s32 $0x3C00;
	[tilespmem:$0x3D70] =	vst v1  }
0x46: {  	[tilespmem:s14], [sflag:$0x1] =	stream.indirect.gather [hbm4b:s4+s15], $0x80, s30, s15, $0xb8;
	[tilespmem:$0x1FA00] =	vst v63  }
0x47: {  	v1 =	vld [tilespmem:$0x80];
	_ =	sdelay $0x1  }
0x48: {  	v2 =	vld [tilespmem:$0x90];
	_ =	sdelay $0x1  }
0x49: {  	v3 =	vld [tilespmem:$0xA0]  }
0x4a: {  	v61 =	vand.u32 $0xFFFF, v1  }
0x4b: {  	v62 =	vld [tilespmem:$0xB0];
	v1 =	vshrl.u32 v1, $0x10;
	[tilespmem:$0x3C80] =	vst v61  }
0x4c: {  	[tilespmem:$0x3D80] =	vst v1;
	v1 =	vand.u32 $0xFFFF, v2  }
0x4d: {  	[tilespmem:$0x3C90] =	vst v1;
	v1 =	vshrl.u32 v2, $0x10;
	v2 =	vld [tilespmem:$0xC0]  }
0x4e: {  	[tilespmem:$0x3D90] =	vst v1;
	v1 =	vand.u32 $0xFFFF, v3  }
0x4f: {  	[tilespmem:$0x3CA0] =	vst v1;
	v1 =	vshrl.u32 v3, $0x10;
	v3 =	vld [tilespmem:$0xD0]  }
0x50: {  	[tilespmem:$0x3DA0] =	vst v1;
	v1 =	vand.u32 $0xFFFF, v62  }
0x51: {  	v63 =	vld [tilespmem:$0xE0];
	[tilespmem:$0x3CB0] =	vst v1;
	v1 =	vshrl.u32 v62, $0x10  }
0x52: {  	[tilespmem:$0x3DB0] =	vst v1;
	v1 =	vand.u32 $0xFFFF, v2  }
0x53: {  	[tilespmem:$0x3CC0] =	vst v1;
	v1 =	vshrl.u32 v2, $0x10;
	v2 =	vld [tilespmem:$0xF0]  }
0x54: {  	[tilespmem:$0x3DC0] =	vst v1;
	v1 =	vand.u32 $0xFFFF, v3  }
0x55: {  	[tilespmem:$0x3CD0] =	vst v1;
	v1 =	vshrl.u32 v3, $0x10  }
0x56: {  	p0 =	sne.s32 s5, $0x1;
	[tilespmem:$0x3DD0] =	vst v1;
	v1 =	vand.u32 $0xFFFF, v63  }
.Ltmp1:
0x57: {  	[tilespmem:$0x3CE0] =	vst v1;
	v1 =	vshrl.u32 v63, $0x10;
	(pc) =	sbr.rel @!p0 .LBB2_4-.Ltmp1, $4  }
0x58: {  	[tilespmem:$0x3DE0] =	vst v1;
	v1 =	vand.u32 $0xFFFF, v2  }
0x59: {  	s31 =	simm.s32 $0x3C80;
	s1 =	simm.s32 $0x7E00;
	s17 =	simm.s32 $0x0;
	[tilespmem:$0x3CF0] =	vst v1;
	v1 =	vshrl.u32 v2, $0x10  }
0x5a: {  	s21 =	simm.s32 $0x170;
	s24 =	simm.s32 $0x1;
	p1 =	por $0x0, $0x0;
	[tilespmem:$0x3DF0] =	vst v1  }
0x5b: {  	[tilespmem:s1], [sflag:$0x2] =	stream.indirect.gather [hbm4b:s4+s15], $0x80, s31, s15, $0xb8;
	[tilespmem:$0x1FA00] =	vst v63  }
0x5c: {  	s0 =	sand.u32 $0x1, s17  }
0x5d: {  	s22 =	sadd.s32 $0x1, s0  }
0x5e: {  	_ =	swait.ge [sflag:s22], $0x4000  }
0x5f: {  	s1 =	sshll.u32 s0, $0xE;
	s0 =	sshll.u32 s0, $0x7;
	[sflag:s22] =	ssyncset.done $0x0  }
0x60: {  	s23 =	sor.u32 $0x3E00, s1;
	s31 =	sor.u32 $0x3D00, s0;
	[sflag:s22] =	ssyncadd.s32 $0xFFFFC000  }
0x61: {  	[spmem:s2] =	stream.indirect.scatter.add.f32 [tilespmem:s23], [sflag:s22], $0x80, s31, s15, $0xb8;
	[tilespmem:$0x1FA00] =	vst v63  }
0x62: {  	_ =	swait.ge [sflag:s22], $0x4000  }
0x63: {  	[sflag:s22] =	ssyncset.done $0x0  }
0x64: {  	p0 =	sle.u32 s5, $0x2;
	[sflag:s22] =	ssyncadd.s32 $0xFFFFC000  }
0x65: {  	v1 =	vld @!p0 [tilespmem:s21+$0xFFFFFF90];
	_ =	sdelay $0x4  }
0x66: {  	v2 =	vand.u32 @!p0 $0xFFFF, v1  }
0x67: {  	v1 =	vshrl.u32 @!p0 v1, $0x10;
	[tilespmem:s0+$0x3C00] =	vst @!p0 v2  }
0x68: {  	[tilespmem:s0+$0x3D00] =	vst @!p0 v1  }
0x69: {  	v1 =	vld @!p0 [tilespmem:s21+$0xFFFFFFA0];
	_ =	sdelay $0x4  }
0x6a: {  	s1 =	sor.u32 @!p0 $0x3C10, s0;
	v2 =	vand.u32 @!p0 $0xFFFF, v1  }
0x6b: {  	s16 =	sor.u32 @!p0 $0x3D10, s0;
	v1 =	vshrl.u32 @!p0 v1, $0x10;
	[tilespmem:s1+$0x0] =	vst @!p0 v2  }
0x6c: {  	[tilespmem:s16+$0x0] =	vst @!p0 v1  }
0x6d: {  	v1 =	vld @!p0 [tilespmem:s21+$0xFFFFFFB0];
	_ =	sdelay $0x4  }
0x6e: {  	s1 =	sor.u32 @!p0 $0x3C20, s0;
	v2 =	vand.u32 @!p0 $0xFFFF, v1  }
0x6f: {  	s16 =	sor.u32 @!p0 $0x3D20, s0;
	v1 =	vshrl.u32 @!p0 v1, $0x10;
	[tilespmem:s1+$0x0] =	vst @!p0 v2  }
0x70: {  	[tilespmem:s16+$0x0] =	vst @!p0 v1  }
0x71: {  	v1 =	vld @!p0 [tilespmem:s21+$0xFFFFFFC0];
	_ =	sdelay $0x4  }
0x72: {  	s1 =	sor.u32 @!p0 $0x3C30, s0;
	v2 =	vand.u32 @!p0 $0xFFFF, v1  }
0x73: {  	s16 =	sor.u32 @!p0 $0x3D30, s0;
	v1 =	vshrl.u32 @!p0 v1, $0x10;
	[tilespmem:s1+$0x0] =	vst @!p0 v2  }
0x74: {  	[tilespmem:s16+$0x0] =	vst @!p0 v1  }
0x75: {  	v1 =	vld @!p0 [tilespmem:s21+$0xFFFFFFD0];
	_ =	sdelay $0x4  }
0x76: {  	s1 =	sor.u32 @!p0 $0x3C40, s0;
	v2 =	vand.u32 @!p0 $0xFFFF, v1  }
0x77: {  	s16 =	sor.u32 @!p0 $0x3D40, s0;
	v1 =	vshrl.u32 @!p0 v1, $0x10;
	[tilespmem:s1+$0x0] =	vst @!p0 v2  }
0x78: {  	[tilespmem:s16+$0x0] =	vst @!p0 v1  }
0x79: {  	v1 =	vld @!p0 [tilespmem:s21+$0xFFFFFFE0];
	_ =	sdelay $0x4  }
0x7a: {  	s1 =	sor.u32 @!p0 $0x3C50, s0;
	v2 =	vand.u32 @!p0 $0xFFFF, v1  }
0x7b: {  	s16 =	sor.u32 @!p0 $0x3D50, s0;
	v1 =	vshrl.u32 @!p0 v1, $0x10;
	[tilespmem:s1+$0x0] =	vst @!p0 v2  }
0x7c: {  	[tilespmem:s16+$0x0] =	vst @!p0 v1  }
0x7d: {  	v1 =	vld @!p0 [tilespmem:s21+$0xFFFFFFF0];
	_ =	sdelay $0x4  }
0x7e: {  	s1 =	sor.u32 @!p0 $0x3C60, s0;
	v2 =	vand.u32 @!p0 $0xFFFF, v1  }
0x7f: {  	s16 =	sor.u32 @!p0 $0x3D60, s0;
	v1 =	vshrl.u32 @!p0 v1, $0x10;
	[tilespmem:s1+$0x0] =	vst @!p0 v2  }
0x80: {  	[tilespmem:s16+$0x0] =	vst @!p0 v1  }
0x81: {  	p2 =	sne.s32 s5, $0x2;
	v1 =	vld @!p0 [tilespmem:s21+$0x0]  }
.Ltmp2:
0x82: {  	_ = 	snop;
	(pc) =	sbr.rel @!p2 .LBB2_6-.Ltmp2, $3  }
0x83: {  	_ =	sdelay $0x1  }
0x84: {  	s26 =	simm.s32 $0x2;
	p1 =	por $0x1, $0x1;
	s25 =	simm.s32 $0x170  }
0x85: {  	s29 =	sor.u32 @!p0 $0x3C70, s0;
	s28 =	sor.u32 @!p0 $0x3C00, s0;
	s30 =	sor.u32 @!p0 $0x3D70, s0;
	v2 =	vand.u32 @!p0 $0xFFFF, v1;
	v1 =	vshrl.u32 @!p0 v1, $0x10  }
.LBB2_7:
0x86: {  	s0 =	sand.u32 $0x1, s24  }
0x87: {  	[tilespmem:s29+$0x0] =	vst @!p0 v2;
	s25 =	sadd.s32 $0x80, s25;
	s1 =	smov.u32 s26;
	s26 =	sadd.s32 $0x1, s26  }
0x88: {  	s18 =	simm.s32 @!p0 $0x80;
	s16 =	sshll.u32 s0, $0xE;
	s17 =	sadd.s32 $0x1, s0;
	[tilespmem:s30+$0x0] =	vst @!p0 v1  }
0x89: {  	[tilespmem:s23], [sflag:s22] =	stream.indirect.gather @!p0 [hbm4b:s4+s18], $0x80, s28, s18, $0xb8;
	[tilespmem:$0x1FA00] =	vst v63  }
0x8a: {  	p2 =	sne.s32 s5, s26;
	s22 =	smov.u32 s17;
	_ =	swait.ge [sflag:s17], $0x4000  }
0x8b: {  	s6 =	sshll.u32 s0, $0x7;
	s0 =	sadd.s32 $0x2, s24;
	[sflag:s22] =	ssyncset.done $0x0  }
0x8c: {  	s23 =	sor.u32 $0x3E00, s16;
	s16 =	sor.u32 $0x3D00, s6;
	[sflag:s22] =	ssyncadd.s32 $0xFFFFC000  }
0x8d: {  	[spmem:s2] =	stream.indirect.scatter.add.f32 [tilespmem:s23], [sflag:s22], $0x80, s16, s15, $0xb8;
	[tilespmem:$0x1FA00] =	vst v63  }
0x8e: {  	s24 =	smov.u32 s1;
	p0 =	sge.u32 s0, s5;
	_ =	swait.ge [sflag:s22], $0x4000  }
0x8f: {  	s8 =	sor.u32 @!p0 $0x3C10, s6;
	s9 =	sor.u32 @!p0 $0x3D10, s6;
	[sflag:s22] =	ssyncset.done $0x0  }
0x90: {  	s10 =	sor.u32 @!p0 $0x3C20, s6;
	s11 =	sor.u32 @!p0 $0x3D20, s6;
	[sflag:s22] =	ssyncadd.s32 $0xFFFFC000  }
0x91: {  	s12 =	sor.u32 @!p0 $0x3C30, s6;
	s19 =	sor.u32 @!p0 $0x3D30, s6;
	s18 =	sor.u32 @!p0 $0x3C40, s6;
	v1 =	vld @!p0 [tilespmem:s25+$0xFFFFFF90]  }
0x92: {  	s1 =	sor.u32 @!p0 $0x3D40, s6;
	s17 =	sor.u32 @!p0 $0x3C50, s6;
	s16 =	sor.u32 @!p0 $0x3D50, s6  }
0x93: {  	s0 =	sor.u32 @!p0 $0x3C60, s6;
	s31 =	sor.u32 @!p0 $0x3D60, s6;
	s29 =	sor.u32 @!p0 $0x3C70, s6  }
0x94: {  	s28 =	sor.u32 @!p0 $0x3C00, s6;
	s30 =	sor.u32 @!p0 $0x3D70, s6;
	_ =	sdelay $0x1  }
0x95: {  	v2 =	vand.u32 @!p0 $0xFFFF, v1;
	v1 =	vshrl.u32 @!p0 v1, $0x10  }
0x96: {  	[tilespmem:s6+$0x3C00] =	vst @!p0 v2  }
0x97: {  	[tilespmem:s6+$0x3D00] =	vst @!p0 v1  }
0x98: {  	v1 =	vld @!p0 [tilespmem:s25+$0xFFFFFFA0];
	_ =	sdelay $0x4  }
0x99: {  	v2 =	vand.u32 @!p0 $0xFFFF, v1;
	v1 =	vshrl.u32 @!p0 v1, $0x10  }
0x9a: {  	[tilespmem:s8+$0x0] =	vst @!p0 v2  }
0x9b: {  	[tilespmem:s9+$0x0] =	vst @!p0 v1  }
0x9c: {  	v1 =	vld @!p0 [tilespmem:s25+$0xFFFFFFB0];
	_ =	sdelay $0x4  }
0x9d: {  	v2 =	vand.u32 @!p0 $0xFFFF, v1;
	v1 =	vshrl.u32 @!p0 v1, $0x10  }
0x9e: {  	[tilespmem:s10+$0x0] =	vst @!p0 v2  }
0x9f: {  	[tilespmem:s11+$0x0] =	vst @!p0 v1  }
0xa0: {  	v1 =	vld @!p0 [tilespmem:s25+$0xFFFFFFC0];
	_ =	sdelay $0x4  }
0xa1: {  	v2 =	vand.u32 @!p0 $0xFFFF, v1;
	v1 =	vshrl.u32 @!p0 v1, $0x10  }
0xa2: {  	[tilespmem:s12+$0x0] =	vst @!p0 v2  }
0xa3: {  	[tilespmem:s19+$0x0] =	vst @!p0 v1  }
0xa4: {  	v1 =	vld @!p0 [tilespmem:s25+$0xFFFFFFD0];
	_ =	sdelay $0x4  }
0xa5: {  	v2 =	vand.u32 @!p0 $0xFFFF, v1;
	v1 =	vshrl.u32 @!p0 v1, $0x10  }
0xa6: {  	[tilespmem:s18+$0x0] =	vst @!p0 v2  }
0xa7: {  	[tilespmem:s1+$0x0] =	vst @!p0 v1  }
0xa8: {  	v1 =	vld @!p0 [tilespmem:s25+$0xFFFFFFE0];
	_ =	sdelay $0x4  }
0xa9: {  	v2 =	vand.u32 @!p0 $0xFFFF, v1;
	v1 =	vshrl.u32 @!p0 v1, $0x10  }
0xaa: {  	[tilespmem:s17+$0x0] =	vst @!p0 v2  }
0xab: {  	[tilespmem:s16+$0x0] =	vst @!p0 v1  }
0xac: {  	v1 =	vld @!p0 [tilespmem:s25+$0xFFFFFFF0];
	_ =	sdelay $0x4  }
0xad: {  	v2 =	vand.u32 @!p0 $0xFFFF, v1;
	v1 =	vshrl.u32 @!p0 v1, $0x10  }
0xae: {  	[tilespmem:s0+$0x0] =	vst @!p0 v2  }
0xaf: {  	[tilespmem:s31+$0x0] =	vst @!p0 v1  }
0xb0: {  	v1 =	vld @!p0 [tilespmem:s25+$0x0]  }
.Ltmp3:
0xb1: {  	(pc) =	sbr.rel @p2 .LBB2_7-.Ltmp3, $2  }
0xb2: {  	_ =	sdelay $0x2  }
0xb3: {  	v2 =	vand.u32 @!p0 $0xFFFF, v1;
	v1 =	vshrl.u32 @!p0 v1, $0x10  }
0xb4: {  	s17 =	smov.u32 s24  }
.LBB2_9:
0xb5: {  	p0 =	por p0, !p1  }
0xb6: {  	[tilespmem:s29+$0x0] =	vst @!p0 v2  }
0xb7: {  	s1 =	sand.u32 $0x1, s17;
	s0 =	simm.s32 @!p0 $0x80;
	[tilespmem:s30+$0x0] =	vst @!p0 v1  }
0xb8: {  	[tilespmem:s23], [sflag:s22] =	stream.indirect.gather @!p0 [hbm4b:s4+s0], $0x80, s28, s0, $0xb8;
	[tilespmem:$0x1FA00] =	vst v63  }
0xb9: {  	s0 =	sadd.s32 $0x1, s1  }
0xba: {  	_ =	swait.ge [sflag:s0], $0x4000  }
0xbb: {  	s6 =	sshll.u32 s1, $0xE;
	s16 =	sshll.u32 s1, $0x7;
	[sflag:s0] =	ssyncset.done $0x0  }
0xbc: {  	s26 =	sor.u32 $0x3D00, s16;
	s1 =	sor.u32 $0x3E00, s6;
	[sflag:s0] =	ssyncadd.s32 $0xFFFFC000  }
0xbd: {  	[spmem:s2] =	stream.indirect.scatter.add.f32 [tilespmem:s1], [sflag:s0], $0x80, s26, s15, $0xb8;
	[tilespmem:$0x1FA00] =	vst v63  }
0xbe: {  	_ =	swait.ge [sflag:s0], $0x4000  }
0xbf: {  	s8 =	sadd.s32 $0x2, s17;
	s6 =	sadd.s32 @p1 $0x80, s25;
	[sflag:s0] =	ssyncset.done $0x0  }
0xc0: {  	p0 =	sge.u32 s8, s5;
	s21 =	smov.u32 @p1 s6;
	[sflag:s0] =	ssyncadd.s32 $0xFFFFC000  }
0xc1: {  	v1 =	vld @!p0 [tilespmem:s21+$0xFFFFFF90];
	_ =	sdelay $0x4  }
0xc2: {  	v2 =	vand.u32 @!p0 $0xFFFF, v1  }
0xc3: {  	v1 =	vshrl.u32 @!p0 v1, $0x10;
	[tilespmem:s16+$0x3C00] =	vst @!p0 v2  }
0xc4: {  	[tilespmem:s16+$0x3D00] =	vst @!p0 v1  }
0xc5: {  	v1 =	vld @!p0 [tilespmem:s21+$0xFFFFFFA0];
	_ =	sdelay $0x4  }
0xc6: {  	s6 =	sor.u32 @!p0 $0x3C10, s16;
	v2 =	vand.u32 @!p0 $0xFFFF, v1  }
0xc7: {  	v1 =	vshrl.u32 @!p0 v1, $0x10;
	[tilespmem:s6+$0x0] =	vst @!p0 v2;
	s6 =	sor.u32 @!p0 $0x3D10, s16  }
0xc8: {  	[tilespmem:s6+$0x0] =	vst @!p0 v1  }
0xc9: {  	v1 =	vld @!p0 [tilespmem:s21+$0xFFFFFFB0];
	_ =	sdelay $0x4  }
0xca: {  	s6 =	sor.u32 @!p0 $0x3C20, s16;
	v2 =	vand.u32 @!p0 $0xFFFF, v1  }
0xcb: {  	v1 =	vshrl.u32 @!p0 v1, $0x10;
	[tilespmem:s6+$0x0] =	vst @!p0 v2;
	s6 =	sor.u32 @!p0 $0x3D20, s16  }
0xcc: {  	[tilespmem:s6+$0x0] =	vst @!p0 v1  }
0xcd: {  	v1 =	vld @!p0 [tilespmem:s21+$0xFFFFFFC0];
	_ =	sdelay $0x4  }
0xce: {  	s6 =	sor.u32 @!p0 $0x3C30, s16;
	v2 =	vand.u32 @!p0 $0xFFFF, v1  }
0xcf: {  	v1 =	vshrl.u32 @!p0 v1, $0x10;
	[tilespmem:s6+$0x0] =	vst @!p0 v2;
	s6 =	sor.u32 @!p0 $0x3D30, s16  }
0xd0: {  	[tilespmem:s6+$0x0] =	vst @!p0 v1  }
0xd1: {  	v1 =	vld @!p0 [tilespmem:s21+$0xFFFFFFD0];
	_ =	sdelay $0x4  }
0xd2: {  	s6 =	sor.u32 @!p0 $0x3C40, s16;
	v2 =	vand.u32 @!p0 $0xFFFF, v1  }
0xd3: {  	v1 =	vshrl.u32 @!p0 v1, $0x10;
	[tilespmem:s6+$0x0] =	vst @!p0 v2;
	s6 =	sor.u32 @!p0 $0x3D40, s16  }
0xd4: {  	[tilespmem:s6+$0x0] =	vst @!p0 v1  }
0xd5: {  	v1 =	vld @!p0 [tilespmem:s21+$0xFFFFFFE0];
	_ =	sdelay $0x4  }
0xd6: {  	s6 =	sor.u32 @!p0 $0x3C50, s16;
	v2 =	vand.u32 @!p0 $0xFFFF, v1  }
0xd7: {  	v1 =	vshrl.u32 @!p0 v1, $0x10;
	[tilespmem:s6+$0x0] =	vst @!p0 v2;
	s6 =	sor.u32 @!p0 $0x3D50, s16  }
0xd8: {  	[tilespmem:s6+$0x0] =	vst @!p0 v1  }
0xd9: {  	v1 =	vld @!p0 [tilespmem:s21+$0xFFFFFFF0];
	_ =	sdelay $0x4  }
0xda: {  	s6 =	sor.u32 @!p0 $0x3C60, s16;
	v2 =	vand.u32 @!p0 $0xFFFF, v1  }
0xdb: {  	v1 =	vshrl.u32 @!p0 v1, $0x10;
	[tilespmem:s6+$0x0] =	vst @!p0 v2;
	s6 =	sor.u32 @!p0 $0x3D60, s16  }
0xdc: {  	[tilespmem:s6+$0x0] =	vst @!p0 v1  }
0xdd: {  	v1 =	vld @!p0 [tilespmem:s21+$0x0];
	_ =	sdelay $0x4  }
0xde: {  	s6 =	sor.u32 @!p0 $0x3C70, s16;
	v2 =	vand.u32 @!p0 $0xFFFF, v1  }
0xdf: {  	v1 =	vshrl.u32 @!p0 v1, $0x10;
	[tilespmem:s6+$0x0] =	vst @!p0 v2;
	s6 =	sor.u32 @!p0 $0x3D70, s16  }
0xe0: {  	s28 =	stileid.u32;
	s8 =	sor.u32 @!p0 $0x3C00, s16;
	[tilespmem:s6+$0x0] =	vst @!p0 v1;
	s6 =	simm.s32 @!p0 $0x80  }
0xe1: {  	[tilespmem:s1], [sflag:s0] =	stream.indirect.gather @!p0 [hbm4b:s4+s6], $0x80, s8, s6, $0xb8;
	[tilespmem:$0x1FA00] =	vst v63  }
0xe2: {  	s0 =	sshll.u32 s28, $0x6;
	[bflag:$0x0] =	sbarrier.arrive $0xFFFF  }
0xe3: {  	s29 =	sshrl.u32 s7, $0x3;
	s0 =	sor.u32 $0x1C03, s0;
	s30 =	rddreg [dreg:$0x9]  }
0xe4: {  	[hbm:s30], [sflag:s0] =	dma.local [spmem:s29], $0x2780  }
0xe5: {  	_ =	swait.ge [sflag:s13], $0x2780  }
0xe6: {  	s20 =	sadd.s32 $0x1, s20;
	s31 =	rddreg [dreg:$0x8]  }
0xe7: {  	p0 =	sne.s32 s20, s31  }
.Ltmp4:
0xe8: {  	_ = 	snop;
	(pc) =	sbr.rel @p0 .LBB2_1-.Ltmp4, $4  }
.Ltmp5:
0xe9: {  	_ = 	snop;
	(pc) =	sbr.rel @!p0 .LBB2_10-.Ltmp5, $4  }
0xea: {  	_ = 	snop  }
0xeb: {  	[sflag:s13] =	ssyncset.done $0x0  }
0xec: {  	[sflag:s13] =	ssyncadd.s32 $0xFFFFD880  }
0xed: {  	_ = 	snop  }
.LBB2_4:
.Ltmp6:
0xee: {  	(pc) =	sbr.rel .LBB2_9-.Ltmp6, $2  }
0xef: {  	_ =	sdelay $0x2  }
0xf0: {  	s25 =	simm.s32 $0x170  }
.LBB2_6:
.Ltmp7:
0xf1: {  	(pc) =	sbr.rel .LBB2_9-.Ltmp7, $2  }
0xf2: {  	_ =	sdelay $0x2  }
0xf3: {  	s17 =	simm.s32 $0x1;
	s25 =	simm.s32 $0x170  }
.LBB2_10:
0xf4: {  	_ =	sfence.sel $0x180000  }
0xf5: {  	[bflag:$0x0] =	sbarrier.arrive $0xFFFF  }
0xf6: {  	_ =	strace $0x90000050  }
0xf7: {  	s0 =	stileid.u32;
	[bflag:$0x2] =	sbarrier.arrive $0xFFFF  }
0xf8: {  	p0 =	sne.s32 s0, $0x0;
	s0 =	rddreg [dreg:$0x2]  }
0xf9: {  	s0 =	sadd.s32 @!p0 $0x100000, s0  }
0xfa: {  	[sflag:s0] =	ssyncadd.tile.s32 @!p0 $0x1;
	_ =	shalt  }
.Lfunc_end2:
_tile_overlayer_lowered:
.L_overlay_start_2:
0xfb: {  	(tag) =	ssettag $0x2  }
0xfc: {  	s0 =	rddreg [dreg:$0x0];
	s2 =	stileid.u32  }
0xfd: {  	s1 =	rddreg [dreg:$0x1];
	p0 =	sne.s32 s2, $0x0  }
0xfe: {  	s3 =	rddreg [dreg:$0x2];
	[bflag:$0x3] =	sbarrier.arrive $0xFFFF;
	s2 =	simm.s32 @!p0 $0x1C03  }
0xff: {  	[timem:s3], [sflag:s2] =	dma.local @!p0 [hbm:s0], s1  }
0x100: {  	s0 =	simm.s32 @!p0 $0x3  }
0x101: {  	_ =	swait.ge @!p0 [sflag:s0], s1  }
0x102: {  	s1 =	ssub.s32 @!p0 $0x0, s1;
	[sflag:s0] =	ssyncset.done @!p0 $0x0  }
0x103: {  	[sflag:s0] =	ssyncadd.s32 @!p0 s1  }
0x104: {  	[bflag:$0x3] =	sbarrier.arrive $0xFFFF  }
0x105: {  	_ =	shalt  }

</sc_bundles>
